<compile_context>
chip_gen: v7x
topology: tpu7x:2x2x1
jax: 0.10.2.dev20260603
libtpu: 0.0.44.dev20260713+nightly
codegen_flags: <defaults>
</compile_context>

<pallas_src>
import functools

import jax
import jax.numpy as jnp
from jax import lax
from jax.experimental import pallas as pl
from jax.experimental.pallas import tpu as pltpu
from jax.experimental.pallas import tpu_sc as plsc

_SCALE = 8.0
_SEGMENTS = 8


_VB2 = 16384


def _tc_transpose_table(tab_t, V, D):
    G = (V + 2 * _VB2 - 1) // (2 * _VB2)

    def body(a_ref, b_ref, out_ref):
        ta = jnp.transpose(a_ref[...], (1, 0))
        tb = jnp.transpose(b_ref[...], (1, 0))
        out_ref[...] = jnp.concatenate([ta, tb], axis=1)

    return pl.pallas_call(
        body,
        grid=(G,),
        in_specs=[
            pl.BlockSpec((D, _VB2), lambda j: (0, 2 * j)),
            pl.BlockSpec((D, _VB2), lambda j: (0, 2 * j + 1)),
        ],
        out_specs=pl.BlockSpec((_VB2, 128), lambda j: (j, 0)),
        out_shape=jax.ShapeDtypeStruct((G * _VB2, 128), jnp.float32),
    )(tab_t, tab_t)


@functools.partial(jax.jit, static_argnums=(0, 1, 2, 3))
def _sc_gather_seg(B_seg, seg_base, V, D, idx_flat, tab_2d):
    info = plsc.get_sparse_core_info()
    NC, NS = info.num_cores, info.num_subcores
    NW = NC * NS
    b_per_w = B_seg // NW
    CHUNK = 800
    n_chunks = b_per_w // CHUNK
    mesh = plsc.VectorSubcoreMesh(core_axis_name="c", subcore_axis_name="s")

    @functools.partial(
        pl.kernel,
        mesh=mesh,
        out_type=jax.ShapeDtypeStruct((B_seg, 128), jnp.float32),
        scratch_types=[
            pltpu.VMEM((CHUNK,), jnp.int32),
            pltpu.VMEM((CHUNK,), jnp.int32),
            pltpu.VMEM((CHUNK, D), jnp.float32),
            pltpu.VMEM((CHUNK, D), jnp.float32),
            pltpu.SemaphoreType.DMA,
            pltpu.SemaphoreType.DMA,
            pltpu.SemaphoreType.DMA,
            pltpu.SemaphoreType.DMA,
        ],
        compiler_params=pltpu.CompilerParams(use_tc_tiling_on_sc=False),
    )
    def k(idx_hbm, tab_hbm, out_hbm, iv0, iv1, rv0, rv1, gs0, gs1, os0, os1):
        wid = lax.axis_index("s") * NC + lax.axis_index("c")
        base = seg_base + wid * b_per_w
        obase = wid * b_per_w
        iv = (iv0, iv1)
        rv = (rv0, rv1)
        gs = (gs0, gs1)
        osem = (os0, os1)

        def load_idx2(c, b):
            pltpu.sync_copy(
                idx_hbm.at[pl.ds(base + c * CHUNK, CHUNK)], iv[b])
            for u in range(CHUNK // 16):
                sl = pl.ds(u * 16, 16)
                v = iv[b][sl]
                iv[b][sl] = ((v & (-2 * _VB2))
                             + ((v & (_VB2 - 1)) << 1)
                             + ((v >> 14) & 1))

        load_idx2(0, 0)
        pltpu.async_copy(tab_hbm.at[iv0], rv0, gs0)
        load_idx2(1, 1)
        pltpu.async_copy(tab_hbm.at[iv1], rv1, gs1)

        @pl.loop(0, n_chunks - 2, step=2)
        def _steady(g):
            for b in range(2):
                c = g + b
                pltpu.make_async_copy(tab_hbm.at[iv[b]], rv[b], gs[b]).wait()
                oh = pltpu.async_copy(
                    rv[b],
                    out_hbm.at[pl.ds(obase + c * CHUNK, CHUNK), pl.ds(0, D)],
                    osem[b])
                load_idx2(c + 2, b)
                oh.wait()
                pltpu.async_copy(tab_hbm.at[iv[b]], rv[b], gs[b])

        for c in (n_chunks - 2, n_chunks - 1):
            b = c % 2
            pltpu.make_async_copy(tab_hbm.at[iv[b]], rv[b], gs[b]).wait()
            pltpu.async_copy(
                rv[b],
                out_hbm.at[pl.ds(obase + c * CHUNK, CHUNK), pl.ds(0, D)],
                osem[b]).wait()

    return k(idx_flat, tab_2d)


def _tc_finalize_seg(gathered, prev, h0, H_seg, BATCH, HIST, D):

    def body(in_ref, *rest):
        out_ref = rest[-1]
        out_ref[0] = jnp.transpose(in_ref[:, :D] * _SCALE, (1, 0))

    in_specs = [pl.BlockSpec((BATCH, 128), lambda h: (h, 0))]
    args = [gathered]
    aliases = {}
    if prev is not None:
        in_specs.append(pl.BlockSpec(memory_space=pl.ANY))
        args.append(prev)
        aliases = {1: 0}

    return pl.pallas_call(
        body,
        grid=(H_seg,),
        in_specs=in_specs,
        out_specs=pl.BlockSpec((1, D, BATCH), lambda h: (h0 + h, 0, 0)),
        out_shape=jax.ShapeDtypeStruct((HIST, D, BATCH), jnp.float32),
        input_output_aliases=aliases,
    )(*args)


def kernel(x, input_embedding):
    BATCH, HIST = x.shape
    V, D = input_embedding.shape
    B = BATCH * HIST
    S = _SEGMENTS
    H_seg = HIST // S
    B_seg = B // S
    idx = jnp.transpose(x).reshape(B)
    tab128 = _tc_transpose_table(jnp.transpose(input_embedding), V, D)
    tab2v = tab128.reshape(2 * tab128.shape[0], D)
    gathered = [
        _sc_gather_seg(B_seg, s * B_seg, V, D, idx, tab2v) for s in range(S)
    ]
    out_t = _tc_finalize_seg(gathered[0], None, 0, H_seg, BATCH, HIST, D)
    for s in range(1, S):
        out_t = _tc_finalize_seg(
            gathered[s], out_t, s * H_seg, H_seg, BATCH, HIST, D)
    return jnp.transpose(out_t, (2, 0, 1))

# --- scband reference (transcript-rebuilt; emitter-appended) ---
"""Pipeline reference for scband-embedder-11974368821688 (READ-ONLY COPY).

The authoritative reference and input builder live on the scoring server;
editing this copy changes nothing except your own understanding.
"""

import jax, jax.numpy as jnp
import numpy as np

VOCAB = 1000000
EMBED_DIM = 64
BATCH = 4096
HIST = 200


def setup_inputs(seed: int = 0) -> dict:
    key = jax.random.key(seed)
    k_idx, k_tab = jax.random.split(key)
    x = jax.random.randint(k_idx, (BATCH, HIST), 0, VOCAB, dtype=jnp.int32)
    # learned parameter: embedding table, normal init (stddev ~ default nnx.initializers.normal())
    input_embedding = jax.random.normal(k_tab, (VOCAB, EMBED_DIM), dtype=jnp.float32) * 0.01
    return {"x": x, "input_embedding": input_embedding}


def reference(x, input_embedding):
    # Embedder.encode: gather rows then scale by sqrt(embed_dim)
    out = jnp.take(input_embedding, x, axis=0)
    out = out * jnp.sqrt(jnp.asarray(out.shape[-1], dtype=out.dtype))
    return out

if __name__ == "__main__":
    import jax
    _d = setup_inputs()
    print(jax.jit(kernel)(*tuple(_d.values())))

</pallas_src>

<mosaic_0001>
#map = affine_map<(d0, d1) -> (0)>
#map1 = affine_map<(d0, d1) -> (0, 0)>
module attributes {stable_mosaic.version = 14 : i64} {
  func.func @k(%arg0: i32, %arg1: i32, %arg2: memref<819200xi32, #tpu.memory_space<hbm>>, %arg3: memref<1015808x64xf32, #tpu.memory_space<hbm>>, %arg4: memref<102400x128xf32, #tpu.memory_space<hbm>>, %arg5: memref<800xi32, #tpu.memory_space<vmem>>, %arg6: memref<800xi32, #tpu.memory_space<vmem>>, %arg7: memref<800x64xf32, #tpu.memory_space<vmem>>, %arg8: memref<800x64xf32, #tpu.memory_space<vmem>>, %arg9: memref<!tpu.dma_semaphore, #tpu.memory_space<semaphore_mem>>, %arg10: memref<!tpu.dma_semaphore, #tpu.memory_space<semaphore_mem>>, %arg11: memref<!tpu.dma_semaphore, #tpu.memory_space<semaphore_mem>>, %arg12: memref<!tpu.dma_semaphore, #tpu.memory_space<semaphore_mem>>) attributes {dimension_semantics = [#tpu.dimension_semantics<core_parallel>, #tpu.dimension_semantics<subcore_parallel>], iteration_bounds = array<i64: 2, 16>, scalar_prefetch = 0 : i64, scratch_operands = 8 : i64, tpu.core_type = #tpu.core_type<sc_vector_subcore>, window_params = [{transform_indices = #map}, {transform_indices = #map1}, {transform_indices = #map1}]} {
    %mul3A = arith.constant 2 : i32
    %mul3A_0 = arith.muli %arg1, %mul3A : i32
    %add3A = arith.addi %mul3A_0, %arg0 : i32
    %mul3A_1 = arith.constant 3200 : i32
    %mul3A_2 = arith.muli %add3A, %mul3A_1 : i32
    %add3A_3 = arith.constant 0 : i32
    %add3A_4 = arith.addi %add3A_3, %mul3A_2 : i32
    %mul3A_5 = arith.constant 3200 : i32
    %mul3A_6 = arith.muli %add3A, %mul3A_5 : i32
    %add3A_7 = arith.constant 0 : i32
    %add3A_8 = arith.addi %add3A_4, %add3A_7 : i32
    "tpu.region"() ({
      %run_scoped3A = tpu.sem_alloc : memref<!tpu.dma_semaphore, #tpu.memory_space<semaphore_mem>>
      %dma_start3A_4889 = tpu.memref_slice %arg2[%add3A_8] : memref<819200xi32, #tpu.memory_space<hbm>> -> memref<800xi32, #tpu.memory_space<hbm>>
      %dma_start3A_4890 = tpu.memref_slice %arg2[%add3A_8] : memref<819200xi32, #tpu.memory_space<hbm>> -> memref<800xi32, #tpu.memory_space<hbm>>
      tpu.enqueue_dma source(%dma_start3A_4890 : memref<800xi32, #tpu.memory_space<hbm>>) target(%arg5 : memref<800xi32, #tpu.memory_space<vmem>>) target_semaphore(%run_scoped3A : memref<!tpu.dma_semaphore, #tpu.memory_space<semaphore_mem>>)
      %dma_wait3A_4891 = tpu.memref_slice %arg2[%add3A_8] : memref<819200xi32, #tpu.memory_space<hbm>> -> memref<800xi32, #tpu.memory_space<hbm>>
      %dma_wait3A_4892 = tpu.memref_slice %arg2[%add3A_8] : memref<819200xi32, #tpu.memory_space<hbm>> -> memref<800xi32, #tpu.memory_space<hbm>>
      tpu.wait_dma2 semaphore(%run_scoped3A : memref<!tpu.dma_semaphore, #tpu.memory_space<semaphore_mem>>) src(%dma_wait3A_4892 : memref<800xi32, #tpu.memory_space<hbm>>) dst(%arg5 : memref<800xi32, #tpu.memory_space<vmem>>)
      tpu.yield
    }) : () -> ()
    %get3A = arith.constant 0 : index
    %get3A_9 = tpu.vector_load %arg5[%get3A] {strides = array<i32>} : memref<800xi32, #tpu.memory_space<vmem>>, vector<16xi32>,
    %get3A_10 = vector.shape_cast %get3A_9 : vector<16xi32> to vector<16xi32>
    %and3A = arith.constant -32768 : i32
    %and3A_11 = vector.broadcast %and3A : i32 to vector<16xi32>
    %and3A_12 = arith.andi %get3A_10, %and3A_11 : vector<16xi32>
    %and3A_13 = arith.constant 16383 : i32
    %and3A_14 = vector.broadcast %and3A_13 : i32 to vector<16xi32>
    %and3A_15 = arith.andi %get3A_10, %and3A_14 : vector<16xi32>
    %shift_left3A = arith.constant 1 : i32
    %shift_left3A_16 = vector.broadcast %shift_left3A : i32 to vector<16xi32>
    %shift_left3A_17 = arith.shli %and3A_15, %shift_left3A_16 : vector<16xi32>
    %add3A_18 = arith.addi %and3A_12, %shift_left3A_17 : vector<16xi32>
    %shift_right_arithmetic3A = arith.constant 14 : i32
    %shift_right_arithmetic3A_19 = vector.broadcast %shift_right_arithmetic3A : i32 to vector<16xi32>
    %shift_right_arithmetic3A_20 = arith.shrsi %get3A_10, %shift_right_arithmetic3A_19 : vector<16xi32>
    %and3A_21 = arith.constant 1 : i32
    %and3A_22 = vector.broadcast %and3A_21 : i32 to vector<16xi32>
    %and3A_23 = arith.andi %shift_right_arithmetic3A_20, %and3A_22 : vector<16xi32>
    %add3A_24 = arith.addi %add3A_18, %and3A_23 : vector<16xi32>
    %swap3A = arith.constant 0 : index
    %swap3A_25 = tpu.vector_load %arg5[%swap3A] {strides = array<i32>} : memref<800xi32, #tpu.memory_space<vmem>>, vector<16xi32>,
    %swap3A_26 = vector.shape_cast %swap3A_25 : vector<16xi32> to vector<16xi32>
    %swap3A_27 = vector.shape_cast %add3A_24 : vector<16xi32> to vector<16xi32>
    tpu.vector_store %arg5[%swap3A], %swap3A_27 {strides = array<i32>} : memref<800xi32, #tpu.memory_space<vmem>>, vector<16xi32>,
    %get3A_28 = arith.constant 16 : index
    %get3A_29 = tpu.vector_load %arg5[%get3A_28] {strides = array<i32>} : memref<800xi32, #tpu.memory_space<vmem>>, vector<16xi32>,
    %get3A_30 = vector.shape_cast %get3A_29 : vector<16xi32> to vector<16xi32>
    %and3A_31 = arith.constant -32768 : i32
    %and3A_32 = vector.broadcast %and3A_31 : i32 to vector<16xi32>
    %and3A_33 = arith.andi %get3A_30, %and3A_32 : vector<16xi32>
    %and3A_34 = arith.constant 16383 : i32
    %and3A_35 = vector.broadcast %and3A_34 : i32 to vector<16xi32>
    %and3A_36 = arith.andi %get3A_30, %and3A_35 : vector<16xi32>
    %shift_left3A_37 = arith.constant 1 : i32
    %shift_left3A_38 = vector.broadcast %shift_left3A_37 : i32 to vector<16xi32>
    %shift_left3A_39 = arith.shli %and3A_36, %shift_left3A_38 : vector<16xi32>
    %add3A_40 = arith.addi %and3A_33, %shift_left3A_39 : vector<16xi32>
    %shift_right_arithmetic3A_41 = arith.constant 14 : i32
    %shift_right_arithmetic3A_42 = vector.broadcast %shift_right_arithmetic3A_41 : i32 to vector<16xi32>
    %shift_right_arithmetic3A_43 = arith.shrsi %get3A_30, %shift_right_arithmetic3A_42 : vector<16xi32>
    %and3A_44 = arith.constant 1 : i32
    %and3A_45 = vector.broadcast %and3A_44 : i32 to vector<16xi32>
    %and3A_46 = arith.andi %shift_right_arithmetic3A_43, %and3A_45 : vector<16xi32>
    %add3A_47 = arith.addi %add3A_40, %and3A_46 : vector<16xi32>
    %swap3A_48 = arith.constant 16 : index
    %swap3A_49 = tpu.vector_load %arg5[%swap3A_48] {strides = array<i32>} : memref<800xi32, #tpu.memory_space<vmem>>, vector<16xi32>,
    %swap3A_50 = vector.shape_cast %swap3A_49 : vector<16xi32> to vector<16xi32>
    %swap3A_51 = vector.shape_cast %add3A_47 : vector<16xi32> to vector<16xi32>
    tpu.vector_store %arg5[%swap3A_48], %swap3A_51 {strides = array<i32>} : memref<800xi32, #tpu.memory_space<vmem>>, vector<16xi32>,
    %get3A_52 = arith.constant 32 : index
    %get3A_53 = tpu.vector_load %arg5[%get3A_52] {strides = array<i32>} : memref<800xi32, #tpu.memory_space<vmem>>, vector<16xi32>,
    %get3A_54 = vector.shape_cast %get3A_53 : vector<16xi32> to vector<16xi32>
    %and3A_55 = arith.constant -32768 : i32
    %and3A_56 = vector.broadcast %and3A_55 : i32 to vector<16xi32>
    %and3A_57 = arith.andi %get3A_54, %and3A_56 : vector<16xi32>
    %and3A_58 = arith.constant 16383 : i32
    %and3A_59 = vector.broadcast %and3A_58 : i32 to vector<16xi32>
    %and3A_60 = arith.andi %get3A_54, %and3A_59 : vector<16xi32>
    %shift_left3A_61 = arith.constant 1 : i32
    %shift_left3A_62 = vector.broadcast %shift_left3A_61 : i32 to vector<16xi32>
    %shift_left3A_63 = arith.shli %and3A_60, %shift_left3A_62 : vector<16xi32>
    %add3A_64 = arith.addi %and3A_57, %shift_left3A_63 : vector<16xi32>
    %shift_right_arithmetic3A_65 = arith.constant 14 : i32
    %shift_right_arithmetic3A_66 = vector.broadcast %shift_right_arithmetic3A_65 : i32 to vector<16xi32>
    %shift_right_arithmetic3A_67 = arith.shrsi %get3A_54, %shift_right_arithmetic3A_66 : vector<16xi32>
    %and3A_68 = arith.constant 1 : i32
    %and3A_69 = vector.broadcast %and3A_68 : i32 to vector<16xi32>
    %and3A_70 = arith.andi %shift_right_arithmetic3A_67, %and3A_69 : vector<16xi32>
    %add3A_71 = arith.addi %add3A_64, %and3A_70 : vector<16xi32>
    %swap3A_72 = arith.constant 32 : index
    %swap3A_73 = tpu.vector_load %arg5[%swap3A_72] {strides = array<i32>} : memref<800xi32, #tpu.memory_space<vmem>>, vector<16xi32>,
    %swap3A_74 = vector.shape_cast %swap3A_73 : vector<16xi32> to vector<16xi32>
    %swap3A_75 = vector.shape_cast %add3A_71 : vector<16xi32> to vector<16xi32>
    tpu.vector_store %arg5[%swap3A_72], %swap3A_75 {strides = array<i32>} : memref<800xi32, #tpu.memory_space<vmem>>, vector<16xi32>,
    %get3A_76 = arith.constant 48 : index
    %get3A_77 = tpu.vector_load %arg5[%get3A_76] {strides = array<i32>} : memref<800xi32, #tpu.memory_space<vmem>>, vector<16xi32>,
    %get3A_78 = vector.shape_cast %get3A_77 : vector<16xi32> to vector<16xi32>
    %and3A_79 = arith.constant -32768 : i32
    %and3A_80 = vector.broadcast %and3A_79 : i32 to vector<16xi32>
    %and3A_81 = arith.andi %get3A_78, %and3A_80 : vector<16xi32>
    %and3A_82 = arith.constant 16383 : i32
    %and3A_83 = vector.broadcast %and3A_82 : i32 to vector<16xi32>
    %and3A_84 = arith.andi %get3A_78, %and3A_83 : vector<16xi32>
    %shift_left3A_85 = arith.constant 1 : i32
    %shift_left3A_86 = vector.broadcast %shift_left3A_85 : i32 to vector<16xi32>
    %shift_left3A_87 = arith.shli %and3A_84, %shift_left3A_86 : vector<16xi32>
    %add3A_88 = arith.addi %and3A_81, %shift_left3A_87 : vector<16xi32>
    %shift_right_arithmetic3A_89 = arith.constant 14 : i32
    %shift_right_arithmetic3A_90 = vector.broadcast %shift_right_arithmetic3A_89 : i32 to vector<16xi32>
    %shift_right_arithmetic3A_91 = arith.shrsi %get3A_78, %shift_right_arithmetic3A_90 : vector<16xi32>
    %and3A_92 = arith.constant 1 : i32
    %and3A_93 = vector.broadcast %and3A_92 : i32 to vector<16xi32>
    %and3A_94 = arith.andi %shift_right_arithmetic3A_91, %and3A_93 : vector<16xi32>
    %add3A_95 = arith.addi %add3A_88, %and3A_94 : vector<16xi32>
    %swap3A_96 = arith.constant 48 : index
    %swap3A_97 = tpu.vector_load %arg5[%swap3A_96] {strides = array<i32>} : memref<800xi32, #tpu.memory_space<vmem>>, vector<16xi32>,
    %swap3A_98 = vector.shape_cast %swap3A_97 : vector<16xi32> to vector<16xi32>
    %swap3A_99 = vector.shape_cast %add3A_95 : vector<16xi32> to vector<16xi32>
    tpu.vector_store %arg5[%swap3A_96], %swap3A_99 {strides = array<i32>} : memref<800xi32, #tpu.memory_space<vmem>>, vector<16xi32>,
    %get3A_100 = arith.constant 64 : index
    %get3A_101 = tpu.vector_load %arg5[%get3A_100] {strides = array<i32>} : memref<800xi32, #tpu.memory_space<vmem>>, vector<16xi32>,
    %get3A_102 = vector.shape_cast %get3A_101 : vector<16xi32> to vector<16xi32>
    %and3A_103 = arith.constant -32768 : i32
    %and3A_104 = vector.broadcast %and3A_103 : i32 to vector<16xi32>
    %and3A_105 = arith.andi %get3A_102, %and3A_104 : vector<16xi32>
    %and3A_106 = arith.constant 16383 : i32
    %and3A_107 = vector.broadcast %and3A_106 : i32 to vector<16xi32>
    %and3A_108 = arith.andi %get3A_102, %and3A_107 : vector<16xi32>
    %shift_left3A_109 = arith.constant 1 : i32
    %shift_left3A_110 = vector.broadcast %shift_left3A_109 : i32 to vector<16xi32>
    %shift_left3A_111 = arith.shli %and3A_108, %shift_left3A_110 : vector<16xi32>
    %add3A_112 = arith.addi %and3A_105, %shift_left3A_111 : vector<16xi32>
    %shift_right_arithmetic3A_113 = arith.constant 14 : i32
    %shift_right_arithmetic3A_114 = vector.broadcast %shift_right_arithmetic3A_113 : i32 to vector<16xi32>
    %shift_right_arithmetic3A_115 = arith.shrsi %get3A_102, %shift_right_arithmetic3A_114 : vector<16xi32>
    %and3A_116 = arith.constant 1 : i32
    %and3A_117 = vector.broadcast %and3A_116 : i32 to vector<16xi32>
    %and3A_118 = arith.andi %shift_right_arithmetic3A_115, %and3A_117 : vector<16xi32>
    %add3A_119 = arith.addi %add3A_112, %and3A_118 : vector<16xi32>
    %swap3A_120 = arith.constant 64 : index
    %swap3A_121 = tpu.vector_load %arg5[%swap3A_120] {strides = array<i32>} : memref<800xi32, #tpu.memory_space<vmem>>, vector<16xi32>,
    %swap3A_122 = vector.shape_cast %swap3A_121 : vector<16xi32> to vector<16xi32>
    %swap3A_123 = vector.shape_cast %add3A_119 : vector<16xi32> to vector<16xi32>
    tpu.vector_store %arg5[%swap3A_120], %swap3A_123 {strides = array<i32>} : memref<800xi32, #tpu.memory_space<vmem>>, vector<16xi32>,
    %get3A_124 = arith.constant 80 : index
    %get3A_125 = tpu.vector_load %arg5[%get3A_124] {strides = array<i32>} : memref<800xi32, #tpu.memory_space<vmem>>, vector<16xi32>,
    %get3A_126 = vector.shape_cast %get3A_125 : vector<16xi32> to vector<16xi32>
    %and3A_127 = arith.constant -32768 : i32
    %and3A_128 = vector.broadcast %and3A_127 : i32 to vector<16xi32>
    %and3A_129 = arith.andi %get3A_126, %and3A_128 : vector<16xi32>
    %and3A_130 = arith.constant 16383 : i32
    %and3A_131 = vector.broadcast %and3A_130 : i32 to vector<16xi32>
    %and3A_132 = arith.andi %get3A_126, %and3A_131 : vector<16xi32>
    %shift_left3A_133 = arith.constant 1 : i32
    %shift_left3A_134 = vector.broadcast %shift_left3A_133 : i32 to vector<16xi32>
    %shift_left3A_135 = arith.shli %and3A_132, %shift_left3A_134 : vector<16xi32>
    %add3A_136 = arith.addi %and3A_129, %shift_left3A_135 : vector<16xi32>
    %shift_right_arithmetic3A_137 = arith.constant 14 : i32
    %shift_right_arithmetic3A_138 = vector.broadcast %shift_right_arithmetic3A_137 : i32 to vector<16xi32>
    %shift_right_arithmetic3A_139 = arith.shrsi %get3A_126, %shift_right_arithmetic3A_138 : vector<16xi32>
    %and3A_140 = arith.constant 1 : i32
    %and3A_141 = vector.broadcast %and3A_140 : i32 to vector<16xi32>
    %and3A_142 = arith.andi %shift_right_arithmetic3A_139, %and3A_141 : vector<16xi32>
    %add3A_143 = arith.addi %add3A_136, %and3A_142 : vector<16xi32>
    %swap3A_144 = arith.constant 80 : index
    %swap3A_145 = tpu.vector_load %arg5[%swap3A_144] {strides = array<i32>} : memref<800xi32, #tpu.memory_space<vmem>>, vector<16xi32>,
    %swap3A_146 = vector.shape_cast %swap3A_145 : vector<16xi32> to vector<16xi32>
    %swap3A_147 = vector.shape_cast %add3A_143 : vector<16xi32> to vector<16xi32>
    tpu.vector_store %arg5[%swap3A_144], %swap3A_147 {strides = array<i32>} : memref<800xi32, #tpu.memory_space<vmem>>, vector<16xi32>,
    %get3A_148 = arith.constant 96 : index
    %get3A_149 = tpu.vector_load %arg5[%get3A_148] {strides = array<i32>} : memref<800xi32, #tpu.memory_space<vmem>>, vector<16xi32>,
    %get3A_150 = vector.shape_cast %get3A_149 : vector<16xi32> to vector<16xi32>
    %and3A_151 = arith.constant -32768 : i32
    %and3A_152 = vector.broadcast %and3A_151 : i32 to vector<16xi32>
    %and3A_153 = arith.andi %get3A_150, %and3A_152 : vector<16xi32>
    %and3A_154 = arith.constant 16383 : i32
    %and3A_155 = vector.broadcast %and3A_154 : i32 to vector<16xi32>
    %and3A_156 = arith.andi %get3A_150, %and3A_155 : vector<16xi32>
    %shift_left3A_157 = arith.constant 1 : i32
    %shift_left3A_158 = vector.broadcast %shift_left3A_157 : i32 to vector<16xi32>
    %shift_left3A_159 = arith.shli %and3A_156, %shift_left3A_158 : vector<16xi32>
    %add3A_160 = arith.addi %and3A_153, %shift_left3A_159 : vector<16xi32>
    %shift_right_arithmetic3A_161 = arith.constant 14 : i32
    %shift_right_arithmetic3A_162 = vector.broadcast %shift_right_arithmetic3A_161 : i32 to vector<16xi32>
    %shift_right_arithmetic3A_163 = arith.shrsi %get3A_150, %shift_right_arithmetic3A_162 : vector<16xi32>
    %and3A_164 = arith.constant 1 : i32
    %and3A_165 = vector.broadcast %and3A_164 : i32 to vector<16xi32>
    %and3A_166 = arith.andi %shift_right_arithmetic3A_163, %and3A_165 : vector<16xi32>
    %add3A_167 = arith.addi %add3A_160, %and3A_166 : vector<16xi32>
    %swap3A_168 = arith.constant 96 : index
    %swap3A_169 = tpu.vector_load %arg5[%swap3A_168] {strides = array<i32>} : memref<800xi32, #tpu.memory_space<vmem>>, vector<16xi32>,
    %swap3A_170 = vector.shape_cast %swap3A_169 : vector<16xi32> to vector<16xi32>
    %swap3A_171 = vector.shape_cast %add3A_167 : vector<16xi32> to vector<16xi32>
    tpu.vector_store %arg5[%swap3A_168], %swap3A_171 {strides = array<i32>} : memref<800xi32, #tpu.memory_space<vmem>>, vector<16xi32>,
    %get3A_172 = arith.constant 112 : index
    %get3A_173 = tpu.vector_load %arg5[%get3A_172] {strides = array<i32>} : memref<800xi32, #tpu.memory_space<vmem>>, vector<16xi32>,
    %get3A_174 = vector.shape_cast %get3A_173 : vector<16xi32> to vector<16xi32>
    %and3A_175 = arith.constant -32768 : i32
    %and3A_176 = vector.broadcast %and3A_175 : i32 to vector<16xi32>
    %and3A_177 = arith.andi %get3A_174, %and3A_176 : vector<16xi32>
    %and3A_178 = arith.constant 16383 : i32
    %and3A_179 = vector.broadcast %and3A_178 : i32 to vector<16xi32>
    %and3A_180 = arith.andi %get3A_174, %and3A_179 : vector<16xi32>
    %shift_left3A_181 = arith.constant 1 : i32
    %shift_left3A_182 = vector.broadcast %shift_left3A_181 : i32 to vector<16xi32>
    %shift_left3A_183 = arith.shli %and3A_180, %shift_left3A_182 : vector<16xi32>
    %add3A_184 = arith.addi %and3A_177, %shift_left3A_183 : vector<16xi32>
    %shift_right_arithmetic3A_185 = arith.constant 14 : i32
    %shift_right_arithmetic3A_186 = vector.broadcast %shift_right_arithmetic3A_185 : i32 to vector<16xi32>
    %shift_right_arithmetic3A_187 = arith.shrsi %get3A_174, %shift_right_arithmetic3A_186 : vector<16xi32>
    %and3A_188 = arith.constant 1 : i32
    %and3A_189 = vector.broadcast %and3A_188 : i32 to vector<16xi32>
    %and3A_190 = arith.andi %shift_right_arithmetic3A_187, %and3A_189 : vector<16xi32>
    %add3A_191 = arith.addi %add3A_184, %and3A_190 : vector<16xi32>
    %swap3A_192 = arith.constant 112 : index
    %swap3A_193 = tpu.vector_load %arg5[%swap3A_192] {strides = array<i32>} : memref<800xi32, #tpu.memory_space<vmem>>, vector<16xi32>,
    %swap3A_194 = vector.shape_cast %swap3A_193 : vector<16xi32> to vector<16xi32>
    %swap3A_195 = vector.shape_cast %add3A_191 : vector<16xi32> to vector<16xi32>
    tpu.vector_store %arg5[%swap3A_192], %swap3A_195 {strides = array<i32>} : memref<800xi32, #tpu.memory_space<vmem>>, vector<16xi32>,
    %get3A_196 = arith.constant 128 : index
    %get3A_197 = tpu.vector_load %arg5[%get3A_196] {strides = array<i32>} : memref<800xi32, #tpu.memory_space<vmem>>, vector<16xi32>,
    %get3A_198 = vector.shape_cast %get3A_197 : vector<16xi32> to vector<16xi32>
    %and3A_199 = arith.constant -32768 : i32
    %and3A_200 = vector.broadcast %and3A_199 : i32 to vector<16xi32>
    %and3A_201 = arith.andi %get3A_198, %and3A_200 : vector<16xi32>
    %and3A_202 = arith.constant 16383 : i32
    %and3A_203 = vector.broadcast %and3A_202 : i32 to vector<16xi32>
    %and3A_204 = arith.andi %get3A_198, %and3A_203 : vector<16xi32>
    %shift_left3A_205 = arith.constant 1 : i32
    %shift_left3A_206 = vector.broadcast %shift_left3A_205 : i32 to vector<16xi32>
    %shift_left3A_207 = arith.shli %and3A_204, %shift_left3A_206 : vector<16xi32>
    %add3A_208 = arith.addi %and3A_201, %shift_left3A_207 : vector<16xi32>
    %shift_right_arithmetic3A_209 = arith.constant 14 : i32
    %shift_right_arithmetic3A_210 = vector.broadcast %shift_right_arithmetic3A_209 : i32 to vector<16xi32>
    %shift_right_arithmetic3A_211 = arith.shrsi %get3A_198, %shift_right_arithmetic3A_210 : vector<16xi32>
    %and3A_212 = arith.constant 1 : i32
    %and3A_213 = vector.broadcast %and3A_212 : i32 to vector<16xi32>
    %and3A_214 = arith.andi %shift_right_arithmetic3A_211, %and3A_213 : vector<16xi32>
    %add3A_215 = arith.addi %add3A_208, %and3A_214 : vector<16xi32>
    %swap3A_216 = arith.constant 128 : index
    %swap3A_217 = tpu.vector_load %arg5[%swap3A_216] {strides = array<i32>} : memref<800xi32, #tpu.memory_space<vmem>>, vector<16xi32>,
    %swap3A_218 = vector.shape_cast %swap3A_217 : vector<16xi32> to vector<16xi32>
    %swap3A_219 = vector.shape_cast %add3A_215 : vector<16xi32> to vector<16xi32>
    tpu.vector_store %arg5[%swap3A_216], %swap3A_219 {strides = array<i32>} : memref<800xi32, #tpu.memory_space<vmem>>, vector<16xi32>,
    %get3A_220 = arith.constant 144 : index
    %get3A_221 = tpu.vector_load %arg5[%get3A_220] {strides = array<i32>} : memref<800xi32, #tpu.memory_space<vmem>>, vector<16xi32>,
    %get3A_222 = vector.shape_cast %get3A_221 : vector<16xi32> to vector<16xi32>
    %and3A_223 = arith.constant -32768 : i32
    %and3A_224 = vector.broadcast %and3A_223 : i32 to vector<16xi32>
    %and3A_225 = arith.andi %get3A_222, %and3A_224 : vector<16xi32>
    %and3A_226 = arith.constant 16383 : i32
    %and3A_227 = vector.broadcast %and3A_226 : i32 to vector<16xi32>
    %and3A_228 = arith.andi %get3A_222, %and3A_227 : vector<16xi32>
    %shift_left3A_229 = arith.constant 1 : i32
    %shift_left3A_230 = vector.broadcast %shift_left3A_229 : i32 to vector<16xi32>
    %shift_left3A_231 = arith.shli %and3A_228, %shift_left3A_230 : vector<16xi32>
    %add3A_232 = arith.addi %and3A_225, %shift_left3A_231 : vector<16xi32>
    %shift_right_arithmetic3A_233 = arith.constant 14 : i32
    %shift_right_arithmetic3A_234 = vector.broadcast %shift_right_arithmetic3A_233 : i32 to vector<16xi32>
    %shift_right_arithmetic3A_235 = arith.shrsi %get3A_222, %shift_right_arithmetic3A_234 : vector<16xi32>
    %and3A_236 = arith.constant 1 : i32
    %and3A_237 = vector.broadcast %and3A_236 : i32 to vector<16xi32>
    %and3A_238 = arith.andi %shift_right_arithmetic3A_235, %and3A_237 : vector<16xi32>
    %add3A_239 = arith.addi %add3A_232, %and3A_238 : vector<16xi32>
    %swap3A_240 = arith.constant 144 : index
    %swap3A_241 = tpu.vector_load %arg5[%swap3A_240] {strides = array<i32>} : memref<800xi32, #tpu.memory_space<vmem>>, vector<16xi32>,
    %swap3A_242 = vector.shape_cast %swap3A_241 : vector<16xi32> to vector<16xi32>
    %swap3A_243 = vector.shape_cast %add3A_239 : vector<16xi32> to vector<16xi32>
    tpu.vector_store %arg5[%swap3A_240], %swap3A_243 {strides = array<i32>} : memref<800xi32, #tpu.memory_space<vmem>>, vector<16xi32>,
    %get3A_244 = arith.constant 160 : index
    %get3A_245 = tpu.vector_load %arg5[%get3A_244] {strides = array<i32>} : memref<800xi32, #tpu.memory_space<vmem>>, vector<16xi32>,
    %get3A_246 = vector.shape_cast %get3A_245 : vector<16xi32> to vector<16xi32>
    %and3A_247 = arith.constant -32768 : i32
    %and3A_248 = vector.broadcast %and3A_247 : i32 to vector<16xi32>
    %and3A_249 = arith.andi %get3A_246, %and3A_248 : vector<16xi32>
    %and3A_250 = arith.constant 16383 : i32
    %and3A_251 = vector.broadcast %and3A_250 : i32 to vector<16xi32>
    %and3A_252 = arith.andi %get3A_246, %and3A_251 : vector<16xi32>
    %shift_left3A_253 = arith.constant 1 : i32
    %shift_left3A_254 = vector.broadcast %shift_left3A_253 : i32 to vector<16xi32>
    %shift_left3A_255 = arith.shli %and3A_252, %shift_left3A_254 : vector<16xi32>
    %add3A_256 = arith.addi %and3A_249, %shift_left3A_255 : vector<16xi32>
    %shift_right_arithmetic3A_257 = arith.constant 14 : i32
    %shift_right_arithmetic3A_258 = vector.broadcast %shift_right_arithmetic3A_257 : i32 to vector<16xi32>
    %shift_right_arithmetic3A_259 = arith.shrsi %get3A_246, %shift_right_arithmetic3A_258 : vector<16xi32>
    %and3A_260 = arith.constant 1 : i32
    %and3A_261 = vector.broadcast %and3A_260 : i32 to vector<16xi32>
    %and3A_262 = arith.andi %shift_right_arithmetic3A_259, %and3A_261 : vector<16xi32>
    %add3A_263 = arith.addi %add3A_256, %and3A_262 : vector<16xi32>
    %swap3A_264 = arith.constant 160 : index
    %swap3A_265 = tpu.vector_load %arg5[%swap3A_264] {strides = array<i32>} : memref<800xi32, #tpu.memory_space<vmem>>, vector<16xi32>,
    %swap3A_266 = vector.shape_cast %swap3A_265 : vector<16xi32> to vector<16xi32>
    %swap3A_267 = vector.shape_cast %add3A_263 : vector<16xi32> to vector<16xi32>
    tpu.vector_store %arg5[%swap3A_264], %swap3A_267 {strides = array<i32>} : memref<800xi32, #tpu.memory_space<vmem>>, vector<16xi32>,
    %get3A_268 = arith.constant 176 : index
    %get3A_269 = tpu.vector_load %arg5[%get3A_268] {strides = array<i32>} : memref<800xi32, #tpu.memory_space<vmem>>, vector<16xi32>,
    %get3A_270 = vector.shape_cast %get3A_269 : vector<16xi32> to vector<16xi32>
    %and3A_271 = arith.constant -32768 : i32
    %and3A_272 = vector.broadcast %and3A_271 : i32 to vector<16xi32>
    %and3A_273 = arith.andi %get3A_270, %and3A_272 : vector<16xi32>
    %and3A_274 = arith.constant 16383 : i32
    %and3A_275 = vector.broadcast %and3A_274 : i32 to vector<16xi32>
    %and3A_276 = arith.andi %get3A_270, %and3A_275 : vector<16xi32>
    %shift_left3A_277 = arith.constant 1 : i32
    %shift_left3A_278 = vector.broadcast %shift_left3A_277 : i32 to vector<16xi32>
    %shift_left3A_279 = arith.shli %and3A_276, %shift_left3A_278 : vector<16xi32>
    %add3A_280 = arith.addi %and3A_273, %shift_left3A_279 : vector<16xi32>
    %shift_right_arithmetic3A_281 = arith.constant 14 : i32
    %shift_right_arithmetic3A_282 = vector.broadcast %shift_right_arithmetic3A_281 : i32 to vector<16xi32>
    %shift_right_arithmetic3A_283 = arith.shrsi %get3A_270, %shift_right_arithmetic3A_282 : vector<16xi32>
    %and3A_284 = arith.constant 1 : i32
    %and3A_285 = vector.broadcast %and3A_284 : i32 to vector<16xi32>
    %and3A_286 = arith.andi %shift_right_arithmetic3A_283, %and3A_285 : vector<16xi32>
    %add3A_287 = arith.addi %add3A_280, %and3A_286 : vector<16xi32>
    %swap3A_288 = arith.constant 176 : index
    %swap3A_289 = tpu.vector_load %arg5[%swap3A_288] {strides = array<i32>} : memref<800xi32, #tpu.memory_space<vmem>>, vector<16xi32>,
    %swap3A_290 = vector.shape_cast %swap3A_289 : vector<16xi32> to vector<16xi32>
    %swap3A_291 = vector.shape_cast %add3A_287 : vector<16xi32> to vector<16xi32>
    tpu.vector_store %arg5[%swap3A_288], %swap3A_291 {strides = array<i32>} : memref<800xi32, #tpu.memory_space<vmem>>, vector<16xi32>,
    %get3A_292 = arith.constant 192 : index
    %get3A_293 = tpu.vector_load %arg5[%get3A_292] {strides = array<i32>} : memref<800xi32, #tpu.memory_space<vmem>>, vector<16xi32>,
    %get3A_294 = vector.shape_cast %get3A_293 : vector<16xi32> to vector<16xi32>
    %and3A_295 = arith.constant -32768 : i32
    %and3A_296 = vector.broadcast %and3A_295 : i32 to vector<16xi32>
    %and3A_297 = arith.andi %get3A_294, %and3A_296 : vector<16xi32>
    %and3A_298 = arith.constant 16383 : i32
    %and3A_299 = vector.broadcast %and3A_298 : i32 to vector<16xi32>
    %and3A_300 = arith.andi %get3A_294, %and3A_299 : vector<16xi32>
    %shift_left3A_301 = arith.constant 1 : i32
    %shift_left3A_302 = vector.broadcast %shift_left3A_301 : i32 to vector<16xi32>
    %shift_left3A_303 = arith.shli %and3A_300, %shift_left3A_302 : vector<16xi32>
    %add3A_304 = arith.addi %and3A_297, %shift_left3A_303 : vector<16xi32>
    %shift_right_arithmetic3A_305 = arith.constant 14 : i32
    %shift_right_arithmetic3A_306 = vector.broadcast %shift_right_arithmetic3A_305 : i32 to vector<16xi32>
    %shift_right_arithmetic3A_307 = arith.shrsi %get3A_294, %shift_right_arithmetic3A_306 : vector<16xi32>
    %and3A_308 = arith.constant 1 : i32
    %and3A_309 = vector.broadcast %and3A_308 : i32 to vector<16xi32>
    %and3A_310 = arith.andi %shift_right_arithmetic3A_307, %and3A_309 : vector<16xi32>
    %add3A_311 = arith.addi %add3A_304, %and3A_310 : vector<16xi32>
    %swap3A_312 = arith.constant 192 : index
    %swap3A_313 = tpu.vector_load %arg5[%swap3A_312] {strides = array<i32>} : memref<800xi32, #tpu.memory_space<vmem>>, vector<16xi32>,
    %swap3A_314 = vector.shape_cast %swap3A_313 : vector<16xi32> to vector<16xi32>
    %swap3A_315 = vector.shape_cast %add3A_311 : vector<16xi32> to vector<16xi32>
    tpu.vector_store %arg5[%swap3A_312], %swap3A_315 {strides = array<i32>} : memref<800xi32, #tpu.memory_space<vmem>>, vector<16xi32>,
    %get3A_316 = arith.constant 208 : index
    %get3A_317 = tpu.vector_load %arg5[%get3A_316] {strides = array<i32>} : memref<800xi32, #tpu.memory_space<vmem>>, vector<16xi32>,
    %get3A_318 = vector.shape_cast %get3A_317 : vector<16xi32> to vector<16xi32>
    %and3A_319 = arith.constant -32768 : i32
    %and3A_320 = vector.broadcast %and3A_319 : i32 to vector<16xi32>
    %and3A_321 = arith.andi %get3A_318, %and3A_320 : vector<16xi32>
    %and3A_322 = arith.constant 16383 : i32
    %and3A_323 = vector.broadcast %and3A_322 : i32 to vector<16xi32>
    %and3A_324 = arith.andi %get3A_318, %and3A_323 : vector<16xi32>
    %shift_left3A_325 = arith.constant 1 : i32
    %shift_left3A_326 = vector.broadcast %shift_left3A_325 : i32 to vector<16xi32>
    %shift_left3A_327 = arith.shli %and3A_324, %shift_left3A_326 : vector<16xi32>
    %add3A_328 = arith.addi %and3A_321, %shift_left3A_327 : vector<16xi32>
    %shift_right_arithmetic3A_329 = arith.constant 14 : i32
    %shift_right_arithmetic3A_330 = vector.broadcast %shift_right_arithmetic3A_329 : i32 to vector<16xi32>
    %shift_right_arithmetic3A_331 = arith.shrsi %get3A_318, %shift_right_arithmetic3A_330 : vector<16xi32>
    %and3A_332 = arith.constant 1 : i32
    %and3A_333 = vector.broadcast %and3A_332 : i32 to vector<16xi32>
    %and3A_334 = arith.andi %shift_right_arithmetic3A_331, %and3A_333 : vector<16xi32>
    %add3A_335 = arith.addi %add3A_328, %and3A_334 : vector<16xi32>
    %swap3A_336 = arith.constant 208 : index
    %swap3A_337 = tpu.vector_load %arg5[%swap3A_336] {strides = array<i32>} : memref<800xi32, #tpu.memory_space<vmem>>, vector<16xi32>,
    %swap3A_338 = vector.shape_cast %swap3A_337 : vector<16xi32> to vector<16xi32>
    %swap3A_339 = vector.shape_cast %add3A_335 : vector<16xi32> to vector<16xi32>
    tpu.vector_store %arg5[%swap3A_336], %swap3A_339 {strides = array<i32>} : memref<800xi32, #tpu.memory_space<vmem>>, vector<16xi32>,
    %get3A_340 = arith.constant 224 : index
    %get3A_341 = tpu.vector_load %arg5[%get3A_340] {strides = array<i32>} : memref<800xi32, #tpu.memory_space<vmem>>, vector<16xi32>,
    %get3A_342 = vector.shape_cast %get3A_341 : vector<16xi32> to vector<16xi32>
    %and3A_343 = arith.constant -32768 : i32
    %and3A_344 = vector.broadcast %and3A_343 : i32 to vector<16xi32>
    %and3A_345 = arith.andi %get3A_342, %and3A_344 : vector<16xi32>
    %and3A_346 = arith.constant 16383 : i32
    %and3A_347 = vector.broadcast %and3A_346 : i32 to vector<16xi32>
    %and3A_348 = arith.andi %get3A_342, %and3A_347 : vector<16xi32>
    %shift_left3A_349 = arith.constant 1 : i32
    %shift_left3A_350 = vector.broadcast %shift_left3A_349 : i32 to vector<16xi32>
    %shift_left3A_351 = arith.shli %and3A_348, %shift_left3A_350 : vector<16xi32>
    %add3A_352 = arith.addi %and3A_345, %shift_left3A_351 : vector<16xi32>
    %shift_right_arithmetic3A_353 = arith.constant 14 : i32
    %shift_right_arithmetic3A_354 = vector.broadcast %shift_right_arithmetic3A_353 : i32 to vector<16xi32>
    %shift_right_arithmetic3A_355 = arith.shrsi %get3A_342, %shift_right_arithmetic3A_354 : vector<16xi32>
    %and3A_356 = arith.constant 1 : i32
    %and3A_357 = vector.broadcast %and3A_356 : i32 to vector<16xi32>
    %and3A_358 = arith.andi %shift_right_arithmetic3A_355, %and3A_357 : vector<16xi32>
    %add3A_359 = arith.addi %add3A_352, %and3A_358 : vector<16xi32>
    %swap3A_360 = arith.constant 224 : index
    %swap3A_361 = tpu.vector_load %arg5[%swap3A_360] {strides = array<i32>} : memref<800xi32, #tpu.memory_space<vmem>>, vector<16xi32>,
    %swap3A_362 = vector.shape_cast %swap3A_361 : vector<16xi32> to vector<16xi32>
    %swap3A_363 = vector.shape_cast %add3A_359 : vector<16xi32> to vector<16xi32>
    tpu.vector_store %arg5[%swap3A_360], %swap3A_363 {strides = array<i32>} : memref<800xi32, #tpu.memory_space<vmem>>, vector<16xi32>,
    %get3A_364 = arith.constant 240 : index
    %get3A_365 = tpu.vector_load %arg5[%get3A_364] {strides = array<i32>} : memref<800xi32, #tpu.memory_space<vmem>>, vector<16xi32>,
    %get3A_366 = vector.shape_cast %get3A_365 : vector<16xi32> to vector<16xi32>
    %and3A_367 = arith.constant -32768 : i32
    %and3A_368 = vector.broadcast %and3A_367 : i32 to vector<16xi32>
    %and3A_369 = arith.andi %get3A_366, %and3A_368 : vector<16xi32>
    %and3A_370 = arith.constant 16383 : i32
    %and3A_371 = vector.broadcast %and3A_370 : i32 to vector<16xi32>
    %and3A_372 = arith.andi %get3A_366, %and3A_371 : vector<16xi32>
    %shift_left3A_373 = arith.constant 1 : i32
    %shift_left3A_374 = vector.broadcast %shift_left3A_373 : i32 to vector<16xi32>
    %shift_left3A_375 = arith.shli %and3A_372, %shift_left3A_374 : vector<16xi32>
    %add3A_376 = arith.addi %and3A_369, %shift_left3A_375 : vector<16xi32>
    %shift_right_arithmetic3A_377 = arith.constant 14 : i32
    %shift_right_arithmetic3A_378 = vector.broadcast %shift_right_arithmetic3A_377 : i32 to vector<16xi32>
    %shift_right_arithmetic3A_379 = arith.shrsi %get3A_366, %shift_right_arithmetic3A_378 : vector<16xi32>
    %and3A_380 = arith.constant 1 : i32
    %and3A_381 = vector.broadcast %and3A_380 : i32 to vector<16xi32>
    %and3A_382 = arith.andi %shift_right_arithmetic3A_379, %and3A_381 : vector<16xi32>
    %add3A_383 = arith.addi %add3A_376, %and3A_382 : vector<16xi32>
    %swap3A_384 = arith.constant 240 : index
    %swap3A_385 = tpu.vector_load %arg5[%swap3A_384] {strides = array<i32>} : memref<800xi32, #tpu.memory_space<vmem>>, vector<16xi32>,
    %swap3A_386 = vector.shape_cast %swap3A_385 : vector<16xi32> to vector<16xi32>
    %swap3A_387 = vector.shape_cast %add3A_383 : vector<16xi32> to vector<16xi32>
    tpu.vector_store %arg5[%swap3A_384], %swap3A_387 {strides = array<i32>} : memref<800xi32, #tpu.memory_space<vmem>>, vector<16xi32>,
    %get3A_388 = arith.constant 256 : index
    %get3A_389 = tpu.vector_load %arg5[%get3A_388] {strides = array<i32>} : memref<800xi32, #tpu.memory_space<vmem>>, vector<16xi32>,
    %get3A_390 = vector.shape_cast %get3A_389 : vector<16xi32> to vector<16xi32>
    %and3A_391 = arith.constant -32768 : i32
    %and3A_392 = vector.broadcast %and3A_391 : i32 to vector<16xi32>
    %and3A_393 = arith.andi %get3A_390, %and3A_392 : vector<16xi32>
    %and3A_394 = arith.constant 16383 : i32
    %and3A_395 = vector.broadcast %and3A_394 : i32 to vector<16xi32>
    %and3A_396 = arith.andi %get3A_390, %and3A_395 : vector<16xi32>
    %shift_left3A_397 = arith.constant 1 : i32
    %shift_left3A_398 = vector.broadcast %shift_left3A_397 : i32 to vector<16xi32>
    %shift_left3A_399 = arith.shli %and3A_396, %shift_left3A_398 : vector<16xi32>
    %add3A_400 = arith.addi %and3A_393, %shift_left3A_399 : vector<16xi32>
    %shift_right_arithmetic3A_401 = arith.constant 14 : i32
    %shift_right_arithmetic3A_402 = vector.broadcast %shift_right_arithmetic3A_401 : i32 to vector<16xi32>
    %shift_right_arithmetic3A_403 = arith.shrsi %get3A_390, %shift_right_arithmetic3A_402 : vector<16xi32>
    %and3A_404 = arith.constant 1 : i32
    %and3A_405 = vector.broadcast %and3A_404 : i32 to vector<16xi32>
    %and3A_406 = arith.andi %shift_right_arithmetic3A_403, %and3A_405 : vector<16xi32>
    %add3A_407 = arith.addi %add3A_400, %and3A_406 : vector<16xi32>
    %swap3A_408 = arith.constant 256 : index
    %swap3A_409 = tpu.vector_load %arg5[%swap3A_408] {strides = array<i32>} : memref<800xi32, #tpu.memory_space<vmem>>, vector<16xi32>,
    %swap3A_410 = vector.shape_cast %swap3A_409 : vector<16xi32> to vector<16xi32>
    %swap3A_411 = vector.shape_cast %add3A_407 : vector<16xi32> to vector<16xi32>
    tpu.vector_store %arg5[%swap3A_408], %swap3A_411 {strides = array<i32>} : memref<800xi32, #tpu.memory_space<vmem>>, vector<16xi32>,
    %get3A_412 = arith.constant 272 : index
    %get3A_413 = tpu.vector_load %arg5[%get3A_412] {strides = array<i32>} : memref<800xi32, #tpu.memory_space<vmem>>, vector<16xi32>,
    %get3A_414 = vector.shape_cast %get3A_413 : vector<16xi32> to vector<16xi32>
    %and3A_415 = arith.constant -32768 : i32
    %and3A_416 = vector.broadcast %and3A_415 : i32 to vector<16xi32>
    %and3A_417 = arith.andi %get3A_414, %and3A_416 : vector<16xi32>
    %and3A_418 = arith.constant 16383 : i32
    %and3A_419 = vector.broadcast %and3A_418 : i32 to vector<16xi32>
    %and3A_420 = arith.andi %get3A_414, %and3A_419 : vector<16xi32>
    %shift_left3A_421 = arith.constant 1 : i32
    %shift_left3A_422 = vector.broadcast %shift_left3A_421 : i32 to vector<16xi32>
    %shift_left3A_423 = arith.shli %and3A_420, %shift_left3A_422 : vector<16xi32>
    %add3A_424 = arith.addi %and3A_417, %shift_left3A_423 : vector<16xi32>
    %shift_right_arithmetic3A_425 = arith.constant 14 : i32
    %shift_right_arithmetic3A_426 = vector.broadcast %shift_right_arithmetic3A_425 : i32 to vector<16xi32>
    %shift_right_arithmetic3A_427 = arith.shrsi %get3A_414, %shift_right_arithmetic3A_426 : vector<16xi32>
    %and3A_428 = arith.constant 1 : i32
    %and3A_429 = vector.broadcast %and3A_428 : i32 to vector<16xi32>
    %and3A_430 = arith.andi %shift_right_arithmetic3A_427, %and3A_429 : vector<16xi32>
    %add3A_431 = arith.addi %add3A_424, %and3A_430 : vector<16xi32>
    %swap3A_432 = arith.constant 272 : index
    %swap3A_433 = tpu.vector_load %arg5[%swap3A_432] {strides = array<i32>} : memref<800xi32, #tpu.memory_space<vmem>>, vector<16xi32>,
    %swap3A_434 = vector.shape_cast %swap3A_433 : vector<16xi32> to vector<16xi32>
    %swap3A_435 = vector.shape_cast %add3A_431 : vector<16xi32> to vector<16xi32>
    tpu.vector_store %arg5[%swap3A_432], %swap3A_435 {strides = array<i32>} : memref<800xi32, #tpu.memory_space<vmem>>, vector<16xi32>,
    %get3A_436 = arith.constant 288 : index
    %get3A_437 = tpu.vector_load %arg5[%get3A_436] {strides = array<i32>} : memref<800xi32, #tpu.memory_space<vmem>>, vector<16xi32>,
    %get3A_438 = vector.shape_cast %get3A_437 : vector<16xi32> to vector<16xi32>
    %and3A_439 = arith.constant -32768 : i32
    %and3A_440 = vector.broadcast %and3A_439 : i32 to vector<16xi32>
    %and3A_441 = arith.andi %get3A_438, %and3A_440 : vector<16xi32>
    %and3A_442 = arith.constant 16383 : i32
    %and3A_443 = vector.broadcast %and3A_442 : i32 to vector<16xi32>
    %and3A_444 = arith.andi %get3A_438, %and3A_443 : vector<16xi32>
    %shift_left3A_445 = arith.constant 1 : i32
    %shift_left3A_446 = vector.broadcast %shift_left3A_445 : i32 to vector<16xi32>
    %shift_left3A_447 = arith.shli %and3A_444, %shift_left3A_446 : vector<16xi32>
    %add3A_448 = arith.addi %and3A_441, %shift_left3A_447 : vector<16xi32>
    %shift_right_arithmetic3A_449 = arith.constant 14 : i32
    %shift_right_arithmetic3A_450 = vector.broadcast %shift_right_arithmetic3A_449 : i32 to vector<16xi32>
    %shift_right_arithmetic3A_451 = arith.shrsi %get3A_438, %shift_right_arithmetic3A_450 : vector<16xi32>
    %and3A_452 = arith.constant 1 : i32
    %and3A_453 = vector.broadcast %and3A_452 : i32 to vector<16xi32>
    %and3A_454 = arith.andi %shift_right_arithmetic3A_451, %and3A_453 : vector<16xi32>
    %add3A_455 = arith.addi %add3A_448, %and3A_454 : vector<16xi32>
    %swap3A_456 = arith.constant 288 : index
    %swap3A_457 = tpu.vector_load %arg5[%swap3A_456] {strides = array<i32>} : memref<800xi32, #tpu.memory_space<vmem>>, vector<16xi32>,
    %swap3A_458 = vector.shape_cast %swap3A_457 : vector<16xi32> to vector<16xi32>
    %swap3A_459 = vector.shape_cast %add3A_455 : vector<16xi32> to vector<16xi32>
    tpu.vector_store %arg5[%swap3A_456], %swap3A_459 {strides = array<i32>} : memref<800xi32, #tpu.memory_space<vmem>>, vector<16xi32>,
    %get3A_460 = arith.constant 304 : index
    %get3A_461 = tpu.vector_load %arg5[%get3A_460] {strides = array<i32>} : memref<800xi32, #tpu.memory_space<vmem>>, vector<16xi32>,
    %get3A_462 = vector.shape_cast %get3A_461 : vector<16xi32> to vector<16xi32>
    %and3A_463 = arith.constant -32768 : i32
    %and3A_464 = vector.broadcast %and3A_463 : i32 to vector<16xi32>
    %and3A_465 = arith.andi %get3A_462, %and3A_464 : vector<16xi32>
    %and3A_466 = arith.constant 16383 : i32
    %and3A_467 = vector.broadcast %and3A_466 : i32 to vector<16xi32>
    %and3A_468 = arith.andi %get3A_462, %and3A_467 : vector<16xi32>
    %shift_left3A_469 = arith.constant 1 : i32
    %shift_left3A_470 = vector.broadcast %shift_left3A_469 : i32 to vector<16xi32>
    %shift_left3A_471 = arith.shli %and3A_468, %shift_left3A_470 : vector<16xi32>
    %add3A_472 = arith.addi %and3A_465, %shift_left3A_471 : vector<16xi32>
    %shift_right_arithmetic3A_473 = arith.constant 14 : i32
    %shift_right_arithmetic3A_474 = vector.broadcast %shift_right_arithmetic3A_473 : i32 to vector<16xi32>
    %shift_right_arithmetic3A_475 = arith.shrsi %get3A_462, %shift_right_arithmetic3A_474 : vector<16xi32>
    %and3A_476 = arith.constant 1 : i32
    %and3A_477 = vector.broadcast %and3A_476 : i32 to vector<16xi32>
    %and3A_478 = arith.andi %shift_right_arithmetic3A_475, %and3A_477 : vector<16xi32>
    %add3A_479 = arith.addi %add3A_472, %and3A_478 : vector<16xi32>
    %swap3A_480 = arith.constant 304 : index
    %swap3A_481 = tpu.vector_load %arg5[%swap3A_480] {strides = array<i32>} : memref<800xi32, #tpu.memory_space<vmem>>, vector<16xi32>,
    %swap3A_482 = vector.shape_cast %swap3A_481 : vector<16xi32> to vector<16xi32>
    %swap3A_483 = vector.shape_cast %add3A_479 : vector<16xi32> to vector<16xi32>
    tpu.vector_store %arg5[%swap3A_480], %swap3A_483 {strides = array<i32>} : memref<800xi32, #tpu.memory_space<vmem>>, vector<16xi32>,
    %get3A_484 = arith.constant 320 : index
    %get3A_485 = tpu.vector_load %arg5[%get3A_484] {strides = array<i32>} : memref<800xi32, #tpu.memory_space<vmem>>, vector<16xi32>,
    %get3A_486 = vector.shape_cast %get3A_485 : vector<16xi32> to vector<16xi32>
    %and3A_487 = arith.constant -32768 : i32
    %and3A_488 = vector.broadcast %and3A_487 : i32 to vector<16xi32>
    %and3A_489 = arith.andi %get3A_486, %and3A_488 : vector<16xi32>
    %and3A_490 = arith.constant 16383 : i32
    %and3A_491 = vector.broadcast %and3A_490 : i32 to vector<16xi32>
    %and3A_492 = arith.andi %get3A_486, %and3A_491 : vector<16xi32>
    %shift_left3A_493 = arith.constant 1 : i32
    %shift_left3A_494 = vector.broadcast %shift_left3A_493 : i32 to vector<16xi32>
    %shift_left3A_495 = arith.shli %and3A_492, %shift_left3A_494 : vector<16xi32>
    %add3A_496 = arith.addi %and3A_489, %shift_left3A_495 : vector<16xi32>
    %shift_right_arithmetic3A_497 = arith.constant 14 : i32
    %shift_right_arithmetic3A_498 = vector.broadcast %shift_right_arithmetic3A_497 : i32 to vector<16xi32>
    %shift_right_arithmetic3A_499 = arith.shrsi %get3A_486, %shift_right_arithmetic3A_498 : vector<16xi32>
    %and3A_500 = arith.constant 1 : i32
    %and3A_501 = vector.broadcast %and3A_500 : i32 to vector<16xi32>
    %and3A_502 = arith.andi %shift_right_arithmetic3A_499, %and3A_501 : vector<16xi32>
    %add3A_503 = arith.addi %add3A_496, %and3A_502 : vector<16xi32>
    %swap3A_504 = arith.constant 320 : index
    %swap3A_505 = tpu.vector_load %arg5[%swap3A_504] {strides = array<i32>} : memref<800xi32, #tpu.memory_space<vmem>>, vector<16xi32>,
    %swap3A_506 = vector.shape_cast %swap3A_505 : vector<16xi32> to vector<16xi32>
    %swap3A_507 = vector.shape_cast %add3A_503 : vector<16xi32> to vector<16xi32>
    tpu.vector_store %arg5[%swap3A_504], %swap3A_507 {strides = array<i32>} : memref<800xi32, #tpu.memory_space<vmem>>, vector<16xi32>,
    %get3A_508 = arith.constant 336 : index
    %get3A_509 = tpu.vector_load %arg5[%get3A_508] {strides = array<i32>} : memref<800xi32, #tpu.memory_space<vmem>>, vector<16xi32>,
    %get3A_510 = vector.shape_cast %get3A_509 : vector<16xi32> to vector<16xi32>
    %and3A_511 = arith.constant -32768 : i32
    %and3A_512 = vector.broadcast %and3A_511 : i32 to vector<16xi32>
    %and3A_513 = arith.andi %get3A_510, %and3A_512 : vector<16xi32>
    %and3A_514 = arith.constant 16383 : i32
    %and3A_515 = vector.broadcast %and3A_514 : i32 to vector<16xi32>
    %and3A_516 = arith.andi %get3A_510, %and3A_515 : vector<16xi32>
    %shift_left3A_517 = arith.constant 1 : i32
    %shift_left3A_518 = vector.broadcast %shift_left3A_517 : i32 to vector<16xi32>
    %shift_left3A_519 = arith.shli %and3A_516, %shift_left3A_518 : vector<16xi32>
    %add3A_520 = arith.addi %and3A_513, %shift_left3A_519 : vector<16xi32>
    %shift_right_arithmetic3A_521 = arith.constant 14 : i32
    %shift_right_arithmetic3A_522 = vector.broadcast %shift_right_arithmetic3A_521 : i32 to vector<16xi32>
    %shift_right_arithmetic3A_523 = arith.shrsi %get3A_510, %shift_right_arithmetic3A_522 : vector<16xi32>
    %and3A_524 = arith.constant 1 : i32
    %and3A_525 = vector.broadcast %and3A_524 : i32 to vector<16xi32>
    %and3A_526 = arith.andi %shift_right_arithmetic3A_523, %and3A_525 : vector<16xi32>
    %add3A_527 = arith.addi %add3A_520, %and3A_526 : vector<16xi32>
    %swap3A_528 = arith.constant 336 : index
    %swap3A_529 = tpu.vector_load %arg5[%swap3A_528] {strides = array<i32>} : memref<800xi32, #tpu.memory_space<vmem>>, vector<16xi32>,
    %swap3A_530 = vector.shape_cast %swap3A_529 : vector<16xi32> to vector<16xi32>
    %swap3A_531 = vector.shape_cast %add3A_527 : vector<16xi32> to vector<16xi32>
    tpu.vector_store %arg5[%swap3A_528], %swap3A_531 {strides = array<i32>} : memref<800xi32, #tpu.memory_space<vmem>>, vector<16xi32>,
    %get3A_532 = arith.constant 352 : index
    %get3A_533 = tpu.vector_load %arg5[%get3A_532] {strides = array<i32>} : memref<800xi32, #tpu.memory_space<vmem>>, vector<16xi32>,
    %get3A_534 = vector.shape_cast %get3A_533 : vector<16xi32> to vector<16xi32>
    %and3A_535 = arith.constant -32768 : i32
    %and3A_536 = vector.broadcast %and3A_535 : i32 to vector<16xi32>
    %and3A_537 = arith.andi %get3A_534, %and3A_536 : vector<16xi32>
    %and3A_538 = arith.constant 16383 : i32
    %and3A_539 = vector.broadcast %and3A_538 : i32 to vector<16xi32>
    %and3A_540 = arith.andi %get3A_534, %and3A_539 : vector<16xi32>
    %shift_left3A_541 = arith.constant 1 : i32
    %shift_left3A_542 = vector.broadcast %shift_left3A_541 : i32 to vector<16xi32>
    %shift_left3A_543 = arith.shli %and3A_540, %shift_left3A_542 : vector<16xi32>
    %add3A_544 = arith.addi %and3A_537, %shift_left3A_543 : vector<16xi32>
    %shift_right_arithmetic3A_545 = arith.constant 14 : i32
    %shift_right_arithmetic3A_546 = vector.broadcast %shift_right_arithmetic3A_545 : i32 to vector<16xi32>
    %shift_right_arithmetic3A_547 = arith.shrsi %get3A_534, %shift_right_arithmetic3A_546 : vector<16xi32>
    %and3A_548 = arith.constant 1 : i32
    %and3A_549 = vector.broadcast %and3A_548 : i32 to vector<16xi32>
    %and3A_550 = arith.andi %shift_right_arithmetic3A_547, %and3A_549 : vector<16xi32>
    %add3A_551 = arith.addi %add3A_544, %and3A_550 : vector<16xi32>
    %swap3A_552 = arith.constant 352 : index
    %swap3A_553 = tpu.vector_load %arg5[%swap3A_552] {strides = array<i32>} : memref<800xi32, #tpu.memory_space<vmem>>, vector<16xi32>,
    %swap3A_554 = vector.shape_cast %swap3A_553 : vector<16xi32> to vector<16xi32>
    %swap3A_555 = vector.shape_cast %add3A_551 : vector<16xi32> to vector<16xi32>
    tpu.vector_store %arg5[%swap3A_552], %swap3A_555 {strides = array<i32>} : memref<800xi32, #tpu.memory_space<vmem>>, vector<16xi32>,
    %get3A_556 = arith.constant 368 : index
    %get3A_557 = tpu.vector_load %arg5[%get3A_556] {strides = array<i32>} : memref<800xi32, #tpu.memory_space<vmem>>, vector<16xi32>,
    %get3A_558 = vector.shape_cast %get3A_557 : vector<16xi32> to vector<16xi32>
    %and3A_559 = arith.constant -32768 : i32
    %and3A_560 = vector.broadcast %and3A_559 : i32 to vector<16xi32>
    %and3A_561 = arith.andi %get3A_558, %and3A_560 : vector<16xi32>
    %and3A_562 = arith.constant 16383 : i32
    %and3A_563 = vector.broadcast %and3A_562 : i32 to vector<16xi32>
    %and3A_564 = arith.andi %get3A_558, %and3A_563 : vector<16xi32>
    %shift_left3A_565 = arith.constant 1 : i32
    %shift_left3A_566 = vector.broadcast %shift_left3A_565 : i32 to vector<16xi32>
    %shift_left3A_567 = arith.shli %and3A_564, %shift_left3A_566 : vector<16xi32>
    %add3A_568 = arith.addi %and3A_561, %shift_left3A_567 : vector<16xi32>
    %shift_right_arithmetic3A_569 = arith.constant 14 : i32
    %shift_right_arithmetic3A_570 = vector.broadcast %shift_right_arithmetic3A_569 : i32 to vector<16xi32>
    %shift_right_arithmetic3A_571 = arith.shrsi %get3A_558, %shift_right_arithmetic3A_570 : vector<16xi32>
    %and3A_572 = arith.constant 1 : i32
    %and3A_573 = vector.broadcast %and3A_572 : i32 to vector<16xi32>
    %and3A_574 = arith.andi %shift_right_arithmetic3A_571, %and3A_573 : vector<16xi32>
    %add3A_575 = arith.addi %add3A_568, %and3A_574 : vector<16xi32>
    %swap3A_576 = arith.constant 368 : index
    %swap3A_577 = tpu.vector_load %arg5[%swap3A_576] {strides = array<i32>} : memref<800xi32, #tpu.memory_space<vmem>>, vector<16xi32>,
    %swap3A_578 = vector.shape_cast %swap3A_577 : vector<16xi32> to vector<16xi32>
    %swap3A_579 = vector.shape_cast %add3A_575 : vector<16xi32> to vector<16xi32>
    tpu.vector_store %arg5[%swap3A_576], %swap3A_579 {strides = array<i32>} : memref<800xi32, #tpu.memory_space<vmem>>, vector<16xi32>,
    %get3A_580 = arith.constant 384 : index
    %get3A_581 = tpu.vector_load %arg5[%get3A_580] {strides = array<i32>} : memref<800xi32, #tpu.memory_space<vmem>>, vector<16xi32>,
    %get3A_582 = vector.shape_cast %get3A_581 : vector<16xi32> to vector<16xi32>
    %and3A_583 = arith.constant -32768 : i32
    %and3A_584 = vector.broadcast %and3A_583 : i32 to vector<16xi32>
    %and3A_585 = arith.andi %get3A_582, %and3A_584 : vector<16xi32>
    %and3A_586 = arith.constant 16383 : i32
    %and3A_587 = vector.broadcast %and3A_586 : i32 to vector<16xi32>
    %and3A_588 = arith.andi %get3A_582, %and3A_587 : vector<16xi32>
    %shift_left3A_589 = arith.constant 1 : i32
    %shift_left3A_590 = vector.broadcast %shift_left3A_589 : i32 to vector<16xi32>
    %shift_left3A_591 = arith.shli %and3A_588, %shift_left3A_590 : vector<16xi32>
    %add3A_592 = arith.addi %and3A_585, %shift_left3A_591 : vector<16xi32>
    %shift_right_arithmetic3A_593 = arith.constant 14 : i32
    %shift_right_arithmetic3A_594 = vector.broadcast %shift_right_arithmetic3A_593 : i32 to vector<16xi32>
    %shift_right_arithmetic3A_595 = arith.shrsi %get3A_582, %shift_right_arithmetic3A_594 : vector<16xi32>
    %and3A_596 = arith.constant 1 : i32
    %and3A_597 = vector.broadcast %and3A_596 : i32 to vector<16xi32>
    %and3A_598 = arith.andi %shift_right_arithmetic3A_595, %and3A_597 : vector<16xi32>
    %add3A_599 = arith.addi %add3A_592, %and3A_598 : vector<16xi32>
    %swap3A_600 = arith.constant 384 : index
    %swap3A_601 = tpu.vector_load %arg5[%swap3A_600] {strides = array<i32>} : memref<800xi32, #tpu.memory_space<vmem>>, vector<16xi32>,
    %swap3A_602 = vector.shape_cast %swap3A_601 : vector<16xi32> to vector<16xi32>
    %swap3A_603 = vector.shape_cast %add3A_599 : vector<16xi32> to vector<16xi32>
    tpu.vector_store %arg5[%swap3A_600], %swap3A_603 {strides = array<i32>} : memref<800xi32, #tpu.memory_space<vmem>>, vector<16xi32>,
    %get3A_604 = arith.constant 400 : index
    %get3A_605 = tpu.vector_load %arg5[%get3A_604] {strides = array<i32>} : memref<800xi32, #tpu.memory_space<vmem>>, vector<16xi32>,
    %get3A_606 = vector.shape_cast %get3A_605 : vector<16xi32> to vector<16xi32>
    %and3A_607 = arith.constant -32768 : i32
    %and3A_608 = vector.broadcast %and3A_607 : i32 to vector<16xi32>
    %and3A_609 = arith.andi %get3A_606, %and3A_608 : vector<16xi32>
    %and3A_610 = arith.constant 16383 : i32
    %and3A_611 = vector.broadcast %and3A_610 : i32 to vector<16xi32>
    %and3A_612 = arith.andi %get3A_606, %and3A_611 : vector<16xi32>
    %shift_left3A_613 = arith.constant 1 : i32
    %shift_left3A_614 = vector.broadcast %shift_left3A_613 : i32 to vector<16xi32>
    %shift_left3A_615 = arith.shli %and3A_612, %shift_left3A_614 : vector<16xi32>
    %add3A_616 = arith.addi %and3A_609, %shift_left3A_615 : vector<16xi32>
    %shift_right_arithmetic3A_617 = arith.constant 14 : i32
    %shift_right_arithmetic3A_618 = vector.broadcast %shift_right_arithmetic3A_617 : i32 to vector<16xi32>
    %shift_right_arithmetic3A_619 = arith.shrsi %get3A_606, %shift_right_arithmetic3A_618 : vector<16xi32>
    %and3A_620 = arith.constant 1 : i32
    %and3A_621 = vector.broadcast %and3A_620 : i32 to vector<16xi32>
    %and3A_622 = arith.andi %shift_right_arithmetic3A_619, %and3A_621 : vector<16xi32>
    %add3A_623 = arith.addi %add3A_616, %and3A_622 : vector<16xi32>
    %swap3A_624 = arith.constant 400 : index
    %swap3A_625 = tpu.vector_load %arg5[%swap3A_624] {strides = array<i32>} : memref<800xi32, #tpu.memory_space<vmem>>, vector<16xi32>,
    %swap3A_626 = vector.shape_cast %swap3A_625 : vector<16xi32> to vector<16xi32>
    %swap3A_627 = vector.shape_cast %add3A_623 : vector<16xi32> to vector<16xi32>
    tpu.vector_store %arg5[%swap3A_624], %swap3A_627 {strides = array<i32>} : memref<800xi32, #tpu.memory_space<vmem>>, vector<16xi32>,
    %get3A_628 = arith.constant 416 : index
    %get3A_629 = tpu.vector_load %arg5[%get3A_628] {strides = array<i32>} : memref<800xi32, #tpu.memory_space<vmem>>, vector<16xi32>,
    %get3A_630 = vector.shape_cast %get3A_629 : vector<16xi32> to vector<16xi32>
    %and3A_631 = arith.constant -32768 : i32
    %and3A_632 = vector.broadcast %and3A_631 : i32 to vector<16xi32>
    %and3A_633 = arith.andi %get3A_630, %and3A_632 : vector<16xi32>
    %and3A_634 = arith.constant 16383 : i32
    %and3A_635 = vector.broadcast %and3A_634 : i32 to vector<16xi32>
    %and3A_636 = arith.andi %get3A_630, %and3A_635 : vector<16xi32>
    %shift_left3A_637 = arith.constant 1 : i32
    %shift_left3A_638 = vector.broadcast %shift_left3A_637 : i32 to vector<16xi32>
    %shift_left3A_639 = arith.shli %and3A_636, %shift_left3A_638 : vector<16xi32>
    %add3A_640 = arith.addi %and3A_633, %shift_left3A_639 : vector<16xi32>
    %shift_right_arithmetic3A_641 = arith.constant 14 : i32
    %shift_right_arithmetic3A_642 = vector.broadcast %shift_right_arithmetic3A_641 : i32 to vector<16xi32>
    %shift_right_arithmetic3A_643 = arith.shrsi %get3A_630, %shift_right_arithmetic3A_642 : vector<16xi32>
    %and3A_644 = arith.constant 1 : i32
    %and3A_645 = vector.broadcast %and3A_644 : i32 to vector<16xi32>
    %and3A_646 = arith.andi %shift_right_arithmetic3A_643, %and3A_645 : vector<16xi32>
    %add3A_647 = arith.addi %add3A_640, %and3A_646 : vector<16xi32>
    %swap3A_648 = arith.constant 416 : index
    %swap3A_649 = tpu.vector_load %arg5[%swap3A_648] {strides = array<i32>} : memref<800xi32, #tpu.memory_space<vmem>>, vector<16xi32>,
    %swap3A_650 = vector.shape_cast %swap3A_649 : vector<16xi32> to vector<16xi32>
    %swap3A_651 = vector.shape_cast %add3A_647 : vector<16xi32> to vector<16xi32>
    tpu.vector_store %arg5[%swap3A_648], %swap3A_651 {strides = array<i32>} : memref<800xi32, #tpu.memory_space<vmem>>, vector<16xi32>,
    %get3A_652 = arith.constant 432 : index
    %get3A_653 = tpu.vector_load %arg5[%get3A_652] {strides = array<i32>} : memref<800xi32, #tpu.memory_space<vmem>>, vector<16xi32>,
    %get3A_654 = vector.shape_cast %get3A_653 : vector<16xi32> to vector<16xi32>
    %and3A_655 = arith.constant -32768 : i32
    %and3A_656 = vector.broadcast %and3A_655 : i32 to vector<16xi32>
    %and3A_657 = arith.andi %get3A_654, %and3A_656 : vector<16xi32>
    %and3A_658 = arith.constant 16383 : i32
    %and3A_659 = vector.broadcast %and3A_658 : i32 to vector<16xi32>
    %and3A_660 = arith.andi %get3A_654, %and3A_659 : vector<16xi32>
    %shift_left3A_661 = arith.constant 1 : i32
    %shift_left3A_662 = vector.broadcast %shift_left3A_661 : i32 to vector<16xi32>
    %shift_left3A_663 = arith.shli %and3A_660, %shift_left3A_662 : vector<16xi32>
    %add3A_664 = arith.addi %and3A_657, %shift_left3A_663 : vector<16xi32>
    %shift_right_arithmetic3A_665 = arith.constant 14 : i32
    %shift_right_arithmetic3A_666 = vector.broadcast %shift_right_arithmetic3A_665 : i32 to vector<16xi32>
    %shift_right_arithmetic3A_667 = arith.shrsi %get3A_654, %shift_right_arithmetic3A_666 : vector<16xi32>
    %and3A_668 = arith.constant 1 : i32
    %and3A_669 = vector.broadcast %and3A_668 : i32 to vector<16xi32>
    %and3A_670 = arith.andi %shift_right_arithmetic3A_667, %and3A_669 : vector<16xi32>
    %add3A_671 = arith.addi %add3A_664, %and3A_670 : vector<16xi32>
    %swap3A_672 = arith.constant 432 : index
    %swap3A_673 = tpu.vector_load %arg5[%swap3A_672] {strides = array<i32>} : memref<800xi32, #tpu.memory_space<vmem>>, vector<16xi32>,
    %swap3A_674 = vector.shape_cast %swap3A_673 : vector<16xi32> to vector<16xi32>
    %swap3A_675 = vector.shape_cast %add3A_671 : vector<16xi32> to vector<16xi32>
    tpu.vector_store %arg5[%swap3A_672], %swap3A_675 {strides = array<i32>} : memref<800xi32, #tpu.memory_space<vmem>>, vector<16xi32>,
    %get3A_676 = arith.constant 448 : index
    %get3A_677 = tpu.vector_load %arg5[%get3A_676] {strides = array<i32>} : memref<800xi32, #tpu.memory_space<vmem>>, vector<16xi32>,
    %get3A_678 = vector.shape_cast %get3A_677 : vector<16xi32> to vector<16xi32>
    %and3A_679 = arith.constant -32768 : i32
    %and3A_680 = vector.broadcast %and3A_679 : i32 to vector<16xi32>
    %and3A_681 = arith.andi %get3A_678, %and3A_680 : vector<16xi32>
    %and3A_682 = arith.constant 16383 : i32
    %and3A_683 = vector.broadcast %and3A_682 : i32 to vector<16xi32>
    %and3A_684 = arith.andi %get3A_678, %and3A_683 : vector<16xi32>
    %shift_left3A_685 = arith.constant 1 : i32
    %shift_left3A_686 = vector.broadcast %shift_left3A_685 : i32 to vector<16xi32>
    %shift_left3A_687 = arith.shli %and3A_684, %shift_left3A_686 : vector<16xi32>
    %add3A_688 = arith.addi %and3A_681, %shift_left3A_687 : vector<16xi32>
    %shift_right_arithmetic3A_689 = arith.constant 14 : i32
    %shift_right_arithmetic3A_690 = vector.broadcast %shift_right_arithmetic3A_689 : i32 to vector<16xi32>
    %shift_right_arithmetic3A_691 = arith.shrsi %get3A_678, %shift_right_arithmetic3A_690 : vector<16xi32>
    %and3A_692 = arith.constant 1 : i32
    %and3A_693 = vector.broadcast %and3A_692 : i32 to vector<16xi32>
    %and3A_694 = arith.andi %shift_right_arithmetic3A_691, %and3A_693 : vector<16xi32>
    %add3A_695 = arith.addi %add3A_688, %and3A_694 : vector<16xi32>
    %swap3A_696 = arith.constant 448 : index
    %swap3A_697 = tpu.vector_load %arg5[%swap3A_696] {strides = array<i32>} : memref<800xi32, #tpu.memory_space<vmem>>, vector<16xi32>,
    %swap3A_698 = vector.shape_cast %swap3A_697 : vector<16xi32> to vector<16xi32>
    %swap3A_699 = vector.shape_cast %add3A_695 : vector<16xi32> to vector<16xi32>
    tpu.vector_store %arg5[%swap3A_696], %swap3A_699 {strides = array<i32>} : memref<800xi32, #tpu.memory_space<vmem>>, vector<16xi32>,
    %get3A_700 = arith.constant 464 : index
    %get3A_701 = tpu.vector_load %arg5[%get3A_700] {strides = array<i32>} : memref<800xi32, #tpu.memory_space<vmem>>, vector<16xi32>,
    %get3A_702 = vector.shape_cast %get3A_701 : vector<16xi32> to vector<16xi32>
    %and3A_703 = arith.constant -32768 : i32
    %and3A_704 = vector.broadcast %and3A_703 : i32 to vector<16xi32>
    %and3A_705 = arith.andi %get3A_702, %and3A_704 : vector<16xi32>
    %and3A_706 = arith.constant 16383 : i32
    %and3A_707 = vector.broadcast %and3A_706 : i32 to vector<16xi32>
    %and3A_708 = arith.andi %get3A_702, %and3A_707 : vector<16xi32>
    %shift_left3A_709 = arith.constant 1 : i32
    %shift_left3A_710 = vector.broadcast %shift_left3A_709 : i32 to vector<16xi32>
    %shift_left3A_711 = arith.shli %and3A_708, %shift_left3A_710 : vector<16xi32>
    %add3A_712 = arith.addi %and3A_705, %shift_left3A_711 : vector<16xi32>
    %shift_right_arithmetic3A_713 = arith.constant 14 : i32
    %shift_right_arithmetic3A_714 = vector.broadcast %shift_right_arithmetic3A_713 : i32 to vector<16xi32>
    %shift_right_arithmetic3A_715 = arith.shrsi %get3A_702, %shift_right_arithmetic3A_714 : vector<16xi32>
    %and3A_716 = arith.constant 1 : i32
    %and3A_717 = vector.broadcast %and3A_716 : i32 to vector<16xi32>
    %and3A_718 = arith.andi %shift_right_arithmetic3A_715, %and3A_717 : vector<16xi32>
    %add3A_719 = arith.addi %add3A_712, %and3A_718 : vector<16xi32>
    %swap3A_720 = arith.constant 464 : index
    %swap3A_721 = tpu.vector_load %arg5[%swap3A_720] {strides = array<i32>} : memref<800xi32, #tpu.memory_space<vmem>>, vector<16xi32>,
    %swap3A_722 = vector.shape_cast %swap3A_721 : vector<16xi32> to vector<16xi32>
    %swap3A_723 = vector.shape_cast %add3A_719 : vector<16xi32> to vector<16xi32>
    tpu.vector_store %arg5[%swap3A_720], %swap3A_723 {strides = array<i32>} : memref<800xi32, #tpu.memory_space<vmem>>, vector<16xi32>,
    %get3A_724 = arith.constant 480 : index
    %get3A_725 = tpu.vector_load %arg5[%get3A_724] {strides = array<i32>} : memref<800xi32, #tpu.memory_space<vmem>>, vector<16xi32>,
    %get3A_726 = vector.shape_cast %get3A_725 : vector<16xi32> to vector<16xi32>
    %and3A_727 = arith.constant -32768 : i32
    %and3A_728 = vector.broadcast %and3A_727 : i32 to vector<16xi32>
    %and3A_729 = arith.andi %get3A_726, %and3A_728 : vector<16xi32>
    %and3A_730 = arith.constant 16383 : i32
    %and3A_731 = vector.broadcast %and3A_730 : i32 to vector<16xi32>
    %and3A_732 = arith.andi %get3A_726, %and3A_731 : vector<16xi32>
    %shift_left3A_733 = arith.constant 1 : i32
    %shift_left3A_734 = vector.broadcast %shift_left3A_733 : i32 to vector<16xi32>
    %shift_left3A_735 = arith.shli %and3A_732, %shift_left3A_734 : vector<16xi32>
    %add3A_736 = arith.addi %and3A_729, %shift_left3A_735 : vector<16xi32>
    %shift_right_arithmetic3A_737 = arith.constant 14 : i32
    %shift_right_arithmetic3A_738 = vector.broadcast %shift_right_arithmetic3A_737 : i32 to vector<16xi32>
    %shift_right_arithmetic3A_739 = arith.shrsi %get3A_726, %shift_right_arithmetic3A_738 : vector<16xi32>
    %and3A_740 = arith.constant 1 : i32
    %and3A_741 = vector.broadcast %and3A_740 : i32 to vector<16xi32>
    %and3A_742 = arith.andi %shift_right_arithmetic3A_739, %and3A_741 : vector<16xi32>
    %add3A_743 = arith.addi %add3A_736, %and3A_742 : vector<16xi32>
    %swap3A_744 = arith.constant 480 : index
    %swap3A_745 = tpu.vector_load %arg5[%swap3A_744] {strides = array<i32>} : memref<800xi32, #tpu.memory_space<vmem>>, vector<16xi32>,
    %swap3A_746 = vector.shape_cast %swap3A_745 : vector<16xi32> to vector<16xi32>
    %swap3A_747 = vector.shape_cast %add3A_743 : vector<16xi32> to vector<16xi32>
    tpu.vector_store %arg5[%swap3A_744], %swap3A_747 {strides = array<i32>} : memref<800xi32, #tpu.memory_space<vmem>>, vector<16xi32>,
    %get3A_748 = arith.constant 496 : index
    %get3A_749 = tpu.vector_load %arg5[%get3A_748] {strides = array<i32>} : memref<800xi32, #tpu.memory_space<vmem>>, vector<16xi32>,
    %get3A_750 = vector.shape_cast %get3A_749 : vector<16xi32> to vector<16xi32>
    %and3A_751 = arith.constant -32768 : i32
    %and3A_752 = vector.broadcast %and3A_751 : i32 to vector<16xi32>
    %and3A_753 = arith.andi %get3A_750, %and3A_752 : vector<16xi32>
    %and3A_754 = arith.constant 16383 : i32
    %and3A_755 = vector.broadcast %and3A_754 : i32 to vector<16xi32>
    %and3A_756 = arith.andi %get3A_750, %and3A_755 : vector<16xi32>
    %shift_left3A_757 = arith.constant 1 : i32
    %shift_left3A_758 = vector.broadcast %shift_left3A_757 : i32 to vector<16xi32>
    %shift_left3A_759 = arith.shli %and3A_756, %shift_left3A_758 : vector<16xi32>
    %add3A_760 = arith.addi %and3A_753, %shift_left3A_759 : vector<16xi32>
    %shift_right_arithmetic3A_761 = arith.constant 14 : i32
    %shift_right_arithmetic3A_762 = vector.broadcast %shift_right_arithmetic3A_761 : i32 to vector<16xi32>
    %shift_right_arithmetic3A_763 = arith.shrsi %get3A_750, %shift_right_arithmetic3A_762 : vector<16xi32>
    %and3A_764 = arith.constant 1 : i32
    %and3A_765 = vector.broadcast %and3A_764 : i32 to vector<16xi32>
    %and3A_766 = arith.andi %shift_right_arithmetic3A_763, %and3A_765 : vector<16xi32>
    %add3A_767 = arith.addi %add3A_760, %and3A_766 : vector<16xi32>
    %swap3A_768 = arith.constant 496 : index
    %swap3A_769 = tpu.vector_load %arg5[%swap3A_768] {strides = array<i32>} : memref<800xi32, #tpu.memory_space<vmem>>, vector<16xi32>,
    %swap3A_770 = vector.shape_cast %swap3A_769 : vector<16xi32> to vector<16xi32>
    %swap3A_771 = vector.shape_cast %add3A_767 : vector<16xi32> to vector<16xi32>
    tpu.vector_store %arg5[%swap3A_768], %swap3A_771 {strides = array<i32>} : memref<800xi32, #tpu.memory_space<vmem>>, vector<16xi32>,
    %get3A_772 = arith.constant 512 : index
    %get3A_773 = tpu.vector_load %arg5[%get3A_772] {strides = array<i32>} : memref<800xi32, #tpu.memory_space<vmem>>, vector<16xi32>,
    %get3A_774 = vector.shape_cast %get3A_773 : vector<16xi32> to vector<16xi32>
    %and3A_775 = arith.constant -32768 : i32
    %and3A_776 = vector.broadcast %and3A_775 : i32 to vector<16xi32>
    %and3A_777 = arith.andi %get3A_774, %and3A_776 : vector<16xi32>
    %and3A_778 = arith.constant 16383 : i32
    %and3A_779 = vector.broadcast %and3A_778 : i32 to vector<16xi32>
    %and3A_780 = arith.andi %get3A_774, %and3A_779 : vector<16xi32>
    %shift_left3A_781 = arith.constant 1 : i32
    %shift_left3A_782 = vector.broadcast %shift_left3A_781 : i32 to vector<16xi32>
    %shift_left3A_783 = arith.shli %and3A_780, %shift_left3A_782 : vector<16xi32>
    %add3A_784 = arith.addi %and3A_777, %shift_left3A_783 : vector<16xi32>
    %shift_right_arithmetic3A_785 = arith.constant 14 : i32
    %shift_right_arithmetic3A_786 = vector.broadcast %shift_right_arithmetic3A_785 : i32 to vector<16xi32>
    %shift_right_arithmetic3A_787 = arith.shrsi %get3A_774, %shift_right_arithmetic3A_786 : vector<16xi32>
    %and3A_788 = arith.constant 1 : i32
    %and3A_789 = vector.broadcast %and3A_788 : i32 to vector<16xi32>
    %and3A_790 = arith.andi %shift_right_arithmetic3A_787, %and3A_789 : vector<16xi32>
    %add3A_791 = arith.addi %add3A_784, %and3A_790 : vector<16xi32>
    %swap3A_792 = arith.constant 512 : index
    %swap3A_793 = tpu.vector_load %arg5[%swap3A_792] {strides = array<i32>} : memref<800xi32, #tpu.memory_space<vmem>>, vector<16xi32>,
    %swap3A_794 = vector.shape_cast %swap3A_793 : vector<16xi32> to vector<16xi32>
    %swap3A_795 = vector.shape_cast %add3A_791 : vector<16xi32> to vector<16xi32>
    tpu.vector_store %arg5[%swap3A_792], %swap3A_795 {strides = array<i32>} : memref<800xi32, #tpu.memory_space<vmem>>, vector<16xi32>,
    %get3A_796 = arith.constant 528 : index
    %get3A_797 = tpu.vector_load %arg5[%get3A_796] {strides = array<i32>} : memref<800xi32, #tpu.memory_space<vmem>>, vector<16xi32>,
    %get3A_798 = vector.shape_cast %get3A_797 : vector<16xi32> to vector<16xi32>
    %and3A_799 = arith.constant -32768 : i32
    %and3A_800 = vector.broadcast %and3A_799 : i32 to vector<16xi32>
    %and3A_801 = arith.andi %get3A_798, %and3A_800 : vector<16xi32>
    %and3A_802 = arith.constant 16383 : i32
    %and3A_803 = vector.broadcast %and3A_802 : i32 to vector<16xi32>
    %and3A_804 = arith.andi %get3A_798, %and3A_803 : vector<16xi32>
    %shift_left3A_805 = arith.constant 1 : i32
    %shift_left3A_806 = vector.broadcast %shift_left3A_805 : i32 to vector<16xi32>
    %shift_left3A_807 = arith.shli %and3A_804, %shift_left3A_806 : vector<16xi32>
    %add3A_808 = arith.addi %and3A_801, %shift_left3A_807 : vector<16xi32>
    %shift_right_arithmetic3A_809 = arith.constant 14 : i32
    %shift_right_arithmetic3A_810 = vector.broadcast %shift_right_arithmetic3A_809 : i32 to vector<16xi32>
    %shift_right_arithmetic3A_811 = arith.shrsi %get3A_798, %shift_right_arithmetic3A_810 : vector<16xi32>
    %and3A_812 = arith.constant 1 : i32
    %and3A_813 = vector.broadcast %and3A_812 : i32 to vector<16xi32>
    %and3A_814 = arith.andi %shift_right_arithmetic3A_811, %and3A_813 : vector<16xi32>
    %add3A_815 = arith.addi %add3A_808, %and3A_814 : vector<16xi32>
    %swap3A_816 = arith.constant 528 : index
    %swap3A_817 = tpu.vector_load %arg5[%swap3A_816] {strides = array<i32>} : memref<800xi32, #tpu.memory_space<vmem>>, vector<16xi32>,
    %swap3A_818 = vector.shape_cast %swap3A_817 : vector<16xi32> to vector<16xi32>
    %swap3A_819 = vector.shape_cast %add3A_815 : vector<16xi32> to vector<16xi32>
    tpu.vector_store %arg5[%swap3A_816], %swap3A_819 {strides = array<i32>} : memref<800xi32, #tpu.memory_space<vmem>>, vector<16xi32>,
    %get3A_820 = arith.constant 544 : index
    %get3A_821 = tpu.vector_load %arg5[%get3A_820] {strides = array<i32>} : memref<800xi32, #tpu.memory_space<vmem>>, vector<16xi32>,
    %get3A_822 = vector.shape_cast %get3A_821 : vector<16xi32> to vector<16xi32>
    %and3A_823 = arith.constant -32768 : i32
    %and3A_824 = vector.broadcast %and3A_823 : i32 to vector<16xi32>
    %and3A_825 = arith.andi %get3A_822, %and3A_824 : vector<16xi32>
    %and3A_826 = arith.constant 16383 : i32
    %and3A_827 = vector.broadcast %and3A_826 : i32 to vector<16xi32>
    %and3A_828 = arith.andi %get3A_822, %and3A_827 : vector<16xi32>
    %shift_left3A_829 = arith.constant 1 : i32
    %shift_left3A_830 = vector.broadcast %shift_left3A_829 : i32 to vector<16xi32>
    %shift_left3A_831 = arith.shli %and3A_828, %shift_left3A_830 : vector<16xi32>
    %add3A_832 = arith.addi %and3A_825, %shift_left3A_831 : vector<16xi32>
    %shift_right_arithmetic3A_833 = arith.constant 14 : i32
    %shift_right_arithmetic3A_834 = vector.broadcast %shift_right_arithmetic3A_833 : i32 to vector<16xi32>
    %shift_right_arithmetic3A_835 = arith.shrsi %get3A_822, %shift_right_arithmetic3A_834 : vector<16xi32>
    %and3A_836 = arith.constant 1 : i32
    %and3A_837 = vector.broadcast %and3A_836 : i32 to vector<16xi32>
    %and3A_838 = arith.andi %shift_right_arithmetic3A_835, %and3A_837 : vector<16xi32>
    %add3A_839 = arith.addi %add3A_832, %and3A_838 : vector<16xi32>
    %swap3A_840 = arith.constant 544 : index
    %swap3A_841 = tpu.vector_load %arg5[%swap3A_840] {strides = array<i32>} : memref<800xi32, #tpu.memory_space<vmem>>, vector<16xi32>,
    %swap3A_842 = vector.shape_cast %swap3A_841 : vector<16xi32> to vector<16xi32>
    %swap3A_843 = vector.shape_cast %add3A_839 : vector<16xi32> to vector<16xi32>
    tpu.vector_store %arg5[%swap3A_840], %swap3A_843 {strides = array<i32>} : memref<800xi32, #tpu.memory_space<vmem>>, vector<16xi32>,
    %get3A_844 = arith.constant 560 : index
    %get3A_845 = tpu.vector_load %arg5[%get3A_844] {strides = array<i32>} : memref<800xi32, #tpu.memory_space<vmem>>, vector<16xi32>,
    %get3A_846 = vector.shape_cast %get3A_845 : vector<16xi32> to vector<16xi32>
    %and3A_847 = arith.constant -32768 : i32
    %and3A_848 = vector.broadcast %and3A_847 : i32 to vector<16xi32>
    %and3A_849 = arith.andi %get3A_846, %and3A_848 : vector<16xi32>
    %and3A_850 = arith.constant 16383 : i32
    %and3A_851 = vector.broadcast %and3A_850 : i32 to vector<16xi32>
    %and3A_852 = arith.andi %get3A_846, %and3A_851 : vector<16xi32>
    %shift_left3A_853 = arith.constant 1 : i32
    %shift_left3A_854 = vector.broadcast %shift_left3A_853 : i32 to vector<16xi32>
    %shift_left3A_855 = arith.shli %and3A_852, %shift_left3A_854 : vector<16xi32>
    %add3A_856 = arith.addi %and3A_849, %shift_left3A_855 : vector<16xi32>
    %shift_right_arithmetic3A_857 = arith.constant 14 : i32
    %shift_right_arithmetic3A_858 = vector.broadcast %shift_right_arithmetic3A_857 : i32 to vector<16xi32>
    %shift_right_arithmetic3A_859 = arith.shrsi %get3A_846, %shift_right_arithmetic3A_858 : vector<16xi32>
    %and3A_860 = arith.constant 1 : i32
    %and3A_861 = vector.broadcast %and3A_860 : i32 to vector<16xi32>
    %and3A_862 = arith.andi %shift_right_arithmetic3A_859, %and3A_861 : vector<16xi32>
    %add3A_863 = arith.addi %add3A_856, %and3A_862 : vector<16xi32>
    %swap3A_864 = arith.constant 560 : index
    %swap3A_865 = tpu.vector_load %arg5[%swap3A_864] {strides = array<i32>} : memref<800xi32, #tpu.memory_space<vmem>>, vector<16xi32>,
    %swap3A_866 = vector.shape_cast %swap3A_865 : vector<16xi32> to vector<16xi32>
    %swap3A_867 = vector.shape_cast %add3A_863 : vector<16xi32> to vector<16xi32>
    tpu.vector_store %arg5[%swap3A_864], %swap3A_867 {strides = array<i32>} : memref<800xi32, #tpu.memory_space<vmem>>, vector<16xi32>,
    %get3A_868 = arith.constant 576 : index
    %get3A_869 = tpu.vector_load %arg5[%get3A_868] {strides = array<i32>} : memref<800xi32, #tpu.memory_space<vmem>>, vector<16xi32>,
    %get3A_870 = vector.shape_cast %get3A_869 : vector<16xi32> to vector<16xi32>
    %and3A_871 = arith.constant -32768 : i32
    %and3A_872 = vector.broadcast %and3A_871 : i32 to vector<16xi32>
    %and3A_873 = arith.andi %get3A_870, %and3A_872 : vector<16xi32>
    %and3A_874 = arith.constant 16383 : i32
    %and3A_875 = vector.broadcast %and3A_874 : i32 to vector<16xi32>
    %and3A_876 = arith.andi %get3A_870, %and3A_875 : vector<16xi32>
    %shift_left3A_877 = arith.constant 1 : i32
    %shift_left3A_878 = vector.broadcast %shift_left3A_877 : i32 to vector<16xi32>
    %shift_left3A_879 = arith.shli %and3A_876, %shift_left3A_878 : vector<16xi32>
    %add3A_880 = arith.addi %and3A_873, %shift_left3A_879 : vector<16xi32>
    %shift_right_arithmetic3A_881 = arith.constant 14 : i32
    %shift_right_arithmetic3A_882 = vector.broadcast %shift_right_arithmetic3A_881 : i32 to vector<16xi32>
    %shift_right_arithmetic3A_883 = arith.shrsi %get3A_870, %shift_right_arithmetic3A_882 : vector<16xi32>
    %and3A_884 = arith.constant 1 : i32
    %and3A_885 = vector.broadcast %and3A_884 : i32 to vector<16xi32>
    %and3A_886 = arith.andi %shift_right_arithmetic3A_883, %and3A_885 : vector<16xi32>
    %add3A_887 = arith.addi %add3A_880, %and3A_886 : vector<16xi32>
    %swap3A_888 = arith.constant 576 : index
    %swap3A_889 = tpu.vector_load %arg5[%swap3A_888] {strides = array<i32>} : memref<800xi32, #tpu.memory_space<vmem>>, vector<16xi32>,
    %swap3A_890 = vector.shape_cast %swap3A_889 : vector<16xi32> to vector<16xi32>
    %swap3A_891 = vector.shape_cast %add3A_887 : vector<16xi32> to vector<16xi32>
    tpu.vector_store %arg5[%swap3A_888], %swap3A_891 {strides = array<i32>} : memref<800xi32, #tpu.memory_space<vmem>>, vector<16xi32>,
    %get3A_892 = arith.constant 592 : index
    %get3A_893 = tpu.vector_load %arg5[%get3A_892] {strides = array<i32>} : memref<800xi32, #tpu.memory_space<vmem>>, vector<16xi32>,
    %get3A_894 = vector.shape_cast %get3A_893 : vector<16xi32> to vector<16xi32>
    %and3A_895 = arith.constant -32768 : i32
    %and3A_896 = vector.broadcast %and3A_895 : i32 to vector<16xi32>
    %and3A_897 = arith.andi %get3A_894, %and3A_896 : vector<16xi32>
    %and3A_898 = arith.constant 16383 : i32
    %and3A_899 = vector.broadcast %and3A_898 : i32 to vector<16xi32>
    %and3A_900 = arith.andi %get3A_894, %and3A_899 : vector<16xi32>
    %shift_left3A_901 = arith.constant 1 : i32
    %shift_left3A_902 = vector.broadcast %shift_left3A_901 : i32 to vector<16xi32>
    %shift_left3A_903 = arith.shli %and3A_900, %shift_left3A_902 : vector<16xi32>
    %add3A_904 = arith.addi %and3A_897, %shift_left3A_903 : vector<16xi32>
    %shift_right_arithmetic3A_905 = arith.constant 14 : i32
    %shift_right_arithmetic3A_906 = vector.broadcast %shift_right_arithmetic3A_905 : i32 to vector<16xi32>
    %shift_right_arithmetic3A_907 = arith.shrsi %get3A_894, %shift_right_arithmetic3A_906 : vector<16xi32>
    %and3A_908 = arith.constant 1 : i32
    %and3A_909 = vector.broadcast %and3A_908 : i32 to vector<16xi32>
    %and3A_910 = arith.andi %shift_right_arithmetic3A_907, %and3A_909 : vector<16xi32>
    %add3A_911 = arith.addi %add3A_904, %and3A_910 : vector<16xi32>
    %swap3A_912 = arith.constant 592 : index
    %swap3A_913 = tpu.vector_load %arg5[%swap3A_912] {strides = array<i32>} : memref<800xi32, #tpu.memory_space<vmem>>, vector<16xi32>,
    %swap3A_914 = vector.shape_cast %swap3A_913 : vector<16xi32> to vector<16xi32>
    %swap3A_915 = vector.shape_cast %add3A_911 : vector<16xi32> to vector<16xi32>
    tpu.vector_store %arg5[%swap3A_912], %swap3A_915 {strides = array<i32>} : memref<800xi32, #tpu.memory_space<vmem>>, vector<16xi32>,
    %get3A_916 = arith.constant 608 : index
    %get3A_917 = tpu.vector_load %arg5[%get3A_916] {strides = array<i32>} : memref<800xi32, #tpu.memory_space<vmem>>, vector<16xi32>,
    %get3A_918 = vector.shape_cast %get3A_917 : vector<16xi32> to vector<16xi32>
    %and3A_919 = arith.constant -32768 : i32
    %and3A_920 = vector.broadcast %and3A_919 : i32 to vector<16xi32>
    %and3A_921 = arith.andi %get3A_918, %and3A_920 : vector<16xi32>
    %and3A_922 = arith.constant 16383 : i32
    %and3A_923 = vector.broadcast %and3A_922 : i32 to vector<16xi32>
    %and3A_924 = arith.andi %get3A_918, %and3A_923 : vector<16xi32>
    %shift_left3A_925 = arith.constant 1 : i32
    %shift_left3A_926 = vector.broadcast %shift_left3A_925 : i32 to vector<16xi32>
    %shift_left3A_927 = arith.shli %and3A_924, %shift_left3A_926 : vector<16xi32>
    %add3A_928 = arith.addi %and3A_921, %shift_left3A_927 : vector<16xi32>
    %shift_right_arithmetic3A_929 = arith.constant 14 : i32
    %shift_right_arithmetic3A_930 = vector.broadcast %shift_right_arithmetic3A_929 : i32 to vector<16xi32>
    %shift_right_arithmetic3A_931 = arith.shrsi %get3A_918, %shift_right_arithmetic3A_930 : vector<16xi32>
    %and3A_932 = arith.constant 1 : i32
    %and3A_933 = vector.broadcast %and3A_932 : i32 to vector<16xi32>
    %and3A_934 = arith.andi %shift_right_arithmetic3A_931, %and3A_933 : vector<16xi32>
    %add3A_935 = arith.addi %add3A_928, %and3A_934 : vector<16xi32>
    %swap3A_936 = arith.constant 608 : index
    %swap3A_937 = tpu.vector_load %arg5[%swap3A_936] {strides = array<i32>} : memref<800xi32, #tpu.memory_space<vmem>>, vector<16xi32>,
    %swap3A_938 = vector.shape_cast %swap3A_937 : vector<16xi32> to vector<16xi32>
    %swap3A_939 = vector.shape_cast %add3A_935 : vector<16xi32> to vector<16xi32>
    tpu.vector_store %arg5[%swap3A_936], %swap3A_939 {strides = array<i32>} : memref<800xi32, #tpu.memory_space<vmem>>, vector<16xi32>,
    %get3A_940 = arith.constant 624 : index
    %get3A_941 = tpu.vector_load %arg5[%get3A_940] {strides = array<i32>} : memref<800xi32, #tpu.memory_space<vmem>>, vector<16xi32>,
    %get3A_942 = vector.shape_cast %get3A_941 : vector<16xi32> to vector<16xi32>
    %and3A_943 = arith.constant -32768 : i32
    %and3A_944 = vector.broadcast %and3A_943 : i32 to vector<16xi32>
    %and3A_945 = arith.andi %get3A_942, %and3A_944 : vector<16xi32>
    %and3A_946 = arith.constant 16383 : i32
    %and3A_947 = vector.broadcast %and3A_946 : i32 to vector<16xi32>
    %and3A_948 = arith.andi %get3A_942, %and3A_947 : vector<16xi32>
    %shift_left3A_949 = arith.constant 1 : i32
    %shift_left3A_950 = vector.broadcast %shift_left3A_949 : i32 to vector<16xi32>
    %shift_left3A_951 = arith.shli %and3A_948, %shift_left3A_950 : vector<16xi32>
    %add3A_952 = arith.addi %and3A_945, %shift_left3A_951 : vector<16xi32>
    %shift_right_arithmetic3A_953 = arith.constant 14 : i32
    %shift_right_arithmetic3A_954 = vector.broadcast %shift_right_arithmetic3A_953 : i32 to vector<16xi32>
    %shift_right_arithmetic3A_955 = arith.shrsi %get3A_942, %shift_right_arithmetic3A_954 : vector<16xi32>
    %and3A_956 = arith.constant 1 : i32
    %and3A_957 = vector.broadcast %and3A_956 : i32 to vector<16xi32>
    %and3A_958 = arith.andi %shift_right_arithmetic3A_955, %and3A_957 : vector<16xi32>
    %add3A_959 = arith.addi %add3A_952, %and3A_958 : vector<16xi32>
    %swap3A_960 = arith.constant 624 : index
    %swap3A_961 = tpu.vector_load %arg5[%swap3A_960] {strides = array<i32>} : memref<800xi32, #tpu.memory_space<vmem>>, vector<16xi32>,
    %swap3A_962 = vector.shape_cast %swap3A_961 : vector<16xi32> to vector<16xi32>
    %swap3A_963 = vector.shape_cast %add3A_959 : vector<16xi32> to vector<16xi32>
    tpu.vector_store %arg5[%swap3A_960], %swap3A_963 {strides = array<i32>} : memref<800xi32, #tpu.memory_space<vmem>>, vector<16xi32>,
    %get3A_964 = arith.constant 640 : index
    %get3A_965 = tpu.vector_load %arg5[%get3A_964] {strides = array<i32>} : memref<800xi32, #tpu.memory_space<vmem>>, vector<16xi32>,
    %get3A_966 = vector.shape_cast %get3A_965 : vector<16xi32> to vector<16xi32>
    %and3A_967 = arith.constant -32768 : i32
    %and3A_968 = vector.broadcast %and3A_967 : i32 to vector<16xi32>
    %and3A_969 = arith.andi %get3A_966, %and3A_968 : vector<16xi32>
    %and3A_970 = arith.constant 16383 : i32
    %and3A_971 = vector.broadcast %and3A_970 : i32 to vector<16xi32>
    %and3A_972 = arith.andi %get3A_966, %and3A_971 : vector<16xi32>
    %shift_left3A_973 = arith.constant 1 : i32
    %shift_left3A_974 = vector.broadcast %shift_left3A_973 : i32 to vector<16xi32>
    %shift_left3A_975 = arith.shli %and3A_972, %shift_left3A_974 : vector<16xi32>
    %add3A_976 = arith.addi %and3A_969, %shift_left3A_975 : vector<16xi32>
    %shift_right_arithmetic3A_977 = arith.constant 14 : i32
    %shift_right_arithmetic3A_978 = vector.broadcast %shift_right_arithmetic3A_977 : i32 to vector<16xi32>
    %shift_right_arithmetic3A_979 = arith.shrsi %get3A_966, %shift_right_arithmetic3A_978 : vector<16xi32>
    %and3A_980 = arith.constant 1 : i32
    %and3A_981 = vector.broadcast %and3A_980 : i32 to vector<16xi32>
    %and3A_982 = arith.andi %shift_right_arithmetic3A_979, %and3A_981 : vector<16xi32>
    %add3A_983 = arith.addi %add3A_976, %and3A_982 : vector<16xi32>
    %swap3A_984 = arith.constant 640 : index
    %swap3A_985 = tpu.vector_load %arg5[%swap3A_984] {strides = array<i32>} : memref<800xi32, #tpu.memory_space<vmem>>, vector<16xi32>,
    %swap3A_986 = vector.shape_cast %swap3A_985 : vector<16xi32> to vector<16xi32>
    %swap3A_987 = vector.shape_cast %add3A_983 : vector<16xi32> to vector<16xi32>
    tpu.vector_store %arg5[%swap3A_984], %swap3A_987 {strides = array<i32>} : memref<800xi32, #tpu.memory_space<vmem>>, vector<16xi32>,
    %get3A_988 = arith.constant 656 : index
    %get3A_989 = tpu.vector_load %arg5[%get3A_988] {strides = array<i32>} : memref<800xi32, #tpu.memory_space<vmem>>, vector<16xi32>,
    %get3A_990 = vector.shape_cast %get3A_989 : vector<16xi32> to vector<16xi32>
    %and3A_991 = arith.constant -32768 : i32
    %and3A_992 = vector.broadcast %and3A_991 : i32 to vector<16xi32>
    %and3A_993 = arith.andi %get3A_990, %and3A_992 : vector<16xi32>
    %and3A_994 = arith.constant 16383 : i32
    %and3A_995 = vector.broadcast %and3A_994 : i32 to vector<16xi32>
    %and3A_996 = arith.andi %get3A_990, %and3A_995 : vector<16xi32>
    %shift_left3A_997 = arith.constant 1 : i32
    %shift_left3A_998 = vector.broadcast %shift_left3A_997 : i32 to vector<16xi32>
    %shift_left3A_999 = arith.shli %and3A_996, %shift_left3A_998 : vector<16xi32>
    %add3A_1000 = arith.addi %and3A_993, %shift_left3A_999 : vector<16xi32>
    %shift_right_arithmetic3A_1001 = arith.constant 14 : i32
    %shift_right_arithmetic3A_1002 = vector.broadcast %shift_right_arithmetic3A_1001 : i32 to vector<16xi32>
    %shift_right_arithmetic3A_1003 = arith.shrsi %get3A_990, %shift_right_arithmetic3A_1002 : vector<16xi32>
    %and3A_1004 = arith.constant 1 : i32
    %and3A_1005 = vector.broadcast %and3A_1004 : i32 to vector<16xi32>
    %and3A_1006 = arith.andi %shift_right_arithmetic3A_1003, %and3A_1005 : vector<16xi32>
    %add3A_1007 = arith.addi %add3A_1000, %and3A_1006 : vector<16xi32>
    %swap3A_1008 = arith.constant 656 : index
    %swap3A_1009 = tpu.vector_load %arg5[%swap3A_1008] {strides = array<i32>} : memref<800xi32, #tpu.memory_space<vmem>>, vector<16xi32>,
    %swap3A_1010 = vector.shape_cast %swap3A_1009 : vector<16xi32> to vector<16xi32>
    %swap3A_1011 = vector.shape_cast %add3A_1007 : vector<16xi32> to vector<16xi32>
    tpu.vector_store %arg5[%swap3A_1008], %swap3A_1011 {strides = array<i32>} : memref<800xi32, #tpu.memory_space<vmem>>, vector<16xi32>,
    %get3A_1012 = arith.constant 672 : index
    %get3A_1013 = tpu.vector_load %arg5[%get3A_1012] {strides = array<i32>} : memref<800xi32, #tpu.memory_space<vmem>>, vector<16xi32>,
    %get3A_1014 = vector.shape_cast %get3A_1013 : vector<16xi32> to vector<16xi32>
    %and3A_1015 = arith.constant -32768 : i32
    %and3A_1016 = vector.broadcast %and3A_1015 : i32 to vector<16xi32>
    %and3A_1017 = arith.andi %get3A_1014, %and3A_1016 : vector<16xi32>
    %and3A_1018 = arith.constant 16383 : i32
    %and3A_1019 = vector.broadcast %and3A_1018 : i32 to vector<16xi32>
    %and3A_1020 = arith.andi %get3A_1014, %and3A_1019 : vector<16xi32>
    %shift_left3A_1021 = arith.constant 1 : i32
    %shift_left3A_1022 = vector.broadcast %shift_left3A_1021 : i32 to vector<16xi32>
    %shift_left3A_1023 = arith.shli %and3A_1020, %shift_left3A_1022 : vector<16xi32>
    %add3A_1024 = arith.addi %and3A_1017, %shift_left3A_1023 : vector<16xi32>
    %shift_right_arithmetic3A_1025 = arith.constant 14 : i32
    %shift_right_arithmetic3A_1026 = vector.broadcast %shift_right_arithmetic3A_1025 : i32 to vector<16xi32>
    %shift_right_arithmetic3A_1027 = arith.shrsi %get3A_1014, %shift_right_arithmetic3A_1026 : vector<16xi32>
    %and3A_1028 = arith.constant 1 : i32
    %and3A_1029 = vector.broadcast %and3A_1028 : i32 to vector<16xi32>
    %and3A_1030 = arith.andi %shift_right_arithmetic3A_1027, %and3A_1029 : vector<16xi32>
    %add3A_1031 = arith.addi %add3A_1024, %and3A_1030 : vector<16xi32>
    %swap3A_1032 = arith.constant 672 : index
    %swap3A_1033 = tpu.vector_load %arg5[%swap3A_1032] {strides = array<i32>} : memref<800xi32, #tpu.memory_space<vmem>>, vector<16xi32>,
    %swap3A_1034 = vector.shape_cast %swap3A_1033 : vector<16xi32> to vector<16xi32>
    %swap3A_1035 = vector.shape_cast %add3A_1031 : vector<16xi32> to vector<16xi32>
    tpu.vector_store %arg5[%swap3A_1032], %swap3A_1035 {strides = array<i32>} : memref<800xi32, #tpu.memory_space<vmem>>, vector<16xi32>,
    %get3A_1036 = arith.constant 688 : index
    %get3A_1037 = tpu.vector_load %arg5[%get3A_1036] {strides = array<i32>} : memref<800xi32, #tpu.memory_space<vmem>>, vector<16xi32>,
    %get3A_1038 = vector.shape_cast %get3A_1037 : vector<16xi32> to vector<16xi32>
    %and3A_1039 = arith.constant -32768 : i32
    %and3A_1040 = vector.broadcast %and3A_1039 : i32 to vector<16xi32>
    %and3A_1041 = arith.andi %get3A_1038, %and3A_1040 : vector<16xi32>
    %and3A_1042 = arith.constant 16383 : i32
    %and3A_1043 = vector.broadcast %and3A_1042 : i32 to vector<16xi32>
    %and3A_1044 = arith.andi %get3A_1038, %and3A_1043 : vector<16xi32>
    %shift_left3A_1045 = arith.constant 1 : i32
    %shift_left3A_1046 = vector.broadcast %shift_left3A_1045 : i32 to vector<16xi32>
    %shift_left3A_1047 = arith.shli %and3A_1044, %shift_left3A_1046 : vector<16xi32>
    %add3A_1048 = arith.addi %and3A_1041, %shift_left3A_1047 : vector<16xi32>
    %shift_right_arithmetic3A_1049 = arith.constant 14 : i32
    %shift_right_arithmetic3A_1050 = vector.broadcast %shift_right_arithmetic3A_1049 : i32 to vector<16xi32>
    %shift_right_arithmetic3A_1051 = arith.shrsi %get3A_1038, %shift_right_arithmetic3A_1050 : vector<16xi32>
    %and3A_1052 = arith.constant 1 : i32
    %and3A_1053 = vector.broadcast %and3A_1052 : i32 to vector<16xi32>
    %and3A_1054 = arith.andi %shift_right_arithmetic3A_1051, %and3A_1053 : vector<16xi32>
    %add3A_1055 = arith.addi %add3A_1048, %and3A_1054 : vector<16xi32>
    %swap3A_1056 = arith.constant 688 : index
    %swap3A_1057 = tpu.vector_load %arg5[%swap3A_1056] {strides = array<i32>} : memref<800xi32, #tpu.memory_space<vmem>>, vector<16xi32>,
    %swap3A_1058 = vector.shape_cast %swap3A_1057 : vector<16xi32> to vector<16xi32>
    %swap3A_1059 = vector.shape_cast %add3A_1055 : vector<16xi32> to vector<16xi32>
    tpu.vector_store %arg5[%swap3A_1056], %swap3A_1059 {strides = array<i32>} : memref<800xi32, #tpu.memory_space<vmem>>, vector<16xi32>,
    %get3A_1060 = arith.constant 704 : index
    %get3A_1061 = tpu.vector_load %arg5[%get3A_1060] {strides = array<i32>} : memref<800xi32, #tpu.memory_space<vmem>>, vector<16xi32>,
    %get3A_1062 = vector.shape_cast %get3A_1061 : vector<16xi32> to vector<16xi32>
    %and3A_1063 = arith.constant -32768 : i32
    %and3A_1064 = vector.broadcast %and3A_1063 : i32 to vector<16xi32>
    %and3A_1065 = arith.andi %get3A_1062, %and3A_1064 : vector<16xi32>
    %and3A_1066 = arith.constant 16383 : i32
    %and3A_1067 = vector.broadcast %and3A_1066 : i32 to vector<16xi32>
    %and3A_1068 = arith.andi %get3A_1062, %and3A_1067 : vector<16xi32>
    %shift_left3A_1069 = arith.constant 1 : i32
    %shift_left3A_1070 = vector.broadcast %shift_left3A_1069 : i32 to vector<16xi32>
    %shift_left3A_1071 = arith.shli %and3A_1068, %shift_left3A_1070 : vector<16xi32>
    %add3A_1072 = arith.addi %and3A_1065, %shift_left3A_1071 : vector<16xi32>
    %shift_right_arithmetic3A_1073 = arith.constant 14 : i32
    %shift_right_arithmetic3A_1074 = vector.broadcast %shift_right_arithmetic3A_1073 : i32 to vector<16xi32>
    %shift_right_arithmetic3A_1075 = arith.shrsi %get3A_1062, %shift_right_arithmetic3A_1074 : vector<16xi32>
    %and3A_1076 = arith.constant 1 : i32
    %and3A_1077 = vector.broadcast %and3A_1076 : i32 to vector<16xi32>
    %and3A_1078 = arith.andi %shift_right_arithmetic3A_1075, %and3A_1077 : vector<16xi32>
    %add3A_1079 = arith.addi %add3A_1072, %and3A_1078 : vector<16xi32>
    %swap3A_1080 = arith.constant 704 : index
    %swap3A_1081 = tpu.vector_load %arg5[%swap3A_1080] {strides = array<i32>} : memref<800xi32, #tpu.memory_space<vmem>>, vector<16xi32>,
    %swap3A_1082 = vector.shape_cast %swap3A_1081 : vector<16xi32> to vector<16xi32>
    %swap3A_1083 = vector.shape_cast %add3A_1079 : vector<16xi32> to vector<16xi32>
    tpu.vector_store %arg5[%swap3A_1080], %swap3A_1083 {strides = array<i32>} : memref<800xi32, #tpu.memory_space<vmem>>, vector<16xi32>,
    %get3A_1084 = arith.constant 720 : index
    %get3A_1085 = tpu.vector_load %arg5[%get3A_1084] {strides = array<i32>} : memref<800xi32, #tpu.memory_space<vmem>>, vector<16xi32>,
    %get3A_1086 = vector.shape_cast %get3A_1085 : vector<16xi32> to vector<16xi32>
    %and3A_1087 = arith.constant -32768 : i32
    %and3A_1088 = vector.broadcast %and3A_1087 : i32 to vector<16xi32>
    %and3A_1089 = arith.andi %get3A_1086, %and3A_1088 : vector<16xi32>
    %and3A_1090 = arith.constant 16383 : i32
    %and3A_1091 = vector.broadcast %and3A_1090 : i32 to vector<16xi32>
    %and3A_1092 = arith.andi %get3A_1086, %and3A_1091 : vector<16xi32>
    %shift_left3A_1093 = arith.constant 1 : i32
    %shift_left3A_1094 = vector.broadcast %shift_left3A_1093 : i32 to vector<16xi32>
    %shift_left3A_1095 = arith.shli %and3A_1092, %shift_left3A_1094 : vector<16xi32>
    %add3A_1096 = arith.addi %and3A_1089, %shift_left3A_1095 : vector<16xi32>
    %shift_right_arithmetic3A_1097 = arith.constant 14 : i32
    %shift_right_arithmetic3A_1098 = vector.broadcast %shift_right_arithmetic3A_1097 : i32 to vector<16xi32>
    %shift_right_arithmetic3A_1099 = arith.shrsi %get3A_1086, %shift_right_arithmetic3A_1098 : vector<16xi32>
    %and3A_1100 = arith.constant 1 : i32
    %and3A_1101 = vector.broadcast %and3A_1100 : i32 to vector<16xi32>
    %and3A_1102 = arith.andi %shift_right_arithmetic3A_1099, %and3A_1101 : vector<16xi32>
    %add3A_1103 = arith.addi %add3A_1096, %and3A_1102 : vector<16xi32>
    %swap3A_1104 = arith.constant 720 : index
    %swap3A_1105 = tpu.vector_load %arg5[%swap3A_1104] {strides = array<i32>} : memref<800xi32, #tpu.memory_space<vmem>>, vector<16xi32>,
    %swap3A_1106 = vector.shape_cast %swap3A_1105 : vector<16xi32> to vector<16xi32>
    %swap3A_1107 = vector.shape_cast %add3A_1103 : vector<16xi32> to vector<16xi32>
    tpu.vector_store %arg5[%swap3A_1104], %swap3A_1107 {strides = array<i32>} : memref<800xi32, #tpu.memory_space<vmem>>, vector<16xi32>,
    %get3A_1108 = arith.constant 736 : index
    %get3A_1109 = tpu.vector_load %arg5[%get3A_1108] {strides = array<i32>} : memref<800xi32, #tpu.memory_space<vmem>>, vector<16xi32>,
    %get3A_1110 = vector.shape_cast %get3A_1109 : vector<16xi32> to vector<16xi32>
    %and3A_1111 = arith.constant -32768 : i32
    %and3A_1112 = vector.broadcast %and3A_1111 : i32 to vector<16xi32>
    %and3A_1113 = arith.andi %get3A_1110, %and3A_1112 : vector<16xi32>
    %and3A_1114 = arith.constant 16383 : i32
    %and3A_1115 = vector.broadcast %and3A_1114 : i32 to vector<16xi32>
    %and3A_1116 = arith.andi %get3A_1110, %and3A_1115 : vector<16xi32>
    %shift_left3A_1117 = arith.constant 1 : i32
    %shift_left3A_1118 = vector.broadcast %shift_left3A_1117 : i32 to vector<16xi32>
    %shift_left3A_1119 = arith.shli %and3A_1116, %shift_left3A_1118 : vector<16xi32>
    %add3A_1120 = arith.addi %and3A_1113, %shift_left3A_1119 : vector<16xi32>
    %shift_right_arithmetic3A_1121 = arith.constant 14 : i32
    %shift_right_arithmetic3A_1122 = vector.broadcast %shift_right_arithmetic3A_1121 : i32 to vector<16xi32>
    %shift_right_arithmetic3A_1123 = arith.shrsi %get3A_1110, %shift_right_arithmetic3A_1122 : vector<16xi32>
    %and3A_1124 = arith.constant 1 : i32
    %and3A_1125 = vector.broadcast %and3A_1124 : i32 to vector<16xi32>
    %and3A_1126 = arith.andi %shift_right_arithmetic3A_1123, %and3A_1125 : vector<16xi32>
    %add3A_1127 = arith.addi %add3A_1120, %and3A_1126 : vector<16xi32>
    %swap3A_1128 = arith.constant 736 : index
    %swap3A_1129 = tpu.vector_load %arg5[%swap3A_1128] {strides = array<i32>} : memref<800xi32, #tpu.memory_space<vmem>>, vector<16xi32>,
    %swap3A_1130 = vector.shape_cast %swap3A_1129 : vector<16xi32> to vector<16xi32>
    %swap3A_1131 = vector.shape_cast %add3A_1127 : vector<16xi32> to vector<16xi32>
    tpu.vector_store %arg5[%swap3A_1128], %swap3A_1131 {strides = array<i32>} : memref<800xi32, #tpu.memory_space<vmem>>, vector<16xi32>,
    %get3A_1132 = arith.constant 752 : index
    %get3A_1133 = tpu.vector_load %arg5[%get3A_1132] {strides = array<i32>} : memref<800xi32, #tpu.memory_space<vmem>>, vector<16xi32>,
    %get3A_1134 = vector.shape_cast %get3A_1133 : vector<16xi32> to vector<16xi32>
    %and3A_1135 = arith.constant -32768 : i32
    %and3A_1136 = vector.broadcast %and3A_1135 : i32 to vector<16xi32>
    %and3A_1137 = arith.andi %get3A_1134, %and3A_1136 : vector<16xi32>
    %and3A_1138 = arith.constant 16383 : i32
    %and3A_1139 = vector.broadcast %and3A_1138 : i32 to vector<16xi32>
    %and3A_1140 = arith.andi %get3A_1134, %and3A_1139 : vector<16xi32>
    %shift_left3A_1141 = arith.constant 1 : i32
    %shift_left3A_1142 = vector.broadcast %shift_left3A_1141 : i32 to vector<16xi32>
    %shift_left3A_1143 = arith.shli %and3A_1140, %shift_left3A_1142 : vector<16xi32>
    %add3A_1144 = arith.addi %and3A_1137, %shift_left3A_1143 : vector<16xi32>
    %shift_right_arithmetic3A_1145 = arith.constant 14 : i32
    %shift_right_arithmetic3A_1146 = vector.broadcast %shift_right_arithmetic3A_1145 : i32 to vector<16xi32>
    %shift_right_arithmetic3A_1147 = arith.shrsi %get3A_1134, %shift_right_arithmetic3A_1146 : vector<16xi32>
    %and3A_1148 = arith.constant 1 : i32
    %and3A_1149 = vector.broadcast %and3A_1148 : i32 to vector<16xi32>
    %and3A_1150 = arith.andi %shift_right_arithmetic3A_1147, %and3A_1149 : vector<16xi32>
    %add3A_1151 = arith.addi %add3A_1144, %and3A_1150 : vector<16xi32>
    %swap3A_1152 = arith.constant 752 : index
    %swap3A_1153 = tpu.vector_load %arg5[%swap3A_1152] {strides = array<i32>} : memref<800xi32, #tpu.memory_space<vmem>>, vector<16xi32>,
    %swap3A_1154 = vector.shape_cast %swap3A_1153 : vector<16xi32> to vector<16xi32>
    %swap3A_1155 = vector.shape_cast %add3A_1151 : vector<16xi32> to vector<16xi32>
    tpu.vector_store %arg5[%swap3A_1152], %swap3A_1155 {strides = array<i32>} : memref<800xi32, #tpu.memory_space<vmem>>, vector<16xi32>,
    %get3A_1156 = arith.constant 768 : index
    %get3A_1157 = tpu.vector_load %arg5[%get3A_1156] {strides = array<i32>} : memref<800xi32, #tpu.memory_space<vmem>>, vector<16xi32>,
    %get3A_1158 = vector.shape_cast %get3A_1157 : vector<16xi32> to vector<16xi32>
    %and3A_1159 = arith.constant -32768 : i32
    %and3A_1160 = vector.broadcast %and3A_1159 : i32 to vector<16xi32>
    %and3A_1161 = arith.andi %get3A_1158, %and3A_1160 : vector<16xi32>
    %and3A_1162 = arith.constant 16383 : i32
    %and3A_1163 = vector.broadcast %and3A_1162 : i32 to vector<16xi32>
    %and3A_1164 = arith.andi %get3A_1158, %and3A_1163 : vector<16xi32>
    %shift_left3A_1165 = arith.constant 1 : i32
    %shift_left3A_1166 = vector.broadcast %shift_left3A_1165 : i32 to vector<16xi32>
    %shift_left3A_1167 = arith.shli %and3A_1164, %shift_left3A_1166 : vector<16xi32>
    %add3A_1168 = arith.addi %and3A_1161, %shift_left3A_1167 : vector<16xi32>
    %shift_right_arithmetic3A_1169 = arith.constant 14 : i32
    %shift_right_arithmetic3A_1170 = vector.broadcast %shift_right_arithmetic3A_1169 : i32 to vector<16xi32>
    %shift_right_arithmetic3A_1171 = arith.shrsi %get3A_1158, %shift_right_arithmetic3A_1170 : vector<16xi32>
    %and3A_1172 = arith.constant 1 : i32
    %and3A_1173 = vector.broadcast %and3A_1172 : i32 to vector<16xi32>
    %and3A_1174 = arith.andi %shift_right_arithmetic3A_1171, %and3A_1173 : vector<16xi32>
    %add3A_1175 = arith.addi %add3A_1168, %and3A_1174 : vector<16xi32>
    %swap3A_1176 = arith.constant 768 : index
    %swap3A_1177 = tpu.vector_load %arg5[%swap3A_1176] {strides = array<i32>} : memref<800xi32, #tpu.memory_space<vmem>>, vector<16xi32>,
    %swap3A_1178 = vector.shape_cast %swap3A_1177 : vector<16xi32> to vector<16xi32>
    %swap3A_1179 = vector.shape_cast %add3A_1175 : vector<16xi32> to vector<16xi32>
    tpu.vector_store %arg5[%swap3A_1176], %swap3A_1179 {strides = array<i32>} : memref<800xi32, #tpu.memory_space<vmem>>, vector<16xi32>,
    %get3A_1180 = arith.constant 784 : index
    %get3A_1181 = tpu.vector_load %arg5[%get3A_1180] {strides = array<i32>} : memref<800xi32, #tpu.memory_space<vmem>>, vector<16xi32>,
    %get3A_1182 = vector.shape_cast %get3A_1181 : vector<16xi32> to vector<16xi32>
    %and3A_1183 = arith.constant -32768 : i32
    %and3A_1184 = vector.broadcast %and3A_1183 : i32 to vector<16xi32>
    %and3A_1185 = arith.andi %get3A_1182, %and3A_1184 : vector<16xi32>
    %and3A_1186 = arith.constant 16383 : i32
    %and3A_1187 = vector.broadcast %and3A_1186 : i32 to vector<16xi32>
    %and3A_1188 = arith.andi %get3A_1182, %and3A_1187 : vector<16xi32>
    %shift_left3A_1189 = arith.constant 1 : i32
    %shift_left3A_1190 = vector.broadcast %shift_left3A_1189 : i32 to vector<16xi32>
    %shift_left3A_1191 = arith.shli %and3A_1188, %shift_left3A_1190 : vector<16xi32>
    %add3A_1192 = arith.addi %and3A_1185, %shift_left3A_1191 : vector<16xi32>
    %shift_right_arithmetic3A_1193 = arith.constant 14 : i32
    %shift_right_arithmetic3A_1194 = vector.broadcast %shift_right_arithmetic3A_1193 : i32 to vector<16xi32>
    %shift_right_arithmetic3A_1195 = arith.shrsi %get3A_1182, %shift_right_arithmetic3A_1194 : vector<16xi32>
    %and3A_1196 = arith.constant 1 : i32
    %and3A_1197 = vector.broadcast %and3A_1196 : i32 to vector<16xi32>
    %and3A_1198 = arith.andi %shift_right_arithmetic3A_1195, %and3A_1197 : vector<16xi32>
    %add3A_1199 = arith.addi %add3A_1192, %and3A_1198 : vector<16xi32>
    %swap3A_1200 = arith.constant 784 : index
    %swap3A_1201 = tpu.vector_load %arg5[%swap3A_1200] {strides = array<i32>} : memref<800xi32, #tpu.memory_space<vmem>>, vector<16xi32>,
    %swap3A_1202 = vector.shape_cast %swap3A_1201 : vector<16xi32> to vector<16xi32>
    %swap3A_1203 = vector.shape_cast %add3A_1199 : vector<16xi32> to vector<16xi32>
    tpu.vector_store %arg5[%swap3A_1200], %swap3A_1203 {strides = array<i32>} : memref<800xi32, #tpu.memory_space<vmem>>, vector<16xi32>,
    %dma_start3A = arith.constant 0 : i32
    %dma_start3A_1204 = arith.constant 0 : i32
    %dma_start3A_1205 = tpu.memref_slice %arg3[%dma_start3A, %dma_start3A_1204] : memref<1015808x64xf32, #tpu.memory_space<hbm>> -> memref<1015808x64xf32, #tpu.memory_space<hbm>>
    tpu.enqueue_indirect_dma source(%dma_start3A_1205 : memref<1015808x64xf32, #tpu.memory_space<hbm>>) target(%arg7 : memref<800x64xf32, #tpu.memory_space<vmem>>) offsets(%arg5 : memref<800xi32, #tpu.memory_space<vmem>>) semaphore(%arg9 : memref<!tpu.dma_semaphore, #tpu.memory_space<semaphore_mem>>)
    %add3A_1206 = arith.constant 800 : i32
    %add3A_1207 = arith.addi %add3A_4, %add3A_1206 : i32
    "tpu.region"() ({
      %run_scoped3A = tpu.sem_alloc : memref<!tpu.dma_semaphore, #tpu.memory_space<semaphore_mem>>
      %dma_start3A_4889 = tpu.memref_slice %arg2[%add3A_1207] : memref<819200xi32, #tpu.memory_space<hbm>> -> memref<800xi32, #tpu.memory_space<hbm>>
      %dma_start3A_4890 = tpu.memref_slice %arg2[%add3A_1207] : memref<819200xi32, #tpu.memory_space<hbm>> -> memref<800xi32, #tpu.memory_space<hbm>>
      tpu.enqueue_dma source(%dma_start3A_4890 : memref<800xi32, #tpu.memory_space<hbm>>) target(%arg6 : memref<800xi32, #tpu.memory_space<vmem>>) target_semaphore(%run_scoped3A : memref<!tpu.dma_semaphore, #tpu.memory_space<semaphore_mem>>)
      %dma_wait3A_4891 = tpu.memref_slice %arg2[%add3A_1207] : memref<819200xi32, #tpu.memory_space<hbm>> -> memref<800xi32, #tpu.memory_space<hbm>>
      %dma_wait3A_4892 = tpu.memref_slice %arg2[%add3A_1207] : memref<819200xi32, #tpu.memory_space<hbm>> -> memref<800xi32, #tpu.memory_space<hbm>>
      tpu.wait_dma2 semaphore(%run_scoped3A : memref<!tpu.dma_semaphore, #tpu.memory_space<semaphore_mem>>) src(%dma_wait3A_4892 : memref<800xi32, #tpu.memory_space<hbm>>) dst(%arg6 : memref<800xi32, #tpu.memory_space<vmem>>)
      tpu.yield
    }) : () -> ()
    %get3A_1208 = arith.constant 0 : index
    %get3A_1209 = tpu.vector_load %arg6[%get3A_1208] {strides = array<i32>} : memref<800xi32, #tpu.memory_space<vmem>>, vector<16xi32>,
    %get3A_1210 = vector.shape_cast %get3A_1209 : vector<16xi32> to vector<16xi32>
    %and3A_1211 = arith.constant -32768 : i32
    %and3A_1212 = vector.broadcast %and3A_1211 : i32 to vector<16xi32>
    %and3A_1213 = arith.andi %get3A_1210, %and3A_1212 : vector<16xi32>
    %and3A_1214 = arith.constant 16383 : i32
    %and3A_1215 = vector.broadcast %and3A_1214 : i32 to vector<16xi32>
    %and3A_1216 = arith.andi %get3A_1210, %and3A_1215 : vector<16xi32>
    %shift_left3A_1217 = arith.constant 1 : i32
    %shift_left3A_1218 = vector.broadcast %shift_left3A_1217 : i32 to vector<16xi32>
    %shift_left3A_1219 = arith.shli %and3A_1216, %shift_left3A_1218 : vector<16xi32>
    %add3A_1220 = arith.addi %and3A_1213, %shift_left3A_1219 : vector<16xi32>
    %shift_right_arithmetic3A_1221 = arith.constant 14 : i32
    %shift_right_arithmetic3A_1222 = vector.broadcast %shift_right_arithmetic3A_1221 : i32 to vector<16xi32>
    %shift_right_arithmetic3A_1223 = arith.shrsi %get3A_1210, %shift_right_arithmetic3A_1222 : vector<16xi32>
    %and3A_1224 = arith.constant 1 : i32
    %and3A_1225 = vector.broadcast %and3A_1224 : i32 to vector<16xi32>
    %and3A_1226 = arith.andi %shift_right_arithmetic3A_1223, %and3A_1225 : vector<16xi32>
    %add3A_1227 = arith.addi %add3A_1220, %and3A_1226 : vector<16xi32>
    %swap3A_1228 = arith.constant 0 : index
    %swap3A_1229 = tpu.vector_load %arg6[%swap3A_1228] {strides = array<i32>} : memref<800xi32, #tpu.memory_space<vmem>>, vector<16xi32>,
    %swap3A_1230 = vector.shape_cast %swap3A_1229 : vector<16xi32> to vector<16xi32>
    %swap3A_1231 = vector.shape_cast %add3A_1227 : vector<16xi32> to vector<16xi32>
    tpu.vector_store %arg6[%swap3A_1228], %swap3A_1231 {strides = array<i32>} : memref<800xi32, #tpu.memory_space<vmem>>, vector<16xi32>,
    %get3A_1232 = arith.constant 16 : index
    %get3A_1233 = tpu.vector_load %arg6[%get3A_1232] {strides = array<i32>} : memref<800xi32, #tpu.memory_space<vmem>>, vector<16xi32>,
    %get3A_1234 = vector.shape_cast %get3A_1233 : vector<16xi32> to vector<16xi32>
    %and3A_1235 = arith.constant -32768 : i32
    %and3A_1236 = vector.broadcast %and3A_1235 : i32 to vector<16xi32>
    %and3A_1237 = arith.andi %get3A_1234, %and3A_1236 : vector<16xi32>
    %and3A_1238 = arith.constant 16383 : i32
    %and3A_1239 = vector.broadcast %and3A_1238 : i32 to vector<16xi32>
    %and3A_1240 = arith.andi %get3A_1234, %and3A_1239 : vector<16xi32>
    %shift_left3A_1241 = arith.constant 1 : i32
    %shift_left3A_1242 = vector.broadcast %shift_left3A_1241 : i32 to vector<16xi32>
    %shift_left3A_1243 = arith.shli %and3A_1240, %shift_left3A_1242 : vector<16xi32>
    %add3A_1244 = arith.addi %and3A_1237, %shift_left3A_1243 : vector<16xi32>
    %shift_right_arithmetic3A_1245 = arith.constant 14 : i32
    %shift_right_arithmetic3A_1246 = vector.broadcast %shift_right_arithmetic3A_1245 : i32 to vector<16xi32>
    %shift_right_arithmetic3A_1247 = arith.shrsi %get3A_1234, %shift_right_arithmetic3A_1246 : vector<16xi32>
    %and3A_1248 = arith.constant 1 : i32
    %and3A_1249 = vector.broadcast %and3A_1248 : i32 to vector<16xi32>
    %and3A_1250 = arith.andi %shift_right_arithmetic3A_1247, %and3A_1249 : vector<16xi32>
    %add3A_1251 = arith.addi %add3A_1244, %and3A_1250 : vector<16xi32>
    %swap3A_1252 = arith.constant 16 : index
    %swap3A_1253 = tpu.vector_load %arg6[%swap3A_1252] {strides = array<i32>} : memref<800xi32, #tpu.memory_space<vmem>>, vector<16xi32>,
    %swap3A_1254 = vector.shape_cast %swap3A_1253 : vector<16xi32> to vector<16xi32>
    %swap3A_1255 = vector.shape_cast %add3A_1251 : vector<16xi32> to vector<16xi32>
    tpu.vector_store %arg6[%swap3A_1252], %swap3A_1255 {strides = array<i32>} : memref<800xi32, #tpu.memory_space<vmem>>, vector<16xi32>,
    %get3A_1256 = arith.constant 32 : index
    %get3A_1257 = tpu.vector_load %arg6[%get3A_1256] {strides = array<i32>} : memref<800xi32, #tpu.memory_space<vmem>>, vector<16xi32>,
    %get3A_1258 = vector.shape_cast %get3A_1257 : vector<16xi32> to vector<16xi32>
    %and3A_1259 = arith.constant -32768 : i32
    %and3A_1260 = vector.broadcast %and3A_1259 : i32 to vector<16xi32>
    %and3A_1261 = arith.andi %get3A_1258, %and3A_1260 : vector<16xi32>
    %and3A_1262 = arith.constant 16383 : i32
    %and3A_1263 = vector.broadcast %and3A_1262 : i32 to vector<16xi32>
    %and3A_1264 = arith.andi %get3A_1258, %and3A_1263 : vector<16xi32>
    %shift_left3A_1265 = arith.constant 1 : i32
    %shift_left3A_1266 = vector.broadcast %shift_left3A_1265 : i32 to vector<16xi32>
    %shift_left3A_1267 = arith.shli %and3A_1264, %shift_left3A_1266 : vector<16xi32>
    %add3A_1268 = arith.addi %and3A_1261, %shift_left3A_1267 : vector<16xi32>
    %shift_right_arithmetic3A_1269 = arith.constant 14 : i32
    %shift_right_arithmetic3A_1270 = vector.broadcast %shift_right_arithmetic3A_1269 : i32 to vector<16xi32>
    %shift_right_arithmetic3A_1271 = arith.shrsi %get3A_1258, %shift_right_arithmetic3A_1270 : vector<16xi32>
    %and3A_1272 = arith.constant 1 : i32
    %and3A_1273 = vector.broadcast %and3A_1272 : i32 to vector<16xi32>
    %and3A_1274 = arith.andi %shift_right_arithmetic3A_1271, %and3A_1273 : vector<16xi32>
    %add3A_1275 = arith.addi %add3A_1268, %and3A_1274 : vector<16xi32>
    %swap3A_1276 = arith.constant 32 : index
    %swap3A_1277 = tpu.vector_load %arg6[%swap3A_1276] {strides = array<i32>} : memref<800xi32, #tpu.memory_space<vmem>>, vector<16xi32>,
    %swap3A_1278 = vector.shape_cast %swap3A_1277 : vector<16xi32> to vector<16xi32>
    %swap3A_1279 = vector.shape_cast %add3A_1275 : vector<16xi32> to vector<16xi32>
    tpu.vector_store %arg6[%swap3A_1276], %swap3A_1279 {strides = array<i32>} : memref<800xi32, #tpu.memory_space<vmem>>, vector<16xi32>,
    %get3A_1280 = arith.constant 48 : index
    %get3A_1281 = tpu.vector_load %arg6[%get3A_1280] {strides = array<i32>} : memref<800xi32, #tpu.memory_space<vmem>>, vector<16xi32>,
    %get3A_1282 = vector.shape_cast %get3A_1281 : vector<16xi32> to vector<16xi32>
    %and3A_1283 = arith.constant -32768 : i32
    %and3A_1284 = vector.broadcast %and3A_1283 : i32 to vector<16xi32>
    %and3A_1285 = arith.andi %get3A_1282, %and3A_1284 : vector<16xi32>
    %and3A_1286 = arith.constant 16383 : i32
    %and3A_1287 = vector.broadcast %and3A_1286 : i32 to vector<16xi32>
    %and3A_1288 = arith.andi %get3A_1282, %and3A_1287 : vector<16xi32>
    %shift_left3A_1289 = arith.constant 1 : i32
    %shift_left3A_1290 = vector.broadcast %shift_left3A_1289 : i32 to vector<16xi32>
    %shift_left3A_1291 = arith.shli %and3A_1288, %shift_left3A_1290 : vector<16xi32>
    %add3A_1292 = arith.addi %and3A_1285, %shift_left3A_1291 : vector<16xi32>
    %shift_right_arithmetic3A_1293 = arith.constant 14 : i32
    %shift_right_arithmetic3A_1294 = vector.broadcast %shift_right_arithmetic3A_1293 : i32 to vector<16xi32>
    %shift_right_arithmetic3A_1295 = arith.shrsi %get3A_1282, %shift_right_arithmetic3A_1294 : vector<16xi32>
    %and3A_1296 = arith.constant 1 : i32
    %and3A_1297 = vector.broadcast %and3A_1296 : i32 to vector<16xi32>
    %and3A_1298 = arith.andi %shift_right_arithmetic3A_1295, %and3A_1297 : vector<16xi32>
    %add3A_1299 = arith.addi %add3A_1292, %and3A_1298 : vector<16xi32>
    %swap3A_1300 = arith.constant 48 : index
    %swap3A_1301 = tpu.vector_load %arg6[%swap3A_1300] {strides = array<i32>} : memref<800xi32, #tpu.memory_space<vmem>>, vector<16xi32>,
    %swap3A_1302 = vector.shape_cast %swap3A_1301 : vector<16xi32> to vector<16xi32>
    %swap3A_1303 = vector.shape_cast %add3A_1299 : vector<16xi32> to vector<16xi32>
    tpu.vector_store %arg6[%swap3A_1300], %swap3A_1303 {strides = array<i32>} : memref<800xi32, #tpu.memory_space<vmem>>, vector<16xi32>,
    %get3A_1304 = arith.constant 64 : index
    %get3A_1305 = tpu.vector_load %arg6[%get3A_1304] {strides = array<i32>} : memref<800xi32, #tpu.memory_space<vmem>>, vector<16xi32>,
    %get3A_1306 = vector.shape_cast %get3A_1305 : vector<16xi32> to vector<16xi32>
    %and3A_1307 = arith.constant -32768 : i32
    %and3A_1308 = vector.broadcast %and3A_1307 : i32 to vector<16xi32>
    %and3A_1309 = arith.andi %get3A_1306, %and3A_1308 : vector<16xi32>
    %and3A_1310 = arith.constant 16383 : i32
    %and3A_1311 = vector.broadcast %and3A_1310 : i32 to vector<16xi32>
    %and3A_1312 = arith.andi %get3A_1306, %and3A_1311 : vector<16xi32>
    %shift_left3A_1313 = arith.constant 1 : i32
    %shift_left3A_1314 = vector.broadcast %shift_left3A_1313 : i32 to vector<16xi32>
    %shift_left3A_1315 = arith.shli %and3A_1312, %shift_left3A_1314 : vector<16xi32>
    %add3A_1316 = arith.addi %and3A_1309, %shift_left3A_1315 : vector<16xi32>
    %shift_right_arithmetic3A_1317 = arith.constant 14 : i32
    %shift_right_arithmetic3A_1318 = vector.broadcast %shift_right_arithmetic3A_1317 : i32 to vector<16xi32>
    %shift_right_arithmetic3A_1319 = arith.shrsi %get3A_1306, %shift_right_arithmetic3A_1318 : vector<16xi32>
    %and3A_1320 = arith.constant 1 : i32
    %and3A_1321 = vector.broadcast %and3A_1320 : i32 to vector<16xi32>
    %and3A_1322 = arith.andi %shift_right_arithmetic3A_1319, %and3A_1321 : vector<16xi32>
    %add3A_1323 = arith.addi %add3A_1316, %and3A_1322 : vector<16xi32>
    %swap3A_1324 = arith.constant 64 : index
    %swap3A_1325 = tpu.vector_load %arg6[%swap3A_1324] {strides = array<i32>} : memref<800xi32, #tpu.memory_space<vmem>>, vector<16xi32>,
    %swap3A_1326 = vector.shape_cast %swap3A_1325 : vector<16xi32> to vector<16xi32>
    %swap3A_1327 = vector.shape_cast %add3A_1323 : vector<16xi32> to vector<16xi32>
    tpu.vector_store %arg6[%swap3A_1324], %swap3A_1327 {strides = array<i32>} : memref<800xi32, #tpu.memory_space<vmem>>, vector<16xi32>,
    %get3A_1328 = arith.constant 80 : index
    %get3A_1329 = tpu.vector_load %arg6[%get3A_1328] {strides = array<i32>} : memref<800xi32, #tpu.memory_space<vmem>>, vector<16xi32>,
    %get3A_1330 = vector.shape_cast %get3A_1329 : vector<16xi32> to vector<16xi32>
    %and3A_1331 = arith.constant -32768 : i32
    %and3A_1332 = vector.broadcast %and3A_1331 : i32 to vector<16xi32>
    %and3A_1333 = arith.andi %get3A_1330, %and3A_1332 : vector<16xi32>
    %and3A_1334 = arith.constant 16383 : i32
    %and3A_1335 = vector.broadcast %and3A_1334 : i32 to vector<16xi32>
    %and3A_1336 = arith.andi %get3A_1330, %and3A_1335 : vector<16xi32>
    %shift_left3A_1337 = arith.constant 1 : i32
    %shift_left3A_1338 = vector.broadcast %shift_left3A_1337 : i32 to vector<16xi32>
    %shift_left3A_1339 = arith.shli %and3A_1336, %shift_left3A_1338 : vector<16xi32>
    %add3A_1340 = arith.addi %and3A_1333, %shift_left3A_1339 : vector<16xi32>
    %shift_right_arithmetic3A_1341 = arith.constant 14 : i32
    %shift_right_arithmetic3A_1342 = vector.broadcast %shift_right_arithmetic3A_1341 : i32 to vector<16xi32>
    %shift_right_arithmetic3A_1343 = arith.shrsi %get3A_1330, %shift_right_arithmetic3A_1342 : vector<16xi32>
    %and3A_1344 = arith.constant 1 : i32
    %and3A_1345 = vector.broadcast %and3A_1344 : i32 to vector<16xi32>
    %and3A_1346 = arith.andi %shift_right_arithmetic3A_1343, %and3A_1345 : vector<16xi32>
    %add3A_1347 = arith.addi %add3A_1340, %and3A_1346 : vector<16xi32>
    %swap3A_1348 = arith.constant 80 : index
    %swap3A_1349 = tpu.vector_load %arg6[%swap3A_1348] {strides = array<i32>} : memref<800xi32, #tpu.memory_space<vmem>>, vector<16xi32>,
    %swap3A_1350 = vector.shape_cast %swap3A_1349 : vector<16xi32> to vector<16xi32>
    %swap3A_1351 = vector.shape_cast %add3A_1347 : vector<16xi32> to vector<16xi32>
    tpu.vector_store %arg6[%swap3A_1348], %swap3A_1351 {strides = array<i32>} : memref<800xi32, #tpu.memory_space<vmem>>, vector<16xi32>,
    %get3A_1352 = arith.constant 96 : index
    %get3A_1353 = tpu.vector_load %arg6[%get3A_1352] {strides = array<i32>} : memref<800xi32, #tpu.memory_space<vmem>>, vector<16xi32>,
    %get3A_1354 = vector.shape_cast %get3A_1353 : vector<16xi32> to vector<16xi32>
    %and3A_1355 = arith.constant -32768 : i32
    %and3A_1356 = vector.broadcast %and3A_1355 : i32 to vector<16xi32>
    %and3A_1357 = arith.andi %get3A_1354, %and3A_1356 : vector<16xi32>
    %and3A_1358 = arith.constant 16383 : i32
    %and3A_1359 = vector.broadcast %and3A_1358 : i32 to vector<16xi32>
    %and3A_1360 = arith.andi %get3A_1354, %and3A_1359 : vector<16xi32>
    %shift_left3A_1361 = arith.constant 1 : i32
    %shift_left3A_1362 = vector.broadcast %shift_left3A_1361 : i32 to vector<16xi32>
    %shift_left3A_1363 = arith.shli %and3A_1360, %shift_left3A_1362 : vector<16xi32>
    %add3A_1364 = arith.addi %and3A_1357, %shift_left3A_1363 : vector<16xi32>
    %shift_right_arithmetic3A_1365 = arith.constant 14 : i32
    %shift_right_arithmetic3A_1366 = vector.broadcast %shift_right_arithmetic3A_1365 : i32 to vector<16xi32>
    %shift_right_arithmetic3A_1367 = arith.shrsi %get3A_1354, %shift_right_arithmetic3A_1366 : vector<16xi32>
    %and3A_1368 = arith.constant 1 : i32
    %and3A_1369 = vector.broadcast %and3A_1368 : i32 to vector<16xi32>
    %and3A_1370 = arith.andi %shift_right_arithmetic3A_1367, %and3A_1369 : vector<16xi32>
    %add3A_1371 = arith.addi %add3A_1364, %and3A_1370 : vector<16xi32>
    %swap3A_1372 = arith.constant 96 : index
    %swap3A_1373 = tpu.vector_load %arg6[%swap3A_1372] {strides = array<i32>} : memref<800xi32, #tpu.memory_space<vmem>>, vector<16xi32>,
    %swap3A_1374 = vector.shape_cast %swap3A_1373 : vector<16xi32> to vector<16xi32>
    %swap3A_1375 = vector.shape_cast %add3A_1371 : vector<16xi32> to vector<16xi32>
    tpu.vector_store %arg6[%swap3A_1372], %swap3A_1375 {strides = array<i32>} : memref<800xi32, #tpu.memory_space<vmem>>, vector<16xi32>,
    %get3A_1376 = arith.constant 112 : index
    %get3A_1377 = tpu.vector_load %arg6[%get3A_1376] {strides = array<i32>} : memref<800xi32, #tpu.memory_space<vmem>>, vector<16xi32>,
    %get3A_1378 = vector.shape_cast %get3A_1377 : vector<16xi32> to vector<16xi32>
    %and3A_1379 = arith.constant -32768 : i32
    %and3A_1380 = vector.broadcast %and3A_1379 : i32 to vector<16xi32>
    %and3A_1381 = arith.andi %get3A_1378, %and3A_1380 : vector<16xi32>
    %and3A_1382 = arith.constant 16383 : i32
    %and3A_1383 = vector.broadcast %and3A_1382 : i32 to vector<16xi32>
    %and3A_1384 = arith.andi %get3A_1378, %and3A_1383 : vector<16xi32>
    %shift_left3A_1385 = arith.constant 1 : i32
    %shift_left3A_1386 = vector.broadcast %shift_left3A_1385 : i32 to vector<16xi32>
    %shift_left3A_1387 = arith.shli %and3A_1384, %shift_left3A_1386 : vector<16xi32>
    %add3A_1388 = arith.addi %and3A_1381, %shift_left3A_1387 : vector<16xi32>
    %shift_right_arithmetic3A_1389 = arith.constant 14 : i32
    %shift_right_arithmetic3A_1390 = vector.broadcast %shift_right_arithmetic3A_1389 : i32 to vector<16xi32>
    %shift_right_arithmetic3A_1391 = arith.shrsi %get3A_1378, %shift_right_arithmetic3A_1390 : vector<16xi32>
    %and3A_1392 = arith.constant 1 : i32
    %and3A_1393 = vector.broadcast %and3A_1392 : i32 to vector<16xi32>
    %and3A_1394 = arith.andi %shift_right_arithmetic3A_1391, %and3A_1393 : vector<16xi32>
    %add3A_1395 = arith.addi %add3A_1388, %and3A_1394 : vector<16xi32>
    %swap3A_1396 = arith.constant 112 : index
    %swap3A_1397 = tpu.vector_load %arg6[%swap3A_1396] {strides = array<i32>} : memref<800xi32, #tpu.memory_space<vmem>>, vector<16xi32>,
    %swap3A_1398 = vector.shape_cast %swap3A_1397 : vector<16xi32> to vector<16xi32>
    %swap3A_1399 = vector.shape_cast %add3A_1395 : vector<16xi32> to vector<16xi32>
    tpu.vector_store %arg6[%swap3A_1396], %swap3A_1399 {strides = array<i32>} : memref<800xi32, #tpu.memory_space<vmem>>, vector<16xi32>,
    %get3A_1400 = arith.constant 128 : index
    %get3A_1401 = tpu.vector_load %arg6[%get3A_1400] {strides = array<i32>} : memref<800xi32, #tpu.memory_space<vmem>>, vector<16xi32>,
    %get3A_1402 = vector.shape_cast %get3A_1401 : vector<16xi32> to vector<16xi32>
    %and3A_1403 = arith.constant -32768 : i32
    %and3A_1404 = vector.broadcast %and3A_1403 : i32 to vector<16xi32>
    %and3A_1405 = arith.andi %get3A_1402, %and3A_1404 : vector<16xi32>
    %and3A_1406 = arith.constant 16383 : i32
    %and3A_1407 = vector.broadcast %and3A_1406 : i32 to vector<16xi32>
    %and3A_1408 = arith.andi %get3A_1402, %and3A_1407 : vector<16xi32>
    %shift_left3A_1409 = arith.constant 1 : i32
    %shift_left3A_1410 = vector.broadcast %shift_left3A_1409 : i32 to vector<16xi32>
    %shift_left3A_1411 = arith.shli %and3A_1408, %shift_left3A_1410 : vector<16xi32>
    %add3A_1412 = arith.addi %and3A_1405, %shift_left3A_1411 : vector<16xi32>
    %shift_right_arithmetic3A_1413 = arith.constant 14 : i32
    %shift_right_arithmetic3A_1414 = vector.broadcast %shift_right_arithmetic3A_1413 : i32 to vector<16xi32>
    %shift_right_arithmetic3A_1415 = arith.shrsi %get3A_1402, %shift_right_arithmetic3A_1414 : vector<16xi32>
    %and3A_1416 = arith.constant 1 : i32
    %and3A_1417 = vector.broadcast %and3A_1416 : i32 to vector<16xi32>
    %and3A_1418 = arith.andi %shift_right_arithmetic3A_1415, %and3A_1417 : vector<16xi32>
    %add3A_1419 = arith.addi %add3A_1412, %and3A_1418 : vector<16xi32>
    %swap3A_1420 = arith.constant 128 : index
    %swap3A_1421 = tpu.vector_load %arg6[%swap3A_1420] {strides = array<i32>} : memref<800xi32, #tpu.memory_space<vmem>>, vector<16xi32>,
    %swap3A_1422 = vector.shape_cast %swap3A_1421 : vector<16xi32> to vector<16xi32>
    %swap3A_1423 = vector.shape_cast %add3A_1419 : vector<16xi32> to vector<16xi32>
    tpu.vector_store %arg6[%swap3A_1420], %swap3A_1423 {strides = array<i32>} : memref<800xi32, #tpu.memory_space<vmem>>, vector<16xi32>,
    %get3A_1424 = arith.constant 144 : index
    %get3A_1425 = tpu.vector_load %arg6[%get3A_1424] {strides = array<i32>} : memref<800xi32, #tpu.memory_space<vmem>>, vector<16xi32>,
    %get3A_1426 = vector.shape_cast %get3A_1425 : vector<16xi32> to vector<16xi32>
    %and3A_1427 = arith.constant -32768 : i32
    %and3A_1428 = vector.broadcast %and3A_1427 : i32 to vector<16xi32>
    %and3A_1429 = arith.andi %get3A_1426, %and3A_1428 : vector<16xi32>
    %and3A_1430 = arith.constant 16383 : i32
    %and3A_1431 = vector.broadcast %and3A_1430 : i32 to vector<16xi32>
    %and3A_1432 = arith.andi %get3A_1426, %and3A_1431 : vector<16xi32>
    %shift_left3A_1433 = arith.constant 1 : i32
    %shift_left3A_1434 = vector.broadcast %shift_left3A_1433 : i32 to vector<16xi32>
    %shift_left3A_1435 = arith.shli %and3A_1432, %shift_left3A_1434 : vector<16xi32>
    %add3A_1436 = arith.addi %and3A_1429, %shift_left3A_1435 : vector<16xi32>
    %shift_right_arithmetic3A_1437 = arith.constant 14 : i32
    %shift_right_arithmetic3A_1438 = vector.broadcast %shift_right_arithmetic3A_1437 : i32 to vector<16xi32>
    %shift_right_arithmetic3A_1439 = arith.shrsi %get3A_1426, %shift_right_arithmetic3A_1438 : vector<16xi32>
    %and3A_1440 = arith.constant 1 : i32
    %and3A_1441 = vector.broadcast %and3A_1440 : i32 to vector<16xi32>
    %and3A_1442 = arith.andi %shift_right_arithmetic3A_1439, %and3A_1441 : vector<16xi32>
    %add3A_1443 = arith.addi %add3A_1436, %and3A_1442 : vector<16xi32>
    %swap3A_1444 = arith.constant 144 : index
    %swap3A_1445 = tpu.vector_load %arg6[%swap3A_1444] {strides = array<i32>} : memref<800xi32, #tpu.memory_space<vmem>>, vector<16xi32>,
    %swap3A_1446 = vector.shape_cast %swap3A_1445 : vector<16xi32> to vector<16xi32>
    %swap3A_1447 = vector.shape_cast %add3A_1443 : vector<16xi32> to vector<16xi32>
    tpu.vector_store %arg6[%swap3A_1444], %swap3A_1447 {strides = array<i32>} : memref<800xi32, #tpu.memory_space<vmem>>, vector<16xi32>,
    %get3A_1448 = arith.constant 160 : index
    %get3A_1449 = tpu.vector_load %arg6[%get3A_1448] {strides = array<i32>} : memref<800xi32, #tpu.memory_space<vmem>>, vector<16xi32>,
    %get3A_1450 = vector.shape_cast %get3A_1449 : vector<16xi32> to vector<16xi32>
    %and3A_1451 = arith.constant -32768 : i32
    %and3A_1452 = vector.broadcast %and3A_1451 : i32 to vector<16xi32>
    %and3A_1453 = arith.andi %get3A_1450, %and3A_1452 : vector<16xi32>
    %and3A_1454 = arith.constant 16383 : i32
    %and3A_1455 = vector.broadcast %and3A_1454 : i32 to vector<16xi32>
    %and3A_1456 = arith.andi %get3A_1450, %and3A_1455 : vector<16xi32>
    %shift_left3A_1457 = arith.constant 1 : i32
    %shift_left3A_1458 = vector.broadcast %shift_left3A_1457 : i32 to vector<16xi32>
    %shift_left3A_1459 = arith.shli %and3A_1456, %shift_left3A_1458 : vector<16xi32>
    %add3A_1460 = arith.addi %and3A_1453, %shift_left3A_1459 : vector<16xi32>
    %shift_right_arithmetic3A_1461 = arith.constant 14 : i32
    %shift_right_arithmetic3A_1462 = vector.broadcast %shift_right_arithmetic3A_1461 : i32 to vector<16xi32>
    %shift_right_arithmetic3A_1463 = arith.shrsi %get3A_1450, %shift_right_arithmetic3A_1462 : vector<16xi32>
    %and3A_1464 = arith.constant 1 : i32
    %and3A_1465 = vector.broadcast %and3A_1464 : i32 to vector<16xi32>
    %and3A_1466 = arith.andi %shift_right_arithmetic3A_1463, %and3A_1465 : vector<16xi32>
    %add3A_1467 = arith.addi %add3A_1460, %and3A_1466 : vector<16xi32>
    %swap3A_1468 = arith.constant 160 : index
    %swap3A_1469 = tpu.vector_load %arg6[%swap3A_1468] {strides = array<i32>} : memref<800xi32, #tpu.memory_space<vmem>>, vector<16xi32>,
    %swap3A_1470 = vector.shape_cast %swap3A_1469 : vector<16xi32> to vector<16xi32>
    %swap3A_1471 = vector.shape_cast %add3A_1467 : vector<16xi32> to vector<16xi32>
    tpu.vector_store %arg6[%swap3A_1468], %swap3A_1471 {strides = array<i32>} : memref<800xi32, #tpu.memory_space<vmem>>, vector<16xi32>,
    %get3A_1472 = arith.constant 176 : index
    %get3A_1473 = tpu.vector_load %arg6[%get3A_1472] {strides = array<i32>} : memref<800xi32, #tpu.memory_space<vmem>>, vector<16xi32>,
    %get3A_1474 = vector.shape_cast %get3A_1473 : vector<16xi32> to vector<16xi32>
    %and3A_1475 = arith.constant -32768 : i32
    %and3A_1476 = vector.broadcast %and3A_1475 : i32 to vector<16xi32>
    %and3A_1477 = arith.andi %get3A_1474, %and3A_1476 : vector<16xi32>
    %and3A_1478 = arith.constant 16383 : i32
    %and3A_1479 = vector.broadcast %and3A_1478 : i32 to vector<16xi32>
    %and3A_1480 = arith.andi %get3A_1474, %and3A_1479 : vector<16xi32>
    %shift_left3A_1481 = arith.constant 1 : i32
    %shift_left3A_1482 = vector.broadcast %shift_left3A_1481 : i32 to vector<16xi32>
    %shift_left3A_1483 = arith.shli %and3A_1480, %shift_left3A_1482 : vector<16xi32>
    %add3A_1484 = arith.addi %and3A_1477, %shift_left3A_1483 : vector<16xi32>
    %shift_right_arithmetic3A_1485 = arith.constant 14 : i32
    %shift_right_arithmetic3A_1486 = vector.broadcast %shift_right_arithmetic3A_1485 : i32 to vector<16xi32>
    %shift_right_arithmetic3A_1487 = arith.shrsi %get3A_1474, %shift_right_arithmetic3A_1486 : vector<16xi32>
    %and3A_1488 = arith.constant 1 : i32
    %and3A_1489 = vector.broadcast %and3A_1488 : i32 to vector<16xi32>
    %and3A_1490 = arith.andi %shift_right_arithmetic3A_1487, %and3A_1489 : vector<16xi32>
    %add3A_1491 = arith.addi %add3A_1484, %and3A_1490 : vector<16xi32>
    %swap3A_1492 = arith.constant 176 : index
    %swap3A_1493 = tpu.vector_load %arg6[%swap3A_1492] {strides = array<i32>} : memref<800xi32, #tpu.memory_space<vmem>>, vector<16xi32>,
    %swap3A_1494 = vector.shape_cast %swap3A_1493 : vector<16xi32> to vector<16xi32>
    %swap3A_1495 = vector.shape_cast %add3A_1491 : vector<16xi32> to vector<16xi32>
    tpu.vector_store %arg6[%swap3A_1492], %swap3A_1495 {strides = array<i32>} : memref<800xi32, #tpu.memory_space<vmem>>, vector<16xi32>,
    %get3A_1496 = arith.constant 192 : index
    %get3A_1497 = tpu.vector_load %arg6[%get3A_1496] {strides = array<i32>} : memref<800xi32, #tpu.memory_space<vmem>>, vector<16xi32>,
    %get3A_1498 = vector.shape_cast %get3A_1497 : vector<16xi32> to vector<16xi32>
    %and3A_1499 = arith.constant -32768 : i32
    %and3A_1500 = vector.broadcast %and3A_1499 : i32 to vector<16xi32>
    %and3A_1501 = arith.andi %get3A_1498, %and3A_1500 : vector<16xi32>
    %and3A_1502 = arith.constant 16383 : i32
    %and3A_1503 = vector.broadcast %and3A_1502 : i32 to vector<16xi32>
    %and3A_1504 = arith.andi %get3A_1498, %and3A_1503 : vector<16xi32>
    %shift_left3A_1505 = arith.constant 1 : i32
    %shift_left3A_1506 = vector.broadcast %shift_left3A_1505 : i32 to vector<16xi32>
    %shift_left3A_1507 = arith.shli %and3A_1504, %shift_left3A_1506 : vector<16xi32>
    %add3A_1508 = arith.addi %and3A_1501, %shift_left3A_1507 : vector<16xi32>
    %shift_right_arithmetic3A_1509 = arith.constant 14 : i32
    %shift_right_arithmetic3A_1510 = vector.broadcast %shift_right_arithmetic3A_1509 : i32 to vector<16xi32>
    %shift_right_arithmetic3A_1511 = arith.shrsi %get3A_1498, %shift_right_arithmetic3A_1510 : vector<16xi32>
    %and3A_1512 = arith.constant 1 : i32
    %and3A_1513 = vector.broadcast %and3A_1512 : i32 to vector<16xi32>
    %and3A_1514 = arith.andi %shift_right_arithmetic3A_1511, %and3A_1513 : vector<16xi32>
    %add3A_1515 = arith.addi %add3A_1508, %and3A_1514 : vector<16xi32>
    %swap3A_1516 = arith.constant 192 : index
    %swap3A_1517 = tpu.vector_load %arg6[%swap3A_1516] {strides = array<i32>} : memref<800xi32, #tpu.memory_space<vmem>>, vector<16xi32>,
    %swap3A_1518 = vector.shape_cast %swap3A_1517 : vector<16xi32> to vector<16xi32>
    %swap3A_1519 = vector.shape_cast %add3A_1515 : vector<16xi32> to vector<16xi32>
    tpu.vector_store %arg6[%swap3A_1516], %swap3A_1519 {strides = array<i32>} : memref<800xi32, #tpu.memory_space<vmem>>, vector<16xi32>,
    %get3A_1520 = arith.constant 208 : index
    %get3A_1521 = tpu.vector_load %arg6[%get3A_1520] {strides = array<i32>} : memref<800xi32, #tpu.memory_space<vmem>>, vector<16xi32>,
    %get3A_1522 = vector.shape_cast %get3A_1521 : vector<16xi32> to vector<16xi32>
    %and3A_1523 = arith.constant -32768 : i32
    %and3A_1524 = vector.broadcast %and3A_1523 : i32 to vector<16xi32>
    %and3A_1525 = arith.andi %get3A_1522, %and3A_1524 : vector<16xi32>
    %and3A_1526 = arith.constant 16383 : i32
    %and3A_1527 = vector.broadcast %and3A_1526 : i32 to vector<16xi32>
    %and3A_1528 = arith.andi %get3A_1522, %and3A_1527 : vector<16xi32>
    %shift_left3A_1529 = arith.constant 1 : i32
    %shift_left3A_1530 = vector.broadcast %shift_left3A_1529 : i32 to vector<16xi32>
    %shift_left3A_1531 = arith.shli %and3A_1528, %shift_left3A_1530 : vector<16xi32>
    %add3A_1532 = arith.addi %and3A_1525, %shift_left3A_1531 : vector<16xi32>
    %shift_right_arithmetic3A_1533 = arith.constant 14 : i32
    %shift_right_arithmetic3A_1534 = vector.broadcast %shift_right_arithmetic3A_1533 : i32 to vector<16xi32>
    %shift_right_arithmetic3A_1535 = arith.shrsi %get3A_1522, %shift_right_arithmetic3A_1534 : vector<16xi32>
    %and3A_1536 = arith.constant 1 : i32
    %and3A_1537 = vector.broadcast %and3A_1536 : i32 to vector<16xi32>
    %and3A_1538 = arith.andi %shift_right_arithmetic3A_1535, %and3A_1537 : vector<16xi32>
    %add3A_1539 = arith.addi %add3A_1532, %and3A_1538 : vector<16xi32>
    %swap3A_1540 = arith.constant 208 : index
    %swap3A_1541 = tpu.vector_load %arg6[%swap3A_1540] {strides = array<i32>} : memref<800xi32, #tpu.memory_space<vmem>>, vector<16xi32>,
    %swap3A_1542 = vector.shape_cast %swap3A_1541 : vector<16xi32> to vector<16xi32>
    %swap3A_1543 = vector.shape_cast %add3A_1539 : vector<16xi32> to vector<16xi32>
    tpu.vector_store %arg6[%swap3A_1540], %swap3A_1543 {strides = array<i32>} : memref<800xi32, #tpu.memory_space<vmem>>, vector<16xi32>,
    %get3A_1544 = arith.constant 224 : index
    %get3A_1545 = tpu.vector_load %arg6[%get3A_1544] {strides = array<i32>} : memref<800xi32, #tpu.memory_space<vmem>>, vector<16xi32>,
    %get3A_1546 = vector.shape_cast %get3A_1545 : vector<16xi32> to vector<16xi32>
    %and3A_1547 = arith.constant -32768 : i32
    %and3A_1548 = vector.broadcast %and3A_1547 : i32 to vector<16xi32>
    %and3A_1549 = arith.andi %get3A_1546, %and3A_1548 : vector<16xi32>
    %and3A_1550 = arith.constant 16383 : i32
    %and3A_1551 = vector.broadcast %and3A_1550 : i32 to vector<16xi32>
    %and3A_1552 = arith.andi %get3A_1546, %and3A_1551 : vector<16xi32>
    %shift_left3A_1553 = arith.constant 1 : i32
    %shift_left3A_1554 = vector.broadcast %shift_left3A_1553 : i32 to vector<16xi32>
    %shift_left3A_1555 = arith.shli %and3A_1552, %shift_left3A_1554 : vector<16xi32>
    %add3A_1556 = arith.addi %and3A_1549, %shift_left3A_1555 : vector<16xi32>
    %shift_right_arithmetic3A_1557 = arith.constant 14 : i32
    %shift_right_arithmetic3A_1558 = vector.broadcast %shift_right_arithmetic3A_1557 : i32 to vector<16xi32>
    %shift_right_arithmetic3A_1559 = arith.shrsi %get3A_1546, %shift_right_arithmetic3A_1558 : vector<16xi32>
    %and3A_1560 = arith.constant 1 : i32
    %and3A_1561 = vector.broadcast %and3A_1560 : i32 to vector<16xi32>
    %and3A_1562 = arith.andi %shift_right_arithmetic3A_1559, %and3A_1561 : vector<16xi32>
    %add3A_1563 = arith.addi %add3A_1556, %and3A_1562 : vector<16xi32>
    %swap3A_1564 = arith.constant 224 : index
    %swap3A_1565 = tpu.vector_load %arg6[%swap3A_1564] {strides = array<i32>} : memref<800xi32, #tpu.memory_space<vmem>>, vector<16xi32>,
    %swap3A_1566 = vector.shape_cast %swap3A_1565 : vector<16xi32> to vector<16xi32>
    %swap3A_1567 = vector.shape_cast %add3A_1563 : vector<16xi32> to vector<16xi32>
    tpu.vector_store %arg6[%swap3A_1564], %swap3A_1567 {strides = array<i32>} : memref<800xi32, #tpu.memory_space<vmem>>, vector<16xi32>,
    %get3A_1568 = arith.constant 240 : index
    %get3A_1569 = tpu.vector_load %arg6[%get3A_1568] {strides = array<i32>} : memref<800xi32, #tpu.memory_space<vmem>>, vector<16xi32>,
    %get3A_1570 = vector.shape_cast %get3A_1569 : vector<16xi32> to vector<16xi32>
    %and3A_1571 = arith.constant -32768 : i32
    %and3A_1572 = vector.broadcast %and3A_1571 : i32 to vector<16xi32>
    %and3A_1573 = arith.andi %get3A_1570, %and3A_1572 : vector<16xi32>
    %and3A_1574 = arith.constant 16383 : i32
    %and3A_1575 = vector.broadcast %and3A_1574 : i32 to vector<16xi32>
    %and3A_1576 = arith.andi %get3A_1570, %and3A_1575 : vector<16xi32>
    %shift_left3A_1577 = arith.constant 1 : i32
    %shift_left3A_1578 = vector.broadcast %shift_left3A_1577 : i32 to vector<16xi32>
    %shift_left3A_1579 = arith.shli %and3A_1576, %shift_left3A_1578 : vector<16xi32>
    %add3A_1580 = arith.addi %and3A_1573, %shift_left3A_1579 : vector<16xi32>
    %shift_right_arithmetic3A_1581 = arith.constant 14 : i32
    %shift_right_arithmetic3A_1582 = vector.broadcast %shift_right_arithmetic3A_1581 : i32 to vector<16xi32>
    %shift_right_arithmetic3A_1583 = arith.shrsi %get3A_1570, %shift_right_arithmetic3A_1582 : vector<16xi32>
    %and3A_1584 = arith.constant 1 : i32
    %and3A_1585 = vector.broadcast %and3A_1584 : i32 to vector<16xi32>
    %and3A_1586 = arith.andi %shift_right_arithmetic3A_1583, %and3A_1585 : vector<16xi32>
    %add3A_1587 = arith.addi %add3A_1580, %and3A_1586 : vector<16xi32>
    %swap3A_1588 = arith.constant 240 : index
    %swap3A_1589 = tpu.vector_load %arg6[%swap3A_1588] {strides = array<i32>} : memref<800xi32, #tpu.memory_space<vmem>>, vector<16xi32>,
    %swap3A_1590 = vector.shape_cast %swap3A_1589 : vector<16xi32> to vector<16xi32>
    %swap3A_1591 = vector.shape_cast %add3A_1587 : vector<16xi32> to vector<16xi32>
    tpu.vector_store %arg6[%swap3A_1588], %swap3A_1591 {strides = array<i32>} : memref<800xi32, #tpu.memory_space<vmem>>, vector<16xi32>,
    %get3A_1592 = arith.constant 256 : index
    %get3A_1593 = tpu.vector_load %arg6[%get3A_1592] {strides = array<i32>} : memref<800xi32, #tpu.memory_space<vmem>>, vector<16xi32>,
    %get3A_1594 = vector.shape_cast %get3A_1593 : vector<16xi32> to vector<16xi32>
    %and3A_1595 = arith.constant -32768 : i32
    %and3A_1596 = vector.broadcast %and3A_1595 : i32 to vector<16xi32>
    %and3A_1597 = arith.andi %get3A_1594, %and3A_1596 : vector<16xi32>
    %and3A_1598 = arith.constant 16383 : i32
    %and3A_1599 = vector.broadcast %and3A_1598 : i32 to vector<16xi32>
    %and3A_1600 = arith.andi %get3A_1594, %and3A_1599 : vector<16xi32>
    %shift_left3A_1601 = arith.constant 1 : i32
    %shift_left3A_1602 = vector.broadcast %shift_left3A_1601 : i32 to vector<16xi32>
    %shift_left3A_1603 = arith.shli %and3A_1600, %shift_left3A_1602 : vector<16xi32>
    %add3A_1604 = arith.addi %and3A_1597, %shift_left3A_1603 : vector<16xi32>
    %shift_right_arithmetic3A_1605 = arith.constant 14 : i32
    %shift_right_arithmetic3A_1606 = vector.broadcast %shift_right_arithmetic3A_1605 : i32 to vector<16xi32>
    %shift_right_arithmetic3A_1607 = arith.shrsi %get3A_1594, %shift_right_arithmetic3A_1606 : vector<16xi32>
    %and3A_1608 = arith.constant 1 : i32
    %and3A_1609 = vector.broadcast %and3A_1608 : i32 to vector<16xi32>
    %and3A_1610 = arith.andi %shift_right_arithmetic3A_1607, %and3A_1609 : vector<16xi32>
    %add3A_1611 = arith.addi %add3A_1604, %and3A_1610 : vector<16xi32>
    %swap3A_1612 = arith.constant 256 : index
    %swap3A_1613 = tpu.vector_load %arg6[%swap3A_1612] {strides = array<i32>} : memref<800xi32, #tpu.memory_space<vmem>>, vector<16xi32>,
    %swap3A_1614 = vector.shape_cast %swap3A_1613 : vector<16xi32> to vector<16xi32>
    %swap3A_1615 = vector.shape_cast %add3A_1611 : vector<16xi32> to vector<16xi32>
    tpu.vector_store %arg6[%swap3A_1612], %swap3A_1615 {strides = array<i32>} : memref<800xi32, #tpu.memory_space<vmem>>, vector<16xi32>,
    %get3A_1616 = arith.constant 272 : index
    %get3A_1617 = tpu.vector_load %arg6[%get3A_1616] {strides = array<i32>} : memref<800xi32, #tpu.memory_space<vmem>>, vector<16xi32>,
    %get3A_1618 = vector.shape_cast %get3A_1617 : vector<16xi32> to vector<16xi32>
    %and3A_1619 = arith.constant -32768 : i32
    %and3A_1620 = vector.broadcast %and3A_1619 : i32 to vector<16xi32>
    %and3A_1621 = arith.andi %get3A_1618, %and3A_1620 : vector<16xi32>
    %and3A_1622 = arith.constant 16383 : i32
    %and3A_1623 = vector.broadcast %and3A_1622 : i32 to vector<16xi32>
    %and3A_1624 = arith.andi %get3A_1618, %and3A_1623 : vector<16xi32>
    %shift_left3A_1625 = arith.constant 1 : i32
    %shift_left3A_1626 = vector.broadcast %shift_left3A_1625 : i32 to vector<16xi32>
    %shift_left3A_1627 = arith.shli %and3A_1624, %shift_left3A_1626 : vector<16xi32>
    %add3A_1628 = arith.addi %and3A_1621, %shift_left3A_1627 : vector<16xi32>
    %shift_right_arithmetic3A_1629 = arith.constant 14 : i32
    %shift_right_arithmetic3A_1630 = vector.broadcast %shift_right_arithmetic3A_1629 : i32 to vector<16xi32>
    %shift_right_arithmetic3A_1631 = arith.shrsi %get3A_1618, %shift_right_arithmetic3A_1630 : vector<16xi32>
    %and3A_1632 = arith.constant 1 : i32
    %and3A_1633 = vector.broadcast %and3A_1632 : i32 to vector<16xi32>
    %and3A_1634 = arith.andi %shift_right_arithmetic3A_1631, %and3A_1633 : vector<16xi32>
    %add3A_1635 = arith.addi %add3A_1628, %and3A_1634 : vector<16xi32>
    %swap3A_1636 = arith.constant 272 : index
    %swap3A_1637 = tpu.vector_load %arg6[%swap3A_1636] {strides = array<i32>} : memref<800xi32, #tpu.memory_space<vmem>>, vector<16xi32>,
    %swap3A_1638 = vector.shape_cast %swap3A_1637 : vector<16xi32> to vector<16xi32>
    %swap3A_1639 = vector.shape_cast %add3A_1635 : vector<16xi32> to vector<16xi32>
    tpu.vector_store %arg6[%swap3A_1636], %swap3A_1639 {strides = array<i32>} : memref<800xi32, #tpu.memory_space<vmem>>, vector<16xi32>,
    %get3A_1640 = arith.constant 288 : index
    %get3A_1641 = tpu.vector_load %arg6[%get3A_1640] {strides = array<i32>} : memref<800xi32, #tpu.memory_space<vmem>>, vector<16xi32>,
    %get3A_1642 = vector.shape_cast %get3A_1641 : vector<16xi32> to vector<16xi32>
    %and3A_1643 = arith.constant -32768 : i32
    %and3A_1644 = vector.broadcast %and3A_1643 : i32 to vector<16xi32>
    %and3A_1645 = arith.andi %get3A_1642, %and3A_1644 : vector<16xi32>
    %and3A_1646 = arith.constant 16383 : i32
    %and3A_1647 = vector.broadcast %and3A_1646 : i32 to vector<16xi32>
    %and3A_1648 = arith.andi %get3A_1642, %and3A_1647 : vector<16xi32>
    %shift_left3A_1649 = arith.constant 1 : i32
    %shift_left3A_1650 = vector.broadcast %shift_left3A_1649 : i32 to vector<16xi32>
    %shift_left3A_1651 = arith.shli %and3A_1648, %shift_left3A_1650 : vector<16xi32>
    %add3A_1652 = arith.addi %and3A_1645, %shift_left3A_1651 : vector<16xi32>
    %shift_right_arithmetic3A_1653 = arith.constant 14 : i32
    %shift_right_arithmetic3A_1654 = vector.broadcast %shift_right_arithmetic3A_1653 : i32 to vector<16xi32>
    %shift_right_arithmetic3A_1655 = arith.shrsi %get3A_1642, %shift_right_arithmetic3A_1654 : vector<16xi32>
    %and3A_1656 = arith.constant 1 : i32
    %and3A_1657 = vector.broadcast %and3A_1656 : i32 to vector<16xi32>
    %and3A_1658 = arith.andi %shift_right_arithmetic3A_1655, %and3A_1657 : vector<16xi32>
    %add3A_1659 = arith.addi %add3A_1652, %and3A_1658 : vector<16xi32>
    %swap3A_1660 = arith.constant 288 : index
    %swap3A_1661 = tpu.vector_load %arg6[%swap3A_1660] {strides = array<i32>} : memref<800xi32, #tpu.memory_space<vmem>>, vector<16xi32>,
    %swap3A_1662 = vector.shape_cast %swap3A_1661 : vector<16xi32> to vector<16xi32>
    %swap3A_1663 = vector.shape_cast %add3A_1659 : vector<16xi32> to vector<16xi32>
    tpu.vector_store %arg6[%swap3A_1660], %swap3A_1663 {strides = array<i32>} : memref<800xi32, #tpu.memory_space<vmem>>, vector<16xi32>,
    %get3A_1664 = arith.constant 304 : index
    %get3A_1665 = tpu.vector_load %arg6[%get3A_1664] {strides = array<i32>} : memref<800xi32, #tpu.memory_space<vmem>>, vector<16xi32>,
    %get3A_1666 = vector.shape_cast %get3A_1665 : vector<16xi32> to vector<16xi32>
    %and3A_1667 = arith.constant -32768 : i32
    %and3A_1668 = vector.broadcast %and3A_1667 : i32 to vector<16xi32>
    %and3A_1669 = arith.andi %get3A_1666, %and3A_1668 : vector<16xi32>
    %and3A_1670 = arith.constant 16383 : i32
    %and3A_1671 = vector.broadcast %and3A_1670 : i32 to vector<16xi32>
    %and3A_1672 = arith.andi %get3A_1666, %and3A_1671 : vector<16xi32>
    %shift_left3A_1673 = arith.constant 1 : i32
    %shift_left3A_1674 = vector.broadcast %shift_left3A_1673 : i32 to vector<16xi32>
    %shift_left3A_1675 = arith.shli %and3A_1672, %shift_left3A_1674 : vector<16xi32>
    %add3A_1676 = arith.addi %and3A_1669, %shift_left3A_1675 : vector<16xi32>
    %shift_right_arithmetic3A_1677 = arith.constant 14 : i32
    %shift_right_arithmetic3A_1678 = vector.broadcast %shift_right_arithmetic3A_1677 : i32 to vector<16xi32>
    %shift_right_arithmetic3A_1679 = arith.shrsi %get3A_1666, %shift_right_arithmetic3A_1678 : vector<16xi32>
    %and3A_1680 = arith.constant 1 : i32
    %and3A_1681 = vector.broadcast %and3A_1680 : i32 to vector<16xi32>
    %and3A_1682 = arith.andi %shift_right_arithmetic3A_1679, %and3A_1681 : vector<16xi32>
    %add3A_1683 = arith.addi %add3A_1676, %and3A_1682 : vector<16xi32>
    %swap3A_1684 = arith.constant 304 : index
    %swap3A_1685 = tpu.vector_load %arg6[%swap3A_1684] {strides = array<i32>} : memref<800xi32, #tpu.memory_space<vmem>>, vector<16xi32>,
    %swap3A_1686 = vector.shape_cast %swap3A_1685 : vector<16xi32> to vector<16xi32>
    %swap3A_1687 = vector.shape_cast %add3A_1683 : vector<16xi32> to vector<16xi32>
    tpu.vector_store %arg6[%swap3A_1684], %swap3A_1687 {strides = array<i32>} : memref<800xi32, #tpu.memory_space<vmem>>, vector<16xi32>,
    %get3A_1688 = arith.constant 320 : index
    %get3A_1689 = tpu.vector_load %arg6[%get3A_1688] {strides = array<i32>} : memref<800xi32, #tpu.memory_space<vmem>>, vector<16xi32>,
    %get3A_1690 = vector.shape_cast %get3A_1689 : vector<16xi32> to vector<16xi32>
    %and3A_1691 = arith.constant -32768 : i32
    %and3A_1692 = vector.broadcast %and3A_1691 : i32 to vector<16xi32>
    %and3A_1693 = arith.andi %get3A_1690, %and3A_1692 : vector<16xi32>
    %and3A_1694 = arith.constant 16383 : i32
    %and3A_1695 = vector.broadcast %and3A_1694 : i32 to vector<16xi32>
    %and3A_1696 = arith.andi %get3A_1690, %and3A_1695 : vector<16xi32>
    %shift_left3A_1697 = arith.constant 1 : i32
    %shift_left3A_1698 = vector.broadcast %shift_left3A_1697 : i32 to vector<16xi32>
    %shift_left3A_1699 = arith.shli %and3A_1696, %shift_left3A_1698 : vector<16xi32>
    %add3A_1700 = arith.addi %and3A_1693, %shift_left3A_1699 : vector<16xi32>
    %shift_right_arithmetic3A_1701 = arith.constant 14 : i32
    %shift_right_arithmetic3A_1702 = vector.broadcast %shift_right_arithmetic3A_1701 : i32 to vector<16xi32>
    %shift_right_arithmetic3A_1703 = arith.shrsi %get3A_1690, %shift_right_arithmetic3A_1702 : vector<16xi32>
    %and3A_1704 = arith.constant 1 : i32
    %and3A_1705 = vector.broadcast %and3A_1704 : i32 to vector<16xi32>
    %and3A_1706 = arith.andi %shift_right_arithmetic3A_1703, %and3A_1705 : vector<16xi32>
    %add3A_1707 = arith.addi %add3A_1700, %and3A_1706 : vector<16xi32>
    %swap3A_1708 = arith.constant 320 : index
    %swap3A_1709 = tpu.vector_load %arg6[%swap3A_1708] {strides = array<i32>} : memref<800xi32, #tpu.memory_space<vmem>>, vector<16xi32>,
    %swap3A_1710 = vector.shape_cast %swap3A_1709 : vector<16xi32> to vector<16xi32>
    %swap3A_1711 = vector.shape_cast %add3A_1707 : vector<16xi32> to vector<16xi32>
    tpu.vector_store %arg6[%swap3A_1708], %swap3A_1711 {strides = array<i32>} : memref<800xi32, #tpu.memory_space<vmem>>, vector<16xi32>,
    %get3A_1712 = arith.constant 336 : index
    %get3A_1713 = tpu.vector_load %arg6[%get3A_1712] {strides = array<i32>} : memref<800xi32, #tpu.memory_space<vmem>>, vector<16xi32>,
    %get3A_1714 = vector.shape_cast %get3A_1713 : vector<16xi32> to vector<16xi32>
    %and3A_1715 = arith.constant -32768 : i32
    %and3A_1716 = vector.broadcast %and3A_1715 : i32 to vector<16xi32>
    %and3A_1717 = arith.andi %get3A_1714, %and3A_1716 : vector<16xi32>
    %and3A_1718 = arith.constant 16383 : i32
    %and3A_1719 = vector.broadcast %and3A_1718 : i32 to vector<16xi32>
    %and3A_1720 = arith.andi %get3A_1714, %and3A_1719 : vector<16xi32>
    %shift_left3A_1721 = arith.constant 1 : i32
    %shift_left3A_1722 = vector.broadcast %shift_left3A_1721 : i32 to vector<16xi32>
    %shift_left3A_1723 = arith.shli %and3A_1720, %shift_left3A_1722 : vector<16xi32>
    %add3A_1724 = arith.addi %and3A_1717, %shift_left3A_1723 : vector<16xi32>
    %shift_right_arithmetic3A_1725 = arith.constant 14 : i32
    %shift_right_arithmetic3A_1726 = vector.broadcast %shift_right_arithmetic3A_1725 : i32 to vector<16xi32>
    %shift_right_arithmetic3A_1727 = arith.shrsi %get3A_1714, %shift_right_arithmetic3A_1726 : vector<16xi32>
    %and3A_1728 = arith.constant 1 : i32
    %and3A_1729 = vector.broadcast %and3A_1728 : i32 to vector<16xi32>
    %and3A_1730 = arith.andi %shift_right_arithmetic3A_1727, %and3A_1729 : vector<16xi32>
    %add3A_1731 = arith.addi %add3A_1724, %and3A_1730 : vector<16xi32>
    %swap3A_1732 = arith.constant 336 : index
    %swap3A_1733 = tpu.vector_load %arg6[%swap3A_1732] {strides = array<i32>} : memref<800xi32, #tpu.memory_space<vmem>>, vector<16xi32>,
    %swap3A_1734 = vector.shape_cast %swap3A_1733 : vector<16xi32> to vector<16xi32>
    %swap3A_1735 = vector.shape_cast %add3A_1731 : vector<16xi32> to vector<16xi32>
    tpu.vector_store %arg6[%swap3A_1732], %swap3A_1735 {strides = array<i32>} : memref<800xi32, #tpu.memory_space<vmem>>, vector<16xi32>,
    %get3A_1736 = arith.constant 352 : index
    %get3A_1737 = tpu.vector_load %arg6[%get3A_1736] {strides = array<i32>} : memref<800xi32, #tpu.memory_space<vmem>>, vector<16xi32>,
    %get3A_1738 = vector.shape_cast %get3A_1737 : vector<16xi32> to vector<16xi32>
    %and3A_1739 = arith.constant -32768 : i32
    %and3A_1740 = vector.broadcast %and3A_1739 : i32 to vector<16xi32>
    %and3A_1741 = arith.andi %get3A_1738, %and3A_1740 : vector<16xi32>
    %and3A_1742 = arith.constant 16383 : i32
    %and3A_1743 = vector.broadcast %and3A_1742 : i32 to vector<16xi32>
    %and3A_1744 = arith.andi %get3A_1738, %and3A_1743 : vector<16xi32>
    %shift_left3A_1745 = arith.constant 1 : i32
    %shift_left3A_1746 = vector.broadcast %shift_left3A_1745 : i32 to vector<16xi32>
    %shift_left3A_1747 = arith.shli %and3A_1744, %shift_left3A_1746 : vector<16xi32>
    %add3A_1748 = arith.addi %and3A_1741, %shift_left3A_1747 : vector<16xi32>
    %shift_right_arithmetic3A_1749 = arith.constant 14 : i32
    %shift_right_arithmetic3A_1750 = vector.broadcast %shift_right_arithmetic3A_1749 : i32 to vector<16xi32>
    %shift_right_arithmetic3A_1751 = arith.shrsi %get3A_1738, %shift_right_arithmetic3A_1750 : vector<16xi32>
    %and3A_1752 = arith.constant 1 : i32
    %and3A_1753 = vector.broadcast %and3A_1752 : i32 to vector<16xi32>
    %and3A_1754 = arith.andi %shift_right_arithmetic3A_1751, %and3A_1753 : vector<16xi32>
    %add3A_1755 = arith.addi %add3A_1748, %and3A_1754 : vector<16xi32>
    %swap3A_1756 = arith.constant 352 : index
    %swap3A_1757 = tpu.vector_load %arg6[%swap3A_1756] {strides = array<i32>} : memref<800xi32, #tpu.memory_space<vmem>>, vector<16xi32>,
    %swap3A_1758 = vector.shape_cast %swap3A_1757 : vector<16xi32> to vector<16xi32>
    %swap3A_1759 = vector.shape_cast %add3A_1755 : vector<16xi32> to vector<16xi32>
    tpu.vector_store %arg6[%swap3A_1756], %swap3A_1759 {strides = array<i32>} : memref<800xi32, #tpu.memory_space<vmem>>, vector<16xi32>,
    %get3A_1760 = arith.constant 368 : index
    %get3A_1761 = tpu.vector_load %arg6[%get3A_1760] {strides = array<i32>} : memref<800xi32, #tpu.memory_space<vmem>>, vector<16xi32>,
    %get3A_1762 = vector.shape_cast %get3A_1761 : vector<16xi32> to vector<16xi32>
    %and3A_1763 = arith.constant -32768 : i32
    %and3A_1764 = vector.broadcast %and3A_1763 : i32 to vector<16xi32>
    %and3A_1765 = arith.andi %get3A_1762, %and3A_1764 : vector<16xi32>
    %and3A_1766 = arith.constant 16383 : i32
    %and3A_1767 = vector.broadcast %and3A_1766 : i32 to vector<16xi32>
    %and3A_1768 = arith.andi %get3A_1762, %and3A_1767 : vector<16xi32>
    %shift_left3A_1769 = arith.constant 1 : i32
    %shift_left3A_1770 = vector.broadcast %shift_left3A_1769 : i32 to vector<16xi32>
    %shift_left3A_1771 = arith.shli %and3A_1768, %shift_left3A_1770 : vector<16xi32>
    %add3A_1772 = arith.addi %and3A_1765, %shift_left3A_1771 : vector<16xi32>
    %shift_right_arithmetic3A_1773 = arith.constant 14 : i32
    %shift_right_arithmetic3A_1774 = vector.broadcast %shift_right_arithmetic3A_1773 : i32 to vector<16xi32>
    %shift_right_arithmetic3A_1775 = arith.shrsi %get3A_1762, %shift_right_arithmetic3A_1774 : vector<16xi32>
    %and3A_1776 = arith.constant 1 : i32
    %and3A_1777 = vector.broadcast %and3A_1776 : i32 to vector<16xi32>
    %and3A_1778 = arith.andi %shift_right_arithmetic3A_1775, %and3A_1777 : vector<16xi32>
    %add3A_1779 = arith.addi %add3A_1772, %and3A_1778 : vector<16xi32>
    %swap3A_1780 = arith.constant 368 : index
    %swap3A_1781 = tpu.vector_load %arg6[%swap3A_1780] {strides = array<i32>} : memref<800xi32, #tpu.memory_space<vmem>>, vector<16xi32>,
    %swap3A_1782 = vector.shape_cast %swap3A_1781 : vector<16xi32> to vector<16xi32>
    %swap3A_1783 = vector.shape_cast %add3A_1779 : vector<16xi32> to vector<16xi32>
    tpu.vector_store %arg6[%swap3A_1780], %swap3A_1783 {strides = array<i32>} : memref<800xi32, #tpu.memory_space<vmem>>, vector<16xi32>,
    %get3A_1784 = arith.constant 384 : index
    %get3A_1785 = tpu.vector_load %arg6[%get3A_1784] {strides = array<i32>} : memref<800xi32, #tpu.memory_space<vmem>>, vector<16xi32>,
    %get3A_1786 = vector.shape_cast %get3A_1785 : vector<16xi32> to vector<16xi32>
    %and3A_1787 = arith.constant -32768 : i32
    %and3A_1788 = vector.broadcast %and3A_1787 : i32 to vector<16xi32>
    %and3A_1789 = arith.andi %get3A_1786, %and3A_1788 : vector<16xi32>
    %and3A_1790 = arith.constant 16383 : i32
    %and3A_1791 = vector.broadcast %and3A_1790 : i32 to vector<16xi32>
    %and3A_1792 = arith.andi %get3A_1786, %and3A_1791 : vector<16xi32>
    %shift_left3A_1793 = arith.constant 1 : i32
    %shift_left3A_1794 = vector.broadcast %shift_left3A_1793 : i32 to vector<16xi32>
    %shift_left3A_1795 = arith.shli %and3A_1792, %shift_left3A_1794 : vector<16xi32>
    %add3A_1796 = arith.addi %and3A_1789, %shift_left3A_1795 : vector<16xi32>
    %shift_right_arithmetic3A_1797 = arith.constant 14 : i32
    %shift_right_arithmetic3A_1798 = vector.broadcast %shift_right_arithmetic3A_1797 : i32 to vector<16xi32>
    %shift_right_arithmetic3A_1799 = arith.shrsi %get3A_1786, %shift_right_arithmetic3A_1798 : vector<16xi32>
    %and3A_1800 = arith.constant 1 : i32
    %and3A_1801 = vector.broadcast %and3A_1800 : i32 to vector<16xi32>
    %and3A_1802 = arith.andi %shift_right_arithmetic3A_1799, %and3A_1801 : vector<16xi32>
    %add3A_1803 = arith.addi %add3A_1796, %and3A_1802 : vector<16xi32>
    %swap3A_1804 = arith.constant 384 : index
    %swap3A_1805 = tpu.vector_load %arg6[%swap3A_1804] {strides = array<i32>} : memref<800xi32, #tpu.memory_space<vmem>>, vector<16xi32>,
    %swap3A_1806 = vector.shape_cast %swap3A_1805 : vector<16xi32> to vector<16xi32>
    %swap3A_1807 = vector.shape_cast %add3A_1803 : vector<16xi32> to vector<16xi32>
    tpu.vector_store %arg6[%swap3A_1804], %swap3A_1807 {strides = array<i32>} : memref<800xi32, #tpu.memory_space<vmem>>, vector<16xi32>,
    %get3A_1808 = arith.constant 400 : index
    %get3A_1809 = tpu.vector_load %arg6[%get3A_1808] {strides = array<i32>} : memref<800xi32, #tpu.memory_space<vmem>>, vector<16xi32>,
    %get3A_1810 = vector.shape_cast %get3A_1809 : vector<16xi32> to vector<16xi32>
    %and3A_1811 = arith.constant -32768 : i32
    %and3A_1812 = vector.broadcast %and3A_1811 : i32 to vector<16xi32>
    %and3A_1813 = arith.andi %get3A_1810, %and3A_1812 : vector<16xi32>
    %and3A_1814 = arith.constant 16383 : i32
    %and3A_1815 = vector.broadcast %and3A_1814 : i32 to vector<16xi32>
    %and3A_1816 = arith.andi %get3A_1810, %and3A_1815 : vector<16xi32>
    %shift_left3A_1817 = arith.constant 1 : i32
    %shift_left3A_1818 = vector.broadcast %shift_left3A_1817 : i32 to vector<16xi32>
    %shift_left3A_1819 = arith.shli %and3A_1816, %shift_left3A_1818 : vector<16xi32>
    %add3A_1820 = arith.addi %and3A_1813, %shift_left3A_1819 : vector<16xi32>
    %shift_right_arithmetic3A_1821 = arith.constant 14 : i32
    %shift_right_arithmetic3A_1822 = vector.broadcast %shift_right_arithmetic3A_1821 : i32 to vector<16xi32>
    %shift_right_arithmetic3A_1823 = arith.shrsi %get3A_1810, %shift_right_arithmetic3A_1822 : vector<16xi32>
    %and3A_1824 = arith.constant 1 : i32
    %and3A_1825 = vector.broadcast %and3A_1824 : i32 to vector<16xi32>
    %and3A_1826 = arith.andi %shift_right_arithmetic3A_1823, %and3A_1825 : vector<16xi32>
    %add3A_1827 = arith.addi %add3A_1820, %and3A_1826 : vector<16xi32>
    %swap3A_1828 = arith.constant 400 : index
    %swap3A_1829 = tpu.vector_load %arg6[%swap3A_1828] {strides = array<i32>} : memref<800xi32, #tpu.memory_space<vmem>>, vector<16xi32>,
    %swap3A_1830 = vector.shape_cast %swap3A_1829 : vector<16xi32> to vector<16xi32>
    %swap3A_1831 = vector.shape_cast %add3A_1827 : vector<16xi32> to vector<16xi32>
    tpu.vector_store %arg6[%swap3A_1828], %swap3A_1831 {strides = array<i32>} : memref<800xi32, #tpu.memory_space<vmem>>, vector<16xi32>,
    %get3A_1832 = arith.constant 416 : index
    %get3A_1833 = tpu.vector_load %arg6[%get3A_1832] {strides = array<i32>} : memref<800xi32, #tpu.memory_space<vmem>>, vector<16xi32>,
    %get3A_1834 = vector.shape_cast %get3A_1833 : vector<16xi32> to vector<16xi32>
    %and3A_1835 = arith.constant -32768 : i32
    %and3A_1836 = vector.broadcast %and3A_1835 : i32 to vector<16xi32>
    %and3A_1837 = arith.andi %get3A_1834, %and3A_1836 : vector<16xi32>
    %and3A_1838 = arith.constant 16383 : i32
    %and3A_1839 = vector.broadcast %and3A_1838 : i32 to vector<16xi32>
    %and3A_1840 = arith.andi %get3A_1834, %and3A_1839 : vector<16xi32>
    %shift_left3A_1841 = arith.constant 1 : i32
    %shift_left3A_1842 = vector.broadcast %shift_left3A_1841 : i32 to vector<16xi32>
    %shift_left3A_1843 = arith.shli %and3A_1840, %shift_left3A_1842 : vector<16xi32>
    %add3A_1844 = arith.addi %and3A_1837, %shift_left3A_1843 : vector<16xi32>
    %shift_right_arithmetic3A_1845 = arith.constant 14 : i32
    %shift_right_arithmetic3A_1846 = vector.broadcast %shift_right_arithmetic3A_1845 : i32 to vector<16xi32>
    %shift_right_arithmetic3A_1847 = arith.shrsi %get3A_1834, %shift_right_arithmetic3A_1846 : vector<16xi32>
    %and3A_1848 = arith.constant 1 : i32
    %and3A_1849 = vector.broadcast %and3A_1848 : i32 to vector<16xi32>
    %and3A_1850 = arith.andi %shift_right_arithmetic3A_1847, %and3A_1849 : vector<16xi32>
    %add3A_1851 = arith.addi %add3A_1844, %and3A_1850 : vector<16xi32>
    %swap3A_1852 = arith.constant 416 : index
    %swap3A_1853 = tpu.vector_load %arg6[%swap3A_1852] {strides = array<i32>} : memref<800xi32, #tpu.memory_space<vmem>>, vector<16xi32>,
    %swap3A_1854 = vector.shape_cast %swap3A_1853 : vector<16xi32> to vector<16xi32>
    %swap3A_1855 = vector.shape_cast %add3A_1851 : vector<16xi32> to vector<16xi32>
    tpu.vector_store %arg6[%swap3A_1852], %swap3A_1855 {strides = array<i32>} : memref<800xi32, #tpu.memory_space<vmem>>, vector<16xi32>,
    %get3A_1856 = arith.constant 432 : index
    %get3A_1857 = tpu.vector_load %arg6[%get3A_1856] {strides = array<i32>} : memref<800xi32, #tpu.memory_space<vmem>>, vector<16xi32>,
    %get3A_1858 = vector.shape_cast %get3A_1857 : vector<16xi32> to vector<16xi32>
    %and3A_1859 = arith.constant -32768 : i32
    %and3A_1860 = vector.broadcast %and3A_1859 : i32 to vector<16xi32>
    %and3A_1861 = arith.andi %get3A_1858, %and3A_1860 : vector<16xi32>
    %and3A_1862 = arith.constant 16383 : i32
    %and3A_1863 = vector.broadcast %and3A_1862 : i32 to vector<16xi32>
    %and3A_1864 = arith.andi %get3A_1858, %and3A_1863 : vector<16xi32>
    %shift_left3A_1865 = arith.constant 1 : i32
    %shift_left3A_1866 = vector.broadcast %shift_left3A_1865 : i32 to vector<16xi32>
    %shift_left3A_1867 = arith.shli %and3A_1864, %shift_left3A_1866 : vector<16xi32>
    %add3A_1868 = arith.addi %and3A_1861, %shift_left3A_1867 : vector<16xi32>
    %shift_right_arithmetic3A_1869 = arith.constant 14 : i32
    %shift_right_arithmetic3A_1870 = vector.broadcast %shift_right_arithmetic3A_1869 : i32 to vector<16xi32>
    %shift_right_arithmetic3A_1871 = arith.shrsi %get3A_1858, %shift_right_arithmetic3A_1870 : vector<16xi32>
    %and3A_1872 = arith.constant 1 : i32
    %and3A_1873 = vector.broadcast %and3A_1872 : i32 to vector<16xi32>
    %and3A_1874 = arith.andi %shift_right_arithmetic3A_1871, %and3A_1873 : vector<16xi32>
    %add3A_1875 = arith.addi %add3A_1868, %and3A_1874 : vector<16xi32>
    %swap3A_1876 = arith.constant 432 : index
    %swap3A_1877 = tpu.vector_load %arg6[%swap3A_1876] {strides = array<i32>} : memref<800xi32, #tpu.memory_space<vmem>>, vector<16xi32>,
    %swap3A_1878 = vector.shape_cast %swap3A_1877 : vector<16xi32> to vector<16xi32>
    %swap3A_1879 = vector.shape_cast %add3A_1875 : vector<16xi32> to vector<16xi32>
    tpu.vector_store %arg6[%swap3A_1876], %swap3A_1879 {strides = array<i32>} : memref<800xi32, #tpu.memory_space<vmem>>, vector<16xi32>,
    %get3A_1880 = arith.constant 448 : index
    %get3A_1881 = tpu.vector_load %arg6[%get3A_1880] {strides = array<i32>} : memref<800xi32, #tpu.memory_space<vmem>>, vector<16xi32>,
    %get3A_1882 = vector.shape_cast %get3A_1881 : vector<16xi32> to vector<16xi32>
    %and3A_1883 = arith.constant -32768 : i32
    %and3A_1884 = vector.broadcast %and3A_1883 : i32 to vector<16xi32>
    %and3A_1885 = arith.andi %get3A_1882, %and3A_1884 : vector<16xi32>
    %and3A_1886 = arith.constant 16383 : i32
    %and3A_1887 = vector.broadcast %and3A_1886 : i32 to vector<16xi32>
    %and3A_1888 = arith.andi %get3A_1882, %and3A_1887 : vector<16xi32>
    %shift_left3A_1889 = arith.constant 1 : i32
    %shift_left3A_1890 = vector.broadcast %shift_left3A_1889 : i32 to vector<16xi32>
    %shift_left3A_1891 = arith.shli %and3A_1888, %shift_left3A_1890 : vector<16xi32>
    %add3A_1892 = arith.addi %and3A_1885, %shift_left3A_1891 : vector<16xi32>
    %shift_right_arithmetic3A_1893 = arith.constant 14 : i32
    %shift_right_arithmetic3A_1894 = vector.broadcast %shift_right_arithmetic3A_1893 : i32 to vector<16xi32>
    %shift_right_arithmetic3A_1895 = arith.shrsi %get3A_1882, %shift_right_arithmetic3A_1894 : vector<16xi32>
    %and3A_1896 = arith.constant 1 : i32
    %and3A_1897 = vector.broadcast %and3A_1896 : i32 to vector<16xi32>
    %and3A_1898 = arith.andi %shift_right_arithmetic3A_1895, %and3A_1897 : vector<16xi32>
    %add3A_1899 = arith.addi %add3A_1892, %and3A_1898 : vector<16xi32>
    %swap3A_1900 = arith.constant 448 : index
    %swap3A_1901 = tpu.vector_load %arg6[%swap3A_1900] {strides = array<i32>} : memref<800xi32, #tpu.memory_space<vmem>>, vector<16xi32>,
    %swap3A_1902 = vector.shape_cast %swap3A_1901 : vector<16xi32> to vector<16xi32>
    %swap3A_1903 = vector.shape_cast %add3A_1899 : vector<16xi32> to vector<16xi32>
    tpu.vector_store %arg6[%swap3A_1900], %swap3A_1903 {strides = array<i32>} : memref<800xi32, #tpu.memory_space<vmem>>, vector<16xi32>,
    %get3A_1904 = arith.constant 464 : index
    %get3A_1905 = tpu.vector_load %arg6[%get3A_1904] {strides = array<i32>} : memref<800xi32, #tpu.memory_space<vmem>>, vector<16xi32>,
    %get3A_1906 = vector.shape_cast %get3A_1905 : vector<16xi32> to vector<16xi32>
    %and3A_1907 = arith.constant -32768 : i32
    %and3A_1908 = vector.broadcast %and3A_1907 : i32 to vector<16xi32>
    %and3A_1909 = arith.andi %get3A_1906, %and3A_1908 : vector<16xi32>
    %and3A_1910 = arith.constant 16383 : i32
    %and3A_1911 = vector.broadcast %and3A_1910 : i32 to vector<16xi32>
    %and3A_1912 = arith.andi %get3A_1906, %and3A_1911 : vector<16xi32>
    %shift_left3A_1913 = arith.constant 1 : i32
    %shift_left3A_1914 = vector.broadcast %shift_left3A_1913 : i32 to vector<16xi32>
    %shift_left3A_1915 = arith.shli %and3A_1912, %shift_left3A_1914 : vector<16xi32>
    %add3A_1916 = arith.addi %and3A_1909, %shift_left3A_1915 : vector<16xi32>
    %shift_right_arithmetic3A_1917 = arith.constant 14 : i32
    %shift_right_arithmetic3A_1918 = vector.broadcast %shift_right_arithmetic3A_1917 : i32 to vector<16xi32>
    %shift_right_arithmetic3A_1919 = arith.shrsi %get3A_1906, %shift_right_arithmetic3A_1918 : vector<16xi32>
    %and3A_1920 = arith.constant 1 : i32
    %and3A_1921 = vector.broadcast %and3A_1920 : i32 to vector<16xi32>
    %and3A_1922 = arith.andi %shift_right_arithmetic3A_1919, %and3A_1921 : vector<16xi32>
    %add3A_1923 = arith.addi %add3A_1916, %and3A_1922 : vector<16xi32>
    %swap3A_1924 = arith.constant 464 : index
    %swap3A_1925 = tpu.vector_load %arg6[%swap3A_1924] {strides = array<i32>} : memref<800xi32, #tpu.memory_space<vmem>>, vector<16xi32>,
    %swap3A_1926 = vector.shape_cast %swap3A_1925 : vector<16xi32> to vector<16xi32>
    %swap3A_1927 = vector.shape_cast %add3A_1923 : vector<16xi32> to vector<16xi32>
    tpu.vector_store %arg6[%swap3A_1924], %swap3A_1927 {strides = array<i32>} : memref<800xi32, #tpu.memory_space<vmem>>, vector<16xi32>,
    %get3A_1928 = arith.constant 480 : index
    %get3A_1929 = tpu.vector_load %arg6[%get3A_1928] {strides = array<i32>} : memref<800xi32, #tpu.memory_space<vmem>>, vector<16xi32>,
    %get3A_1930 = vector.shape_cast %get3A_1929 : vector<16xi32> to vector<16xi32>
    %and3A_1931 = arith.constant -32768 : i32
    %and3A_1932 = vector.broadcast %and3A_1931 : i32 to vector<16xi32>
    %and3A_1933 = arith.andi %get3A_1930, %and3A_1932 : vector<16xi32>
    %and3A_1934 = arith.constant 16383 : i32
    %and3A_1935 = vector.broadcast %and3A_1934 : i32 to vector<16xi32>
    %and3A_1936 = arith.andi %get3A_1930, %and3A_1935 : vector<16xi32>
    %shift_left3A_1937 = arith.constant 1 : i32
    %shift_left3A_1938 = vector.broadcast %shift_left3A_1937 : i32 to vector<16xi32>
    %shift_left3A_1939 = arith.shli %and3A_1936, %shift_left3A_1938 : vector<16xi32>
    %add3A_1940 = arith.addi %and3A_1933, %shift_left3A_1939 : vector<16xi32>
    %shift_right_arithmetic3A_1941 = arith.constant 14 : i32
    %shift_right_arithmetic3A_1942 = vector.broadcast %shift_right_arithmetic3A_1941 : i32 to vector<16xi32>
    %shift_right_arithmetic3A_1943 = arith.shrsi %get3A_1930, %shift_right_arithmetic3A_1942 : vector<16xi32>
    %and3A_1944 = arith.constant 1 : i32
    %and3A_1945 = vector.broadcast %and3A_1944 : i32 to vector<16xi32>
    %and3A_1946 = arith.andi %shift_right_arithmetic3A_1943, %and3A_1945 : vector<16xi32>
    %add3A_1947 = arith.addi %add3A_1940, %and3A_1946 : vector<16xi32>
    %swap3A_1948 = arith.constant 480 : index
    %swap3A_1949 = tpu.vector_load %arg6[%swap3A_1948] {strides = array<i32>} : memref<800xi32, #tpu.memory_space<vmem>>, vector<16xi32>,
    %swap3A_1950 = vector.shape_cast %swap3A_1949 : vector<16xi32> to vector<16xi32>
    %swap3A_1951 = vector.shape_cast %add3A_1947 : vector<16xi32> to vector<16xi32>
    tpu.vector_store %arg6[%swap3A_1948], %swap3A_1951 {strides = array<i32>} : memref<800xi32, #tpu.memory_space<vmem>>, vector<16xi32>,
    %get3A_1952 = arith.constant 496 : index
    %get3A_1953 = tpu.vector_load %arg6[%get3A_1952] {strides = array<i32>} : memref<800xi32, #tpu.memory_space<vmem>>, vector<16xi32>,
    %get3A_1954 = vector.shape_cast %get3A_1953 : vector<16xi32> to vector<16xi32>
    %and3A_1955 = arith.constant -32768 : i32
    %and3A_1956 = vector.broadcast %and3A_1955 : i32 to vector<16xi32>
    %and3A_1957 = arith.andi %get3A_1954, %and3A_1956 : vector<16xi32>
    %and3A_1958 = arith.constant 16383 : i32
    %and3A_1959 = vector.broadcast %and3A_1958 : i32 to vector<16xi32>
    %and3A_1960 = arith.andi %get3A_1954, %and3A_1959 : vector<16xi32>
    %shift_left3A_1961 = arith.constant 1 : i32
    %shift_left3A_1962 = vector.broadcast %shift_left3A_1961 : i32 to vector<16xi32>
    %shift_left3A_1963 = arith.shli %and3A_1960, %shift_left3A_1962 : vector<16xi32>
    %add3A_1964 = arith.addi %and3A_1957, %shift_left3A_1963 : vector<16xi32>
    %shift_right_arithmetic3A_1965 = arith.constant 14 : i32
    %shift_right_arithmetic3A_1966 = vector.broadcast %shift_right_arithmetic3A_1965 : i32 to vector<16xi32>
    %shift_right_arithmetic3A_1967 = arith.shrsi %get3A_1954, %shift_right_arithmetic3A_1966 : vector<16xi32>
    %and3A_1968 = arith.constant 1 : i32
    %and3A_1969 = vector.broadcast %and3A_1968 : i32 to vector<16xi32>
    %and3A_1970 = arith.andi %shift_right_arithmetic3A_1967, %and3A_1969 : vector<16xi32>
    %add3A_1971 = arith.addi %add3A_1964, %and3A_1970 : vector<16xi32>
    %swap3A_1972 = arith.constant 496 : index
    %swap3A_1973 = tpu.vector_load %arg6[%swap3A_1972] {strides = array<i32>} : memref<800xi32, #tpu.memory_space<vmem>>, vector<16xi32>,
    %swap3A_1974 = vector.shape_cast %swap3A_1973 : vector<16xi32> to vector<16xi32>
    %swap3A_1975 = vector.shape_cast %add3A_1971 : vector<16xi32> to vector<16xi32>
    tpu.vector_store %arg6[%swap3A_1972], %swap3A_1975 {strides = array<i32>} : memref<800xi32, #tpu.memory_space<vmem>>, vector<16xi32>,
    %get3A_1976 = arith.constant 512 : index
    %get3A_1977 = tpu.vector_load %arg6[%get3A_1976] {strides = array<i32>} : memref<800xi32, #tpu.memory_space<vmem>>, vector<16xi32>,
    %get3A_1978 = vector.shape_cast %get3A_1977 : vector<16xi32> to vector<16xi32>
    %and3A_1979 = arith.constant -32768 : i32
    %and3A_1980 = vector.broadcast %and3A_1979 : i32 to vector<16xi32>
    %and3A_1981 = arith.andi %get3A_1978, %and3A_1980 : vector<16xi32>
    %and3A_1982 = arith.constant 16383 : i32
    %and3A_1983 = vector.broadcast %and3A_1982 : i32 to vector<16xi32>
    %and3A_1984 = arith.andi %get3A_1978, %and3A_1983 : vector<16xi32>
    %shift_left3A_1985 = arith.constant 1 : i32
    %shift_left3A_1986 = vector.broadcast %shift_left3A_1985 : i32 to vector<16xi32>
    %shift_left3A_1987 = arith.shli %and3A_1984, %shift_left3A_1986 : vector<16xi32>
    %add3A_1988 = arith.addi %and3A_1981, %shift_left3A_1987 : vector<16xi32>
    %shift_right_arithmetic3A_1989 = arith.constant 14 : i32
    %shift_right_arithmetic3A_1990 = vector.broadcast %shift_right_arithmetic3A_1989 : i32 to vector<16xi32>
    %shift_right_arithmetic3A_1991 = arith.shrsi %get3A_1978, %shift_right_arithmetic3A_1990 : vector<16xi32>
    %and3A_1992 = arith.constant 1 : i32
    %and3A_1993 = vector.broadcast %and3A_1992 : i32 to vector<16xi32>
    %and3A_1994 = arith.andi %shift_right_arithmetic3A_1991, %and3A_1993 : vector<16xi32>
    %add3A_1995 = arith.addi %add3A_1988, %and3A_1994 : vector<16xi32>
    %swap3A_1996 = arith.constant 512 : index
    %swap3A_1997 = tpu.vector_load %arg6[%swap3A_1996] {strides = array<i32>} : memref<800xi32, #tpu.memory_space<vmem>>, vector<16xi32>,
    %swap3A_1998 = vector.shape_cast %swap3A_1997 : vector<16xi32> to vector<16xi32>
    %swap3A_1999 = vector.shape_cast %add3A_1995 : vector<16xi32> to vector<16xi32>
    tpu.vector_store %arg6[%swap3A_1996], %swap3A_1999 {strides = array<i32>} : memref<800xi32, #tpu.memory_space<vmem>>, vector<16xi32>,
    %get3A_2000 = arith.constant 528 : index
    %get3A_2001 = tpu.vector_load %arg6[%get3A_2000] {strides = array<i32>} : memref<800xi32, #tpu.memory_space<vmem>>, vector<16xi32>,
    %get3A_2002 = vector.shape_cast %get3A_2001 : vector<16xi32> to vector<16xi32>
    %and3A_2003 = arith.constant -32768 : i32
    %and3A_2004 = vector.broadcast %and3A_2003 : i32 to vector<16xi32>
    %and3A_2005 = arith.andi %get3A_2002, %and3A_2004 : vector<16xi32>
    %and3A_2006 = arith.constant 16383 : i32
    %and3A_2007 = vector.broadcast %and3A_2006 : i32 to vector<16xi32>
    %and3A_2008 = arith.andi %get3A_2002, %and3A_2007 : vector<16xi32>
    %shift_left3A_2009 = arith.constant 1 : i32
    %shift_left3A_2010 = vector.broadcast %shift_left3A_2009 : i32 to vector<16xi32>
    %shift_left3A_2011 = arith.shli %and3A_2008, %shift_left3A_2010 : vector<16xi32>
    %add3A_2012 = arith.addi %and3A_2005, %shift_left3A_2011 : vector<16xi32>
    %shift_right_arithmetic3A_2013 = arith.constant 14 : i32
    %shift_right_arithmetic3A_2014 = vector.broadcast %shift_right_arithmetic3A_2013 : i32 to vector<16xi32>
    %shift_right_arithmetic3A_2015 = arith.shrsi %get3A_2002, %shift_right_arithmetic3A_2014 : vector<16xi32>
    %and3A_2016 = arith.constant 1 : i32
    %and3A_2017 = vector.broadcast %and3A_2016 : i32 to vector<16xi32>
    %and3A_2018 = arith.andi %shift_right_arithmetic3A_2015, %and3A_2017 : vector<16xi32>
    %add3A_2019 = arith.addi %add3A_2012, %and3A_2018 : vector<16xi32>
    %swap3A_2020 = arith.constant 528 : index
    %swap3A_2021 = tpu.vector_load %arg6[%swap3A_2020] {strides = array<i32>} : memref<800xi32, #tpu.memory_space<vmem>>, vector<16xi32>,
    %swap3A_2022 = vector.shape_cast %swap3A_2021 : vector<16xi32> to vector<16xi32>
    %swap3A_2023 = vector.shape_cast %add3A_2019 : vector<16xi32> to vector<16xi32>
    tpu.vector_store %arg6[%swap3A_2020], %swap3A_2023 {strides = array<i32>} : memref<800xi32, #tpu.memory_space<vmem>>, vector<16xi32>,
    %get3A_2024 = arith.constant 544 : index
    %get3A_2025 = tpu.vector_load %arg6[%get3A_2024] {strides = array<i32>} : memref<800xi32, #tpu.memory_space<vmem>>, vector<16xi32>,
    %get3A_2026 = vector.shape_cast %get3A_2025 : vector<16xi32> to vector<16xi32>
    %and3A_2027 = arith.constant -32768 : i32
    %and3A_2028 = vector.broadcast %and3A_2027 : i32 to vector<16xi32>
    %and3A_2029 = arith.andi %get3A_2026, %and3A_2028 : vector<16xi32>
    %and3A_2030 = arith.constant 16383 : i32
    %and3A_2031 = vector.broadcast %and3A_2030 : i32 to vector<16xi32>
    %and3A_2032 = arith.andi %get3A_2026, %and3A_2031 : vector<16xi32>
    %shift_left3A_2033 = arith.constant 1 : i32
    %shift_left3A_2034 = vector.broadcast %shift_left3A_2033 : i32 to vector<16xi32>
    %shift_left3A_2035 = arith.shli %and3A_2032, %shift_left3A_2034 : vector<16xi32>
    %add3A_2036 = arith.addi %and3A_2029, %shift_left3A_2035 : vector<16xi32>
    %shift_right_arithmetic3A_2037 = arith.constant 14 : i32
    %shift_right_arithmetic3A_2038 = vector.broadcast %shift_right_arithmetic3A_2037 : i32 to vector<16xi32>
    %shift_right_arithmetic3A_2039 = arith.shrsi %get3A_2026, %shift_right_arithmetic3A_2038 : vector<16xi32>
    %and3A_2040 = arith.constant 1 : i32
    %and3A_2041 = vector.broadcast %and3A_2040 : i32 to vector<16xi32>
    %and3A_2042 = arith.andi %shift_right_arithmetic3A_2039, %and3A_2041 : vector<16xi32>
    %add3A_2043 = arith.addi %add3A_2036, %and3A_2042 : vector<16xi32>
    %swap3A_2044 = arith.constant 544 : index
    %swap3A_2045 = tpu.vector_load %arg6[%swap3A_2044] {strides = array<i32>} : memref<800xi32, #tpu.memory_space<vmem>>, vector<16xi32>,
    %swap3A_2046 = vector.shape_cast %swap3A_2045 : vector<16xi32> to vector<16xi32>
    %swap3A_2047 = vector.shape_cast %add3A_2043 : vector<16xi32> to vector<16xi32>
    tpu.vector_store %arg6[%swap3A_2044], %swap3A_2047 {strides = array<i32>} : memref<800xi32, #tpu.memory_space<vmem>>, vector<16xi32>,
    %get3A_2048 = arith.constant 560 : index
    %get3A_2049 = tpu.vector_load %arg6[%get3A_2048] {strides = array<i32>} : memref<800xi32, #tpu.memory_space<vmem>>, vector<16xi32>,
    %get3A_2050 = vector.shape_cast %get3A_2049 : vector<16xi32> to vector<16xi32>
    %and3A_2051 = arith.constant -32768 : i32
    %and3A_2052 = vector.broadcast %and3A_2051 : i32 to vector<16xi32>
    %and3A_2053 = arith.andi %get3A_2050, %and3A_2052 : vector<16xi32>
    %and3A_2054 = arith.constant 16383 : i32
    %and3A_2055 = vector.broadcast %and3A_2054 : i32 to vector<16xi32>
    %and3A_2056 = arith.andi %get3A_2050, %and3A_2055 : vector<16xi32>
    %shift_left3A_2057 = arith.constant 1 : i32
    %shift_left3A_2058 = vector.broadcast %shift_left3A_2057 : i32 to vector<16xi32>
    %shift_left3A_2059 = arith.shli %and3A_2056, %shift_left3A_2058 : vector<16xi32>
    %add3A_2060 = arith.addi %and3A_2053, %shift_left3A_2059 : vector<16xi32>
    %shift_right_arithmetic3A_2061 = arith.constant 14 : i32
    %shift_right_arithmetic3A_2062 = vector.broadcast %shift_right_arithmetic3A_2061 : i32 to vector<16xi32>
    %shift_right_arithmetic3A_2063 = arith.shrsi %get3A_2050, %shift_right_arithmetic3A_2062 : vector<16xi32>
    %and3A_2064 = arith.constant 1 : i32
    %and3A_2065 = vector.broadcast %and3A_2064 : i32 to vector<16xi32>
    %and3A_2066 = arith.andi %shift_right_arithmetic3A_2063, %and3A_2065 : vector<16xi32>
    %add3A_2067 = arith.addi %add3A_2060, %and3A_2066 : vector<16xi32>
    %swap3A_2068 = arith.constant 560 : index
    %swap3A_2069 = tpu.vector_load %arg6[%swap3A_2068] {strides = array<i32>} : memref<800xi32, #tpu.memory_space<vmem>>, vector<16xi32>,
    %swap3A_2070 = vector.shape_cast %swap3A_2069 : vector<16xi32> to vector<16xi32>
    %swap3A_2071 = vector.shape_cast %add3A_2067 : vector<16xi32> to vector<16xi32>
    tpu.vector_store %arg6[%swap3A_2068], %swap3A_2071 {strides = array<i32>} : memref<800xi32, #tpu.memory_space<vmem>>, vector<16xi32>,
    %get3A_2072 = arith.constant 576 : index
    %get3A_2073 = tpu.vector_load %arg6[%get3A_2072] {strides = array<i32>} : memref<800xi32, #tpu.memory_space<vmem>>, vector<16xi32>,
    %get3A_2074 = vector.shape_cast %get3A_2073 : vector<16xi32> to vector<16xi32>
    %and3A_2075 = arith.constant -32768 : i32
    %and3A_2076 = vector.broadcast %and3A_2075 : i32 to vector<16xi32>
    %and3A_2077 = arith.andi %get3A_2074, %and3A_2076 : vector<16xi32>
    %and3A_2078 = arith.constant 16383 : i32
    %and3A_2079 = vector.broadcast %and3A_2078 : i32 to vector<16xi32>
    %and3A_2080 = arith.andi %get3A_2074, %and3A_2079 : vector<16xi32>
    %shift_left3A_2081 = arith.constant 1 : i32
    %shift_left3A_2082 = vector.broadcast %shift_left3A_2081 : i32 to vector<16xi32>
    %shift_left3A_2083 = arith.shli %and3A_2080, %shift_left3A_2082 : vector<16xi32>
    %add3A_2084 = arith.addi %and3A_2077, %shift_left3A_2083 : vector<16xi32>
    %shift_right_arithmetic3A_2085 = arith.constant 14 : i32
    %shift_right_arithmetic3A_2086 = vector.broadcast %shift_right_arithmetic3A_2085 : i32 to vector<16xi32>
    %shift_right_arithmetic3A_2087 = arith.shrsi %get3A_2074, %shift_right_arithmetic3A_2086 : vector<16xi32>
    %and3A_2088 = arith.constant 1 : i32
    %and3A_2089 = vector.broadcast %and3A_2088 : i32 to vector<16xi32>
    %and3A_2090 = arith.andi %shift_right_arithmetic3A_2087, %and3A_2089 : vector<16xi32>
    %add3A_2091 = arith.addi %add3A_2084, %and3A_2090 : vector<16xi32>
    %swap3A_2092 = arith.constant 576 : index
    %swap3A_2093 = tpu.vector_load %arg6[%swap3A_2092] {strides = array<i32>} : memref<800xi32, #tpu.memory_space<vmem>>, vector<16xi32>,
    %swap3A_2094 = vector.shape_cast %swap3A_2093 : vector<16xi32> to vector<16xi32>
    %swap3A_2095 = vector.shape_cast %add3A_2091 : vector<16xi32> to vector<16xi32>
    tpu.vector_store %arg6[%swap3A_2092], %swap3A_2095 {strides = array<i32>} : memref<800xi32, #tpu.memory_space<vmem>>, vector<16xi32>,
    %get3A_2096 = arith.constant 592 : index
    %get3A_2097 = tpu.vector_load %arg6[%get3A_2096] {strides = array<i32>} : memref<800xi32, #tpu.memory_space<vmem>>, vector<16xi32>,
    %get3A_2098 = vector.shape_cast %get3A_2097 : vector<16xi32> to vector<16xi32>
    %and3A_2099 = arith.constant -32768 : i32
    %and3A_2100 = vector.broadcast %and3A_2099 : i32 to vector<16xi32>
    %and3A_2101 = arith.andi %get3A_2098, %and3A_2100 : vector<16xi32>
    %and3A_2102 = arith.constant 16383 : i32
    %and3A_2103 = vector.broadcast %and3A_2102 : i32 to vector<16xi32>
    %and3A_2104 = arith.andi %get3A_2098, %and3A_2103 : vector<16xi32>
    %shift_left3A_2105 = arith.constant 1 : i32
    %shift_left3A_2106 = vector.broadcast %shift_left3A_2105 : i32 to vector<16xi32>
    %shift_left3A_2107 = arith.shli %and3A_2104, %shift_left3A_2106 : vector<16xi32>
    %add3A_2108 = arith.addi %and3A_2101, %shift_left3A_2107 : vector<16xi32>
    %shift_right_arithmetic3A_2109 = arith.constant 14 : i32
    %shift_right_arithmetic3A_2110 = vector.broadcast %shift_right_arithmetic3A_2109 : i32 to vector<16xi32>
    %shift_right_arithmetic3A_2111 = arith.shrsi %get3A_2098, %shift_right_arithmetic3A_2110 : vector<16xi32>
    %and3A_2112 = arith.constant 1 : i32
    %and3A_2113 = vector.broadcast %and3A_2112 : i32 to vector<16xi32>
    %and3A_2114 = arith.andi %shift_right_arithmetic3A_2111, %and3A_2113 : vector<16xi32>
    %add3A_2115 = arith.addi %add3A_2108, %and3A_2114 : vector<16xi32>
    %swap3A_2116 = arith.constant 592 : index
    %swap3A_2117 = tpu.vector_load %arg6[%swap3A_2116] {strides = array<i32>} : memref<800xi32, #tpu.memory_space<vmem>>, vector<16xi32>,
    %swap3A_2118 = vector.shape_cast %swap3A_2117 : vector<16xi32> to vector<16xi32>
    %swap3A_2119 = vector.shape_cast %add3A_2115 : vector<16xi32> to vector<16xi32>
    tpu.vector_store %arg6[%swap3A_2116], %swap3A_2119 {strides = array<i32>} : memref<800xi32, #tpu.memory_space<vmem>>, vector<16xi32>,
    %get3A_2120 = arith.constant 608 : index
    %get3A_2121 = tpu.vector_load %arg6[%get3A_2120] {strides = array<i32>} : memref<800xi32, #tpu.memory_space<vmem>>, vector<16xi32>,
    %get3A_2122 = vector.shape_cast %get3A_2121 : vector<16xi32> to vector<16xi32>
    %and3A_2123 = arith.constant -32768 : i32
    %and3A_2124 = vector.broadcast %and3A_2123 : i32 to vector<16xi32>
    %and3A_2125 = arith.andi %get3A_2122, %and3A_2124 : vector<16xi32>
    %and3A_2126 = arith.constant 16383 : i32
    %and3A_2127 = vector.broadcast %and3A_2126 : i32 to vector<16xi32>
    %and3A_2128 = arith.andi %get3A_2122, %and3A_2127 : vector<16xi32>
    %shift_left3A_2129 = arith.constant 1 : i32
    %shift_left3A_2130 = vector.broadcast %shift_left3A_2129 : i32 to vector<16xi32>
    %shift_left3A_2131 = arith.shli %and3A_2128, %shift_left3A_2130 : vector<16xi32>
    %add3A_2132 = arith.addi %and3A_2125, %shift_left3A_2131 : vector<16xi32>
    %shift_right_arithmetic3A_2133 = arith.constant 14 : i32
    %shift_right_arithmetic3A_2134 = vector.broadcast %shift_right_arithmetic3A_2133 : i32 to vector<16xi32>
    %shift_right_arithmetic3A_2135 = arith.shrsi %get3A_2122, %shift_right_arithmetic3A_2134 : vector<16xi32>
    %and3A_2136 = arith.constant 1 : i32
    %and3A_2137 = vector.broadcast %and3A_2136 : i32 to vector<16xi32>
    %and3A_2138 = arith.andi %shift_right_arithmetic3A_2135, %and3A_2137 : vector<16xi32>
    %add3A_2139 = arith.addi %add3A_2132, %and3A_2138 : vector<16xi32>
    %swap3A_2140 = arith.constant 608 : index
    %swap3A_2141 = tpu.vector_load %arg6[%swap3A_2140] {strides = array<i32>} : memref<800xi32, #tpu.memory_space<vmem>>, vector<16xi32>,
    %swap3A_2142 = vector.shape_cast %swap3A_2141 : vector<16xi32> to vector<16xi32>
    %swap3A_2143 = vector.shape_cast %add3A_2139 : vector<16xi32> to vector<16xi32>
    tpu.vector_store %arg6[%swap3A_2140], %swap3A_2143 {strides = array<i32>} : memref<800xi32, #tpu.memory_space<vmem>>, vector<16xi32>,
    %get3A_2144 = arith.constant 624 : index
    %get3A_2145 = tpu.vector_load %arg6[%get3A_2144] {strides = array<i32>} : memref<800xi32, #tpu.memory_space<vmem>>, vector<16xi32>,
    %get3A_2146 = vector.shape_cast %get3A_2145 : vector<16xi32> to vector<16xi32>
    %and3A_2147 = arith.constant -32768 : i32
    %and3A_2148 = vector.broadcast %and3A_2147 : i32 to vector<16xi32>
    %and3A_2149 = arith.andi %get3A_2146, %and3A_2148 : vector<16xi32>
    %and3A_2150 = arith.constant 16383 : i32
    %and3A_2151 = vector.broadcast %and3A_2150 : i32 to vector<16xi32>
    %and3A_2152 = arith.andi %get3A_2146, %and3A_2151 : vector<16xi32>
    %shift_left3A_2153 = arith.constant 1 : i32
    %shift_left3A_2154 = vector.broadcast %shift_left3A_2153 : i32 to vector<16xi32>
    %shift_left3A_2155 = arith.shli %and3A_2152, %shift_left3A_2154 : vector<16xi32>
    %add3A_2156 = arith.addi %and3A_2149, %shift_left3A_2155 : vector<16xi32>
    %shift_right_arithmetic3A_2157 = arith.constant 14 : i32
    %shift_right_arithmetic3A_2158 = vector.broadcast %shift_right_arithmetic3A_2157 : i32 to vector<16xi32>
    %shift_right_arithmetic3A_2159 = arith.shrsi %get3A_2146, %shift_right_arithmetic3A_2158 : vector<16xi32>
    %and3A_2160 = arith.constant 1 : i32
    %and3A_2161 = vector.broadcast %and3A_2160 : i32 to vector<16xi32>
    %and3A_2162 = arith.andi %shift_right_arithmetic3A_2159, %and3A_2161 : vector<16xi32>
    %add3A_2163 = arith.addi %add3A_2156, %and3A_2162 : vector<16xi32>
    %swap3A_2164 = arith.constant 624 : index
    %swap3A_2165 = tpu.vector_load %arg6[%swap3A_2164] {strides = array<i32>} : memref<800xi32, #tpu.memory_space<vmem>>, vector<16xi32>,
    %swap3A_2166 = vector.shape_cast %swap3A_2165 : vector<16xi32> to vector<16xi32>
    %swap3A_2167 = vector.shape_cast %add3A_2163 : vector<16xi32> to vector<16xi32>
    tpu.vector_store %arg6[%swap3A_2164], %swap3A_2167 {strides = array<i32>} : memref<800xi32, #tpu.memory_space<vmem>>, vector<16xi32>,
    %get3A_2168 = arith.constant 640 : index
    %get3A_2169 = tpu.vector_load %arg6[%get3A_2168] {strides = array<i32>} : memref<800xi32, #tpu.memory_space<vmem>>, vector<16xi32>,
    %get3A_2170 = vector.shape_cast %get3A_2169 : vector<16xi32> to vector<16xi32>
    %and3A_2171 = arith.constant -32768 : i32
    %and3A_2172 = vector.broadcast %and3A_2171 : i32 to vector<16xi32>
    %and3A_2173 = arith.andi %get3A_2170, %and3A_2172 : vector<16xi32>
    %and3A_2174 = arith.constant 16383 : i32
    %and3A_2175 = vector.broadcast %and3A_2174 : i32 to vector<16xi32>
    %and3A_2176 = arith.andi %get3A_2170, %and3A_2175 : vector<16xi32>
    %shift_left3A_2177 = arith.constant 1 : i32
    %shift_left3A_2178 = vector.broadcast %shift_left3A_2177 : i32 to vector<16xi32>
    %shift_left3A_2179 = arith.shli %and3A_2176, %shift_left3A_2178 : vector<16xi32>
    %add3A_2180 = arith.addi %and3A_2173, %shift_left3A_2179 : vector<16xi32>
    %shift_right_arithmetic3A_2181 = arith.constant 14 : i32
    %shift_right_arithmetic3A_2182 = vector.broadcast %shift_right_arithmetic3A_2181 : i32 to vector<16xi32>
    %shift_right_arithmetic3A_2183 = arith.shrsi %get3A_2170, %shift_right_arithmetic3A_2182 : vector<16xi32>
    %and3A_2184 = arith.constant 1 : i32
    %and3A_2185 = vector.broadcast %and3A_2184 : i32 to vector<16xi32>
    %and3A_2186 = arith.andi %shift_right_arithmetic3A_2183, %and3A_2185 : vector<16xi32>
    %add3A_2187 = arith.addi %add3A_2180, %and3A_2186 : vector<16xi32>
    %swap3A_2188 = arith.constant 640 : index
    %swap3A_2189 = tpu.vector_load %arg6[%swap3A_2188] {strides = array<i32>} : memref<800xi32, #tpu.memory_space<vmem>>, vector<16xi32>,
    %swap3A_2190 = vector.shape_cast %swap3A_2189 : vector<16xi32> to vector<16xi32>
    %swap3A_2191 = vector.shape_cast %add3A_2187 : vector<16xi32> to vector<16xi32>
    tpu.vector_store %arg6[%swap3A_2188], %swap3A_2191 {strides = array<i32>} : memref<800xi32, #tpu.memory_space<vmem>>, vector<16xi32>,
    %get3A_2192 = arith.constant 656 : index
    %get3A_2193 = tpu.vector_load %arg6[%get3A_2192] {strides = array<i32>} : memref<800xi32, #tpu.memory_space<vmem>>, vector<16xi32>,
    %get3A_2194 = vector.shape_cast %get3A_2193 : vector<16xi32> to vector<16xi32>
    %and3A_2195 = arith.constant -32768 : i32
    %and3A_2196 = vector.broadcast %and3A_2195 : i32 to vector<16xi32>
    %and3A_2197 = arith.andi %get3A_2194, %and3A_2196 : vector<16xi32>
    %and3A_2198 = arith.constant 16383 : i32
    %and3A_2199 = vector.broadcast %and3A_2198 : i32 to vector<16xi32>
    %and3A_2200 = arith.andi %get3A_2194, %and3A_2199 : vector<16xi32>
    %shift_left3A_2201 = arith.constant 1 : i32
    %shift_left3A_2202 = vector.broadcast %shift_left3A_2201 : i32 to vector<16xi32>
    %shift_left3A_2203 = arith.shli %and3A_2200, %shift_left3A_2202 : vector<16xi32>
    %add3A_2204 = arith.addi %and3A_2197, %shift_left3A_2203 : vector<16xi32>
    %shift_right_arithmetic3A_2205 = arith.constant 14 : i32
    %shift_right_arithmetic3A_2206 = vector.broadcast %shift_right_arithmetic3A_2205 : i32 to vector<16xi32>
    %shift_right_arithmetic3A_2207 = arith.shrsi %get3A_2194, %shift_right_arithmetic3A_2206 : vector<16xi32>
    %and3A_2208 = arith.constant 1 : i32
    %and3A_2209 = vector.broadcast %and3A_2208 : i32 to vector<16xi32>
    %and3A_2210 = arith.andi %shift_right_arithmetic3A_2207, %and3A_2209 : vector<16xi32>
    %add3A_2211 = arith.addi %add3A_2204, %and3A_2210 : vector<16xi32>
    %swap3A_2212 = arith.constant 656 : index
    %swap3A_2213 = tpu.vector_load %arg6[%swap3A_2212] {strides = array<i32>} : memref<800xi32, #tpu.memory_space<vmem>>, vector<16xi32>,
    %swap3A_2214 = vector.shape_cast %swap3A_2213 : vector<16xi32> to vector<16xi32>
    %swap3A_2215 = vector.shape_cast %add3A_2211 : vector<16xi32> to vector<16xi32>
    tpu.vector_store %arg6[%swap3A_2212], %swap3A_2215 {strides = array<i32>} : memref<800xi32, #tpu.memory_space<vmem>>, vector<16xi32>,
    %get3A_2216 = arith.constant 672 : index
    %get3A_2217 = tpu.vector_load %arg6[%get3A_2216] {strides = array<i32>} : memref<800xi32, #tpu.memory_space<vmem>>, vector<16xi32>,
    %get3A_2218 = vector.shape_cast %get3A_2217 : vector<16xi32> to vector<16xi32>
    %and3A_2219 = arith.constant -32768 : i32
    %and3A_2220 = vector.broadcast %and3A_2219 : i32 to vector<16xi32>
    %and3A_2221 = arith.andi %get3A_2218, %and3A_2220 : vector<16xi32>
    %and3A_2222 = arith.constant 16383 : i32
    %and3A_2223 = vector.broadcast %and3A_2222 : i32 to vector<16xi32>
    %and3A_2224 = arith.andi %get3A_2218, %and3A_2223 : vector<16xi32>
    %shift_left3A_2225 = arith.constant 1 : i32
    %shift_left3A_2226 = vector.broadcast %shift_left3A_2225 : i32 to vector<16xi32>
    %shift_left3A_2227 = arith.shli %and3A_2224, %shift_left3A_2226 : vector<16xi32>
    %add3A_2228 = arith.addi %and3A_2221, %shift_left3A_2227 : vector<16xi32>
    %shift_right_arithmetic3A_2229 = arith.constant 14 : i32
    %shift_right_arithmetic3A_2230 = vector.broadcast %shift_right_arithmetic3A_2229 : i32 to vector<16xi32>
    %shift_right_arithmetic3A_2231 = arith.shrsi %get3A_2218, %shift_right_arithmetic3A_2230 : vector<16xi32>
    %and3A_2232 = arith.constant 1 : i32
    %and3A_2233 = vector.broadcast %and3A_2232 : i32 to vector<16xi32>
    %and3A_2234 = arith.andi %shift_right_arithmetic3A_2231, %and3A_2233 : vector<16xi32>
    %add3A_2235 = arith.addi %add3A_2228, %and3A_2234 : vector<16xi32>
    %swap3A_2236 = arith.constant 672 : index
    %swap3A_2237 = tpu.vector_load %arg6[%swap3A_2236] {strides = array<i32>} : memref<800xi32, #tpu.memory_space<vmem>>, vector<16xi32>,
    %swap3A_2238 = vector.shape_cast %swap3A_2237 : vector<16xi32> to vector<16xi32>
    %swap3A_2239 = vector.shape_cast %add3A_2235 : vector<16xi32> to vector<16xi32>
    tpu.vector_store %arg6[%swap3A_2236], %swap3A_2239 {strides = array<i32>} : memref<800xi32, #tpu.memory_space<vmem>>, vector<16xi32>,
    %get3A_2240 = arith.constant 688 : index
    %get3A_2241 = tpu.vector_load %arg6[%get3A_2240] {strides = array<i32>} : memref<800xi32, #tpu.memory_space<vmem>>, vector<16xi32>,
    %get3A_2242 = vector.shape_cast %get3A_2241 : vector<16xi32> to vector<16xi32>
    %and3A_2243 = arith.constant -32768 : i32
    %and3A_2244 = vector.broadcast %and3A_2243 : i32 to vector<16xi32>
    %and3A_2245 = arith.andi %get3A_2242, %and3A_2244 : vector<16xi32>
    %and3A_2246 = arith.constant 16383 : i32
    %and3A_2247 = vector.broadcast %and3A_2246 : i32 to vector<16xi32>
    %and3A_2248 = arith.andi %get3A_2242, %and3A_2247 : vector<16xi32>
    %shift_left3A_2249 = arith.constant 1 : i32
    %shift_left3A_2250 = vector.broadcast %shift_left3A_2249 : i32 to vector<16xi32>
    %shift_left3A_2251 = arith.shli %and3A_2248, %shift_left3A_2250 : vector<16xi32>
    %add3A_2252 = arith.addi %and3A_2245, %shift_left3A_2251 : vector<16xi32>
    %shift_right_arithmetic3A_2253 = arith.constant 14 : i32
    %shift_right_arithmetic3A_2254 = vector.broadcast %shift_right_arithmetic3A_2253 : i32 to vector<16xi32>
    %shift_right_arithmetic3A_2255 = arith.shrsi %get3A_2242, %shift_right_arithmetic3A_2254 : vector<16xi32>
    %and3A_2256 = arith.constant 1 : i32
    %and3A_2257 = vector.broadcast %and3A_2256 : i32 to vector<16xi32>
    %and3A_2258 = arith.andi %shift_right_arithmetic3A_2255, %and3A_2257 : vector<16xi32>
    %add3A_2259 = arith.addi %add3A_2252, %and3A_2258 : vector<16xi32>
    %swap3A_2260 = arith.constant 688 : index
    %swap3A_2261 = tpu.vector_load %arg6[%swap3A_2260] {strides = array<i32>} : memref<800xi32, #tpu.memory_space<vmem>>, vector<16xi32>,
    %swap3A_2262 = vector.shape_cast %swap3A_2261 : vector<16xi32> to vector<16xi32>
    %swap3A_2263 = vector.shape_cast %add3A_2259 : vector<16xi32> to vector<16xi32>
    tpu.vector_store %arg6[%swap3A_2260], %swap3A_2263 {strides = array<i32>} : memref<800xi32, #tpu.memory_space<vmem>>, vector<16xi32>,
    %get3A_2264 = arith.constant 704 : index
    %get3A_2265 = tpu.vector_load %arg6[%get3A_2264] {strides = array<i32>} : memref<800xi32, #tpu.memory_space<vmem>>, vector<16xi32>,
    %get3A_2266 = vector.shape_cast %get3A_2265 : vector<16xi32> to vector<16xi32>
    %and3A_2267 = arith.constant -32768 : i32
    %and3A_2268 = vector.broadcast %and3A_2267 : i32 to vector<16xi32>
    %and3A_2269 = arith.andi %get3A_2266, %and3A_2268 : vector<16xi32>
    %and3A_2270 = arith.constant 16383 : i32
    %and3A_2271 = vector.broadcast %and3A_2270 : i32 to vector<16xi32>
    %and3A_2272 = arith.andi %get3A_2266, %and3A_2271 : vector<16xi32>
    %shift_left3A_2273 = arith.constant 1 : i32
    %shift_left3A_2274 = vector.broadcast %shift_left3A_2273 : i32 to vector<16xi32>
    %shift_left3A_2275 = arith.shli %and3A_2272, %shift_left3A_2274 : vector<16xi32>
    %add3A_2276 = arith.addi %and3A_2269, %shift_left3A_2275 : vector<16xi32>
    %shift_right_arithmetic3A_2277 = arith.constant 14 : i32
    %shift_right_arithmetic3A_2278 = vector.broadcast %shift_right_arithmetic3A_2277 : i32 to vector<16xi32>
    %shift_right_arithmetic3A_2279 = arith.shrsi %get3A_2266, %shift_right_arithmetic3A_2278 : vector<16xi32>
    %and3A_2280 = arith.constant 1 : i32
    %and3A_2281 = vector.broadcast %and3A_2280 : i32 to vector<16xi32>
    %and3A_2282 = arith.andi %shift_right_arithmetic3A_2279, %and3A_2281 : vector<16xi32>
    %add3A_2283 = arith.addi %add3A_2276, %and3A_2282 : vector<16xi32>
    %swap3A_2284 = arith.constant 704 : index
    %swap3A_2285 = tpu.vector_load %arg6[%swap3A_2284] {strides = array<i32>} : memref<800xi32, #tpu.memory_space<vmem>>, vector<16xi32>,
    %swap3A_2286 = vector.shape_cast %swap3A_2285 : vector<16xi32> to vector<16xi32>
    %swap3A_2287 = vector.shape_cast %add3A_2283 : vector<16xi32> to vector<16xi32>
    tpu.vector_store %arg6[%swap3A_2284], %swap3A_2287 {strides = array<i32>} : memref<800xi32, #tpu.memory_space<vmem>>, vector<16xi32>,
    %get3A_2288 = arith.constant 720 : index
    %get3A_2289 = tpu.vector_load %arg6[%get3A_2288] {strides = array<i32>} : memref<800xi32, #tpu.memory_space<vmem>>, vector<16xi32>,
    %get3A_2290 = vector.shape_cast %get3A_2289 : vector<16xi32> to vector<16xi32>
    %and3A_2291 = arith.constant -32768 : i32
    %and3A_2292 = vector.broadcast %and3A_2291 : i32 to vector<16xi32>
    %and3A_2293 = arith.andi %get3A_2290, %and3A_2292 : vector<16xi32>
    %and3A_2294 = arith.constant 16383 : i32
    %and3A_2295 = vector.broadcast %and3A_2294 : i32 to vector<16xi32>
    %and3A_2296 = arith.andi %get3A_2290, %and3A_2295 : vector<16xi32>
    %shift_left3A_2297 = arith.constant 1 : i32
    %shift_left3A_2298 = vector.broadcast %shift_left3A_2297 : i32 to vector<16xi32>
    %shift_left3A_2299 = arith.shli %and3A_2296, %shift_left3A_2298 : vector<16xi32>
    %add3A_2300 = arith.addi %and3A_2293, %shift_left3A_2299 : vector<16xi32>
    %shift_right_arithmetic3A_2301 = arith.constant 14 : i32
    %shift_right_arithmetic3A_2302 = vector.broadcast %shift_right_arithmetic3A_2301 : i32 to vector<16xi32>
    %shift_right_arithmetic3A_2303 = arith.shrsi %get3A_2290, %shift_right_arithmetic3A_2302 : vector<16xi32>
    %and3A_2304 = arith.constant 1 : i32
    %and3A_2305 = vector.broadcast %and3A_2304 : i32 to vector<16xi32>
    %and3A_2306 = arith.andi %shift_right_arithmetic3A_2303, %and3A_2305 : vector<16xi32>
    %add3A_2307 = arith.addi %add3A_2300, %and3A_2306 : vector<16xi32>
    %swap3A_2308 = arith.constant 720 : index
    %swap3A_2309 = tpu.vector_load %arg6[%swap3A_2308] {strides = array<i32>} : memref<800xi32, #tpu.memory_space<vmem>>, vector<16xi32>,
    %swap3A_2310 = vector.shape_cast %swap3A_2309 : vector<16xi32> to vector<16xi32>
    %swap3A_2311 = vector.shape_cast %add3A_2307 : vector<16xi32> to vector<16xi32>
    tpu.vector_store %arg6[%swap3A_2308], %swap3A_2311 {strides = array<i32>} : memref<800xi32, #tpu.memory_space<vmem>>, vector<16xi32>,
    %get3A_2312 = arith.constant 736 : index
    %get3A_2313 = tpu.vector_load %arg6[%get3A_2312] {strides = array<i32>} : memref<800xi32, #tpu.memory_space<vmem>>, vector<16xi32>,
    %get3A_2314 = vector.shape_cast %get3A_2313 : vector<16xi32> to vector<16xi32>
    %and3A_2315 = arith.constant -32768 : i32
    %and3A_2316 = vector.broadcast %and3A_2315 : i32 to vector<16xi32>
    %and3A_2317 = arith.andi %get3A_2314, %and3A_2316 : vector<16xi32>
    %and3A_2318 = arith.constant 16383 : i32
    %and3A_2319 = vector.broadcast %and3A_2318 : i32 to vector<16xi32>
    %and3A_2320 = arith.andi %get3A_2314, %and3A_2319 : vector<16xi32>
    %shift_left3A_2321 = arith.constant 1 : i32
    %shift_left3A_2322 = vector.broadcast %shift_left3A_2321 : i32 to vector<16xi32>
    %shift_left3A_2323 = arith.shli %and3A_2320, %shift_left3A_2322 : vector<16xi32>
    %add3A_2324 = arith.addi %and3A_2317, %shift_left3A_2323 : vector<16xi32>
    %shift_right_arithmetic3A_2325 = arith.constant 14 : i32
    %shift_right_arithmetic3A_2326 = vector.broadcast %shift_right_arithmetic3A_2325 : i32 to vector<16xi32>
    %shift_right_arithmetic3A_2327 = arith.shrsi %get3A_2314, %shift_right_arithmetic3A_2326 : vector<16xi32>
    %and3A_2328 = arith.constant 1 : i32
    %and3A_2329 = vector.broadcast %and3A_2328 : i32 to vector<16xi32>
    %and3A_2330 = arith.andi %shift_right_arithmetic3A_2327, %and3A_2329 : vector<16xi32>
    %add3A_2331 = arith.addi %add3A_2324, %and3A_2330 : vector<16xi32>
    %swap3A_2332 = arith.constant 736 : index
    %swap3A_2333 = tpu.vector_load %arg6[%swap3A_2332] {strides = array<i32>} : memref<800xi32, #tpu.memory_space<vmem>>, vector<16xi32>,
    %swap3A_2334 = vector.shape_cast %swap3A_2333 : vector<16xi32> to vector<16xi32>
    %swap3A_2335 = vector.shape_cast %add3A_2331 : vector<16xi32> to vector<16xi32>
    tpu.vector_store %arg6[%swap3A_2332], %swap3A_2335 {strides = array<i32>} : memref<800xi32, #tpu.memory_space<vmem>>, vector<16xi32>,
    %get3A_2336 = arith.constant 752 : index
    %get3A_2337 = tpu.vector_load %arg6[%get3A_2336] {strides = array<i32>} : memref<800xi32, #tpu.memory_space<vmem>>, vector<16xi32>,
    %get3A_2338 = vector.shape_cast %get3A_2337 : vector<16xi32> to vector<16xi32>
    %and3A_2339 = arith.constant -32768 : i32
    %and3A_2340 = vector.broadcast %and3A_2339 : i32 to vector<16xi32>
    %and3A_2341 = arith.andi %get3A_2338, %and3A_2340 : vector<16xi32>
    %and3A_2342 = arith.constant 16383 : i32
    %and3A_2343 = vector.broadcast %and3A_2342 : i32 to vector<16xi32>
    %and3A_2344 = arith.andi %get3A_2338, %and3A_2343 : vector<16xi32>
    %shift_left3A_2345 = arith.constant 1 : i32
    %shift_left3A_2346 = vector.broadcast %shift_left3A_2345 : i32 to vector<16xi32>
    %shift_left3A_2347 = arith.shli %and3A_2344, %shift_left3A_2346 : vector<16xi32>
    %add3A_2348 = arith.addi %and3A_2341, %shift_left3A_2347 : vector<16xi32>
    %shift_right_arithmetic3A_2349 = arith.constant 14 : i32
    %shift_right_arithmetic3A_2350 = vector.broadcast %shift_right_arithmetic3A_2349 : i32 to vector<16xi32>
    %shift_right_arithmetic3A_2351 = arith.shrsi %get3A_2338, %shift_right_arithmetic3A_2350 : vector<16xi32>
    %and3A_2352 = arith.constant 1 : i32
    %and3A_2353 = vector.broadcast %and3A_2352 : i32 to vector<16xi32>
    %and3A_2354 = arith.andi %shift_right_arithmetic3A_2351, %and3A_2353 : vector<16xi32>
    %add3A_2355 = arith.addi %add3A_2348, %and3A_2354 : vector<16xi32>
    %swap3A_2356 = arith.constant 752 : index
    %swap3A_2357 = tpu.vector_load %arg6[%swap3A_2356] {strides = array<i32>} : memref<800xi32, #tpu.memory_space<vmem>>, vector<16xi32>,
    %swap3A_2358 = vector.shape_cast %swap3A_2357 : vector<16xi32> to vector<16xi32>
    %swap3A_2359 = vector.shape_cast %add3A_2355 : vector<16xi32> to vector<16xi32>
    tpu.vector_store %arg6[%swap3A_2356], %swap3A_2359 {strides = array<i32>} : memref<800xi32, #tpu.memory_space<vmem>>, vector<16xi32>,
    %get3A_2360 = arith.constant 768 : index
    %get3A_2361 = tpu.vector_load %arg6[%get3A_2360] {strides = array<i32>} : memref<800xi32, #tpu.memory_space<vmem>>, vector<16xi32>,
    %get3A_2362 = vector.shape_cast %get3A_2361 : vector<16xi32> to vector<16xi32>
    %and3A_2363 = arith.constant -32768 : i32
    %and3A_2364 = vector.broadcast %and3A_2363 : i32 to vector<16xi32>
    %and3A_2365 = arith.andi %get3A_2362, %and3A_2364 : vector<16xi32>
    %and3A_2366 = arith.constant 16383 : i32
    %and3A_2367 = vector.broadcast %and3A_2366 : i32 to vector<16xi32>
    %and3A_2368 = arith.andi %get3A_2362, %and3A_2367 : vector<16xi32>
    %shift_left3A_2369 = arith.constant 1 : i32
    %shift_left3A_2370 = vector.broadcast %shift_left3A_2369 : i32 to vector<16xi32>
    %shift_left3A_2371 = arith.shli %and3A_2368, %shift_left3A_2370 : vector<16xi32>
    %add3A_2372 = arith.addi %and3A_2365, %shift_left3A_2371 : vector<16xi32>
    %shift_right_arithmetic3A_2373 = arith.constant 14 : i32
    %shift_right_arithmetic3A_2374 = vector.broadcast %shift_right_arithmetic3A_2373 : i32 to vector<16xi32>
    %shift_right_arithmetic3A_2375 = arith.shrsi %get3A_2362, %shift_right_arithmetic3A_2374 : vector<16xi32>
    %and3A_2376 = arith.constant 1 : i32
    %and3A_2377 = vector.broadcast %and3A_2376 : i32 to vector<16xi32>
    %and3A_2378 = arith.andi %shift_right_arithmetic3A_2375, %and3A_2377 : vector<16xi32>
    %add3A_2379 = arith.addi %add3A_2372, %and3A_2378 : vector<16xi32>
    %swap3A_2380 = arith.constant 768 : index
    %swap3A_2381 = tpu.vector_load %arg6[%swap3A_2380] {strides = array<i32>} : memref<800xi32, #tpu.memory_space<vmem>>, vector<16xi32>,
    %swap3A_2382 = vector.shape_cast %swap3A_2381 : vector<16xi32> to vector<16xi32>
    %swap3A_2383 = vector.shape_cast %add3A_2379 : vector<16xi32> to vector<16xi32>
    tpu.vector_store %arg6[%swap3A_2380], %swap3A_2383 {strides = array<i32>} : memref<800xi32, #tpu.memory_space<vmem>>, vector<16xi32>,
    %get3A_2384 = arith.constant 784 : index
    %get3A_2385 = tpu.vector_load %arg6[%get3A_2384] {strides = array<i32>} : memref<800xi32, #tpu.memory_space<vmem>>, vector<16xi32>,
    %get3A_2386 = vector.shape_cast %get3A_2385 : vector<16xi32> to vector<16xi32>
    %and3A_2387 = arith.constant -32768 : i32
    %and3A_2388 = vector.broadcast %and3A_2387 : i32 to vector<16xi32>
    %and3A_2389 = arith.andi %get3A_2386, %and3A_2388 : vector<16xi32>
    %and3A_2390 = arith.constant 16383 : i32
    %and3A_2391 = vector.broadcast %and3A_2390 : i32 to vector<16xi32>
    %and3A_2392 = arith.andi %get3A_2386, %and3A_2391 : vector<16xi32>
    %shift_left3A_2393 = arith.constant 1 : i32
    %shift_left3A_2394 = vector.broadcast %shift_left3A_2393 : i32 to vector<16xi32>
    %shift_left3A_2395 = arith.shli %and3A_2392, %shift_left3A_2394 : vector<16xi32>
    %add3A_2396 = arith.addi %and3A_2389, %shift_left3A_2395 : vector<16xi32>
    %shift_right_arithmetic3A_2397 = arith.constant 14 : i32
    %shift_right_arithmetic3A_2398 = vector.broadcast %shift_right_arithmetic3A_2397 : i32 to vector<16xi32>
    %shift_right_arithmetic3A_2399 = arith.shrsi %get3A_2386, %shift_right_arithmetic3A_2398 : vector<16xi32>
    %and3A_2400 = arith.constant 1 : i32
    %and3A_2401 = vector.broadcast %and3A_2400 : i32 to vector<16xi32>
    %and3A_2402 = arith.andi %shift_right_arithmetic3A_2399, %and3A_2401 : vector<16xi32>
    %add3A_2403 = arith.addi %add3A_2396, %and3A_2402 : vector<16xi32>
    %swap3A_2404 = arith.constant 784 : index
    %swap3A_2405 = tpu.vector_load %arg6[%swap3A_2404] {strides = array<i32>} : memref<800xi32, #tpu.memory_space<vmem>>, vector<16xi32>,
    %swap3A_2406 = vector.shape_cast %swap3A_2405 : vector<16xi32> to vector<16xi32>
    %swap3A_2407 = vector.shape_cast %add3A_2403 : vector<16xi32> to vector<16xi32>
    tpu.vector_store %arg6[%swap3A_2404], %swap3A_2407 {strides = array<i32>} : memref<800xi32, #tpu.memory_space<vmem>>, vector<16xi32>,
    %dma_start3A_2408 = arith.constant 0 : i32
    %dma_start3A_2409 = arith.constant 0 : i32
    %dma_start3A_2410 = tpu.memref_slice %arg3[%dma_start3A_2408, %dma_start3A_2409] : memref<1015808x64xf32, #tpu.memory_space<hbm>> -> memref<1015808x64xf32, #tpu.memory_space<hbm>>
    tpu.enqueue_indirect_dma source(%dma_start3A_2410 : memref<1015808x64xf32, #tpu.memory_space<hbm>>) target(%arg8 : memref<800x64xf32, #tpu.memory_space<vmem>>) offsets(%arg6 : memref<800xi32, #tpu.memory_space<vmem>>) semaphore(%arg10 : memref<!tpu.dma_semaphore, #tpu.memory_space<semaphore_mem>>)
    %scan3A = arith.constant 0 : i32
    %mul3A_2411 = arith.constant 2 : i32
    %mul3A_2412 = arith.muli %scan3A, %mul3A_2411 : i32
    %add3A_2413 = arith.constant 0 : i32
    %add3A_2414 = arith.addi %add3A_2413, %mul3A_2412 : i32
    %add3A_2415 = arith.constant 0 : i32
    %add3A_2416 = arith.addi %add3A_2414, %add3A_2415 : i32
    %dma_wait3A = arith.constant 0 : i32
    %dma_wait3A_2417 = arith.constant 0 : i32
    %dma_wait3A_2418 = tpu.memref_slice %arg3[%dma_wait3A, %dma_wait3A_2417] : memref<1015808x64xf32, #tpu.memory_space<hbm>> -> memref<1015808x64xf32, #tpu.memory_space<hbm>>
    tpu.wait_indirect_dma semaphore(%arg9 : memref<!tpu.dma_semaphore, #tpu.memory_space<semaphore_mem>>) src(%dma_wait3A_2418 : memref<1015808x64xf32, #tpu.memory_space<hbm>>) dst(%arg7 : memref<800x64xf32, #tpu.memory_space<vmem>>)
    %mul3A_2419 = arith.constant 800 : i32
    %mul3A_2420 = arith.muli %add3A_2416, %mul3A_2419 : i32
    %add3A_2421 = arith.addi %mul3A_6, %mul3A_2420 : i32
    %dma_start3A_2422 = arith.constant 0 : i32
    %dma_start3A_2423 = tpu.memref_slice %arg4[%add3A_2421, %dma_start3A_2422] : memref<102400x128xf32, #tpu.memory_space<hbm>> -> memref<800x64xf32, #tpu.memory_space<hbm>>
    %dma_start3A_2424 = arith.constant 0 : i32
    %dma_start3A_2425 = tpu.memref_slice %arg4[%add3A_2421, %dma_start3A_2424] : memref<102400x128xf32, #tpu.memory_space<hbm>> -> memref<800x64xf32, #tpu.memory_space<hbm>>
    tpu.enqueue_dma source(%arg7 : memref<800x64xf32, #tpu.memory_space<vmem>>) target(%dma_start3A_2425 : memref<800x64xf32, #tpu.memory_space<hbm>>) target_semaphore(%arg11 : memref<!tpu.dma_semaphore, #tpu.memory_space<semaphore_mem>>)
    %add3A_2426 = arith.constant 2 : i32
    %add3A_2427 = arith.addi %add3A_2416, %add3A_2426 : i32
    %mul3A_2428 = arith.constant 800 : i32
    %mul3A_2429 = arith.muli %add3A_2427, %mul3A_2428 : i32
    %add3A_2430 = arith.addi %add3A_4, %mul3A_2429 : i32
    "tpu.region"() ({
      %run_scoped3A = tpu.sem_alloc : memref<!tpu.dma_semaphore, #tpu.memory_space<semaphore_mem>>
      %dma_start3A_4889 = tpu.memref_slice %arg2[%add3A_2430] : memref<819200xi32, #tpu.memory_space<hbm>> -> memref<800xi32, #tpu.memory_space<hbm>>
      %dma_start3A_4890 = tpu.memref_slice %arg2[%add3A_2430] : memref<819200xi32, #tpu.memory_space<hbm>> -> memref<800xi32, #tpu.memory_space<hbm>>
      tpu.enqueue_dma source(%dma_start3A_4890 : memref<800xi32, #tpu.memory_space<hbm>>) target(%arg5 : memref<800xi32, #tpu.memory_space<vmem>>) target_semaphore(%run_scoped3A : memref<!tpu.dma_semaphore, #tpu.memory_space<semaphore_mem>>)
      %dma_wait3A_4891 = tpu.memref_slice %arg2[%add3A_2430] : memref<819200xi32, #tpu.memory_space<hbm>> -> memref<800xi32, #tpu.memory_space<hbm>>
      %dma_wait3A_4892 = tpu.memref_slice %arg2[%add3A_2430] : memref<819200xi32, #tpu.memory_space<hbm>> -> memref<800xi32, #tpu.memory_space<hbm>>
      tpu.wait_dma2 semaphore(%run_scoped3A : memref<!tpu.dma_semaphore, #tpu.memory_space<semaphore_mem>>) src(%dma_wait3A_4892 : memref<800xi32, #tpu.memory_space<hbm>>) dst(%arg5 : memref<800xi32, #tpu.memory_space<vmem>>)
      tpu.yield
    }) : () -> ()
    %get3A_2431 = arith.constant 0 : index
    %get3A_2432 = tpu.vector_load %arg5[%get3A_2431] {strides = array<i32>} : memref<800xi32, #tpu.memory_space<vmem>>, vector<16xi32>,
    %get3A_2433 = vector.shape_cast %get3A_2432 : vector<16xi32> to vector<16xi32>
    %and3A_2434 = arith.constant -32768 : i32
    %and3A_2435 = vector.broadcast %and3A_2434 : i32 to vector<16xi32>
    %and3A_2436 = arith.andi %get3A_2433, %and3A_2435 : vector<16xi32>
    %and3A_2437 = arith.constant 16383 : i32
    %and3A_2438 = vector.broadcast %and3A_2437 : i32 to vector<16xi32>
    %and3A_2439 = arith.andi %get3A_2433, %and3A_2438 : vector<16xi32>
    %shift_left3A_2440 = arith.constant 1 : i32
    %shift_left3A_2441 = vector.broadcast %shift_left3A_2440 : i32 to vector<16xi32>
    %shift_left3A_2442 = arith.shli %and3A_2439, %shift_left3A_2441 : vector<16xi32>
    %add3A_2443 = arith.addi %and3A_2436, %shift_left3A_2442 : vector<16xi32>
    %shift_right_arithmetic3A_2444 = arith.constant 14 : i32
    %shift_right_arithmetic3A_2445 = vector.broadcast %shift_right_arithmetic3A_2444 : i32 to vector<16xi32>
    %shift_right_arithmetic3A_2446 = arith.shrsi %get3A_2433, %shift_right_arithmetic3A_2445 : vector<16xi32>
    %and3A_2447 = arith.constant 1 : i32
    %and3A_2448 = vector.broadcast %and3A_2447 : i32 to vector<16xi32>
    %and3A_2449 = arith.andi %shift_right_arithmetic3A_2446, %and3A_2448 : vector<16xi32>
    %add3A_2450 = arith.addi %add3A_2443, %and3A_2449 : vector<16xi32>
    %swap3A_2451 = arith.constant 0 : index
    %swap3A_2452 = tpu.vector_load %arg5[%swap3A_2451] {strides = array<i32>} : memref<800xi32, #tpu.memory_space<vmem>>, vector<16xi32>,
    %swap3A_2453 = vector.shape_cast %swap3A_2452 : vector<16xi32> to vector<16xi32>
    %swap3A_2454 = vector.shape_cast %add3A_2450 : vector<16xi32> to vector<16xi32>
    tpu.vector_store %arg5[%swap3A_2451], %swap3A_2454 {strides = array<i32>} : memref<800xi32, #tpu.memory_space<vmem>>, vector<16xi32>,
    %get3A_2455 = arith.constant 16 : index
    %get3A_2456 = tpu.vector_load %arg5[%get3A_2455] {strides = array<i32>} : memref<800xi32, #tpu.memory_space<vmem>>, vector<16xi32>,
    %get3A_2457 = vector.shape_cast %get3A_2456 : vector<16xi32> to vector<16xi32>
    %and3A_2458 = arith.constant -32768 : i32
    %and3A_2459 = vector.broadcast %and3A_2458 : i32 to vector<16xi32>
    %and3A_2460 = arith.andi %get3A_2457, %and3A_2459 : vector<16xi32>
    %and3A_2461 = arith.constant 16383 : i32
    %and3A_2462 = vector.broadcast %and3A_2461 : i32 to vector<16xi32>
    %and3A_2463 = arith.andi %get3A_2457, %and3A_2462 : vector<16xi32>
    %shift_left3A_2464 = arith.constant 1 : i32
    %shift_left3A_2465 = vector.broadcast %shift_left3A_2464 : i32 to vector<16xi32>
    %shift_left3A_2466 = arith.shli %and3A_2463, %shift_left3A_2465 : vector<16xi32>
    %add3A_2467 = arith.addi %and3A_2460, %shift_left3A_2466 : vector<16xi32>
    %shift_right_arithmetic3A_2468 = arith.constant 14 : i32
    %shift_right_arithmetic3A_2469 = vector.broadcast %shift_right_arithmetic3A_2468 : i32 to vector<16xi32>
    %shift_right_arithmetic3A_2470 = arith.shrsi %get3A_2457, %shift_right_arithmetic3A_2469 : vector<16xi32>
    %and3A_2471 = arith.constant 1 : i32
    %and3A_2472 = vector.broadcast %and3A_2471 : i32 to vector<16xi32>
    %and3A_2473 = arith.andi %shift_right_arithmetic3A_2470, %and3A_2472 : vector<16xi32>
    %add3A_2474 = arith.addi %add3A_2467, %and3A_2473 : vector<16xi32>
    %swap3A_2475 = arith.constant 16 : index
    %swap3A_2476 = tpu.vector_load %arg5[%swap3A_2475] {strides = array<i32>} : memref<800xi32, #tpu.memory_space<vmem>>, vector<16xi32>,
    %swap3A_2477 = vector.shape_cast %swap3A_2476 : vector<16xi32> to vector<16xi32>
    %swap3A_2478 = vector.shape_cast %add3A_2474 : vector<16xi32> to vector<16xi32>
    tpu.vector_store %arg5[%swap3A_2475], %swap3A_2478 {strides = array<i32>} : memref<800xi32, #tpu.memory_space<vmem>>, vector<16xi32>,
    %get3A_2479 = arith.constant 32 : index
    %get3A_2480 = tpu.vector_load %arg5[%get3A_2479] {strides = array<i32>} : memref<800xi32, #tpu.memory_space<vmem>>, vector<16xi32>,
    %get3A_2481 = vector.shape_cast %get3A_2480 : vector<16xi32> to vector<16xi32>
    %and3A_2482 = arith.constant -32768 : i32
    %and3A_2483 = vector.broadcast %and3A_2482 : i32 to vector<16xi32>
    %and3A_2484 = arith.andi %get3A_2481, %and3A_2483 : vector<16xi32>
    %and3A_2485 = arith.constant 16383 : i32
    %and3A_2486 = vector.broadcast %and3A_2485 : i32 to vector<16xi32>
    %and3A_2487 = arith.andi %get3A_2481, %and3A_2486 : vector<16xi32>
    %shift_left3A_2488 = arith.constant 1 : i32
    %shift_left3A_2489 = vector.broadcast %shift_left3A_2488 : i32 to vector<16xi32>
    %shift_left3A_2490 = arith.shli %and3A_2487, %shift_left3A_2489 : vector<16xi32>
    %add3A_2491 = arith.addi %and3A_2484, %shift_left3A_2490 : vector<16xi32>
    %shift_right_arithmetic3A_2492 = arith.constant 14 : i32
    %shift_right_arithmetic3A_2493 = vector.broadcast %shift_right_arithmetic3A_2492 : i32 to vector<16xi32>
    %shift_right_arithmetic3A_2494 = arith.shrsi %get3A_2481, %shift_right_arithmetic3A_2493 : vector<16xi32>
    %and3A_2495 = arith.constant 1 : i32
    %and3A_2496 = vector.broadcast %and3A_2495 : i32 to vector<16xi32>
    %and3A_2497 = arith.andi %shift_right_arithmetic3A_2494, %and3A_2496 : vector<16xi32>
    %add3A_2498 = arith.addi %add3A_2491, %and3A_2497 : vector<16xi32>
    %swap3A_2499 = arith.constant 32 : index
    %swap3A_2500 = tpu.vector_load %arg5[%swap3A_2499] {strides = array<i32>} : memref<800xi32, #tpu.memory_space<vmem>>, vector<16xi32>,
    %swap3A_2501 = vector.shape_cast %swap3A_2500 : vector<16xi32> to vector<16xi32>
    %swap3A_2502 = vector.shape_cast %add3A_2498 : vector<16xi32> to vector<16xi32>
    tpu.vector_store %arg5[%swap3A_2499], %swap3A_2502 {strides = array<i32>} : memref<800xi32, #tpu.memory_space<vmem>>, vector<16xi32>,
    %get3A_2503 = arith.constant 48 : index
    %get3A_2504 = tpu.vector_load %arg5[%get3A_2503] {strides = array<i32>} : memref<800xi32, #tpu.memory_space<vmem>>, vector<16xi32>,
    %get3A_2505 = vector.shape_cast %get3A_2504 : vector<16xi32> to vector<16xi32>
    %and3A_2506 = arith.constant -32768 : i32
    %and3A_2507 = vector.broadcast %and3A_2506 : i32 to vector<16xi32>
    %and3A_2508 = arith.andi %get3A_2505, %and3A_2507 : vector<16xi32>
    %and3A_2509 = arith.constant 16383 : i32
    %and3A_2510 = vector.broadcast %and3A_2509 : i32 to vector<16xi32>
    %and3A_2511 = arith.andi %get3A_2505, %and3A_2510 : vector<16xi32>
    %shift_left3A_2512 = arith.constant 1 : i32
    %shift_left3A_2513 = vector.broadcast %shift_left3A_2512 : i32 to vector<16xi32>
    %shift_left3A_2514 = arith.shli %and3A_2511, %shift_left3A_2513 : vector<16xi32>
    %add3A_2515 = arith.addi %and3A_2508, %shift_left3A_2514 : vector<16xi32>
    %shift_right_arithmetic3A_2516 = arith.constant 14 : i32
    %shift_right_arithmetic3A_2517 = vector.broadcast %shift_right_arithmetic3A_2516 : i32 to vector<16xi32>
    %shift_right_arithmetic3A_2518 = arith.shrsi %get3A_2505, %shift_right_arithmetic3A_2517 : vector<16xi32>
    %and3A_2519 = arith.constant 1 : i32
    %and3A_2520 = vector.broadcast %and3A_2519 : i32 to vector<16xi32>
    %and3A_2521 = arith.andi %shift_right_arithmetic3A_2518, %and3A_2520 : vector<16xi32>
    %add3A_2522 = arith.addi %add3A_2515, %and3A_2521 : vector<16xi32>
    %swap3A_2523 = arith.constant 48 : index
    %swap3A_2524 = tpu.vector_load %arg5[%swap3A_2523] {strides = array<i32>} : memref<800xi32, #tpu.memory_space<vmem>>, vector<16xi32>,
    %swap3A_2525 = vector.shape_cast %swap3A_2524 : vector<16xi32> to vector<16xi32>
    %swap3A_2526 = vector.shape_cast %add3A_2522 : vector<16xi32> to vector<16xi32>
    tpu.vector_store %arg5[%swap3A_2523], %swap3A_2526 {strides = array<i32>} : memref<800xi32, #tpu.memory_space<vmem>>, vector<16xi32>,
    %get3A_2527 = arith.constant 64 : index
    %get3A_2528 = tpu.vector_load %arg5[%get3A_2527] {strides = array<i32>} : memref<800xi32, #tpu.memory_space<vmem>>, vector<16xi32>,
    %get3A_2529 = vector.shape_cast %get3A_2528 : vector<16xi32> to vector<16xi32>
    %and3A_2530 = arith.constant -32768 : i32
    %and3A_2531 = vector.broadcast %and3A_2530 : i32 to vector<16xi32>
    %and3A_2532 = arith.andi %get3A_2529, %and3A_2531 : vector<16xi32>
    %and3A_2533 = arith.constant 16383 : i32
    %and3A_2534 = vector.broadcast %and3A_2533 : i32 to vector<16xi32>
    %and3A_2535 = arith.andi %get3A_2529, %and3A_2534 : vector<16xi32>
    %shift_left3A_2536 = arith.constant 1 : i32
    %shift_left3A_2537 = vector.broadcast %shift_left3A_2536 : i32 to vector<16xi32>
    %shift_left3A_2538 = arith.shli %and3A_2535, %shift_left3A_2537 : vector<16xi32>
    %add3A_2539 = arith.addi %and3A_2532, %shift_left3A_2538 : vector<16xi32>
    %shift_right_arithmetic3A_2540 = arith.constant 14 : i32
    %shift_right_arithmetic3A_2541 = vector.broadcast %shift_right_arithmetic3A_2540 : i32 to vector<16xi32>
    %shift_right_arithmetic3A_2542 = arith.shrsi %get3A_2529, %shift_right_arithmetic3A_2541 : vector<16xi32>
    %and3A_2543 = arith.constant 1 : i32
    %and3A_2544 = vector.broadcast %and3A_2543 : i32 to vector<16xi32>
    %and3A_2545 = arith.andi %shift_right_arithmetic3A_2542, %and3A_2544 : vector<16xi32>
    %add3A_2546 = arith.addi %add3A_2539, %and3A_2545 : vector<16xi32>
    %swap3A_2547 = arith.constant 64 : index
    %swap3A_2548 = tpu.vector_load %arg5[%swap3A_2547] {strides = array<i32>} : memref<800xi32, #tpu.memory_space<vmem>>, vector<16xi32>,
    %swap3A_2549 = vector.shape_cast %swap3A_2548 : vector<16xi32> to vector<16xi32>
    %swap3A_2550 = vector.shape_cast %add3A_2546 : vector<16xi32> to vector<16xi32>
    tpu.vector_store %arg5[%swap3A_2547], %swap3A_2550 {strides = array<i32>} : memref<800xi32, #tpu.memory_space<vmem>>, vector<16xi32>,
    %get3A_2551 = arith.constant 80 : index
    %get3A_2552 = tpu.vector_load %arg5[%get3A_2551] {strides = array<i32>} : memref<800xi32, #tpu.memory_space<vmem>>, vector<16xi32>,
    %get3A_2553 = vector.shape_cast %get3A_2552 : vector<16xi32> to vector<16xi32>
    %and3A_2554 = arith.constant -32768 : i32
    %and3A_2555 = vector.broadcast %and3A_2554 : i32 to vector<16xi32>
    %and3A_2556 = arith.andi %get3A_2553, %and3A_2555 : vector<16xi32>
    %and3A_2557 = arith.constant 16383 : i32
    %and3A_2558 = vector.broadcast %and3A_2557 : i32 to vector<16xi32>
    %and3A_2559 = arith.andi %get3A_2553, %and3A_2558 : vector<16xi32>
    %shift_left3A_2560 = arith.constant 1 : i32
    %shift_left3A_2561 = vector.broadcast %shift_left3A_2560 : i32 to vector<16xi32>
    %shift_left3A_2562 = arith.shli %and3A_2559, %shift_left3A_2561 : vector<16xi32>
    %add3A_2563 = arith.addi %and3A_2556, %shift_left3A_2562 : vector<16xi32>
    %shift_right_arithmetic3A_2564 = arith.constant 14 : i32
    %shift_right_arithmetic3A_2565 = vector.broadcast %shift_right_arithmetic3A_2564 : i32 to vector<16xi32>
    %shift_right_arithmetic3A_2566 = arith.shrsi %get3A_2553, %shift_right_arithmetic3A_2565 : vector<16xi32>
    %and3A_2567 = arith.constant 1 : i32
    %and3A_2568 = vector.broadcast %and3A_2567 : i32 to vector<16xi32>
    %and3A_2569 = arith.andi %shift_right_arithmetic3A_2566, %and3A_2568 : vector<16xi32>
    %add3A_2570 = arith.addi %add3A_2563, %and3A_2569 : vector<16xi32>
    %swap3A_2571 = arith.constant 80 : index
    %swap3A_2572 = tpu.vector_load %arg5[%swap3A_2571] {strides = array<i32>} : memref<800xi32, #tpu.memory_space<vmem>>, vector<16xi32>,
    %swap3A_2573 = vector.shape_cast %swap3A_2572 : vector<16xi32> to vector<16xi32>
    %swap3A_2574 = vector.shape_cast %add3A_2570 : vector<16xi32> to vector<16xi32>
    tpu.vector_store %arg5[%swap3A_2571], %swap3A_2574 {strides = array<i32>} : memref<800xi32, #tpu.memory_space<vmem>>, vector<16xi32>,
    %get3A_2575 = arith.constant 96 : index
    %get3A_2576 = tpu.vector_load %arg5[%get3A_2575] {strides = array<i32>} : memref<800xi32, #tpu.memory_space<vmem>>, vector<16xi32>,
    %get3A_2577 = vector.shape_cast %get3A_2576 : vector<16xi32> to vector<16xi32>
    %and3A_2578 = arith.constant -32768 : i32
    %and3A_2579 = vector.broadcast %and3A_2578 : i32 to vector<16xi32>
    %and3A_2580 = arith.andi %get3A_2577, %and3A_2579 : vector<16xi32>
    %and3A_2581 = arith.constant 16383 : i32
    %and3A_2582 = vector.broadcast %and3A_2581 : i32 to vector<16xi32>
    %and3A_2583 = arith.andi %get3A_2577, %and3A_2582 : vector<16xi32>
    %shift_left3A_2584 = arith.constant 1 : i32
    %shift_left3A_2585 = vector.broadcast %shift_left3A_2584 : i32 to vector<16xi32>
    %shift_left3A_2586 = arith.shli %and3A_2583, %shift_left3A_2585 : vector<16xi32>
    %add3A_2587 = arith.addi %and3A_2580, %shift_left3A_2586 : vector<16xi32>
    %shift_right_arithmetic3A_2588 = arith.constant 14 : i32
    %shift_right_arithmetic3A_2589 = vector.broadcast %shift_right_arithmetic3A_2588 : i32 to vector<16xi32>
    %shift_right_arithmetic3A_2590 = arith.shrsi %get3A_2577, %shift_right_arithmetic3A_2589 : vector<16xi32>
    %and3A_2591 = arith.constant 1 : i32
    %and3A_2592 = vector.broadcast %and3A_2591 : i32 to vector<16xi32>
    %and3A_2593 = arith.andi %shift_right_arithmetic3A_2590, %and3A_2592 : vector<16xi32>
    %add3A_2594 = arith.addi %add3A_2587, %and3A_2593 : vector<16xi32>
    %swap3A_2595 = arith.constant 96 : index
    %swap3A_2596 = tpu.vector_load %arg5[%swap3A_2595] {strides = array<i32>} : memref<800xi32, #tpu.memory_space<vmem>>, vector<16xi32>,
    %swap3A_2597 = vector.shape_cast %swap3A_2596 : vector<16xi32> to vector<16xi32>
    %swap3A_2598 = vector.shape_cast %add3A_2594 : vector<16xi32> to vector<16xi32>
    tpu.vector_store %arg5[%swap3A_2595], %swap3A_2598 {strides = array<i32>} : memref<800xi32, #tpu.memory_space<vmem>>, vector<16xi32>,
    %get3A_2599 = arith.constant 112 : index
    %get3A_2600 = tpu.vector_load %arg5[%get3A_2599] {strides = array<i32>} : memref<800xi32, #tpu.memory_space<vmem>>, vector<16xi32>,
    %get3A_2601 = vector.shape_cast %get3A_2600 : vector<16xi32> to vector<16xi32>
    %and3A_2602 = arith.constant -32768 : i32
    %and3A_2603 = vector.broadcast %and3A_2602 : i32 to vector<16xi32>
    %and3A_2604 = arith.andi %get3A_2601, %and3A_2603 : vector<16xi32>
    %and3A_2605 = arith.constant 16383 : i32
    %and3A_2606 = vector.broadcast %and3A_2605 : i32 to vector<16xi32>
    %and3A_2607 = arith.andi %get3A_2601, %and3A_2606 : vector<16xi32>
    %shift_left3A_2608 = arith.constant 1 : i32
    %shift_left3A_2609 = vector.broadcast %shift_left3A_2608 : i32 to vector<16xi32>
    %shift_left3A_2610 = arith.shli %and3A_2607, %shift_left3A_2609 : vector<16xi32>
    %add3A_2611 = arith.addi %and3A_2604, %shift_left3A_2610 : vector<16xi32>
    %shift_right_arithmetic3A_2612 = arith.constant 14 : i32
    %shift_right_arithmetic3A_2613 = vector.broadcast %shift_right_arithmetic3A_2612 : i32 to vector<16xi32>
    %shift_right_arithmetic3A_2614 = arith.shrsi %get3A_2601, %shift_right_arithmetic3A_2613 : vector<16xi32>
    %and3A_2615 = arith.constant 1 : i32
    %and3A_2616 = vector.broadcast %and3A_2615 : i32 to vector<16xi32>
    %and3A_2617 = arith.andi %shift_right_arithmetic3A_2614, %and3A_2616 : vector<16xi32>
    %add3A_2618 = arith.addi %add3A_2611, %and3A_2617 : vector<16xi32>
    %swap3A_2619 = arith.constant 112 : index
    %swap3A_2620 = tpu.vector_load %arg5[%swap3A_2619] {strides = array<i32>} : memref<800xi32, #tpu.memory_space<vmem>>, vector<16xi32>,
    %swap3A_2621 = vector.shape_cast %swap3A_2620 : vector<16xi32> to vector<16xi32>
    %swap3A_2622 = vector.shape_cast %add3A_2618 : vector<16xi32> to vector<16xi32>
    tpu.vector_store %arg5[%swap3A_2619], %swap3A_2622 {strides = array<i32>} : memref<800xi32, #tpu.memory_space<vmem>>, vector<16xi32>,
    %get3A_2623 = arith.constant 128 : index
    %get3A_2624 = tpu.vector_load %arg5[%get3A_2623] {strides = array<i32>} : memref<800xi32, #tpu.memory_space<vmem>>, vector<16xi32>,
    %get3A_2625 = vector.shape_cast %get3A_2624 : vector<16xi32> to vector<16xi32>
    %and3A_2626 = arith.constant -32768 : i32
    %and3A_2627 = vector.broadcast %and3A_2626 : i32 to vector<16xi32>
    %and3A_2628 = arith.andi %get3A_2625, %and3A_2627 : vector<16xi32>
    %and3A_2629 = arith.constant 16383 : i32
    %and3A_2630 = vector.broadcast %and3A_2629 : i32 to vector<16xi32>
    %and3A_2631 = arith.andi %get3A_2625, %and3A_2630 : vector<16xi32>
    %shift_left3A_2632 = arith.constant 1 : i32
    %shift_left3A_2633 = vector.broadcast %shift_left3A_2632 : i32 to vector<16xi32>
    %shift_left3A_2634 = arith.shli %and3A_2631, %shift_left3A_2633 : vector<16xi32>
    %add3A_2635 = arith.addi %and3A_2628, %shift_left3A_2634 : vector<16xi32>
    %shift_right_arithmetic3A_2636 = arith.constant 14 : i32
    %shift_right_arithmetic3A_2637 = vector.broadcast %shift_right_arithmetic3A_2636 : i32 to vector<16xi32>
    %shift_right_arithmetic3A_2638 = arith.shrsi %get3A_2625, %shift_right_arithmetic3A_2637 : vector<16xi32>
    %and3A_2639 = arith.constant 1 : i32
    %and3A_2640 = vector.broadcast %and3A_2639 : i32 to vector<16xi32>
    %and3A_2641 = arith.andi %shift_right_arithmetic3A_2638, %and3A_2640 : vector<16xi32>
    %add3A_2642 = arith.addi %add3A_2635, %and3A_2641 : vector<16xi32>
    %swap3A_2643 = arith.constant 128 : index
    %swap3A_2644 = tpu.vector_load %arg5[%swap3A_2643] {strides = array<i32>} : memref<800xi32, #tpu.memory_space<vmem>>, vector<16xi32>,
    %swap3A_2645 = vector.shape_cast %swap3A_2644 : vector<16xi32> to vector<16xi32>
    %swap3A_2646 = vector.shape_cast %add3A_2642 : vector<16xi32> to vector<16xi32>
    tpu.vector_store %arg5[%swap3A_2643], %swap3A_2646 {strides = array<i32>} : memref<800xi32, #tpu.memory_space<vmem>>, vector<16xi32>,
    %get3A_2647 = arith.constant 144 : index
    %get3A_2648 = tpu.vector_load %arg5[%get3A_2647] {strides = array<i32>} : memref<800xi32, #tpu.memory_space<vmem>>, vector<16xi32>,
    %get3A_2649 = vector.shape_cast %get3A_2648 : vector<16xi32> to vector<16xi32>
    %and3A_2650 = arith.constant -32768 : i32
    %and3A_2651 = vector.broadcast %and3A_2650 : i32 to vector<16xi32>
    %and3A_2652 = arith.andi %get3A_2649, %and3A_2651 : vector<16xi32>
    %and3A_2653 = arith.constant 16383 : i32
    %and3A_2654 = vector.broadcast %and3A_2653 : i32 to vector<16xi32>
    %and3A_2655 = arith.andi %get3A_2649, %and3A_2654 : vector<16xi32>
    %shift_left3A_2656 = arith.constant 1 : i32
    %shift_left3A_2657 = vector.broadcast %shift_left3A_2656 : i32 to vector<16xi32>
    %shift_left3A_2658 = arith.shli %and3A_2655, %shift_left3A_2657 : vector<16xi32>
    %add3A_2659 = arith.addi %and3A_2652, %shift_left3A_2658 : vector<16xi32>
    %shift_right_arithmetic3A_2660 = arith.constant 14 : i32
    %shift_right_arithmetic3A_2661 = vector.broadcast %shift_right_arithmetic3A_2660 : i32 to vector<16xi32>
    %shift_right_arithmetic3A_2662 = arith.shrsi %get3A_2649, %shift_right_arithmetic3A_2661 : vector<16xi32>
    %and3A_2663 = arith.constant 1 : i32
    %and3A_2664 = vector.broadcast %and3A_2663 : i32 to vector<16xi32>
    %and3A_2665 = arith.andi %shift_right_arithmetic3A_2662, %and3A_2664 : vector<16xi32>
    %add3A_2666 = arith.addi %add3A_2659, %and3A_2665 : vector<16xi32>
    %swap3A_2667 = arith.constant 144 : index
    %swap3A_2668 = tpu.vector_load %arg5[%swap3A_2667] {strides = array<i32>} : memref<800xi32, #tpu.memory_space<vmem>>, vector<16xi32>,
    %swap3A_2669 = vector.shape_cast %swap3A_2668 : vector<16xi32> to vector<16xi32>
    %swap3A_2670 = vector.shape_cast %add3A_2666 : vector<16xi32> to vector<16xi32>
    tpu.vector_store %arg5[%swap3A_2667], %swap3A_2670 {strides = array<i32>} : memref<800xi32, #tpu.memory_space<vmem>>, vector<16xi32>,
    %get3A_2671 = arith.constant 160 : index
    %get3A_2672 = tpu.vector_load %arg5[%get3A_2671] {strides = array<i32>} : memref<800xi32, #tpu.memory_space<vmem>>, vector<16xi32>,
    %get3A_2673 = vector.shape_cast %get3A_2672 : vector<16xi32> to vector<16xi32>
    %and3A_2674 = arith.constant -32768 : i32
    %and3A_2675 = vector.broadcast %and3A_2674 : i32 to vector<16xi32>
    %and3A_2676 = arith.andi %get3A_2673, %and3A_2675 : vector<16xi32>
    %and3A_2677 = arith.constant 16383 : i32
    %and3A_2678 = vector.broadcast %and3A_2677 : i32 to vector<16xi32>
    %and3A_2679 = arith.andi %get3A_2673, %and3A_2678 : vector<16xi32>
    %shift_left3A_2680 = arith.constant 1 : i32
    %shift_left3A_2681 = vector.broadcast %shift_left3A_2680 : i32 to vector<16xi32>
    %shift_left3A_2682 = arith.shli %and3A_2679, %shift_left3A_2681 : vector<16xi32>
    %add3A_2683 = arith.addi %and3A_2676, %shift_left3A_2682 : vector<16xi32>
    %shift_right_arithmetic3A_2684 = arith.constant 14 : i32
    %shift_right_arithmetic3A_2685 = vector.broadcast %shift_right_arithmetic3A_2684 : i32 to vector<16xi32>
    %shift_right_arithmetic3A_2686 = arith.shrsi %get3A_2673, %shift_right_arithmetic3A_2685 : vector<16xi32>
    %and3A_2687 = arith.constant 1 : i32
    %and3A_2688 = vector.broadcast %and3A_2687 : i32 to vector<16xi32>
    %and3A_2689 = arith.andi %shift_right_arithmetic3A_2686, %and3A_2688 : vector<16xi32>
    %add3A_2690 = arith.addi %add3A_2683, %and3A_2689 : vector<16xi32>
    %swap3A_2691 = arith.constant 160 : index
    %swap3A_2692 = tpu.vector_load %arg5[%swap3A_2691] {strides = array<i32>} : memref<800xi32, #tpu.memory_space<vmem>>, vector<16xi32>,
    %swap3A_2693 = vector.shape_cast %swap3A_2692 : vector<16xi32> to vector<16xi32>
    %swap3A_2694 = vector.shape_cast %add3A_2690 : vector<16xi32> to vector<16xi32>
    tpu.vector_store %arg5[%swap3A_2691], %swap3A_2694 {strides = array<i32>} : memref<800xi32, #tpu.memory_space<vmem>>, vector<16xi32>,
    %get3A_2695 = arith.constant 176 : index
    %get3A_2696 = tpu.vector_load %arg5[%get3A_2695] {strides = array<i32>} : memref<800xi32, #tpu.memory_space<vmem>>, vector<16xi32>,
    %get3A_2697 = vector.shape_cast %get3A_2696 : vector<16xi32> to vector<16xi32>
    %and3A_2698 = arith.constant -32768 : i32
    %and3A_2699 = vector.broadcast %and3A_2698 : i32 to vector<16xi32>
    %and3A_2700 = arith.andi %get3A_2697, %and3A_2699 : vector<16xi32>
    %and3A_2701 = arith.constant 16383 : i32
    %and3A_2702 = vector.broadcast %and3A_2701 : i32 to vector<16xi32>
    %and3A_2703 = arith.andi %get3A_2697, %and3A_2702 : vector<16xi32>
    %shift_left3A_2704 = arith.constant 1 : i32
    %shift_left3A_2705 = vector.broadcast %shift_left3A_2704 : i32 to vector<16xi32>
    %shift_left3A_2706 = arith.shli %and3A_2703, %shift_left3A_2705 : vector<16xi32>
    %add3A_2707 = arith.addi %and3A_2700, %shift_left3A_2706 : vector<16xi32>
    %shift_right_arithmetic3A_2708 = arith.constant 14 : i32
    %shift_right_arithmetic3A_2709 = vector.broadcast %shift_right_arithmetic3A_2708 : i32 to vector<16xi32>
    %shift_right_arithmetic3A_2710 = arith.shrsi %get3A_2697, %shift_right_arithmetic3A_2709 : vector<16xi32>
    %and3A_2711 = arith.constant 1 : i32
    %and3A_2712 = vector.broadcast %and3A_2711 : i32 to vector<16xi32>
    %and3A_2713 = arith.andi %shift_right_arithmetic3A_2710, %and3A_2712 : vector<16xi32>
    %add3A_2714 = arith.addi %add3A_2707, %and3A_2713 : vector<16xi32>
    %swap3A_2715 = arith.constant 176 : index
    %swap3A_2716 = tpu.vector_load %arg5[%swap3A_2715] {strides = array<i32>} : memref<800xi32, #tpu.memory_space<vmem>>, vector<16xi32>,
    %swap3A_2717 = vector.shape_cast %swap3A_2716 : vector<16xi32> to vector<16xi32>
    %swap3A_2718 = vector.shape_cast %add3A_2714 : vector<16xi32> to vector<16xi32>
    tpu.vector_store %arg5[%swap3A_2715], %swap3A_2718 {strides = array<i32>} : memref<800xi32, #tpu.memory_space<vmem>>, vector<16xi32>,
    %get3A_2719 = arith.constant 192 : index
    %get3A_2720 = tpu.vector_load %arg5[%get3A_2719] {strides = array<i32>} : memref<800xi32, #tpu.memory_space<vmem>>, vector<16xi32>,
    %get3A_2721 = vector.shape_cast %get3A_2720 : vector<16xi32> to vector<16xi32>
    %and3A_2722 = arith.constant -32768 : i32
    %and3A_2723 = vector.broadcast %and3A_2722 : i32 to vector<16xi32>
    %and3A_2724 = arith.andi %get3A_2721, %and3A_2723 : vector<16xi32>
    %and3A_2725 = arith.constant 16383 : i32
    %and3A_2726 = vector.broadcast %and3A_2725 : i32 to vector<16xi32>
    %and3A_2727 = arith.andi %get3A_2721, %and3A_2726 : vector<16xi32>
    %shift_left3A_2728 = arith.constant 1 : i32
    %shift_left3A_2729 = vector.broadcast %shift_left3A_2728 : i32 to vector<16xi32>
    %shift_left3A_2730 = arith.shli %and3A_2727, %shift_left3A_2729 : vector<16xi32>
    %add3A_2731 = arith.addi %and3A_2724, %shift_left3A_2730 : vector<16xi32>
    %shift_right_arithmetic3A_2732 = arith.constant 14 : i32
    %shift_right_arithmetic3A_2733 = vector.broadcast %shift_right_arithmetic3A_2732 : i32 to vector<16xi32>
    %shift_right_arithmetic3A_2734 = arith.shrsi %get3A_2721, %shift_right_arithmetic3A_2733 : vector<16xi32>
    %and3A_2735 = arith.constant 1 : i32
    %and3A_2736 = vector.broadcast %and3A_2735 : i32 to vector<16xi32>
    %and3A_2737 = arith.andi %shift_right_arithmetic3A_2734, %and3A_2736 : vector<16xi32>
    %add3A_2738 = arith.addi %add3A_2731, %and3A_2737 : vector<16xi32>
    %swap3A_2739 = arith.constant 192 : index
    %swap3A_2740 = tpu.vector_load %arg5[%swap3A_2739] {strides = array<i32>} : memref<800xi32, #tpu.memory_space<vmem>>, vector<16xi32>,
    %swap3A_2741 = vector.shape_cast %swap3A_2740 : vector<16xi32> to vector<16xi32>
    %swap3A_2742 = vector.shape_cast %add3A_2738 : vector<16xi32> to vector<16xi32>
    tpu.vector_store %arg5[%swap3A_2739], %swap3A_2742 {strides = array<i32>} : memref<800xi32, #tpu.memory_space<vmem>>, vector<16xi32>,
    %get3A_2743 = arith.constant 208 : index
    %get3A_2744 = tpu.vector_load %arg5[%get3A_2743] {strides = array<i32>} : memref<800xi32, #tpu.memory_space<vmem>>, vector<16xi32>,
    %get3A_2745 = vector.shape_cast %get3A_2744 : vector<16xi32> to vector<16xi32>
    %and3A_2746 = arith.constant -32768 : i32
    %and3A_2747 = vector.broadcast %and3A_2746 : i32 to vector<16xi32>
    %and3A_2748 = arith.andi %get3A_2745, %and3A_2747 : vector<16xi32>
    %and3A_2749 = arith.constant 16383 : i32
    %and3A_2750 = vector.broadcast %and3A_2749 : i32 to vector<16xi32>
    %and3A_2751 = arith.andi %get3A_2745, %and3A_2750 : vector<16xi32>
    %shift_left3A_2752 = arith.constant 1 : i32
    %shift_left3A_2753 = vector.broadcast %shift_left3A_2752 : i32 to vector<16xi32>
    %shift_left3A_2754 = arith.shli %and3A_2751, %shift_left3A_2753 : vector<16xi32>
    %add3A_2755 = arith.addi %and3A_2748, %shift_left3A_2754 : vector<16xi32>
    %shift_right_arithmetic3A_2756 = arith.constant 14 : i32
    %shift_right_arithmetic3A_2757 = vector.broadcast %shift_right_arithmetic3A_2756 : i32 to vector<16xi32>
    %shift_right_arithmetic3A_2758 = arith.shrsi %get3A_2745, %shift_right_arithmetic3A_2757 : vector<16xi32>
    %and3A_2759 = arith.constant 1 : i32
    %and3A_2760 = vector.broadcast %and3A_2759 : i32 to vector<16xi32>
    %and3A_2761 = arith.andi %shift_right_arithmetic3A_2758, %and3A_2760 : vector<16xi32>
    %add3A_2762 = arith.addi %add3A_2755, %and3A_2761 : vector<16xi32>
    %swap3A_2763 = arith.constant 208 : index
    %swap3A_2764 = tpu.vector_load %arg5[%swap3A_2763] {strides = array<i32>} : memref<800xi32, #tpu.memory_space<vmem>>, vector<16xi32>,
    %swap3A_2765 = vector.shape_cast %swap3A_2764 : vector<16xi32> to vector<16xi32>
    %swap3A_2766 = vector.shape_cast %add3A_2762 : vector<16xi32> to vector<16xi32>
    tpu.vector_store %arg5[%swap3A_2763], %swap3A_2766 {strides = array<i32>} : memref<800xi32, #tpu.memory_space<vmem>>, vector<16xi32>,
    %get3A_2767 = arith.constant 224 : index
    %get3A_2768 = tpu.vector_load %arg5[%get3A_2767] {strides = array<i32>} : memref<800xi32, #tpu.memory_space<vmem>>, vector<16xi32>,
    %get3A_2769 = vector.shape_cast %get3A_2768 : vector<16xi32> to vector<16xi32>
    %and3A_2770 = arith.constant -32768 : i32
    %and3A_2771 = vector.broadcast %and3A_2770 : i32 to vector<16xi32>
    %and3A_2772 = arith.andi %get3A_2769, %and3A_2771 : vector<16xi32>
    %and3A_2773 = arith.constant 16383 : i32
    %and3A_2774 = vector.broadcast %and3A_2773 : i32 to vector<16xi32>
    %and3A_2775 = arith.andi %get3A_2769, %and3A_2774 : vector<16xi32>
    %shift_left3A_2776 = arith.constant 1 : i32
    %shift_left3A_2777 = vector.broadcast %shift_left3A_2776 : i32 to vector<16xi32>
    %shift_left3A_2778 = arith.shli %and3A_2775, %shift_left3A_2777 : vector<16xi32>
    %add3A_2779 = arith.addi %and3A_2772, %shift_left3A_2778 : vector<16xi32>
    %shift_right_arithmetic3A_2780 = arith.constant 14 : i32
    %shift_right_arithmetic3A_2781 = vector.broadcast %shift_right_arithmetic3A_2780 : i32 to vector<16xi32>
    %shift_right_arithmetic3A_2782 = arith.shrsi %get3A_2769, %shift_right_arithmetic3A_2781 : vector<16xi32>
    %and3A_2783 = arith.constant 1 : i32
    %and3A_2784 = vector.broadcast %and3A_2783 : i32 to vector<16xi32>
    %and3A_2785 = arith.andi %shift_right_arithmetic3A_2782, %and3A_2784 : vector<16xi32>
    %add3A_2786 = arith.addi %add3A_2779, %and3A_2785 : vector<16xi32>
    %swap3A_2787 = arith.constant 224 : index
    %swap3A_2788 = tpu.vector_load %arg5[%swap3A_2787] {strides = array<i32>} : memref<800xi32, #tpu.memory_space<vmem>>, vector<16xi32>,
    %swap3A_2789 = vector.shape_cast %swap3A_2788 : vector<16xi32> to vector<16xi32>
    %swap3A_2790 = vector.shape_cast %add3A_2786 : vector<16xi32> to vector<16xi32>
    tpu.vector_store %arg5[%swap3A_2787], %swap3A_2790 {strides = array<i32>} : memref<800xi32, #tpu.memory_space<vmem>>, vector<16xi32>,
    %get3A_2791 = arith.constant 240 : index
    %get3A_2792 = tpu.vector_load %arg5[%get3A_2791] {strides = array<i32>} : memref<800xi32, #tpu.memory_space<vmem>>, vector<16xi32>,
    %get3A_2793 = vector.shape_cast %get3A_2792 : vector<16xi32> to vector<16xi32>
    %and3A_2794 = arith.constant -32768 : i32
    %and3A_2795 = vector.broadcast %and3A_2794 : i32 to vector<16xi32>
    %and3A_2796 = arith.andi %get3A_2793, %and3A_2795 : vector<16xi32>
    %and3A_2797 = arith.constant 16383 : i32
    %and3A_2798 = vector.broadcast %and3A_2797 : i32 to vector<16xi32>
    %and3A_2799 = arith.andi %get3A_2793, %and3A_2798 : vector<16xi32>
    %shift_left3A_2800 = arith.constant 1 : i32
    %shift_left3A_2801 = vector.broadcast %shift_left3A_2800 : i32 to vector<16xi32>
    %shift_left3A_2802 = arith.shli %and3A_2799, %shift_left3A_2801 : vector<16xi32>
    %add3A_2803 = arith.addi %and3A_2796, %shift_left3A_2802 : vector<16xi32>
    %shift_right_arithmetic3A_2804 = arith.constant 14 : i32
    %shift_right_arithmetic3A_2805 = vector.broadcast %shift_right_arithmetic3A_2804 : i32 to vector<16xi32>
    %shift_right_arithmetic3A_2806 = arith.shrsi %get3A_2793, %shift_right_arithmetic3A_2805 : vector<16xi32>
    %and3A_2807 = arith.constant 1 : i32
    %and3A_2808 = vector.broadcast %and3A_2807 : i32 to vector<16xi32>
    %and3A_2809 = arith.andi %shift_right_arithmetic3A_2806, %and3A_2808 : vector<16xi32>
    %add3A_2810 = arith.addi %add3A_2803, %and3A_2809 : vector<16xi32>
    %swap3A_2811 = arith.constant 240 : index
    %swap3A_2812 = tpu.vector_load %arg5[%swap3A_2811] {strides = array<i32>} : memref<800xi32, #tpu.memory_space<vmem>>, vector<16xi32>,
    %swap3A_2813 = vector.shape_cast %swap3A_2812 : vector<16xi32> to vector<16xi32>
    %swap3A_2814 = vector.shape_cast %add3A_2810 : vector<16xi32> to vector<16xi32>
    tpu.vector_store %arg5[%swap3A_2811], %swap3A_2814 {strides = array<i32>} : memref<800xi32, #tpu.memory_space<vmem>>, vector<16xi32>,
    %get3A_2815 = arith.constant 256 : index
    %get3A_2816 = tpu.vector_load %arg5[%get3A_2815] {strides = array<i32>} : memref<800xi32, #tpu.memory_space<vmem>>, vector<16xi32>,
    %get3A_2817 = vector.shape_cast %get3A_2816 : vector<16xi32> to vector<16xi32>
    %and3A_2818 = arith.constant -32768 : i32
    %and3A_2819 = vector.broadcast %and3A_2818 : i32 to vector<16xi32>
    %and3A_2820 = arith.andi %get3A_2817, %and3A_2819 : vector<16xi32>
    %and3A_2821 = arith.constant 16383 : i32
    %and3A_2822 = vector.broadcast %and3A_2821 : i32 to vector<16xi32>
    %and3A_2823 = arith.andi %get3A_2817, %and3A_2822 : vector<16xi32>
    %shift_left3A_2824 = arith.constant 1 : i32
    %shift_left3A_2825 = vector.broadcast %shift_left3A_2824 : i32 to vector<16xi32>
    %shift_left3A_2826 = arith.shli %and3A_2823, %shift_left3A_2825 : vector<16xi32>
    %add3A_2827 = arith.addi %and3A_2820, %shift_left3A_2826 : vector<16xi32>
    %shift_right_arithmetic3A_2828 = arith.constant 14 : i32
    %shift_right_arithmetic3A_2829 = vector.broadcast %shift_right_arithmetic3A_2828 : i32 to vector<16xi32>
    %shift_right_arithmetic3A_2830 = arith.shrsi %get3A_2817, %shift_right_arithmetic3A_2829 : vector<16xi32>
    %and3A_2831 = arith.constant 1 : i32
    %and3A_2832 = vector.broadcast %and3A_2831 : i32 to vector<16xi32>
    %and3A_2833 = arith.andi %shift_right_arithmetic3A_2830, %and3A_2832 : vector<16xi32>
    %add3A_2834 = arith.addi %add3A_2827, %and3A_2833 : vector<16xi32>
    %swap3A_2835 = arith.constant 256 : index
    %swap3A_2836 = tpu.vector_load %arg5[%swap3A_2835] {strides = array<i32>} : memref<800xi32, #tpu.memory_space<vmem>>, vector<16xi32>,
    %swap3A_2837 = vector.shape_cast %swap3A_2836 : vector<16xi32> to vector<16xi32>
    %swap3A_2838 = vector.shape_cast %add3A_2834 : vector<16xi32> to vector<16xi32>
    tpu.vector_store %arg5[%swap3A_2835], %swap3A_2838 {strides = array<i32>} : memref<800xi32, #tpu.memory_space<vmem>>, vector<16xi32>,
    %get3A_2839 = arith.constant 272 : index
    %get3A_2840 = tpu.vector_load %arg5[%get3A_2839] {strides = array<i32>} : memref<800xi32, #tpu.memory_space<vmem>>, vector<16xi32>,
    %get3A_2841 = vector.shape_cast %get3A_2840 : vector<16xi32> to vector<16xi32>
    %and3A_2842 = arith.constant -32768 : i32
    %and3A_2843 = vector.broadcast %and3A_2842 : i32 to vector<16xi32>
    %and3A_2844 = arith.andi %get3A_2841, %and3A_2843 : vector<16xi32>
    %and3A_2845 = arith.constant 16383 : i32
    %and3A_2846 = vector.broadcast %and3A_2845 : i32 to vector<16xi32>
    %and3A_2847 = arith.andi %get3A_2841, %and3A_2846 : vector<16xi32>
    %shift_left3A_2848 = arith.constant 1 : i32
    %shift_left3A_2849 = vector.broadcast %shift_left3A_2848 : i32 to vector<16xi32>
    %shift_left3A_2850 = arith.shli %and3A_2847, %shift_left3A_2849 : vector<16xi32>
    %add3A_2851 = arith.addi %and3A_2844, %shift_left3A_2850 : vector<16xi32>
    %shift_right_arithmetic3A_2852 = arith.constant 14 : i32
    %shift_right_arithmetic3A_2853 = vector.broadcast %shift_right_arithmetic3A_2852 : i32 to vector<16xi32>
    %shift_right_arithmetic3A_2854 = arith.shrsi %get3A_2841, %shift_right_arithmetic3A_2853 : vector<16xi32>
    %and3A_2855 = arith.constant 1 : i32
    %and3A_2856 = vector.broadcast %and3A_2855 : i32 to vector<16xi32>
    %and3A_2857 = arith.andi %shift_right_arithmetic3A_2854, %and3A_2856 : vector<16xi32>
    %add3A_2858 = arith.addi %add3A_2851, %and3A_2857 : vector<16xi32>
    %swap3A_2859 = arith.constant 272 : index
    %swap3A_2860 = tpu.vector_load %arg5[%swap3A_2859] {strides = array<i32>} : memref<800xi32, #tpu.memory_space<vmem>>, vector<16xi32>,
    %swap3A_2861 = vector.shape_cast %swap3A_2860 : vector<16xi32> to vector<16xi32>
    %swap3A_2862 = vector.shape_cast %add3A_2858 : vector<16xi32> to vector<16xi32>
    tpu.vector_store %arg5[%swap3A_2859], %swap3A_2862 {strides = array<i32>} : memref<800xi32, #tpu.memory_space<vmem>>, vector<16xi32>,
    %get3A_2863 = arith.constant 288 : index
    %get3A_2864 = tpu.vector_load %arg5[%get3A_2863] {strides = array<i32>} : memref<800xi32, #tpu.memory_space<vmem>>, vector<16xi32>,
    %get3A_2865 = vector.shape_cast %get3A_2864 : vector<16xi32> to vector<16xi32>
    %and3A_2866 = arith.constant -32768 : i32
    %and3A_2867 = vector.broadcast %and3A_2866 : i32 to vector<16xi32>
    %and3A_2868 = arith.andi %get3A_2865, %and3A_2867 : vector<16xi32>
    %and3A_2869 = arith.constant 16383 : i32
    %and3A_2870 = vector.broadcast %and3A_2869 : i32 to vector<16xi32>
    %and3A_2871 = arith.andi %get3A_2865, %and3A_2870 : vector<16xi32>
    %shift_left3A_2872 = arith.constant 1 : i32
    %shift_left3A_2873 = vector.broadcast %shift_left3A_2872 : i32 to vector<16xi32>
    %shift_left3A_2874 = arith.shli %and3A_2871, %shift_left3A_2873 : vector<16xi32>
    %add3A_2875 = arith.addi %and3A_2868, %shift_left3A_2874 : vector<16xi32>
    %shift_right_arithmetic3A_2876 = arith.constant 14 : i32
    %shift_right_arithmetic3A_2877 = vector.broadcast %shift_right_arithmetic3A_2876 : i32 to vector<16xi32>
    %shift_right_arithmetic3A_2878 = arith.shrsi %get3A_2865, %shift_right_arithmetic3A_2877 : vector<16xi32>
    %and3A_2879 = arith.constant 1 : i32
    %and3A_2880 = vector.broadcast %and3A_2879 : i32 to vector<16xi32>
    %and3A_2881 = arith.andi %shift_right_arithmetic3A_2878, %and3A_2880 : vector<16xi32>
    %add3A_2882 = arith.addi %add3A_2875, %and3A_2881 : vector<16xi32>
    %swap3A_2883 = arith.constant 288 : index
    %swap3A_2884 = tpu.vector_load %arg5[%swap3A_2883] {strides = array<i32>} : memref<800xi32, #tpu.memory_space<vmem>>, vector<16xi32>,
    %swap3A_2885 = vector.shape_cast %swap3A_2884 : vector<16xi32> to vector<16xi32>
    %swap3A_2886 = vector.shape_cast %add3A_2882 : vector<16xi32> to vector<16xi32>
    tpu.vector_store %arg5[%swap3A_2883], %swap3A_2886 {strides = array<i32>} : memref<800xi32, #tpu.memory_space<vmem>>, vector<16xi32>,
    %get3A_2887 = arith.constant 304 : index
    %get3A_2888 = tpu.vector_load %arg5[%get3A_2887] {strides = array<i32>} : memref<800xi32, #tpu.memory_space<vmem>>, vector<16xi32>,
    %get3A_2889 = vector.shape_cast %get3A_2888 : vector<16xi32> to vector<16xi32>
    %and3A_2890 = arith.constant -32768 : i32
    %and3A_2891 = vector.broadcast %and3A_2890 : i32 to vector<16xi32>
    %and3A_2892 = arith.andi %get3A_2889, %and3A_2891 : vector<16xi32>
    %and3A_2893 = arith.constant 16383 : i32
    %and3A_2894 = vector.broadcast %and3A_2893 : i32 to vector<16xi32>
    %and3A_2895 = arith.andi %get3A_2889, %and3A_2894 : vector<16xi32>
    %shift_left3A_2896 = arith.constant 1 : i32
    %shift_left3A_2897 = vector.broadcast %shift_left3A_2896 : i32 to vector<16xi32>
    %shift_left3A_2898 = arith.shli %and3A_2895, %shift_left3A_2897 : vector<16xi32>
    %add3A_2899 = arith.addi %and3A_2892, %shift_left3A_2898 : vector<16xi32>
    %shift_right_arithmetic3A_2900 = arith.constant 14 : i32
    %shift_right_arithmetic3A_2901 = vector.broadcast %shift_right_arithmetic3A_2900 : i32 to vector<16xi32>
    %shift_right_arithmetic3A_2902 = arith.shrsi %get3A_2889, %shift_right_arithmetic3A_2901 : vector<16xi32>
    %and3A_2903 = arith.constant 1 : i32
    %and3A_2904 = vector.broadcast %and3A_2903 : i32 to vector<16xi32>
    %and3A_2905 = arith.andi %shift_right_arithmetic3A_2902, %and3A_2904 : vector<16xi32>
    %add3A_2906 = arith.addi %add3A_2899, %and3A_2905 : vector<16xi32>
    %swap3A_2907 = arith.constant 304 : index
    %swap3A_2908 = tpu.vector_load %arg5[%swap3A_2907] {strides = array<i32>} : memref<800xi32, #tpu.memory_space<vmem>>, vector<16xi32>,
    %swap3A_2909 = vector.shape_cast %swap3A_2908 : vector<16xi32> to vector<16xi32>
    %swap3A_2910 = vector.shape_cast %add3A_2906 : vector<16xi32> to vector<16xi32>
    tpu.vector_store %arg5[%swap3A_2907], %swap3A_2910 {strides = array<i32>} : memref<800xi32, #tpu.memory_space<vmem>>, vector<16xi32>,
    %get3A_2911 = arith.constant 320 : index
    %get3A_2912 = tpu.vector_load %arg5[%get3A_2911] {strides = array<i32>} : memref<800xi32, #tpu.memory_space<vmem>>, vector<16xi32>,
    %get3A_2913 = vector.shape_cast %get3A_2912 : vector<16xi32> to vector<16xi32>
    %and3A_2914 = arith.constant -32768 : i32
    %and3A_2915 = vector.broadcast %and3A_2914 : i32 to vector<16xi32>
    %and3A_2916 = arith.andi %get3A_2913, %and3A_2915 : vector<16xi32>
    %and3A_2917 = arith.constant 16383 : i32
    %and3A_2918 = vector.broadcast %and3A_2917 : i32 to vector<16xi32>
    %and3A_2919 = arith.andi %get3A_2913, %and3A_2918 : vector<16xi32>
    %shift_left3A_2920 = arith.constant 1 : i32
    %shift_left3A_2921 = vector.broadcast %shift_left3A_2920 : i32 to vector<16xi32>
    %shift_left3A_2922 = arith.shli %and3A_2919, %shift_left3A_2921 : vector<16xi32>
    %add3A_2923 = arith.addi %and3A_2916, %shift_left3A_2922 : vector<16xi32>
    %shift_right_arithmetic3A_2924 = arith.constant 14 : i32
    %shift_right_arithmetic3A_2925 = vector.broadcast %shift_right_arithmetic3A_2924 : i32 to vector<16xi32>
    %shift_right_arithmetic3A_2926 = arith.shrsi %get3A_2913, %shift_right_arithmetic3A_2925 : vector<16xi32>
    %and3A_2927 = arith.constant 1 : i32
    %and3A_2928 = vector.broadcast %and3A_2927 : i32 to vector<16xi32>
    %and3A_2929 = arith.andi %shift_right_arithmetic3A_2926, %and3A_2928 : vector<16xi32>
    %add3A_2930 = arith.addi %add3A_2923, %and3A_2929 : vector<16xi32>
    %swap3A_2931 = arith.constant 320 : index
    %swap3A_2932 = tpu.vector_load %arg5[%swap3A_2931] {strides = array<i32>} : memref<800xi32, #tpu.memory_space<vmem>>, vector<16xi32>,
    %swap3A_2933 = vector.shape_cast %swap3A_2932 : vector<16xi32> to vector<16xi32>
    %swap3A_2934 = vector.shape_cast %add3A_2930 : vector<16xi32> to vector<16xi32>
    tpu.vector_store %arg5[%swap3A_2931], %swap3A_2934 {strides = array<i32>} : memref<800xi32, #tpu.memory_space<vmem>>, vector<16xi32>,
    %get3A_2935 = arith.constant 336 : index
    %get3A_2936 = tpu.vector_load %arg5[%get3A_2935] {strides = array<i32>} : memref<800xi32, #tpu.memory_space<vmem>>, vector<16xi32>,
    %get3A_2937 = vector.shape_cast %get3A_2936 : vector<16xi32> to vector<16xi32>
    %and3A_2938 = arith.constant -32768 : i32
    %and3A_2939 = vector.broadcast %and3A_2938 : i32 to vector<16xi32>
    %and3A_2940 = arith.andi %get3A_2937, %and3A_2939 : vector<16xi32>
    %and3A_2941 = arith.constant 16383 : i32
    %and3A_2942 = vector.broadcast %and3A_2941 : i32 to vector<16xi32>
    %and3A_2943 = arith.andi %get3A_2937, %and3A_2942 : vector<16xi32>
    %shift_left3A_2944 = arith.constant 1 : i32
    %shift_left3A_2945 = vector.broadcast %shift_left3A_2944 : i32 to vector<16xi32>
    %shift_left3A_2946 = arith.shli %and3A_2943, %shift_left3A_2945 : vector<16xi32>
    %add3A_2947 = arith.addi %and3A_2940, %shift_left3A_2946 : vector<16xi32>
    %shift_right_arithmetic3A_2948 = arith.constant 14 : i32
    %shift_right_arithmetic3A_2949 = vector.broadcast %shift_right_arithmetic3A_2948 : i32 to vector<16xi32>
    %shift_right_arithmetic3A_2950 = arith.shrsi %get3A_2937, %shift_right_arithmetic3A_2949 : vector<16xi32>
    %and3A_2951 = arith.constant 1 : i32
    %and3A_2952 = vector.broadcast %and3A_2951 : i32 to vector<16xi32>
    %and3A_2953 = arith.andi %shift_right_arithmetic3A_2950, %and3A_2952 : vector<16xi32>
    %add3A_2954 = arith.addi %add3A_2947, %and3A_2953 : vector<16xi32>
    %swap3A_2955 = arith.constant 336 : index
    %swap3A_2956 = tpu.vector_load %arg5[%swap3A_2955] {strides = array<i32>} : memref<800xi32, #tpu.memory_space<vmem>>, vector<16xi32>,
    %swap3A_2957 = vector.shape_cast %swap3A_2956 : vector<16xi32> to vector<16xi32>
    %swap3A_2958 = vector.shape_cast %add3A_2954 : vector<16xi32> to vector<16xi32>
    tpu.vector_store %arg5[%swap3A_2955], %swap3A_2958 {strides = array<i32>} : memref<800xi32, #tpu.memory_space<vmem>>, vector<16xi32>,
    %get3A_2959 = arith.constant 352 : index
    %get3A_2960 = tpu.vector_load %arg5[%get3A_2959] {strides = array<i32>} : memref<800xi32, #tpu.memory_space<vmem>>, vector<16xi32>,
    %get3A_2961 = vector.shape_cast %get3A_2960 : vector<16xi32> to vector<16xi32>
    %and3A_2962 = arith.constant -32768 : i32
    %and3A_2963 = vector.broadcast %and3A_2962 : i32 to vector<16xi32>
    %and3A_2964 = arith.andi %get3A_2961, %and3A_2963 : vector<16xi32>
    %and3A_2965 = arith.constant 16383 : i32
    %and3A_2966 = vector.broadcast %and3A_2965 : i32 to vector<16xi32>
    %and3A_2967 = arith.andi %get3A_2961, %and3A_2966 : vector<16xi32>
    %shift_left3A_2968 = arith.constant 1 : i32
    %shift_left3A_2969 = vector.broadcast %shift_left3A_2968 : i32 to vector<16xi32>
    %shift_left3A_2970 = arith.shli %and3A_2967, %shift_left3A_2969 : vector<16xi32>
    %add3A_2971 = arith.addi %and3A_2964, %shift_left3A_2970 : vector<16xi32>
    %shift_right_arithmetic3A_2972 = arith.constant 14 : i32
    %shift_right_arithmetic3A_2973 = vector.broadcast %shift_right_arithmetic3A_2972 : i32 to vector<16xi32>
    %shift_right_arithmetic3A_2974 = arith.shrsi %get3A_2961, %shift_right_arithmetic3A_2973 : vector<16xi32>
    %and3A_2975 = arith.constant 1 : i32
    %and3A_2976 = vector.broadcast %and3A_2975 : i32 to vector<16xi32>
    %and3A_2977 = arith.andi %shift_right_arithmetic3A_2974, %and3A_2976 : vector<16xi32>
    %add3A_2978 = arith.addi %add3A_2971, %and3A_2977 : vector<16xi32>
    %swap3A_2979 = arith.constant 352 : index
    %swap3A_2980 = tpu.vector_load %arg5[%swap3A_2979] {strides = array<i32>} : memref<800xi32, #tpu.memory_space<vmem>>, vector<16xi32>,
    %swap3A_2981 = vector.shape_cast %swap3A_2980 : vector<16xi32> to vector<16xi32>
    %swap3A_2982 = vector.shape_cast %add3A_2978 : vector<16xi32> to vector<16xi32>
    tpu.vector_store %arg5[%swap3A_2979], %swap3A_2982 {strides = array<i32>} : memref<800xi32, #tpu.memory_space<vmem>>, vector<16xi32>,
    %get3A_2983 = arith.constant 368 : index
    %get3A_2984 = tpu.vector_load %arg5[%get3A_2983] {strides = array<i32>} : memref<800xi32, #tpu.memory_space<vmem>>, vector<16xi32>,
    %get3A_2985 = vector.shape_cast %get3A_2984 : vector<16xi32> to vector<16xi32>
    %and3A_2986 = arith.constant -32768 : i32
    %and3A_2987 = vector.broadcast %and3A_2986 : i32 to vector<16xi32>
    %and3A_2988 = arith.andi %get3A_2985, %and3A_2987 : vector<16xi32>
    %and3A_2989 = arith.constant 16383 : i32
    %and3A_2990 = vector.broadcast %and3A_2989 : i32 to vector<16xi32>
    %and3A_2991 = arith.andi %get3A_2985, %and3A_2990 : vector<16xi32>
    %shift_left3A_2992 = arith.constant 1 : i32
    %shift_left3A_2993 = vector.broadcast %shift_left3A_2992 : i32 to vector<16xi32>
    %shift_left3A_2994 = arith.shli %and3A_2991, %shift_left3A_2993 : vector<16xi32>
    %add3A_2995 = arith.addi %and3A_2988, %shift_left3A_2994 : vector<16xi32>
    %shift_right_arithmetic3A_2996 = arith.constant 14 : i32
    %shift_right_arithmetic3A_2997 = vector.broadcast %shift_right_arithmetic3A_2996 : i32 to vector<16xi32>
    %shift_right_arithmetic3A_2998 = arith.shrsi %get3A_2985, %shift_right_arithmetic3A_2997 : vector<16xi32>
    %and3A_2999 = arith.constant 1 : i32
    %and3A_3000 = vector.broadcast %and3A_2999 : i32 to vector<16xi32>
    %and3A_3001 = arith.andi %shift_right_arithmetic3A_2998, %and3A_3000 : vector<16xi32>
    %add3A_3002 = arith.addi %add3A_2995, %and3A_3001 : vector<16xi32>
    %swap3A_3003 = arith.constant 368 : index
    %swap3A_3004 = tpu.vector_load %arg5[%swap3A_3003] {strides = array<i32>} : memref<800xi32, #tpu.memory_space<vmem>>, vector<16xi32>,
    %swap3A_3005 = vector.shape_cast %swap3A_3004 : vector<16xi32> to vector<16xi32>
    %swap3A_3006 = vector.shape_cast %add3A_3002 : vector<16xi32> to vector<16xi32>
    tpu.vector_store %arg5[%swap3A_3003], %swap3A_3006 {strides = array<i32>} : memref<800xi32, #tpu.memory_space<vmem>>, vector<16xi32>,
    %get3A_3007 = arith.constant 384 : index
    %get3A_3008 = tpu.vector_load %arg5[%get3A_3007] {strides = array<i32>} : memref<800xi32, #tpu.memory_space<vmem>>, vector<16xi32>,
    %get3A_3009 = vector.shape_cast %get3A_3008 : vector<16xi32> to vector<16xi32>
    %and3A_3010 = arith.constant -32768 : i32
    %and3A_3011 = vector.broadcast %and3A_3010 : i32 to vector<16xi32>
    %and3A_3012 = arith.andi %get3A_3009, %and3A_3011 : vector<16xi32>
    %and3A_3013 = arith.constant 16383 : i32
    %and3A_3014 = vector.broadcast %and3A_3013 : i32 to vector<16xi32>
    %and3A_3015 = arith.andi %get3A_3009, %and3A_3014 : vector<16xi32>
    %shift_left3A_3016 = arith.constant 1 : i32
    %shift_left3A_3017 = vector.broadcast %shift_left3A_3016 : i32 to vector<16xi32>
    %shift_left3A_3018 = arith.shli %and3A_3015, %shift_left3A_3017 : vector<16xi32>
    %add3A_3019 = arith.addi %and3A_3012, %shift_left3A_3018 : vector<16xi32>
    %shift_right_arithmetic3A_3020 = arith.constant 14 : i32
    %shift_right_arithmetic3A_3021 = vector.broadcast %shift_right_arithmetic3A_3020 : i32 to vector<16xi32>
    %shift_right_arithmetic3A_3022 = arith.shrsi %get3A_3009, %shift_right_arithmetic3A_3021 : vector<16xi32>
    %and3A_3023 = arith.constant 1 : i32
    %and3A_3024 = vector.broadcast %and3A_3023 : i32 to vector<16xi32>
    %and3A_3025 = arith.andi %shift_right_arithmetic3A_3022, %and3A_3024 : vector<16xi32>
    %add3A_3026 = arith.addi %add3A_3019, %and3A_3025 : vector<16xi32>
    %swap3A_3027 = arith.constant 384 : index
    %swap3A_3028 = tpu.vector_load %arg5[%swap3A_3027] {strides = array<i32>} : memref<800xi32, #tpu.memory_space<vmem>>, vector<16xi32>,
    %swap3A_3029 = vector.shape_cast %swap3A_3028 : vector<16xi32> to vector<16xi32>
    %swap3A_3030 = vector.shape_cast %add3A_3026 : vector<16xi32> to vector<16xi32>
    tpu.vector_store %arg5[%swap3A_3027], %swap3A_3030 {strides = array<i32>} : memref<800xi32, #tpu.memory_space<vmem>>, vector<16xi32>,
    %get3A_3031 = arith.constant 400 : index
    %get3A_3032 = tpu.vector_load %arg5[%get3A_3031] {strides = array<i32>} : memref<800xi32, #tpu.memory_space<vmem>>, vector<16xi32>,
    %get3A_3033 = vector.shape_cast %get3A_3032 : vector<16xi32> to vector<16xi32>
    %and3A_3034 = arith.constant -32768 : i32
    %and3A_3035 = vector.broadcast %and3A_3034 : i32 to vector<16xi32>
    %and3A_3036 = arith.andi %get3A_3033, %and3A_3035 : vector<16xi32>
    %and3A_3037 = arith.constant 16383 : i32
    %and3A_3038 = vector.broadcast %and3A_3037 : i32 to vector<16xi32>
    %and3A_3039 = arith.andi %get3A_3033, %and3A_3038 : vector<16xi32>
    %shift_left3A_3040 = arith.constant 1 : i32
    %shift_left3A_3041 = vector.broadcast %shift_left3A_3040 : i32 to vector<16xi32>
    %shift_left3A_3042 = arith.shli %and3A_3039, %shift_left3A_3041 : vector<16xi32>
    %add3A_3043 = arith.addi %and3A_3036, %shift_left3A_3042 : vector<16xi32>
    %shift_right_arithmetic3A_3044 = arith.constant 14 : i32
    %shift_right_arithmetic3A_3045 = vector.broadcast %shift_right_arithmetic3A_3044 : i32 to vector<16xi32>
    %shift_right_arithmetic3A_3046 = arith.shrsi %get3A_3033, %shift_right_arithmetic3A_3045 : vector<16xi32>
    %and3A_3047 = arith.constant 1 : i32
    %and3A_3048 = vector.broadcast %and3A_3047 : i32 to vector<16xi32>
    %and3A_3049 = arith.andi %shift_right_arithmetic3A_3046, %and3A_3048 : vector<16xi32>
    %add3A_3050 = arith.addi %add3A_3043, %and3A_3049 : vector<16xi32>
    %swap3A_3051 = arith.constant 400 : index
    %swap3A_3052 = tpu.vector_load %arg5[%swap3A_3051] {strides = array<i32>} : memref<800xi32, #tpu.memory_space<vmem>>, vector<16xi32>,
    %swap3A_3053 = vector.shape_cast %swap3A_3052 : vector<16xi32> to vector<16xi32>
    %swap3A_3054 = vector.shape_cast %add3A_3050 : vector<16xi32> to vector<16xi32>
    tpu.vector_store %arg5[%swap3A_3051], %swap3A_3054 {strides = array<i32>} : memref<800xi32, #tpu.memory_space<vmem>>, vector<16xi32>,
    %get3A_3055 = arith.constant 416 : index
    %get3A_3056 = tpu.vector_load %arg5[%get3A_3055] {strides = array<i32>} : memref<800xi32, #tpu.memory_space<vmem>>, vector<16xi32>,
    %get3A_3057 = vector.shape_cast %get3A_3056 : vector<16xi32> to vector<16xi32>
    %and3A_3058 = arith.constant -32768 : i32
    %and3A_3059 = vector.broadcast %and3A_3058 : i32 to vector<16xi32>
    %and3A_3060 = arith.andi %get3A_3057, %and3A_3059 : vector<16xi32>
    %and3A_3061 = arith.constant 16383 : i32
    %and3A_3062 = vector.broadcast %and3A_3061 : i32 to vector<16xi32>
    %and3A_3063 = arith.andi %get3A_3057, %and3A_3062 : vector<16xi32>
    %shift_left3A_3064 = arith.constant 1 : i32
    %shift_left3A_3065 = vector.broadcast %shift_left3A_3064 : i32 to vector<16xi32>
    %shift_left3A_3066 = arith.shli %and3A_3063, %shift_left3A_3065 : vector<16xi32>
    %add3A_3067 = arith.addi %and3A_3060, %shift_left3A_3066 : vector<16xi32>
    %shift_right_arithmetic3A_3068 = arith.constant 14 : i32
    %shift_right_arithmetic3A_3069 = vector.broadcast %shift_right_arithmetic3A_3068 : i32 to vector<16xi32>
    %shift_right_arithmetic3A_3070 = arith.shrsi %get3A_3057, %shift_right_arithmetic3A_3069 : vector<16xi32>
    %and3A_3071 = arith.constant 1 : i32
    %and3A_3072 = vector.broadcast %and3A_3071 : i32 to vector<16xi32>
    %and3A_3073 = arith.andi %shift_right_arithmetic3A_3070, %and3A_3072 : vector<16xi32>
    %add3A_3074 = arith.addi %add3A_3067, %and3A_3073 : vector<16xi32>
    %swap3A_3075 = arith.constant 416 : index
    %swap3A_3076 = tpu.vector_load %arg5[%swap3A_3075] {strides = array<i32>} : memref<800xi32, #tpu.memory_space<vmem>>, vector<16xi32>,
    %swap3A_3077 = vector.shape_cast %swap3A_3076 : vector<16xi32> to vector<16xi32>
    %swap3A_3078 = vector.shape_cast %add3A_3074 : vector<16xi32> to vector<16xi32>
    tpu.vector_store %arg5[%swap3A_3075], %swap3A_3078 {strides = array<i32>} : memref<800xi32, #tpu.memory_space<vmem>>, vector<16xi32>,
    %get3A_3079 = arith.constant 432 : index
    %get3A_3080 = tpu.vector_load %arg5[%get3A_3079] {strides = array<i32>} : memref<800xi32, #tpu.memory_space<vmem>>, vector<16xi32>,
    %get3A_3081 = vector.shape_cast %get3A_3080 : vector<16xi32> to vector<16xi32>
    %and3A_3082 = arith.constant -32768 : i32
    %and3A_3083 = vector.broadcast %and3A_3082 : i32 to vector<16xi32>
    %and3A_3084 = arith.andi %get3A_3081, %and3A_3083 : vector<16xi32>
    %and3A_3085 = arith.constant 16383 : i32
    %and3A_3086 = vector.broadcast %and3A_3085 : i32 to vector<16xi32>
    %and3A_3087 = arith.andi %get3A_3081, %and3A_3086 : vector<16xi32>
    %shift_left3A_3088 = arith.constant 1 : i32
    %shift_left3A_3089 = vector.broadcast %shift_left3A_3088 : i32 to vector<16xi32>
    %shift_left3A_3090 = arith.shli %and3A_3087, %shift_left3A_3089 : vector<16xi32>
    %add3A_3091 = arith.addi %and3A_3084, %shift_left3A_3090 : vector<16xi32>
    %shift_right_arithmetic3A_3092 = arith.constant 14 : i32
    %shift_right_arithmetic3A_3093 = vector.broadcast %shift_right_arithmetic3A_3092 : i32 to vector<16xi32>
    %shift_right_arithmetic3A_3094 = arith.shrsi %get3A_3081, %shift_right_arithmetic3A_3093 : vector<16xi32>
    %and3A_3095 = arith.constant 1 : i32
    %and3A_3096 = vector.broadcast %and3A_3095 : i32 to vector<16xi32>
    %and3A_3097 = arith.andi %shift_right_arithmetic3A_3094, %and3A_3096 : vector<16xi32>
    %add3A_3098 = arith.addi %add3A_3091, %and3A_3097 : vector<16xi32>
    %swap3A_3099 = arith.constant 432 : index
    %swap3A_3100 = tpu.vector_load %arg5[%swap3A_3099] {strides = array<i32>} : memref<800xi32, #tpu.memory_space<vmem>>, vector<16xi32>,
    %swap3A_3101 = vector.shape_cast %swap3A_3100 : vector<16xi32> to vector<16xi32>
    %swap3A_3102 = vector.shape_cast %add3A_3098 : vector<16xi32> to vector<16xi32>
    tpu.vector_store %arg5[%swap3A_3099], %swap3A_3102 {strides = array<i32>} : memref<800xi32, #tpu.memory_space<vmem>>, vector<16xi32>,
    %get3A_3103 = arith.constant 448 : index
    %get3A_3104 = tpu.vector_load %arg5[%get3A_3103] {strides = array<i32>} : memref<800xi32, #tpu.memory_space<vmem>>, vector<16xi32>,
    %get3A_3105 = vector.shape_cast %get3A_3104 : vector<16xi32> to vector<16xi32>
    %and3A_3106 = arith.constant -32768 : i32
    %and3A_3107 = vector.broadcast %and3A_3106 : i32 to vector<16xi32>
    %and3A_3108 = arith.andi %get3A_3105, %and3A_3107 : vector<16xi32>
    %and3A_3109 = arith.constant 16383 : i32
    %and3A_3110 = vector.broadcast %and3A_3109 : i32 to vector<16xi32>
    %and3A_3111 = arith.andi %get3A_3105, %and3A_3110 : vector<16xi32>
    %shift_left3A_3112 = arith.constant 1 : i32
    %shift_left3A_3113 = vector.broadcast %shift_left3A_3112 : i32 to vector<16xi32>
    %shift_left3A_3114 = arith.shli %and3A_3111, %shift_left3A_3113 : vector<16xi32>
    %add3A_3115 = arith.addi %and3A_3108, %shift_left3A_3114 : vector<16xi32>
    %shift_right_arithmetic3A_3116 = arith.constant 14 : i32
    %shift_right_arithmetic3A_3117 = vector.broadcast %shift_right_arithmetic3A_3116 : i32 to vector<16xi32>
    %shift_right_arithmetic3A_3118 = arith.shrsi %get3A_3105, %shift_right_arithmetic3A_3117 : vector<16xi32>
    %and3A_3119 = arith.constant 1 : i32
    %and3A_3120 = vector.broadcast %and3A_3119 : i32 to vector<16xi32>
    %and3A_3121 = arith.andi %shift_right_arithmetic3A_3118, %and3A_3120 : vector<16xi32>
    %add3A_3122 = arith.addi %add3A_3115, %and3A_3121 : vector<16xi32>
    %swap3A_3123 = arith.constant 448 : index
    %swap3A_3124 = tpu.vector_load %arg5[%swap3A_3123] {strides = array<i32>} : memref<800xi32, #tpu.memory_space<vmem>>, vector<16xi32>,
    %swap3A_3125 = vector.shape_cast %swap3A_3124 : vector<16xi32> to vector<16xi32>
    %swap3A_3126 = vector.shape_cast %add3A_3122 : vector<16xi32> to vector<16xi32>
    tpu.vector_store %arg5[%swap3A_3123], %swap3A_3126 {strides = array<i32>} : memref<800xi32, #tpu.memory_space<vmem>>, vector<16xi32>,
    %get3A_3127 = arith.constant 464 : index
    %get3A_3128 = tpu.vector_load %arg5[%get3A_3127] {strides = array<i32>} : memref<800xi32, #tpu.memory_space<vmem>>, vector<16xi32>,
    %get3A_3129 = vector.shape_cast %get3A_3128 : vector<16xi32> to vector<16xi32>
    %and3A_3130 = arith.constant -32768 : i32
    %and3A_3131 = vector.broadcast %and3A_3130 : i32 to vector<16xi32>
    %and3A_3132 = arith.andi %get3A_3129, %and3A_3131 : vector<16xi32>
    %and3A_3133 = arith.constant 16383 : i32
    %and3A_3134 = vector.broadcast %and3A_3133 : i32 to vector<16xi32>
    %and3A_3135 = arith.andi %get3A_3129, %and3A_3134 : vector<16xi32>
    %shift_left3A_3136 = arith.constant 1 : i32
    %shift_left3A_3137 = vector.broadcast %shift_left3A_3136 : i32 to vector<16xi32>
    %shift_left3A_3138 = arith.shli %and3A_3135, %shift_left3A_3137 : vector<16xi32>
    %add3A_3139 = arith.addi %and3A_3132, %shift_left3A_3138 : vector<16xi32>
    %shift_right_arithmetic3A_3140 = arith.constant 14 : i32
    %shift_right_arithmetic3A_3141 = vector.broadcast %shift_right_arithmetic3A_3140 : i32 to vector<16xi32>
    %shift_right_arithmetic3A_3142 = arith.shrsi %get3A_3129, %shift_right_arithmetic3A_3141 : vector<16xi32>
    %and3A_3143 = arith.constant 1 : i32
    %and3A_3144 = vector.broadcast %and3A_3143 : i32 to vector<16xi32>
    %and3A_3145 = arith.andi %shift_right_arithmetic3A_3142, %and3A_3144 : vector<16xi32>
    %add3A_3146 = arith.addi %add3A_3139, %and3A_3145 : vector<16xi32>
    %swap3A_3147 = arith.constant 464 : index
    %swap3A_3148 = tpu.vector_load %arg5[%swap3A_3147] {strides = array<i32>} : memref<800xi32, #tpu.memory_space<vmem>>, vector<16xi32>,
    %swap3A_3149 = vector.shape_cast %swap3A_3148 : vector<16xi32> to vector<16xi32>
    %swap3A_3150 = vector.shape_cast %add3A_3146 : vector<16xi32> to vector<16xi32>
    tpu.vector_store %arg5[%swap3A_3147], %swap3A_3150 {strides = array<i32>} : memref<800xi32, #tpu.memory_space<vmem>>, vector<16xi32>,
    %get3A_3151 = arith.constant 480 : index
    %get3A_3152 = tpu.vector_load %arg5[%get3A_3151] {strides = array<i32>} : memref<800xi32, #tpu.memory_space<vmem>>, vector<16xi32>,
    %get3A_3153 = vector.shape_cast %get3A_3152 : vector<16xi32> to vector<16xi32>
    %and3A_3154 = arith.constant -32768 : i32
    %and3A_3155 = vector.broadcast %and3A_3154 : i32 to vector<16xi32>
    %and3A_3156 = arith.andi %get3A_3153, %and3A_3155 : vector<16xi32>
    %and3A_3157 = arith.constant 16383 : i32
    %and3A_3158 = vector.broadcast %and3A_3157 : i32 to vector<16xi32>
    %and3A_3159 = arith.andi %get3A_3153, %and3A_3158 : vector<16xi32>
    %shift_left3A_3160 = arith.constant 1 : i32
    %shift_left3A_3161 = vector.broadcast %shift_left3A_3160 : i32 to vector<16xi32>
    %shift_left3A_3162 = arith.shli %and3A_3159, %shift_left3A_3161 : vector<16xi32>
    %add3A_3163 = arith.addi %and3A_3156, %shift_left3A_3162 : vector<16xi32>
    %shift_right_arithmetic3A_3164 = arith.constant 14 : i32
    %shift_right_arithmetic3A_3165 = vector.broadcast %shift_right_arithmetic3A_3164 : i32 to vector<16xi32>
    %shift_right_arithmetic3A_3166 = arith.shrsi %get3A_3153, %shift_right_arithmetic3A_3165 : vector<16xi32>
    %and3A_3167 = arith.constant 1 : i32
    %and3A_3168 = vector.broadcast %and3A_3167 : i32 to vector<16xi32>
    %and3A_3169 = arith.andi %shift_right_arithmetic3A_3166, %and3A_3168 : vector<16xi32>
    %add3A_3170 = arith.addi %add3A_3163, %and3A_3169 : vector<16xi32>
    %swap3A_3171 = arith.constant 480 : index
    %swap3A_3172 = tpu.vector_load %arg5[%swap3A_3171] {strides = array<i32>} : memref<800xi32, #tpu.memory_space<vmem>>, vector<16xi32>,
    %swap3A_3173 = vector.shape_cast %swap3A_3172 : vector<16xi32> to vector<16xi32>
    %swap3A_3174 = vector.shape_cast %add3A_3170 : vector<16xi32> to vector<16xi32>
    tpu.vector_store %arg5[%swap3A_3171], %swap3A_3174 {strides = array<i32>} : memref<800xi32, #tpu.memory_space<vmem>>, vector<16xi32>,
    %get3A_3175 = arith.constant 496 : index
    %get3A_3176 = tpu.vector_load %arg5[%get3A_3175] {strides = array<i32>} : memref<800xi32, #tpu.memory_space<vmem>>, vector<16xi32>,
    %get3A_3177 = vector.shape_cast %get3A_3176 : vector<16xi32> to vector<16xi32>
    %and3A_3178 = arith.constant -32768 : i32
    %and3A_3179 = vector.broadcast %and3A_3178 : i32 to vector<16xi32>
    %and3A_3180 = arith.andi %get3A_3177, %and3A_3179 : vector<16xi32>
    %and3A_3181 = arith.constant 16383 : i32
    %and3A_3182 = vector.broadcast %and3A_3181 : i32 to vector<16xi32>
    %and3A_3183 = arith.andi %get3A_3177, %and3A_3182 : vector<16xi32>
    %shift_left3A_3184 = arith.constant 1 : i32
    %shift_left3A_3185 = vector.broadcast %shift_left3A_3184 : i32 to vector<16xi32>
    %shift_left3A_3186 = arith.shli %and3A_3183, %shift_left3A_3185 : vector<16xi32>
    %add3A_3187 = arith.addi %and3A_3180, %shift_left3A_3186 : vector<16xi32>
    %shift_right_arithmetic3A_3188 = arith.constant 14 : i32
    %shift_right_arithmetic3A_3189 = vector.broadcast %shift_right_arithmetic3A_3188 : i32 to vector<16xi32>
    %shift_right_arithmetic3A_3190 = arith.shrsi %get3A_3177, %shift_right_arithmetic3A_3189 : vector<16xi32>
    %and3A_3191 = arith.constant 1 : i32
    %and3A_3192 = vector.broadcast %and3A_3191 : i32 to vector<16xi32>
    %and3A_3193 = arith.andi %shift_right_arithmetic3A_3190, %and3A_3192 : vector<16xi32>
    %add3A_3194 = arith.addi %add3A_3187, %and3A_3193 : vector<16xi32>
    %swap3A_3195 = arith.constant 496 : index
    %swap3A_3196 = tpu.vector_load %arg5[%swap3A_3195] {strides = array<i32>} : memref<800xi32, #tpu.memory_space<vmem>>, vector<16xi32>,
    %swap3A_3197 = vector.shape_cast %swap3A_3196 : vector<16xi32> to vector<16xi32>
    %swap3A_3198 = vector.shape_cast %add3A_3194 : vector<16xi32> to vector<16xi32>
    tpu.vector_store %arg5[%swap3A_3195], %swap3A_3198 {strides = array<i32>} : memref<800xi32, #tpu.memory_space<vmem>>, vector<16xi32>,
    %get3A_3199 = arith.constant 512 : index
    %get3A_3200 = tpu.vector_load %arg5[%get3A_3199] {strides = array<i32>} : memref<800xi32, #tpu.memory_space<vmem>>, vector<16xi32>,
    %get3A_3201 = vector.shape_cast %get3A_3200 : vector<16xi32> to vector<16xi32>
    %and3A_3202 = arith.constant -32768 : i32
    %and3A_3203 = vector.broadcast %and3A_3202 : i32 to vector<16xi32>
    %and3A_3204 = arith.andi %get3A_3201, %and3A_3203 : vector<16xi32>
    %and3A_3205 = arith.constant 16383 : i32
    %and3A_3206 = vector.broadcast %and3A_3205 : i32 to vector<16xi32>
    %and3A_3207 = arith.andi %get3A_3201, %and3A_3206 : vector<16xi32>
    %shift_left3A_3208 = arith.constant 1 : i32
    %shift_left3A_3209 = vector.broadcast %shift_left3A_3208 : i32 to vector<16xi32>
    %shift_left3A_3210 = arith.shli %and3A_3207, %shift_left3A_3209 : vector<16xi32>
    %add3A_3211 = arith.addi %and3A_3204, %shift_left3A_3210 : vector<16xi32>
    %shift_right_arithmetic3A_3212 = arith.constant 14 : i32
    %shift_right_arithmetic3A_3213 = vector.broadcast %shift_right_arithmetic3A_3212 : i32 to vector<16xi32>
    %shift_right_arithmetic3A_3214 = arith.shrsi %get3A_3201, %shift_right_arithmetic3A_3213 : vector<16xi32>
    %and3A_3215 = arith.constant 1 : i32
    %and3A_3216 = vector.broadcast %and3A_3215 : i32 to vector<16xi32>
    %and3A_3217 = arith.andi %shift_right_arithmetic3A_3214, %and3A_3216 : vector<16xi32>
    %add3A_3218 = arith.addi %add3A_3211, %and3A_3217 : vector<16xi32>
    %swap3A_3219 = arith.constant 512 : index
    %swap3A_3220 = tpu.vector_load %arg5[%swap3A_3219] {strides = array<i32>} : memref<800xi32, #tpu.memory_space<vmem>>, vector<16xi32>,
    %swap3A_3221 = vector.shape_cast %swap3A_3220 : vector<16xi32> to vector<16xi32>
    %swap3A_3222 = vector.shape_cast %add3A_3218 : vector<16xi32> to vector<16xi32>
    tpu.vector_store %arg5[%swap3A_3219], %swap3A_3222 {strides = array<i32>} : memref<800xi32, #tpu.memory_space<vmem>>, vector<16xi32>,
    %get3A_3223 = arith.constant 528 : index
    %get3A_3224 = tpu.vector_load %arg5[%get3A_3223] {strides = array<i32>} : memref<800xi32, #tpu.memory_space<vmem>>, vector<16xi32>,
    %get3A_3225 = vector.shape_cast %get3A_3224 : vector<16xi32> to vector<16xi32>
    %and3A_3226 = arith.constant -32768 : i32
    %and3A_3227 = vector.broadcast %and3A_3226 : i32 to vector<16xi32>
    %and3A_3228 = arith.andi %get3A_3225, %and3A_3227 : vector<16xi32>
    %and3A_3229 = arith.constant 16383 : i32
    %and3A_3230 = vector.broadcast %and3A_3229 : i32 to vector<16xi32>
    %and3A_3231 = arith.andi %get3A_3225, %and3A_3230 : vector<16xi32>
    %shift_left3A_3232 = arith.constant 1 : i32
    %shift_left3A_3233 = vector.broadcast %shift_left3A_3232 : i32 to vector<16xi32>
    %shift_left3A_3234 = arith.shli %and3A_3231, %shift_left3A_3233 : vector<16xi32>
    %add3A_3235 = arith.addi %and3A_3228, %shift_left3A_3234 : vector<16xi32>
    %shift_right_arithmetic3A_3236 = arith.constant 14 : i32
    %shift_right_arithmetic3A_3237 = vector.broadcast %shift_right_arithmetic3A_3236 : i32 to vector<16xi32>
    %shift_right_arithmetic3A_3238 = arith.shrsi %get3A_3225, %shift_right_arithmetic3A_3237 : vector<16xi32>
    %and3A_3239 = arith.constant 1 : i32
    %and3A_3240 = vector.broadcast %and3A_3239 : i32 to vector<16xi32>
    %and3A_3241 = arith.andi %shift_right_arithmetic3A_3238, %and3A_3240 : vector<16xi32>
    %add3A_3242 = arith.addi %add3A_3235, %and3A_3241 : vector<16xi32>
    %swap3A_3243 = arith.constant 528 : index
    %swap3A_3244 = tpu.vector_load %arg5[%swap3A_3243] {strides = array<i32>} : memref<800xi32, #tpu.memory_space<vmem>>, vector<16xi32>,
    %swap3A_3245 = vector.shape_cast %swap3A_3244 : vector<16xi32> to vector<16xi32>
    %swap3A_3246 = vector.shape_cast %add3A_3242 : vector<16xi32> to vector<16xi32>
    tpu.vector_store %arg5[%swap3A_3243], %swap3A_3246 {strides = array<i32>} : memref<800xi32, #tpu.memory_space<vmem>>, vector<16xi32>,
    %get3A_3247 = arith.constant 544 : index
    %get3A_3248 = tpu.vector_load %arg5[%get3A_3247] {strides = array<i32>} : memref<800xi32, #tpu.memory_space<vmem>>, vector<16xi32>,
    %get3A_3249 = vector.shape_cast %get3A_3248 : vector<16xi32> to vector<16xi32>
    %and3A_3250 = arith.constant -32768 : i32
    %and3A_3251 = vector.broadcast %and3A_3250 : i32 to vector<16xi32>
    %and3A_3252 = arith.andi %get3A_3249, %and3A_3251 : vector<16xi32>
    %and3A_3253 = arith.constant 16383 : i32
    %and3A_3254 = vector.broadcast %and3A_3253 : i32 to vector<16xi32>
    %and3A_3255 = arith.andi %get3A_3249, %and3A_3254 : vector<16xi32>
    %shift_left3A_3256 = arith.constant 1 : i32
    %shift_left3A_3257 = vector.broadcast %shift_left3A_3256 : i32 to vector<16xi32>
    %shift_left3A_3258 = arith.shli %and3A_3255, %shift_left3A_3257 : vector<16xi32>
    %add3A_3259 = arith.addi %and3A_3252, %shift_left3A_3258 : vector<16xi32>
    %shift_right_arithmetic3A_3260 = arith.constant 14 : i32
    %shift_right_arithmetic3A_3261 = vector.broadcast %shift_right_arithmetic3A_3260 : i32 to vector<16xi32>
    %shift_right_arithmetic3A_3262 = arith.shrsi %get3A_3249, %shift_right_arithmetic3A_3261 : vector<16xi32>
    %and3A_3263 = arith.constant 1 : i32
    %and3A_3264 = vector.broadcast %and3A_3263 : i32 to vector<16xi32>
    %and3A_3265 = arith.andi %shift_right_arithmetic3A_3262, %and3A_3264 : vector<16xi32>
    %add3A_3266 = arith.addi %add3A_3259, %and3A_3265 : vector<16xi32>
    %swap3A_3267 = arith.constant 544 : index
    %swap3A_3268 = tpu.vector_load %arg5[%swap3A_3267] {strides = array<i32>} : memref<800xi32, #tpu.memory_space<vmem>>, vector<16xi32>,
    %swap3A_3269 = vector.shape_cast %swap3A_3268 : vector<16xi32> to vector<16xi32>
    %swap3A_3270 = vector.shape_cast %add3A_3266 : vector<16xi32> to vector<16xi32>
    tpu.vector_store %arg5[%swap3A_3267], %swap3A_3270 {strides = array<i32>} : memref<800xi32, #tpu.memory_space<vmem>>, vector<16xi32>,
    %get3A_3271 = arith.constant 560 : index
    %get3A_3272 = tpu.vector_load %arg5[%get3A_3271] {strides = array<i32>} : memref<800xi32, #tpu.memory_space<vmem>>, vector<16xi32>,
    %get3A_3273 = vector.shape_cast %get3A_3272 : vector<16xi32> to vector<16xi32>
    %and3A_3274 = arith.constant -32768 : i32
    %and3A_3275 = vector.broadcast %and3A_3274 : i32 to vector<16xi32>
    %and3A_3276 = arith.andi %get3A_3273, %and3A_3275 : vector<16xi32>
    %and3A_3277 = arith.constant 16383 : i32
    %and3A_3278 = vector.broadcast %and3A_3277 : i32 to vector<16xi32>
    %and3A_3279 = arith.andi %get3A_3273, %and3A_3278 : vector<16xi32>
    %shift_left3A_3280 = arith.constant 1 : i32
    %shift_left3A_3281 = vector.broadcast %shift_left3A_3280 : i32 to vector<16xi32>
    %shift_left3A_3282 = arith.shli %and3A_3279, %shift_left3A_3281 : vector<16xi32>
    %add3A_3283 = arith.addi %and3A_3276, %shift_left3A_3282 : vector<16xi32>
    %shift_right_arithmetic3A_3284 = arith.constant 14 : i32
    %shift_right_arithmetic3A_3285 = vector.broadcast %shift_right_arithmetic3A_3284 : i32 to vector<16xi32>
    %shift_right_arithmetic3A_3286 = arith.shrsi %get3A_3273, %shift_right_arithmetic3A_3285 : vector<16xi32>
    %and3A_3287 = arith.constant 1 : i32
    %and3A_3288 = vector.broadcast %and3A_3287 : i32 to vector<16xi32>
    %and3A_3289 = arith.andi %shift_right_arithmetic3A_3286, %and3A_3288 : vector<16xi32>
    %add3A_3290 = arith.addi %add3A_3283, %and3A_3289 : vector<16xi32>
    %swap3A_3291 = arith.constant 560 : index
    %swap3A_3292 = tpu.vector_load %arg5[%swap3A_3291] {strides = array<i32>} : memref<800xi32, #tpu.memory_space<vmem>>, vector<16xi32>,
    %swap3A_3293 = vector.shape_cast %swap3A_3292 : vector<16xi32> to vector<16xi32>
    %swap3A_3294 = vector.shape_cast %add3A_3290 : vector<16xi32> to vector<16xi32>
    tpu.vector_store %arg5[%swap3A_3291], %swap3A_3294 {strides = array<i32>} : memref<800xi32, #tpu.memory_space<vmem>>, vector<16xi32>,
    %get3A_3295 = arith.constant 576 : index
    %get3A_3296 = tpu.vector_load %arg5[%get3A_3295] {strides = array<i32>} : memref<800xi32, #tpu.memory_space<vmem>>, vector<16xi32>,
    %get3A_3297 = vector.shape_cast %get3A_3296 : vector<16xi32> to vector<16xi32>
    %and3A_3298 = arith.constant -32768 : i32
    %and3A_3299 = vector.broadcast %and3A_3298 : i32 to vector<16xi32>
    %and3A_3300 = arith.andi %get3A_3297, %and3A_3299 : vector<16xi32>
    %and3A_3301 = arith.constant 16383 : i32
    %and3A_3302 = vector.broadcast %and3A_3301 : i32 to vector<16xi32>
    %and3A_3303 = arith.andi %get3A_3297, %and3A_3302 : vector<16xi32>
    %shift_left3A_3304 = arith.constant 1 : i32
    %shift_left3A_3305 = vector.broadcast %shift_left3A_3304 : i32 to vector<16xi32>
    %shift_left3A_3306 = arith.shli %and3A_3303, %shift_left3A_3305 : vector<16xi32>
    %add3A_3307 = arith.addi %and3A_3300, %shift_left3A_3306 : vector<16xi32>
    %shift_right_arithmetic3A_3308 = arith.constant 14 : i32
    %shift_right_arithmetic3A_3309 = vector.broadcast %shift_right_arithmetic3A_3308 : i32 to vector<16xi32>
    %shift_right_arithmetic3A_3310 = arith.shrsi %get3A_3297, %shift_right_arithmetic3A_3309 : vector<16xi32>
    %and3A_3311 = arith.constant 1 : i32
    %and3A_3312 = vector.broadcast %and3A_3311 : i32 to vector<16xi32>
    %and3A_3313 = arith.andi %shift_right_arithmetic3A_3310, %and3A_3312 : vector<16xi32>
    %add3A_3314 = arith.addi %add3A_3307, %and3A_3313 : vector<16xi32>
    %swap3A_3315 = arith.constant 576 : index
    %swap3A_3316 = tpu.vector_load %arg5[%swap3A_3315] {strides = array<i32>} : memref<800xi32, #tpu.memory_space<vmem>>, vector<16xi32>,
    %swap3A_3317 = vector.shape_cast %swap3A_3316 : vector<16xi32> to vector<16xi32>
    %swap3A_3318 = vector.shape_cast %add3A_3314 : vector<16xi32> to vector<16xi32>
    tpu.vector_store %arg5[%swap3A_3315], %swap3A_3318 {strides = array<i32>} : memref<800xi32, #tpu.memory_space<vmem>>, vector<16xi32>,
    %get3A_3319 = arith.constant 592 : index
    %get3A_3320 = tpu.vector_load %arg5[%get3A_3319] {strides = array<i32>} : memref<800xi32, #tpu.memory_space<vmem>>, vector<16xi32>,
    %get3A_3321 = vector.shape_cast %get3A_3320 : vector<16xi32> to vector<16xi32>
    %and3A_3322 = arith.constant -32768 : i32
    %and3A_3323 = vector.broadcast %and3A_3322 : i32 to vector<16xi32>
    %and3A_3324 = arith.andi %get3A_3321, %and3A_3323 : vector<16xi32>
    %and3A_3325 = arith.constant 16383 : i32
    %and3A_3326 = vector.broadcast %and3A_3325 : i32 to vector<16xi32>
    %and3A_3327 = arith.andi %get3A_3321, %and3A_3326 : vector<16xi32>
    %shift_left3A_3328 = arith.constant 1 : i32
    %shift_left3A_3329 = vector.broadcast %shift_left3A_3328 : i32 to vector<16xi32>
    %shift_left3A_3330 = arith.shli %and3A_3327, %shift_left3A_3329 : vector<16xi32>
    %add3A_3331 = arith.addi %and3A_3324, %shift_left3A_3330 : vector<16xi32>
    %shift_right_arithmetic3A_3332 = arith.constant 14 : i32
    %shift_right_arithmetic3A_3333 = vector.broadcast %shift_right_arithmetic3A_3332 : i32 to vector<16xi32>
    %shift_right_arithmetic3A_3334 = arith.shrsi %get3A_3321, %shift_right_arithmetic3A_3333 : vector<16xi32>
    %and3A_3335 = arith.constant 1 : i32
    %and3A_3336 = vector.broadcast %and3A_3335 : i32 to vector<16xi32>
    %and3A_3337 = arith.andi %shift_right_arithmetic3A_3334, %and3A_3336 : vector<16xi32>
    %add3A_3338 = arith.addi %add3A_3331, %and3A_3337 : vector<16xi32>
    %swap3A_3339 = arith.constant 592 : index
    %swap3A_3340 = tpu.vector_load %arg5[%swap3A_3339] {strides = array<i32>} : memref<800xi32, #tpu.memory_space<vmem>>, vector<16xi32>,
    %swap3A_3341 = vector.shape_cast %swap3A_3340 : vector<16xi32> to vector<16xi32>
    %swap3A_3342 = vector.shape_cast %add3A_3338 : vector<16xi32> to vector<16xi32>
    tpu.vector_store %arg5[%swap3A_3339], %swap3A_3342 {strides = array<i32>} : memref<800xi32, #tpu.memory_space<vmem>>, vector<16xi32>,
    %get3A_3343 = arith.constant 608 : index
    %get3A_3344 = tpu.vector_load %arg5[%get3A_3343] {strides = array<i32>} : memref<800xi32, #tpu.memory_space<vmem>>, vector<16xi32>,
    %get3A_3345 = vector.shape_cast %get3A_3344 : vector<16xi32> to vector<16xi32>
    %and3A_3346 = arith.constant -32768 : i32
    %and3A_3347 = vector.broadcast %and3A_3346 : i32 to vector<16xi32>
    %and3A_3348 = arith.andi %get3A_3345, %and3A_3347 : vector<16xi32>
    %and3A_3349 = arith.constant 16383 : i32
    %and3A_3350 = vector.broadcast %and3A_3349 : i32 to vector<16xi32>
    %and3A_3351 = arith.andi %get3A_3345, %and3A_3350 : vector<16xi32>
    %shift_left3A_3352 = arith.constant 1 : i32
    %shift_left3A_3353 = vector.broadcast %shift_left3A_3352 : i32 to vector<16xi32>
    %shift_left3A_3354 = arith.shli %and3A_3351, %shift_left3A_3353 : vector<16xi32>
    %add3A_3355 = arith.addi %and3A_3348, %shift_left3A_3354 : vector<16xi32>
    %shift_right_arithmetic3A_3356 = arith.constant 14 : i32
    %shift_right_arithmetic3A_3357 = vector.broadcast %shift_right_arithmetic3A_3356 : i32 to vector<16xi32>
    %shift_right_arithmetic3A_3358 = arith.shrsi %get3A_3345, %shift_right_arithmetic3A_3357 : vector<16xi32>
    %and3A_3359 = arith.constant 1 : i32
    %and3A_3360 = vector.broadcast %and3A_3359 : i32 to vector<16xi32>
    %and3A_3361 = arith.andi %shift_right_arithmetic3A_3358, %and3A_3360 : vector<16xi32>
    %add3A_3362 = arith.addi %add3A_3355, %and3A_3361 : vector<16xi32>
    %swap3A_3363 = arith.constant 608 : index
    %swap3A_3364 = tpu.vector_load %arg5[%swap3A_3363] {strides = array<i32>} : memref<800xi32, #tpu.memory_space<vmem>>, vector<16xi32>,
    %swap3A_3365 = vector.shape_cast %swap3A_3364 : vector<16xi32> to vector<16xi32>
    %swap3A_3366 = vector.shape_cast %add3A_3362 : vector<16xi32> to vector<16xi32>
    tpu.vector_store %arg5[%swap3A_3363], %swap3A_3366 {strides = array<i32>} : memref<800xi32, #tpu.memory_space<vmem>>, vector<16xi32>,
    %get3A_3367 = arith.constant 624 : index
    %get3A_3368 = tpu.vector_load %arg5[%get3A_3367] {strides = array<i32>} : memref<800xi32, #tpu.memory_space<vmem>>, vector<16xi32>,
    %get3A_3369 = vector.shape_cast %get3A_3368 : vector<16xi32> to vector<16xi32>
    %and3A_3370 = arith.constant -32768 : i32
    %and3A_3371 = vector.broadcast %and3A_3370 : i32 to vector<16xi32>
    %and3A_3372 = arith.andi %get3A_3369, %and3A_3371 : vector<16xi32>
    %and3A_3373 = arith.constant 16383 : i32
    %and3A_3374 = vector.broadcast %and3A_3373 : i32 to vector<16xi32>
    %and3A_3375 = arith.andi %get3A_3369, %and3A_3374 : vector<16xi32>
    %shift_left3A_3376 = arith.constant 1 : i32
    %shift_left3A_3377 = vector.broadcast %shift_left3A_3376 : i32 to vector<16xi32>
    %shift_left3A_3378 = arith.shli %and3A_3375, %shift_left3A_3377 : vector<16xi32>
    %add3A_3379 = arith.addi %and3A_3372, %shift_left3A_3378 : vector<16xi32>
    %shift_right_arithmetic3A_3380 = arith.constant 14 : i32
    %shift_right_arithmetic3A_3381 = vector.broadcast %shift_right_arithmetic3A_3380 : i32 to vector<16xi32>
    %shift_right_arithmetic3A_3382 = arith.shrsi %get3A_3369, %shift_right_arithmetic3A_3381 : vector<16xi32>
    %and3A_3383 = arith.constant 1 : i32
    %and3A_3384 = vector.broadcast %and3A_3383 : i32 to vector<16xi32>
    %and3A_3385 = arith.andi %shift_right_arithmetic3A_3382, %and3A_3384 : vector<16xi32>
    %add3A_3386 = arith.addi %add3A_3379, %and3A_3385 : vector<16xi32>
    %swap3A_3387 = arith.constant 624 : index
    %swap3A_3388 = tpu.vector_load %arg5[%swap3A_3387] {strides = array<i32>} : memref<800xi32, #tpu.memory_space<vmem>>, vector<16xi32>,
    %swap3A_3389 = vector.shape_cast %swap3A_3388 : vector<16xi32> to vector<16xi32>
    %swap3A_3390 = vector.shape_cast %add3A_3386 : vector<16xi32> to vector<16xi32>
    tpu.vector_store %arg5[%swap3A_3387], %swap3A_3390 {strides = array<i32>} : memref<800xi32, #tpu.memory_space<vmem>>, vector<16xi32>,
    %get3A_3391 = arith.constant 640 : index
    %get3A_3392 = tpu.vector_load %arg5[%get3A_3391] {strides = array<i32>} : memref<800xi32, #tpu.memory_space<vmem>>, vector<16xi32>,
    %get3A_3393 = vector.shape_cast %get3A_3392 : vector<16xi32> to vector<16xi32>
    %and3A_3394 = arith.constant -32768 : i32
    %and3A_3395 = vector.broadcast %and3A_3394 : i32 to vector<16xi32>
    %and3A_3396 = arith.andi %get3A_3393, %and3A_3395 : vector<16xi32>
    %and3A_3397 = arith.constant 16383 : i32
    %and3A_3398 = vector.broadcast %and3A_3397 : i32 to vector<16xi32>
    %and3A_3399 = arith.andi %get3A_3393, %and3A_3398 : vector<16xi32>
    %shift_left3A_3400 = arith.constant 1 : i32
    %shift_left3A_3401 = vector.broadcast %shift_left3A_3400 : i32 to vector<16xi32>
    %shift_left3A_3402 = arith.shli %and3A_3399, %shift_left3A_3401 : vector<16xi32>
    %add3A_3403 = arith.addi %and3A_3396, %shift_left3A_3402 : vector<16xi32>
    %shift_right_arithmetic3A_3404 = arith.constant 14 : i32
    %shift_right_arithmetic3A_3405 = vector.broadcast %shift_right_arithmetic3A_3404 : i32 to vector<16xi32>
    %shift_right_arithmetic3A_3406 = arith.shrsi %get3A_3393, %shift_right_arithmetic3A_3405 : vector<16xi32>
    %and3A_3407 = arith.constant 1 : i32
    %and3A_3408 = vector.broadcast %and3A_3407 : i32 to vector<16xi32>
    %and3A_3409 = arith.andi %shift_right_arithmetic3A_3406, %and3A_3408 : vector<16xi32>
    %add3A_3410 = arith.addi %add3A_3403, %and3A_3409 : vector<16xi32>
    %swap3A_3411 = arith.constant 640 : index
    %swap3A_3412 = tpu.vector_load %arg5[%swap3A_3411] {strides = array<i32>} : memref<800xi32, #tpu.memory_space<vmem>>, vector<16xi32>,
    %swap3A_3413 = vector.shape_cast %swap3A_3412 : vector<16xi32> to vector<16xi32>
    %swap3A_3414 = vector.shape_cast %add3A_3410 : vector<16xi32> to vector<16xi32>
    tpu.vector_store %arg5[%swap3A_3411], %swap3A_3414 {strides = array<i32>} : memref<800xi32, #tpu.memory_space<vmem>>, vector<16xi32>,
    %get3A_3415 = arith.constant 656 : index
    %get3A_3416 = tpu.vector_load %arg5[%get3A_3415] {strides = array<i32>} : memref<800xi32, #tpu.memory_space<vmem>>, vector<16xi32>,
    %get3A_3417 = vector.shape_cast %get3A_3416 : vector<16xi32> to vector<16xi32>
    %and3A_3418 = arith.constant -32768 : i32
    %and3A_3419 = vector.broadcast %and3A_3418 : i32 to vector<16xi32>
    %and3A_3420 = arith.andi %get3A_3417, %and3A_3419 : vector<16xi32>
    %and3A_3421 = arith.constant 16383 : i32
    %and3A_3422 = vector.broadcast %and3A_3421 : i32 to vector<16xi32>
    %and3A_3423 = arith.andi %get3A_3417, %and3A_3422 : vector<16xi32>
    %shift_left3A_3424 = arith.constant 1 : i32
    %shift_left3A_3425 = vector.broadcast %shift_left3A_3424 : i32 to vector<16xi32>
    %shift_left3A_3426 = arith.shli %and3A_3423, %shift_left3A_3425 : vector<16xi32>
    %add3A_3427 = arith.addi %and3A_3420, %shift_left3A_3426 : vector<16xi32>
    %shift_right_arithmetic3A_3428 = arith.constant 14 : i32
    %shift_right_arithmetic3A_3429 = vector.broadcast %shift_right_arithmetic3A_3428 : i32 to vector<16xi32>
    %shift_right_arithmetic3A_3430 = arith.shrsi %get3A_3417, %shift_right_arithmetic3A_3429 : vector<16xi32>
    %and3A_3431 = arith.constant 1 : i32
    %and3A_3432 = vector.broadcast %and3A_3431 : i32 to vector<16xi32>
    %and3A_3433 = arith.andi %shift_right_arithmetic3A_3430, %and3A_3432 : vector<16xi32>
    %add3A_3434 = arith.addi %add3A_3427, %and3A_3433 : vector<16xi32>
    %swap3A_3435 = arith.constant 656 : index
    %swap3A_3436 = tpu.vector_load %arg5[%swap3A_3435] {strides = array<i32>} : memref<800xi32, #tpu.memory_space<vmem>>, vector<16xi32>,
    %swap3A_3437 = vector.shape_cast %swap3A_3436 : vector<16xi32> to vector<16xi32>
    %swap3A_3438 = vector.shape_cast %add3A_3434 : vector<16xi32> to vector<16xi32>
    tpu.vector_store %arg5[%swap3A_3435], %swap3A_3438 {strides = array<i32>} : memref<800xi32, #tpu.memory_space<vmem>>, vector<16xi32>,
    %get3A_3439 = arith.constant 672 : index
    %get3A_3440 = tpu.vector_load %arg5[%get3A_3439] {strides = array<i32>} : memref<800xi32, #tpu.memory_space<vmem>>, vector<16xi32>,
    %get3A_3441 = vector.shape_cast %get3A_3440 : vector<16xi32> to vector<16xi32>
    %and3A_3442 = arith.constant -32768 : i32
    %and3A_3443 = vector.broadcast %and3A_3442 : i32 to vector<16xi32>
    %and3A_3444 = arith.andi %get3A_3441, %and3A_3443 : vector<16xi32>
    %and3A_3445 = arith.constant 16383 : i32
    %and3A_3446 = vector.broadcast %and3A_3445 : i32 to vector<16xi32>
    %and3A_3447 = arith.andi %get3A_3441, %and3A_3446 : vector<16xi32>
    %shift_left3A_3448 = arith.constant 1 : i32
    %shift_left3A_3449 = vector.broadcast %shift_left3A_3448 : i32 to vector<16xi32>
    %shift_left3A_3450 = arith.shli %and3A_3447, %shift_left3A_3449 : vector<16xi32>
    %add3A_3451 = arith.addi %and3A_3444, %shift_left3A_3450 : vector<16xi32>
    %shift_right_arithmetic3A_3452 = arith.constant 14 : i32
    %shift_right_arithmetic3A_3453 = vector.broadcast %shift_right_arithmetic3A_3452 : i32 to vector<16xi32>
    %shift_right_arithmetic3A_3454 = arith.shrsi %get3A_3441, %shift_right_arithmetic3A_3453 : vector<16xi32>
    %and3A_3455 = arith.constant 1 : i32
    %and3A_3456 = vector.broadcast %and3A_3455 : i32 to vector<16xi32>
    %and3A_3457 = arith.andi %shift_right_arithmetic3A_3454, %and3A_3456 : vector<16xi32>
    %add3A_3458 = arith.addi %add3A_3451, %and3A_3457 : vector<16xi32>
    %swap3A_3459 = arith.constant 672 : index
    %swap3A_3460 = tpu.vector_load %arg5[%swap3A_3459] {strides = array<i32>} : memref<800xi32, #tpu.memory_space<vmem>>, vector<16xi32>,
    %swap3A_3461 = vector.shape_cast %swap3A_3460 : vector<16xi32> to vector<16xi32>
    %swap3A_3462 = vector.shape_cast %add3A_3458 : vector<16xi32> to vector<16xi32>
    tpu.vector_store %arg5[%swap3A_3459], %swap3A_3462 {strides = array<i32>} : memref<800xi32, #tpu.memory_space<vmem>>, vector<16xi32>,
    %get3A_3463 = arith.constant 688 : index
    %get3A_3464 = tpu.vector_load %arg5[%get3A_3463] {strides = array<i32>} : memref<800xi32, #tpu.memory_space<vmem>>, vector<16xi32>,
    %get3A_3465 = vector.shape_cast %get3A_3464 : vector<16xi32> to vector<16xi32>
    %and3A_3466 = arith.constant -32768 : i32
    %and3A_3467 = vector.broadcast %and3A_3466 : i32 to vector<16xi32>
    %and3A_3468 = arith.andi %get3A_3465, %and3A_3467 : vector<16xi32>
    %and3A_3469 = arith.constant 16383 : i32
    %and3A_3470 = vector.broadcast %and3A_3469 : i32 to vector<16xi32>
    %and3A_3471 = arith.andi %get3A_3465, %and3A_3470 : vector<16xi32>
    %shift_left3A_3472 = arith.constant 1 : i32
    %shift_left3A_3473 = vector.broadcast %shift_left3A_3472 : i32 to vector<16xi32>
    %shift_left3A_3474 = arith.shli %and3A_3471, %shift_left3A_3473 : vector<16xi32>
    %add3A_3475 = arith.addi %and3A_3468, %shift_left3A_3474 : vector<16xi32>
    %shift_right_arithmetic3A_3476 = arith.constant 14 : i32
    %shift_right_arithmetic3A_3477 = vector.broadcast %shift_right_arithmetic3A_3476 : i32 to vector<16xi32>
    %shift_right_arithmetic3A_3478 = arith.shrsi %get3A_3465, %shift_right_arithmetic3A_3477 : vector<16xi32>
    %and3A_3479 = arith.constant 1 : i32
    %and3A_3480 = vector.broadcast %and3A_3479 : i32 to vector<16xi32>
    %and3A_3481 = arith.andi %shift_right_arithmetic3A_3478, %and3A_3480 : vector<16xi32>
    %add3A_3482 = arith.addi %add3A_3475, %and3A_3481 : vector<16xi32>
    %swap3A_3483 = arith.constant 688 : index
    %swap3A_3484 = tpu.vector_load %arg5[%swap3A_3483] {strides = array<i32>} : memref<800xi32, #tpu.memory_space<vmem>>, vector<16xi32>,
    %swap3A_3485 = vector.shape_cast %swap3A_3484 : vector<16xi32> to vector<16xi32>
    %swap3A_3486 = vector.shape_cast %add3A_3482 : vector<16xi32> to vector<16xi32>
    tpu.vector_store %arg5[%swap3A_3483], %swap3A_3486 {strides = array<i32>} : memref<800xi32, #tpu.memory_space<vmem>>, vector<16xi32>,
    %get3A_3487 = arith.constant 704 : index
    %get3A_3488 = tpu.vector_load %arg5[%get3A_3487] {strides = array<i32>} : memref<800xi32, #tpu.memory_space<vmem>>, vector<16xi32>,
    %get3A_3489 = vector.shape_cast %get3A_3488 : vector<16xi32> to vector<16xi32>
    %and3A_3490 = arith.constant -32768 : i32
    %and3A_3491 = vector.broadcast %and3A_3490 : i32 to vector<16xi32>
    %and3A_3492 = arith.andi %get3A_3489, %and3A_3491 : vector<16xi32>
    %and3A_3493 = arith.constant 16383 : i32
    %and3A_3494 = vector.broadcast %and3A_3493 : i32 to vector<16xi32>
    %and3A_3495 = arith.andi %get3A_3489, %and3A_3494 : vector<16xi32>
    %shift_left3A_3496 = arith.constant 1 : i32
    %shift_left3A_3497 = vector.broadcast %shift_left3A_3496 : i32 to vector<16xi32>
    %shift_left3A_3498 = arith.shli %and3A_3495, %shift_left3A_3497 : vector<16xi32>
    %add3A_3499 = arith.addi %and3A_3492, %shift_left3A_3498 : vector<16xi32>
    %shift_right_arithmetic3A_3500 = arith.constant 14 : i32
    %shift_right_arithmetic3A_3501 = vector.broadcast %shift_right_arithmetic3A_3500 : i32 to vector<16xi32>
    %shift_right_arithmetic3A_3502 = arith.shrsi %get3A_3489, %shift_right_arithmetic3A_3501 : vector<16xi32>
    %and3A_3503 = arith.constant 1 : i32
    %and3A_3504 = vector.broadcast %and3A_3503 : i32 to vector<16xi32>
    %and3A_3505 = arith.andi %shift_right_arithmetic3A_3502, %and3A_3504 : vector<16xi32>
    %add3A_3506 = arith.addi %add3A_3499, %and3A_3505 : vector<16xi32>
    %swap3A_3507 = arith.constant 704 : index
    %swap3A_3508 = tpu.vector_load %arg5[%swap3A_3507] {strides = array<i32>} : memref<800xi32, #tpu.memory_space<vmem>>, vector<16xi32>,
    %swap3A_3509 = vector.shape_cast %swap3A_3508 : vector<16xi32> to vector<16xi32>
    %swap3A_3510 = vector.shape_cast %add3A_3506 : vector<16xi32> to vector<16xi32>
    tpu.vector_store %arg5[%swap3A_3507], %swap3A_3510 {strides = array<i32>} : memref<800xi32, #tpu.memory_space<vmem>>, vector<16xi32>,
    %get3A_3511 = arith.constant 720 : index
    %get3A_3512 = tpu.vector_load %arg5[%get3A_3511] {strides = array<i32>} : memref<800xi32, #tpu.memory_space<vmem>>, vector<16xi32>,
    %get3A_3513 = vector.shape_cast %get3A_3512 : vector<16xi32> to vector<16xi32>
    %and3A_3514 = arith.constant -32768 : i32
    %and3A_3515 = vector.broadcast %and3A_3514 : i32 to vector<16xi32>
    %and3A_3516 = arith.andi %get3A_3513, %and3A_3515 : vector<16xi32>
    %and3A_3517 = arith.constant 16383 : i32
    %and3A_3518 = vector.broadcast %and3A_3517 : i32 to vector<16xi32>
    %and3A_3519 = arith.andi %get3A_3513, %and3A_3518 : vector<16xi32>
    %shift_left3A_3520 = arith.constant 1 : i32
    %shift_left3A_3521 = vector.broadcast %shift_left3A_3520 : i32 to vector<16xi32>
    %shift_left3A_3522 = arith.shli %and3A_3519, %shift_left3A_3521 : vector<16xi32>
    %add3A_3523 = arith.addi %and3A_3516, %shift_left3A_3522 : vector<16xi32>
    %shift_right_arithmetic3A_3524 = arith.constant 14 : i32
    %shift_right_arithmetic3A_3525 = vector.broadcast %shift_right_arithmetic3A_3524 : i32 to vector<16xi32>
    %shift_right_arithmetic3A_3526 = arith.shrsi %get3A_3513, %shift_right_arithmetic3A_3525 : vector<16xi32>
    %and3A_3527 = arith.constant 1 : i32
    %and3A_3528 = vector.broadcast %and3A_3527 : i32 to vector<16xi32>
    %and3A_3529 = arith.andi %shift_right_arithmetic3A_3526, %and3A_3528 : vector<16xi32>
    %add3A_3530 = arith.addi %add3A_3523, %and3A_3529 : vector<16xi32>
    %swap3A_3531 = arith.constant 720 : index
    %swap3A_3532 = tpu.vector_load %arg5[%swap3A_3531] {strides = array<i32>} : memref<800xi32, #tpu.memory_space<vmem>>, vector<16xi32>,
    %swap3A_3533 = vector.shape_cast %swap3A_3532 : vector<16xi32> to vector<16xi32>
    %swap3A_3534 = vector.shape_cast %add3A_3530 : vector<16xi32> to vector<16xi32>
    tpu.vector_store %arg5[%swap3A_3531], %swap3A_3534 {strides = array<i32>} : memref<800xi32, #tpu.memory_space<vmem>>, vector<16xi32>,
    %get3A_3535 = arith.constant 736 : index
    %get3A_3536 = tpu.vector_load %arg5[%get3A_3535] {strides = array<i32>} : memref<800xi32, #tpu.memory_space<vmem>>, vector<16xi32>,
    %get3A_3537 = vector.shape_cast %get3A_3536 : vector<16xi32> to vector<16xi32>
    %and3A_3538 = arith.constant -32768 : i32
    %and3A_3539 = vector.broadcast %and3A_3538 : i32 to vector<16xi32>
    %and3A_3540 = arith.andi %get3A_3537, %and3A_3539 : vector<16xi32>
    %and3A_3541 = arith.constant 16383 : i32
    %and3A_3542 = vector.broadcast %and3A_3541 : i32 to vector<16xi32>
    %and3A_3543 = arith.andi %get3A_3537, %and3A_3542 : vector<16xi32>
    %shift_left3A_3544 = arith.constant 1 : i32
    %shift_left3A_3545 = vector.broadcast %shift_left3A_3544 : i32 to vector<16xi32>
    %shift_left3A_3546 = arith.shli %and3A_3543, %shift_left3A_3545 : vector<16xi32>
    %add3A_3547 = arith.addi %and3A_3540, %shift_left3A_3546 : vector<16xi32>
    %shift_right_arithmetic3A_3548 = arith.constant 14 : i32
    %shift_right_arithmetic3A_3549 = vector.broadcast %shift_right_arithmetic3A_3548 : i32 to vector<16xi32>
    %shift_right_arithmetic3A_3550 = arith.shrsi %get3A_3537, %shift_right_arithmetic3A_3549 : vector<16xi32>
    %and3A_3551 = arith.constant 1 : i32
    %and3A_3552 = vector.broadcast %and3A_3551 : i32 to vector<16xi32>
    %and3A_3553 = arith.andi %shift_right_arithmetic3A_3550, %and3A_3552 : vector<16xi32>
    %add3A_3554 = arith.addi %add3A_3547, %and3A_3553 : vector<16xi32>
    %swap3A_3555 = arith.constant 736 : index
    %swap3A_3556 = tpu.vector_load %arg5[%swap3A_3555] {strides = array<i32>} : memref<800xi32, #tpu.memory_space<vmem>>, vector<16xi32>,
    %swap3A_3557 = vector.shape_cast %swap3A_3556 : vector<16xi32> to vector<16xi32>
    %swap3A_3558 = vector.shape_cast %add3A_3554 : vector<16xi32> to vector<16xi32>
    tpu.vector_store %arg5[%swap3A_3555], %swap3A_3558 {strides = array<i32>} : memref<800xi32, #tpu.memory_space<vmem>>, vector<16xi32>,
    %get3A_3559 = arith.constant 752 : index
    %get3A_3560 = tpu.vector_load %arg5[%get3A_3559] {strides = array<i32>} : memref<800xi32, #tpu.memory_space<vmem>>, vector<16xi32>,
    %get3A_3561 = vector.shape_cast %get3A_3560 : vector<16xi32> to vector<16xi32>
    %and3A_3562 = arith.constant -32768 : i32
    %and3A_3563 = vector.broadcast %and3A_3562 : i32 to vector<16xi32>
    %and3A_3564 = arith.andi %get3A_3561, %and3A_3563 : vector<16xi32>
    %and3A_3565 = arith.constant 16383 : i32
    %and3A_3566 = vector.broadcast %and3A_3565 : i32 to vector<16xi32>
    %and3A_3567 = arith.andi %get3A_3561, %and3A_3566 : vector<16xi32>
    %shift_left3A_3568 = arith.constant 1 : i32
    %shift_left3A_3569 = vector.broadcast %shift_left3A_3568 : i32 to vector<16xi32>
    %shift_left3A_3570 = arith.shli %and3A_3567, %shift_left3A_3569 : vector<16xi32>
    %add3A_3571 = arith.addi %and3A_3564, %shift_left3A_3570 : vector<16xi32>
    %shift_right_arithmetic3A_3572 = arith.constant 14 : i32
    %shift_right_arithmetic3A_3573 = vector.broadcast %shift_right_arithmetic3A_3572 : i32 to vector<16xi32>
    %shift_right_arithmetic3A_3574 = arith.shrsi %get3A_3561, %shift_right_arithmetic3A_3573 : vector<16xi32>
    %and3A_3575 = arith.constant 1 : i32
    %and3A_3576 = vector.broadcast %and3A_3575 : i32 to vector<16xi32>
    %and3A_3577 = arith.andi %shift_right_arithmetic3A_3574, %and3A_3576 : vector<16xi32>
    %add3A_3578 = arith.addi %add3A_3571, %and3A_3577 : vector<16xi32>
    %swap3A_3579 = arith.constant 752 : index
    %swap3A_3580 = tpu.vector_load %arg5[%swap3A_3579] {strides = array<i32>} : memref<800xi32, #tpu.memory_space<vmem>>, vector<16xi32>,
    %swap3A_3581 = vector.shape_cast %swap3A_3580 : vector<16xi32> to vector<16xi32>
    %swap3A_3582 = vector.shape_cast %add3A_3578 : vector<16xi32> to vector<16xi32>
    tpu.vector_store %arg5[%swap3A_3579], %swap3A_3582 {strides = array<i32>} : memref<800xi32, #tpu.memory_space<vmem>>, vector<16xi32>,
    %get3A_3583 = arith.constant 768 : index
    %get3A_3584 = tpu.vector_load %arg5[%get3A_3583] {strides = array<i32>} : memref<800xi32, #tpu.memory_space<vmem>>, vector<16xi32>,
    %get3A_3585 = vector.shape_cast %get3A_3584 : vector<16xi32> to vector<16xi32>
    %and3A_3586 = arith.constant -32768 : i32
    %and3A_3587 = vector.broadcast %and3A_3586 : i32 to vector<16xi32>
    %and3A_3588 = arith.andi %get3A_3585, %and3A_3587 : vector<16xi32>
    %and3A_3589 = arith.constant 16383 : i32
    %and3A_3590 = vector.broadcast %and3A_3589 : i32 to vector<16xi32>
    %and3A_3591 = arith.andi %get3A_3585, %and3A_3590 : vector<16xi32>
    %shift_left3A_3592 = arith.constant 1 : i32
    %shift_left3A_3593 = vector.broadcast %shift_left3A_3592 : i32 to vector<16xi32>
    %shift_left3A_3594 = arith.shli %and3A_3591, %shift_left3A_3593 : vector<16xi32>
    %add3A_3595 = arith.addi %and3A_3588, %shift_left3A_3594 : vector<16xi32>
    %shift_right_arithmetic3A_3596 = arith.constant 14 : i32
    %shift_right_arithmetic3A_3597 = vector.broadcast %shift_right_arithmetic3A_3596 : i32 to vector<16xi32>
    %shift_right_arithmetic3A_3598 = arith.shrsi %get3A_3585, %shift_right_arithmetic3A_3597 : vector<16xi32>
    %and3A_3599 = arith.constant 1 : i32
    %and3A_3600 = vector.broadcast %and3A_3599 : i32 to vector<16xi32>
    %and3A_3601 = arith.andi %shift_right_arithmetic3A_3598, %and3A_3600 : vector<16xi32>
    %add3A_3602 = arith.addi %add3A_3595, %and3A_3601 : vector<16xi32>
    %swap3A_3603 = arith.constant 768 : index
    %swap3A_3604 = tpu.vector_load %arg5[%swap3A_3603] {strides = array<i32>} : memref<800xi32, #tpu.memory_space<vmem>>, vector<16xi32>,
    %swap3A_3605 = vector.shape_cast %swap3A_3604 : vector<16xi32> to vector<16xi32>
    %swap3A_3606 = vector.shape_cast %add3A_3602 : vector<16xi32> to vector<16xi32>
    tpu.vector_store %arg5[%swap3A_3603], %swap3A_3606 {strides = array<i32>} : memref<800xi32, #tpu.memory_space<vmem>>, vector<16xi32>,
    %get3A_3607 = arith.constant 784 : index
    %get3A_3608 = tpu.vector_load %arg5[%get3A_3607] {strides = array<i32>} : memref<800xi32, #tpu.memory_space<vmem>>, vector<16xi32>,
    %get3A_3609 = vector.shape_cast %get3A_3608 : vector<16xi32> to vector<16xi32>
    %and3A_3610 = arith.constant -32768 : i32
    %and3A_3611 = vector.broadcast %and3A_3610 : i32 to vector<16xi32>
    %and3A_3612 = arith.andi %get3A_3609, %and3A_3611 : vector<16xi32>
    %and3A_3613 = arith.constant 16383 : i32
    %and3A_3614 = vector.broadcast %and3A_3613 : i32 to vector<16xi32>
    %and3A_3615 = arith.andi %get3A_3609, %and3A_3614 : vector<16xi32>
    %shift_left3A_3616 = arith.constant 1 : i32
    %shift_left3A_3617 = vector.broadcast %shift_left3A_3616 : i32 to vector<16xi32>
    %shift_left3A_3618 = arith.shli %and3A_3615, %shift_left3A_3617 : vector<16xi32>
    %add3A_3619 = arith.addi %and3A_3612, %shift_left3A_3618 : vector<16xi32>
    %shift_right_arithmetic3A_3620 = arith.constant 14 : i32
    %shift_right_arithmetic3A_3621 = vector.broadcast %shift_right_arithmetic3A_3620 : i32 to vector<16xi32>
    %shift_right_arithmetic3A_3622 = arith.shrsi %get3A_3609, %shift_right_arithmetic3A_3621 : vector<16xi32>
    %and3A_3623 = arith.constant 1 : i32
    %and3A_3624 = vector.broadcast %and3A_3623 : i32 to vector<16xi32>
    %and3A_3625 = arith.andi %shift_right_arithmetic3A_3622, %and3A_3624 : vector<16xi32>
    %add3A_3626 = arith.addi %add3A_3619, %and3A_3625 : vector<16xi32>
    %swap3A_3627 = arith.constant 784 : index
    %swap3A_3628 = tpu.vector_load %arg5[%swap3A_3627] {strides = array<i32>} : memref<800xi32, #tpu.memory_space<vmem>>, vector<16xi32>,
    %swap3A_3629 = vector.shape_cast %swap3A_3628 : vector<16xi32> to vector<16xi32>
    %swap3A_3630 = vector.shape_cast %add3A_3626 : vector<16xi32> to vector<16xi32>
    tpu.vector_store %arg5[%swap3A_3627], %swap3A_3630 {strides = array<i32>} : memref<800xi32, #tpu.memory_space<vmem>>, vector<16xi32>,
    %dma_wait3A_3631 = arith.constant 0 : i32
    %dma_wait3A_3632 = tpu.memref_slice %arg4[%add3A_2421, %dma_wait3A_3631] : memref<102400x128xf32, #tpu.memory_space<hbm>> -> memref<800x64xf32, #tpu.memory_space<hbm>>
    %dma_wait3A_3633 = arith.constant 0 : i32
    %dma_wait3A_3634 = tpu.memref_slice %arg4[%add3A_2421, %dma_wait3A_3633] : memref<102400x128xf32, #tpu.memory_space<hbm>> -> memref<800x64xf32, #tpu.memory_space<hbm>>
    tpu.wait_dma2 semaphore(%arg11 : memref<!tpu.dma_semaphore, #tpu.memory_space<semaphore_mem>>) src(%arg7 : memref<800x64xf32, #tpu.memory_space<vmem>>) dst(%dma_wait3A_3634 : memref<800x64xf32, #tpu.memory_space<hbm>>)
    %dma_start3A_3635 = arith.constant 0 : i32
    %dma_start3A_3636 = arith.constant 0 : i32
    %dma_start3A_3637 = tpu.memref_slice %arg3[%dma_start3A_3635, %dma_start3A_3636] : memref<1015808x64xf32, #tpu.memory_space<hbm>> -> memref<1015808x64xf32, #tpu.memory_space<hbm>>
    tpu.enqueue_indirect_dma source(%dma_start3A_3637 : memref<1015808x64xf32, #tpu.memory_space<hbm>>) target(%arg7 : memref<800x64xf32, #tpu.memory_space<vmem>>) offsets(%arg5 : memref<800xi32, #tpu.memory_space<vmem>>) semaphore(%arg9 : memref<!tpu.dma_semaphore, #tpu.memory_space<semaphore_mem>>)
    %add3A_3638 = arith.constant 1 : i32
    %add3A_3639 = arith.addi %add3A_2414, %add3A_3638 : i32
    %dma_wait3A_3640 = arith.constant 0 : i32
    %dma_wait3A_3641 = arith.constant 0 : i32
    %dma_wait3A_3642 = tpu.memref_slice %arg3[%dma_wait3A_3640, %dma_wait3A_3641] : memref<1015808x64xf32, #tpu.memory_space<hbm>> -> memref<1015808x64xf32, #tpu.memory_space<hbm>>
    tpu.wait_indirect_dma semaphore(%arg10 : memref<!tpu.dma_semaphore, #tpu.memory_space<semaphore_mem>>) src(%dma_wait3A_3642 : memref<1015808x64xf32, #tpu.memory_space<hbm>>) dst(%arg8 : memref<800x64xf32, #tpu.memory_space<vmem>>)
    %mul3A_3643 = arith.constant 800 : i32
    %mul3A_3644 = arith.muli %add3A_3639, %mul3A_3643 : i32
    %add3A_3645 = arith.addi %mul3A_6, %mul3A_3644 : i32
    %dma_start3A_3646 = arith.constant 0 : i32
    %dma_start3A_3647 = tpu.memref_slice %arg4[%add3A_3645, %dma_start3A_3646] : memref<102400x128xf32, #tpu.memory_space<hbm>> -> memref<800x64xf32, #tpu.memory_space<hbm>>
    %dma_start3A_3648 = arith.constant 0 : i32
    %dma_start3A_3649 = tpu.memref_slice %arg4[%add3A_3645, %dma_start3A_3648] : memref<102400x128xf32, #tpu.memory_space<hbm>> -> memref<800x64xf32, #tpu.memory_space<hbm>>
    tpu.enqueue_dma source(%arg8 : memref<800x64xf32, #tpu.memory_space<vmem>>) target(%dma_start3A_3649 : memref<800x64xf32, #tpu.memory_space<hbm>>) target_semaphore(%arg12 : memref<!tpu.dma_semaphore, #tpu.memory_space<semaphore_mem>>)
    %add3A_3650 = arith.constant 2 : i32
    %add3A_3651 = arith.addi %add3A_3639, %add3A_3650 : i32
    %mul3A_3652 = arith.constant 800 : i32
    %mul3A_3653 = arith.muli %add3A_3651, %mul3A_3652 : i32
    %add3A_3654 = arith.addi %add3A_4, %mul3A_3653 : i32
    "tpu.region"() ({
      %run_scoped3A = tpu.sem_alloc : memref<!tpu.dma_semaphore, #tpu.memory_space<semaphore_mem>>
      %dma_start3A_4889 = tpu.memref_slice %arg2[%add3A_3654] : memref<819200xi32, #tpu.memory_space<hbm>> -> memref<800xi32, #tpu.memory_space<hbm>>
      %dma_start3A_4890 = tpu.memref_slice %arg2[%add3A_3654] : memref<819200xi32, #tpu.memory_space<hbm>> -> memref<800xi32, #tpu.memory_space<hbm>>
      tpu.enqueue_dma source(%dma_start3A_4890 : memref<800xi32, #tpu.memory_space<hbm>>) target(%arg6 : memref<800xi32, #tpu.memory_space<vmem>>) target_semaphore(%run_scoped3A : memref<!tpu.dma_semaphore, #tpu.memory_space<semaphore_mem>>)
      %dma_wait3A_4891 = tpu.memref_slice %arg2[%add3A_3654] : memref<819200xi32, #tpu.memory_space<hbm>> -> memref<800xi32, #tpu.memory_space<hbm>>
      %dma_wait3A_4892 = tpu.memref_slice %arg2[%add3A_3654] : memref<819200xi32, #tpu.memory_space<hbm>> -> memref<800xi32, #tpu.memory_space<hbm>>
      tpu.wait_dma2 semaphore(%run_scoped3A : memref<!tpu.dma_semaphore, #tpu.memory_space<semaphore_mem>>) src(%dma_wait3A_4892 : memref<800xi32, #tpu.memory_space<hbm>>) dst(%arg6 : memref<800xi32, #tpu.memory_space<vmem>>)
      tpu.yield
    }) : () -> ()
    %get3A_3655 = arith.constant 0 : index
    %get3A_3656 = tpu.vector_load %arg6[%get3A_3655] {strides = array<i32>} : memref<800xi32, #tpu.memory_space<vmem>>, vector<16xi32>,
    %get3A_3657 = vector.shape_cast %get3A_3656 : vector<16xi32> to vector<16xi32>
    %and3A_3658 = arith.constant -32768 : i32
    %and3A_3659 = vector.broadcast %and3A_3658 : i32 to vector<16xi32>
    %and3A_3660 = arith.andi %get3A_3657, %and3A_3659 : vector<16xi32>
    %and3A_3661 = arith.constant 16383 : i32
    %and3A_3662 = vector.broadcast %and3A_3661 : i32 to vector<16xi32>
    %and3A_3663 = arith.andi %get3A_3657, %and3A_3662 : vector<16xi32>
    %shift_left3A_3664 = arith.constant 1 : i32
    %shift_left3A_3665 = vector.broadcast %shift_left3A_3664 : i32 to vector<16xi32>
    %shift_left3A_3666 = arith.shli %and3A_3663, %shift_left3A_3665 : vector<16xi32>
    %add3A_3667 = arith.addi %and3A_3660, %shift_left3A_3666 : vector<16xi32>
    %shift_right_arithmetic3A_3668 = arith.constant 14 : i32
    %shift_right_arithmetic3A_3669 = vector.broadcast %shift_right_arithmetic3A_3668 : i32 to vector<16xi32>
    %shift_right_arithmetic3A_3670 = arith.shrsi %get3A_3657, %shift_right_arithmetic3A_3669 : vector<16xi32>
    %and3A_3671 = arith.constant 1 : i32
    %and3A_3672 = vector.broadcast %and3A_3671 : i32 to vector<16xi32>
    %and3A_3673 = arith.andi %shift_right_arithmetic3A_3670, %and3A_3672 : vector<16xi32>
    %add3A_3674 = arith.addi %add3A_3667, %and3A_3673 : vector<16xi32>
    %swap3A_3675 = arith.constant 0 : index
    %swap3A_3676 = tpu.vector_load %arg6[%swap3A_3675] {strides = array<i32>} : memref<800xi32, #tpu.memory_space<vmem>>, vector<16xi32>,
    %swap3A_3677 = vector.shape_cast %swap3A_3676 : vector<16xi32> to vector<16xi32>
    %swap3A_3678 = vector.shape_cast %add3A_3674 : vector<16xi32> to vector<16xi32>
    tpu.vector_store %arg6[%swap3A_3675], %swap3A_3678 {strides = array<i32>} : memref<800xi32, #tpu.memory_space<vmem>>, vector<16xi32>,
    %get3A_3679 = arith.constant 16 : index
    %get3A_3680 = tpu.vector_load %arg6[%get3A_3679] {strides = array<i32>} : memref<800xi32, #tpu.memory_space<vmem>>, vector<16xi32>,
    %get3A_3681 = vector.shape_cast %get3A_3680 : vector<16xi32> to vector<16xi32>
    %and3A_3682 = arith.constant -32768 : i32
    %and3A_3683 = vector.broadcast %and3A_3682 : i32 to vector<16xi32>
    %and3A_3684 = arith.andi %get3A_3681, %and3A_3683 : vector<16xi32>
    %and3A_3685 = arith.constant 16383 : i32
    %and3A_3686 = vector.broadcast %and3A_3685 : i32 to vector<16xi32>
    %and3A_3687 = arith.andi %get3A_3681, %and3A_3686 : vector<16xi32>
    %shift_left3A_3688 = arith.constant 1 : i32
    %shift_left3A_3689 = vector.broadcast %shift_left3A_3688 : i32 to vector<16xi32>
    %shift_left3A_3690 = arith.shli %and3A_3687, %shift_left3A_3689 : vector<16xi32>
    %add3A_3691 = arith.addi %and3A_3684, %shift_left3A_3690 : vector<16xi32>
    %shift_right_arithmetic3A_3692 = arith.constant 14 : i32
    %shift_right_arithmetic3A_3693 = vector.broadcast %shift_right_arithmetic3A_3692 : i32 to vector<16xi32>
    %shift_right_arithmetic3A_3694 = arith.shrsi %get3A_3681, %shift_right_arithmetic3A_3693 : vector<16xi32>
    %and3A_3695 = arith.constant 1 : i32
    %and3A_3696 = vector.broadcast %and3A_3695 : i32 to vector<16xi32>
    %and3A_3697 = arith.andi %shift_right_arithmetic3A_3694, %and3A_3696 : vector<16xi32>
    %add3A_3698 = arith.addi %add3A_3691, %and3A_3697 : vector<16xi32>
    %swap3A_3699 = arith.constant 16 : index
    %swap3A_3700 = tpu.vector_load %arg6[%swap3A_3699] {strides = array<i32>} : memref<800xi32, #tpu.memory_space<vmem>>, vector<16xi32>,
    %swap3A_3701 = vector.shape_cast %swap3A_3700 : vector<16xi32> to vector<16xi32>
    %swap3A_3702 = vector.shape_cast %add3A_3698 : vector<16xi32> to vector<16xi32>
    tpu.vector_store %arg6[%swap3A_3699], %swap3A_3702 {strides = array<i32>} : memref<800xi32, #tpu.memory_space<vmem>>, vector<16xi32>,
    %get3A_3703 = arith.constant 32 : index
    %get3A_3704 = tpu.vector_load %arg6[%get3A_3703] {strides = array<i32>} : memref<800xi32, #tpu.memory_space<vmem>>, vector<16xi32>,
    %get3A_3705 = vector.shape_cast %get3A_3704 : vector<16xi32> to vector<16xi32>
    %and3A_3706 = arith.constant -32768 : i32
    %and3A_3707 = vector.broadcast %and3A_3706 : i32 to vector<16xi32>
    %and3A_3708 = arith.andi %get3A_3705, %and3A_3707 : vector<16xi32>
    %and3A_3709 = arith.constant 16383 : i32
    %and3A_3710 = vector.broadcast %and3A_3709 : i32 to vector<16xi32>
    %and3A_3711 = arith.andi %get3A_3705, %and3A_3710 : vector<16xi32>
    %shift_left3A_3712 = arith.constant 1 : i32
    %shift_left3A_3713 = vector.broadcast %shift_left3A_3712 : i32 to vector<16xi32>
    %shift_left3A_3714 = arith.shli %and3A_3711, %shift_left3A_3713 : vector<16xi32>
    %add3A_3715 = arith.addi %and3A_3708, %shift_left3A_3714 : vector<16xi32>
    %shift_right_arithmetic3A_3716 = arith.constant 14 : i32
    %shift_right_arithmetic3A_3717 = vector.broadcast %shift_right_arithmetic3A_3716 : i32 to vector<16xi32>
    %shift_right_arithmetic3A_3718 = arith.shrsi %get3A_3705, %shift_right_arithmetic3A_3717 : vector<16xi32>
    %and3A_3719 = arith.constant 1 : i32
    %and3A_3720 = vector.broadcast %and3A_3719 : i32 to vector<16xi32>
    %and3A_3721 = arith.andi %shift_right_arithmetic3A_3718, %and3A_3720 : vector<16xi32>
    %add3A_3722 = arith.addi %add3A_3715, %and3A_3721 : vector<16xi32>
    %swap3A_3723 = arith.constant 32 : index
    %swap3A_3724 = tpu.vector_load %arg6[%swap3A_3723] {strides = array<i32>} : memref<800xi32, #tpu.memory_space<vmem>>, vector<16xi32>,
    %swap3A_3725 = vector.shape_cast %swap3A_3724 : vector<16xi32> to vector<16xi32>
    %swap3A_3726 = vector.shape_cast %add3A_3722 : vector<16xi32> to vector<16xi32>
    tpu.vector_store %arg6[%swap3A_3723], %swap3A_3726 {strides = array<i32>} : memref<800xi32, #tpu.memory_space<vmem>>, vector<16xi32>,
    %get3A_3727 = arith.constant 48 : index
    %get3A_3728 = tpu.vector_load %arg6[%get3A_3727] {strides = array<i32>} : memref<800xi32, #tpu.memory_space<vmem>>, vector<16xi32>,
    %get3A_3729 = vector.shape_cast %get3A_3728 : vector<16xi32> to vector<16xi32>
    %and3A_3730 = arith.constant -32768 : i32
    %and3A_3731 = vector.broadcast %and3A_3730 : i32 to vector<16xi32>
    %and3A_3732 = arith.andi %get3A_3729, %and3A_3731 : vector<16xi32>
    %and3A_3733 = arith.constant 16383 : i32
    %and3A_3734 = vector.broadcast %and3A_3733 : i32 to vector<16xi32>
    %and3A_3735 = arith.andi %get3A_3729, %and3A_3734 : vector<16xi32>
    %shift_left3A_3736 = arith.constant 1 : i32
    %shift_left3A_3737 = vector.broadcast %shift_left3A_3736 : i32 to vector<16xi32>
    %shift_left3A_3738 = arith.shli %and3A_3735, %shift_left3A_3737 : vector<16xi32>
    %add3A_3739 = arith.addi %and3A_3732, %shift_left3A_3738 : vector<16xi32>
    %shift_right_arithmetic3A_3740 = arith.constant 14 : i32
    %shift_right_arithmetic3A_3741 = vector.broadcast %shift_right_arithmetic3A_3740 : i32 to vector<16xi32>
    %shift_right_arithmetic3A_3742 = arith.shrsi %get3A_3729, %shift_right_arithmetic3A_3741 : vector<16xi32>
    %and3A_3743 = arith.constant 1 : i32
    %and3A_3744 = vector.broadcast %and3A_3743 : i32 to vector<16xi32>
    %and3A_3745 = arith.andi %shift_right_arithmetic3A_3742, %and3A_3744 : vector<16xi32>
    %add3A_3746 = arith.addi %add3A_3739, %and3A_3745 : vector<16xi32>
    %swap3A_3747 = arith.constant 48 : index
    %swap3A_3748 = tpu.vector_load %arg6[%swap3A_3747] {strides = array<i32>} : memref<800xi32, #tpu.memory_space<vmem>>, vector<16xi32>,
    %swap3A_3749 = vector.shape_cast %swap3A_3748 : vector<16xi32> to vector<16xi32>
    %swap3A_3750 = vector.shape_cast %add3A_3746 : vector<16xi32> to vector<16xi32>
    tpu.vector_store %arg6[%swap3A_3747], %swap3A_3750 {strides = array<i32>} : memref<800xi32, #tpu.memory_space<vmem>>, vector<16xi32>,
    %get3A_3751 = arith.constant 64 : index
    %get3A_3752 = tpu.vector_load %arg6[%get3A_3751] {strides = array<i32>} : memref<800xi32, #tpu.memory_space<vmem>>, vector<16xi32>,
    %get3A_3753 = vector.shape_cast %get3A_3752 : vector<16xi32> to vector<16xi32>
    %and3A_3754 = arith.constant -32768 : i32
    %and3A_3755 = vector.broadcast %and3A_3754 : i32 to vector<16xi32>
    %and3A_3756 = arith.andi %get3A_3753, %and3A_3755 : vector<16xi32>
    %and3A_3757 = arith.constant 16383 : i32
    %and3A_3758 = vector.broadcast %and3A_3757 : i32 to vector<16xi32>
    %and3A_3759 = arith.andi %get3A_3753, %and3A_3758 : vector<16xi32>
    %shift_left3A_3760 = arith.constant 1 : i32
    %shift_left3A_3761 = vector.broadcast %shift_left3A_3760 : i32 to vector<16xi32>
    %shift_left3A_3762 = arith.shli %and3A_3759, %shift_left3A_3761 : vector<16xi32>
    %add3A_3763 = arith.addi %and3A_3756, %shift_left3A_3762 : vector<16xi32>
    %shift_right_arithmetic3A_3764 = arith.constant 14 : i32
    %shift_right_arithmetic3A_3765 = vector.broadcast %shift_right_arithmetic3A_3764 : i32 to vector<16xi32>
    %shift_right_arithmetic3A_3766 = arith.shrsi %get3A_3753, %shift_right_arithmetic3A_3765 : vector<16xi32>
    %and3A_3767 = arith.constant 1 : i32
    %and3A_3768 = vector.broadcast %and3A_3767 : i32 to vector<16xi32>
    %and3A_3769 = arith.andi %shift_right_arithmetic3A_3766, %and3A_3768 : vector<16xi32>
    %add3A_3770 = arith.addi %add3A_3763, %and3A_3769 : vector<16xi32>
    %swap3A_3771 = arith.constant 64 : index
    %swap3A_3772 = tpu.vector_load %arg6[%swap3A_3771] {strides = array<i32>} : memref<800xi32, #tpu.memory_space<vmem>>, vector<16xi32>,
    %swap3A_3773 = vector.shape_cast %swap3A_3772 : vector<16xi32> to vector<16xi32>
    %swap3A_3774 = vector.shape_cast %add3A_3770 : vector<16xi32> to vector<16xi32>
    tpu.vector_store %arg6[%swap3A_3771], %swap3A_3774 {strides = array<i32>} : memref<800xi32, #tpu.memory_space<vmem>>, vector<16xi32>,
    %get3A_3775 = arith.constant 80 : index
    %get3A_3776 = tpu.vector_load %arg6[%get3A_3775] {strides = array<i32>} : memref<800xi32, #tpu.memory_space<vmem>>, vector<16xi32>,
    %get3A_3777 = vector.shape_cast %get3A_3776 : vector<16xi32> to vector<16xi32>
    %and3A_3778 = arith.constant -32768 : i32
    %and3A_3779 = vector.broadcast %and3A_3778 : i32 to vector<16xi32>
    %and3A_3780 = arith.andi %get3A_3777, %and3A_3779 : vector<16xi32>
    %and3A_3781 = arith.constant 16383 : i32
    %and3A_3782 = vector.broadcast %and3A_3781 : i32 to vector<16xi32>
    %and3A_3783 = arith.andi %get3A_3777, %and3A_3782 : vector<16xi32>
    %shift_left3A_3784 = arith.constant 1 : i32
    %shift_left3A_3785 = vector.broadcast %shift_left3A_3784 : i32 to vector<16xi32>
    %shift_left3A_3786 = arith.shli %and3A_3783, %shift_left3A_3785 : vector<16xi32>
    %add3A_3787 = arith.addi %and3A_3780, %shift_left3A_3786 : vector<16xi32>
    %shift_right_arithmetic3A_3788 = arith.constant 14 : i32
    %shift_right_arithmetic3A_3789 = vector.broadcast %shift_right_arithmetic3A_3788 : i32 to vector<16xi32>
    %shift_right_arithmetic3A_3790 = arith.shrsi %get3A_3777, %shift_right_arithmetic3A_3789 : vector<16xi32>
    %and3A_3791 = arith.constant 1 : i32
    %and3A_3792 = vector.broadcast %and3A_3791 : i32 to vector<16xi32>
    %and3A_3793 = arith.andi %shift_right_arithmetic3A_3790, %and3A_3792 : vector<16xi32>
    %add3A_3794 = arith.addi %add3A_3787, %and3A_3793 : vector<16xi32>
    %swap3A_3795 = arith.constant 80 : index
    %swap3A_3796 = tpu.vector_load %arg6[%swap3A_3795] {strides = array<i32>} : memref<800xi32, #tpu.memory_space<vmem>>, vector<16xi32>,
    %swap3A_3797 = vector.shape_cast %swap3A_3796 : vector<16xi32> to vector<16xi32>
    %swap3A_3798 = vector.shape_cast %add3A_3794 : vector<16xi32> to vector<16xi32>
    tpu.vector_store %arg6[%swap3A_3795], %swap3A_3798 {strides = array<i32>} : memref<800xi32, #tpu.memory_space<vmem>>, vector<16xi32>,
    %get3A_3799 = arith.constant 96 : index
    %get3A_3800 = tpu.vector_load %arg6[%get3A_3799] {strides = array<i32>} : memref<800xi32, #tpu.memory_space<vmem>>, vector<16xi32>,
    %get3A_3801 = vector.shape_cast %get3A_3800 : vector<16xi32> to vector<16xi32>
    %and3A_3802 = arith.constant -32768 : i32
    %and3A_3803 = vector.broadcast %and3A_3802 : i32 to vector<16xi32>
    %and3A_3804 = arith.andi %get3A_3801, %and3A_3803 : vector<16xi32>
    %and3A_3805 = arith.constant 16383 : i32
    %and3A_3806 = vector.broadcast %and3A_3805 : i32 to vector<16xi32>
    %and3A_3807 = arith.andi %get3A_3801, %and3A_3806 : vector<16xi32>
    %shift_left3A_3808 = arith.constant 1 : i32
    %shift_left3A_3809 = vector.broadcast %shift_left3A_3808 : i32 to vector<16xi32>
    %shift_left3A_3810 = arith.shli %and3A_3807, %shift_left3A_3809 : vector<16xi32>
    %add3A_3811 = arith.addi %and3A_3804, %shift_left3A_3810 : vector<16xi32>
    %shift_right_arithmetic3A_3812 = arith.constant 14 : i32
    %shift_right_arithmetic3A_3813 = vector.broadcast %shift_right_arithmetic3A_3812 : i32 to vector<16xi32>
    %shift_right_arithmetic3A_3814 = arith.shrsi %get3A_3801, %shift_right_arithmetic3A_3813 : vector<16xi32>
    %and3A_3815 = arith.constant 1 : i32
    %and3A_3816 = vector.broadcast %and3A_3815 : i32 to vector<16xi32>
    %and3A_3817 = arith.andi %shift_right_arithmetic3A_3814, %and3A_3816 : vector<16xi32>
    %add3A_3818 = arith.addi %add3A_3811, %and3A_3817 : vector<16xi32>
    %swap3A_3819 = arith.constant 96 : index
    %swap3A_3820 = tpu.vector_load %arg6[%swap3A_3819] {strides = array<i32>} : memref<800xi32, #tpu.memory_space<vmem>>, vector<16xi32>,
    %swap3A_3821 = vector.shape_cast %swap3A_3820 : vector<16xi32> to vector<16xi32>
    %swap3A_3822 = vector.shape_cast %add3A_3818 : vector<16xi32> to vector<16xi32>
    tpu.vector_store %arg6[%swap3A_3819], %swap3A_3822 {strides = array<i32>} : memref<800xi32, #tpu.memory_space<vmem>>, vector<16xi32>,
    %get3A_3823 = arith.constant 112 : index
    %get3A_3824 = tpu.vector_load %arg6[%get3A_3823] {strides = array<i32>} : memref<800xi32, #tpu.memory_space<vmem>>, vector<16xi32>,
    %get3A_3825 = vector.shape_cast %get3A_3824 : vector<16xi32> to vector<16xi32>
    %and3A_3826 = arith.constant -32768 : i32
    %and3A_3827 = vector.broadcast %and3A_3826 : i32 to vector<16xi32>
    %and3A_3828 = arith.andi %get3A_3825, %and3A_3827 : vector<16xi32>
    %and3A_3829 = arith.constant 16383 : i32
    %and3A_3830 = vector.broadcast %and3A_3829 : i32 to vector<16xi32>
    %and3A_3831 = arith.andi %get3A_3825, %and3A_3830 : vector<16xi32>
    %shift_left3A_3832 = arith.constant 1 : i32
    %shift_left3A_3833 = vector.broadcast %shift_left3A_3832 : i32 to vector<16xi32>
    %shift_left3A_3834 = arith.shli %and3A_3831, %shift_left3A_3833 : vector<16xi32>
    %add3A_3835 = arith.addi %and3A_3828, %shift_left3A_3834 : vector<16xi32>
    %shift_right_arithmetic3A_3836 = arith.constant 14 : i32
    %shift_right_arithmetic3A_3837 = vector.broadcast %shift_right_arithmetic3A_3836 : i32 to vector<16xi32>
    %shift_right_arithmetic3A_3838 = arith.shrsi %get3A_3825, %shift_right_arithmetic3A_3837 : vector<16xi32>
    %and3A_3839 = arith.constant 1 : i32
    %and3A_3840 = vector.broadcast %and3A_3839 : i32 to vector<16xi32>
    %and3A_3841 = arith.andi %shift_right_arithmetic3A_3838, %and3A_3840 : vector<16xi32>
    %add3A_3842 = arith.addi %add3A_3835, %and3A_3841 : vector<16xi32>
    %swap3A_3843 = arith.constant 112 : index
    %swap3A_3844 = tpu.vector_load %arg6[%swap3A_3843] {strides = array<i32>} : memref<800xi32, #tpu.memory_space<vmem>>, vector<16xi32>,
    %swap3A_3845 = vector.shape_cast %swap3A_3844 : vector<16xi32> to vector<16xi32>
    %swap3A_3846 = vector.shape_cast %add3A_3842 : vector<16xi32> to vector<16xi32>
    tpu.vector_store %arg6[%swap3A_3843], %swap3A_3846 {strides = array<i32>} : memref<800xi32, #tpu.memory_space<vmem>>, vector<16xi32>,
    %get3A_3847 = arith.constant 128 : index
    %get3A_3848 = tpu.vector_load %arg6[%get3A_3847] {strides = array<i32>} : memref<800xi32, #tpu.memory_space<vmem>>, vector<16xi32>,
    %get3A_3849 = vector.shape_cast %get3A_3848 : vector<16xi32> to vector<16xi32>
    %and3A_3850 = arith.constant -32768 : i32
    %and3A_3851 = vector.broadcast %and3A_3850 : i32 to vector<16xi32>
    %and3A_3852 = arith.andi %get3A_3849, %and3A_3851 : vector<16xi32>
    %and3A_3853 = arith.constant 16383 : i32
    %and3A_3854 = vector.broadcast %and3A_3853 : i32 to vector<16xi32>
    %and3A_3855 = arith.andi %get3A_3849, %and3A_3854 : vector<16xi32>
    %shift_left3A_3856 = arith.constant 1 : i32
    %shift_left3A_3857 = vector.broadcast %shift_left3A_3856 : i32 to vector<16xi32>
    %shift_left3A_3858 = arith.shli %and3A_3855, %shift_left3A_3857 : vector<16xi32>
    %add3A_3859 = arith.addi %and3A_3852, %shift_left3A_3858 : vector<16xi32>
    %shift_right_arithmetic3A_3860 = arith.constant 14 : i32
    %shift_right_arithmetic3A_3861 = vector.broadcast %shift_right_arithmetic3A_3860 : i32 to vector<16xi32>
    %shift_right_arithmetic3A_3862 = arith.shrsi %get3A_3849, %shift_right_arithmetic3A_3861 : vector<16xi32>
    %and3A_3863 = arith.constant 1 : i32
    %and3A_3864 = vector.broadcast %and3A_3863 : i32 to vector<16xi32>
    %and3A_3865 = arith.andi %shift_right_arithmetic3A_3862, %and3A_3864 : vector<16xi32>
    %add3A_3866 = arith.addi %add3A_3859, %and3A_3865 : vector<16xi32>
    %swap3A_3867 = arith.constant 128 : index
    %swap3A_3868 = tpu.vector_load %arg6[%swap3A_3867] {strides = array<i32>} : memref<800xi32, #tpu.memory_space<vmem>>, vector<16xi32>,
    %swap3A_3869 = vector.shape_cast %swap3A_3868 : vector<16xi32> to vector<16xi32>
    %swap3A_3870 = vector.shape_cast %add3A_3866 : vector<16xi32> to vector<16xi32>
    tpu.vector_store %arg6[%swap3A_3867], %swap3A_3870 {strides = array<i32>} : memref<800xi32, #tpu.memory_space<vmem>>, vector<16xi32>,
    %get3A_3871 = arith.constant 144 : index
    %get3A_3872 = tpu.vector_load %arg6[%get3A_3871] {strides = array<i32>} : memref<800xi32, #tpu.memory_space<vmem>>, vector<16xi32>,
    %get3A_3873 = vector.shape_cast %get3A_3872 : vector<16xi32> to vector<16xi32>
    %and3A_3874 = arith.constant -32768 : i32
    %and3A_3875 = vector.broadcast %and3A_3874 : i32 to vector<16xi32>
    %and3A_3876 = arith.andi %get3A_3873, %and3A_3875 : vector<16xi32>
    %and3A_3877 = arith.constant 16383 : i32
    %and3A_3878 = vector.broadcast %and3A_3877 : i32 to vector<16xi32>
    %and3A_3879 = arith.andi %get3A_3873, %and3A_3878 : vector<16xi32>
    %shift_left3A_3880 = arith.constant 1 : i32
    %shift_left3A_3881 = vector.broadcast %shift_left3A_3880 : i32 to vector<16xi32>
    %shift_left3A_3882 = arith.shli %and3A_3879, %shift_left3A_3881 : vector<16xi32>
    %add3A_3883 = arith.addi %and3A_3876, %shift_left3A_3882 : vector<16xi32>
    %shift_right_arithmetic3A_3884 = arith.constant 14 : i32
    %shift_right_arithmetic3A_3885 = vector.broadcast %shift_right_arithmetic3A_3884 : i32 to vector<16xi32>
    %shift_right_arithmetic3A_3886 = arith.shrsi %get3A_3873, %shift_right_arithmetic3A_3885 : vector<16xi32>
    %and3A_3887 = arith.constant 1 : i32
    %and3A_3888 = vector.broadcast %and3A_3887 : i32 to vector<16xi32>
    %and3A_3889 = arith.andi %shift_right_arithmetic3A_3886, %and3A_3888 : vector<16xi32>
    %add3A_3890 = arith.addi %add3A_3883, %and3A_3889 : vector<16xi32>
    %swap3A_3891 = arith.constant 144 : index
    %swap3A_3892 = tpu.vector_load %arg6[%swap3A_3891] {strides = array<i32>} : memref<800xi32, #tpu.memory_space<vmem>>, vector<16xi32>,
    %swap3A_3893 = vector.shape_cast %swap3A_3892 : vector<16xi32> to vector<16xi32>
    %swap3A_3894 = vector.shape_cast %add3A_3890 : vector<16xi32> to vector<16xi32>
    tpu.vector_store %arg6[%swap3A_3891], %swap3A_3894 {strides = array<i32>} : memref<800xi32, #tpu.memory_space<vmem>>, vector<16xi32>,
    %get3A_3895 = arith.constant 160 : index
    %get3A_3896 = tpu.vector_load %arg6[%get3A_3895] {strides = array<i32>} : memref<800xi32, #tpu.memory_space<vmem>>, vector<16xi32>,
    %get3A_3897 = vector.shape_cast %get3A_3896 : vector<16xi32> to vector<16xi32>
    %and3A_3898 = arith.constant -32768 : i32
    %and3A_3899 = vector.broadcast %and3A_3898 : i32 to vector<16xi32>
    %and3A_3900 = arith.andi %get3A_3897, %and3A_3899 : vector<16xi32>
    %and3A_3901 = arith.constant 16383 : i32
    %and3A_3902 = vector.broadcast %and3A_3901 : i32 to vector<16xi32>
    %and3A_3903 = arith.andi %get3A_3897, %and3A_3902 : vector<16xi32>
    %shift_left3A_3904 = arith.constant 1 : i32
    %shift_left3A_3905 = vector.broadcast %shift_left3A_3904 : i32 to vector<16xi32>
    %shift_left3A_3906 = arith.shli %and3A_3903, %shift_left3A_3905 : vector<16xi32>
    %add3A_3907 = arith.addi %and3A_3900, %shift_left3A_3906 : vector<16xi32>
    %shift_right_arithmetic3A_3908 = arith.constant 14 : i32
    %shift_right_arithmetic3A_3909 = vector.broadcast %shift_right_arithmetic3A_3908 : i32 to vector<16xi32>
    %shift_right_arithmetic3A_3910 = arith.shrsi %get3A_3897, %shift_right_arithmetic3A_3909 : vector<16xi32>
    %and3A_3911 = arith.constant 1 : i32
    %and3A_3912 = vector.broadcast %and3A_3911 : i32 to vector<16xi32>
    %and3A_3913 = arith.andi %shift_right_arithmetic3A_3910, %and3A_3912 : vector<16xi32>
    %add3A_3914 = arith.addi %add3A_3907, %and3A_3913 : vector<16xi32>
    %swap3A_3915 = arith.constant 160 : index
    %swap3A_3916 = tpu.vector_load %arg6[%swap3A_3915] {strides = array<i32>} : memref<800xi32, #tpu.memory_space<vmem>>, vector<16xi32>,
    %swap3A_3917 = vector.shape_cast %swap3A_3916 : vector<16xi32> to vector<16xi32>
    %swap3A_3918 = vector.shape_cast %add3A_3914 : vector<16xi32> to vector<16xi32>
    tpu.vector_store %arg6[%swap3A_3915], %swap3A_3918 {strides = array<i32>} : memref<800xi32, #tpu.memory_space<vmem>>, vector<16xi32>,
    %get3A_3919 = arith.constant 176 : index
    %get3A_3920 = tpu.vector_load %arg6[%get3A_3919] {strides = array<i32>} : memref<800xi32, #tpu.memory_space<vmem>>, vector<16xi32>,
    %get3A_3921 = vector.shape_cast %get3A_3920 : vector<16xi32> to vector<16xi32>
    %and3A_3922 = arith.constant -32768 : i32
    %and3A_3923 = vector.broadcast %and3A_3922 : i32 to vector<16xi32>
    %and3A_3924 = arith.andi %get3A_3921, %and3A_3923 : vector<16xi32>
    %and3A_3925 = arith.constant 16383 : i32
    %and3A_3926 = vector.broadcast %and3A_3925 : i32 to vector<16xi32>
    %and3A_3927 = arith.andi %get3A_3921, %and3A_3926 : vector<16xi32>
    %shift_left3A_3928 = arith.constant 1 : i32
    %shift_left3A_3929 = vector.broadcast %shift_left3A_3928 : i32 to vector<16xi32>
    %shift_left3A_3930 = arith.shli %and3A_3927, %shift_left3A_3929 : vector<16xi32>
    %add3A_3931 = arith.addi %and3A_3924, %shift_left3A_3930 : vector<16xi32>
    %shift_right_arithmetic3A_3932 = arith.constant 14 : i32
    %shift_right_arithmetic3A_3933 = vector.broadcast %shift_right_arithmetic3A_3932 : i32 to vector<16xi32>
    %shift_right_arithmetic3A_3934 = arith.shrsi %get3A_3921, %shift_right_arithmetic3A_3933 : vector<16xi32>
    %and3A_3935 = arith.constant 1 : i32
    %and3A_3936 = vector.broadcast %and3A_3935 : i32 to vector<16xi32>
    %and3A_3937 = arith.andi %shift_right_arithmetic3A_3934, %and3A_3936 : vector<16xi32>
    %add3A_3938 = arith.addi %add3A_3931, %and3A_3937 : vector<16xi32>
    %swap3A_3939 = arith.constant 176 : index
    %swap3A_3940 = tpu.vector_load %arg6[%swap3A_3939] {strides = array<i32>} : memref<800xi32, #tpu.memory_space<vmem>>, vector<16xi32>,
    %swap3A_3941 = vector.shape_cast %swap3A_3940 : vector<16xi32> to vector<16xi32>
    %swap3A_3942 = vector.shape_cast %add3A_3938 : vector<16xi32> to vector<16xi32>
    tpu.vector_store %arg6[%swap3A_3939], %swap3A_3942 {strides = array<i32>} : memref<800xi32, #tpu.memory_space<vmem>>, vector<16xi32>,
    %get3A_3943 = arith.constant 192 : index
    %get3A_3944 = tpu.vector_load %arg6[%get3A_3943] {strides = array<i32>} : memref<800xi32, #tpu.memory_space<vmem>>, vector<16xi32>,
    %get3A_3945 = vector.shape_cast %get3A_3944 : vector<16xi32> to vector<16xi32>
    %and3A_3946 = arith.constant -32768 : i32
    %and3A_3947 = vector.broadcast %and3A_3946 : i32 to vector<16xi32>
    %and3A_3948 = arith.andi %get3A_3945, %and3A_3947 : vector<16xi32>
    %and3A_3949 = arith.constant 16383 : i32
    %and3A_3950 = vector.broadcast %and3A_3949 : i32 to vector<16xi32>
    %and3A_3951 = arith.andi %get3A_3945, %and3A_3950 : vector<16xi32>
    %shift_left3A_3952 = arith.constant 1 : i32
    %shift_left3A_3953 = vector.broadcast %shift_left3A_3952 : i32 to vector<16xi32>
    %shift_left3A_3954 = arith.shli %and3A_3951, %shift_left3A_3953 : vector<16xi32>
    %add3A_3955 = arith.addi %and3A_3948, %shift_left3A_3954 : vector<16xi32>
    %shift_right_arithmetic3A_3956 = arith.constant 14 : i32
    %shift_right_arithmetic3A_3957 = vector.broadcast %shift_right_arithmetic3A_3956 : i32 to vector<16xi32>
    %shift_right_arithmetic3A_3958 = arith.shrsi %get3A_3945, %shift_right_arithmetic3A_3957 : vector<16xi32>
    %and3A_3959 = arith.constant 1 : i32
    %and3A_3960 = vector.broadcast %and3A_3959 : i32 to vector<16xi32>
    %and3A_3961 = arith.andi %shift_right_arithmetic3A_3958, %and3A_3960 : vector<16xi32>
    %add3A_3962 = arith.addi %add3A_3955, %and3A_3961 : vector<16xi32>
    %swap3A_3963 = arith.constant 192 : index
    %swap3A_3964 = tpu.vector_load %arg6[%swap3A_3963] {strides = array<i32>} : memref<800xi32, #tpu.memory_space<vmem>>, vector<16xi32>,
    %swap3A_3965 = vector.shape_cast %swap3A_3964 : vector<16xi32> to vector<16xi32>
    %swap3A_3966 = vector.shape_cast %add3A_3962 : vector<16xi32> to vector<16xi32>
    tpu.vector_store %arg6[%swap3A_3963], %swap3A_3966 {strides = array<i32>} : memref<800xi32, #tpu.memory_space<vmem>>, vector<16xi32>,
    %get3A_3967 = arith.constant 208 : index
    %get3A_3968 = tpu.vector_load %arg6[%get3A_3967] {strides = array<i32>} : memref<800xi32, #tpu.memory_space<vmem>>, vector<16xi32>,
    %get3A_3969 = vector.shape_cast %get3A_3968 : vector<16xi32> to vector<16xi32>
    %and3A_3970 = arith.constant -32768 : i32
    %and3A_3971 = vector.broadcast %and3A_3970 : i32 to vector<16xi32>
    %and3A_3972 = arith.andi %get3A_3969, %and3A_3971 : vector<16xi32>
    %and3A_3973 = arith.constant 16383 : i32
    %and3A_3974 = vector.broadcast %and3A_3973 : i32 to vector<16xi32>
    %and3A_3975 = arith.andi %get3A_3969, %and3A_3974 : vector<16xi32>
    %shift_left3A_3976 = arith.constant 1 : i32
    %shift_left3A_3977 = vector.broadcast %shift_left3A_3976 : i32 to vector<16xi32>
    %shift_left3A_3978 = arith.shli %and3A_3975, %shift_left3A_3977 : vector<16xi32>
    %add3A_3979 = arith.addi %and3A_3972, %shift_left3A_3978 : vector<16xi32>
    %shift_right_arithmetic3A_3980 = arith.constant 14 : i32
    %shift_right_arithmetic3A_3981 = vector.broadcast %shift_right_arithmetic3A_3980 : i32 to vector<16xi32>
    %shift_right_arithmetic3A_3982 = arith.shrsi %get3A_3969, %shift_right_arithmetic3A_3981 : vector<16xi32>
    %and3A_3983 = arith.constant 1 : i32
    %and3A_3984 = vector.broadcast %and3A_3983 : i32 to vector<16xi32>
    %and3A_3985 = arith.andi %shift_right_arithmetic3A_3982, %and3A_3984 : vector<16xi32>
    %add3A_3986 = arith.addi %add3A_3979, %and3A_3985 : vector<16xi32>
    %swap3A_3987 = arith.constant 208 : index
    %swap3A_3988 = tpu.vector_load %arg6[%swap3A_3987] {strides = array<i32>} : memref<800xi32, #tpu.memory_space<vmem>>, vector<16xi32>,
    %swap3A_3989 = vector.shape_cast %swap3A_3988 : vector<16xi32> to vector<16xi32>
    %swap3A_3990 = vector.shape_cast %add3A_3986 : vector<16xi32> to vector<16xi32>
    tpu.vector_store %arg6[%swap3A_3987], %swap3A_3990 {strides = array<i32>} : memref<800xi32, #tpu.memory_space<vmem>>, vector<16xi32>,
    %get3A_3991 = arith.constant 224 : index
    %get3A_3992 = tpu.vector_load %arg6[%get3A_3991] {strides = array<i32>} : memref<800xi32, #tpu.memory_space<vmem>>, vector<16xi32>,
    %get3A_3993 = vector.shape_cast %get3A_3992 : vector<16xi32> to vector<16xi32>
    %and3A_3994 = arith.constant -32768 : i32
    %and3A_3995 = vector.broadcast %and3A_3994 : i32 to vector<16xi32>
    %and3A_3996 = arith.andi %get3A_3993, %and3A_3995 : vector<16xi32>
    %and3A_3997 = arith.constant 16383 : i32
    %and3A_3998 = vector.broadcast %and3A_3997 : i32 to vector<16xi32>
    %and3A_3999 = arith.andi %get3A_3993, %and3A_3998 : vector<16xi32>
    %shift_left3A_4000 = arith.constant 1 : i32
    %shift_left3A_4001 = vector.broadcast %shift_left3A_4000 : i32 to vector<16xi32>
    %shift_left3A_4002 = arith.shli %and3A_3999, %shift_left3A_4001 : vector<16xi32>
    %add3A_4003 = arith.addi %and3A_3996, %shift_left3A_4002 : vector<16xi32>
    %shift_right_arithmetic3A_4004 = arith.constant 14 : i32
    %shift_right_arithmetic3A_4005 = vector.broadcast %shift_right_arithmetic3A_4004 : i32 to vector<16xi32>
    %shift_right_arithmetic3A_4006 = arith.shrsi %get3A_3993, %shift_right_arithmetic3A_4005 : vector<16xi32>
    %and3A_4007 = arith.constant 1 : i32
    %and3A_4008 = vector.broadcast %and3A_4007 : i32 to vector<16xi32>
    %and3A_4009 = arith.andi %shift_right_arithmetic3A_4006, %and3A_4008 : vector<16xi32>
    %add3A_4010 = arith.addi %add3A_4003, %and3A_4009 : vector<16xi32>
    %swap3A_4011 = arith.constant 224 : index
    %swap3A_4012 = tpu.vector_load %arg6[%swap3A_4011] {strides = array<i32>} : memref<800xi32, #tpu.memory_space<vmem>>, vector<16xi32>,
    %swap3A_4013 = vector.shape_cast %swap3A_4012 : vector<16xi32> to vector<16xi32>
    %swap3A_4014 = vector.shape_cast %add3A_4010 : vector<16xi32> to vector<16xi32>
    tpu.vector_store %arg6[%swap3A_4011], %swap3A_4014 {strides = array<i32>} : memref<800xi32, #tpu.memory_space<vmem>>, vector<16xi32>,
    %get3A_4015 = arith.constant 240 : index
    %get3A_4016 = tpu.vector_load %arg6[%get3A_4015] {strides = array<i32>} : memref<800xi32, #tpu.memory_space<vmem>>, vector<16xi32>,
    %get3A_4017 = vector.shape_cast %get3A_4016 : vector<16xi32> to vector<16xi32>
    %and3A_4018 = arith.constant -32768 : i32
    %and3A_4019 = vector.broadcast %and3A_4018 : i32 to vector<16xi32>
    %and3A_4020 = arith.andi %get3A_4017, %and3A_4019 : vector<16xi32>
    %and3A_4021 = arith.constant 16383 : i32
    %and3A_4022 = vector.broadcast %and3A_4021 : i32 to vector<16xi32>
    %and3A_4023 = arith.andi %get3A_4017, %and3A_4022 : vector<16xi32>
    %shift_left3A_4024 = arith.constant 1 : i32
    %shift_left3A_4025 = vector.broadcast %shift_left3A_4024 : i32 to vector<16xi32>
    %shift_left3A_4026 = arith.shli %and3A_4023, %shift_left3A_4025 : vector<16xi32>
    %add3A_4027 = arith.addi %and3A_4020, %shift_left3A_4026 : vector<16xi32>
    %shift_right_arithmetic3A_4028 = arith.constant 14 : i32
    %shift_right_arithmetic3A_4029 = vector.broadcast %shift_right_arithmetic3A_4028 : i32 to vector<16xi32>
    %shift_right_arithmetic3A_4030 = arith.shrsi %get3A_4017, %shift_right_arithmetic3A_4029 : vector<16xi32>
    %and3A_4031 = arith.constant 1 : i32
    %and3A_4032 = vector.broadcast %and3A_4031 : i32 to vector<16xi32>
    %and3A_4033 = arith.andi %shift_right_arithmetic3A_4030, %and3A_4032 : vector<16xi32>
    %add3A_4034 = arith.addi %add3A_4027, %and3A_4033 : vector<16xi32>
    %swap3A_4035 = arith.constant 240 : index
    %swap3A_4036 = tpu.vector_load %arg6[%swap3A_4035] {strides = array<i32>} : memref<800xi32, #tpu.memory_space<vmem>>, vector<16xi32>,
    %swap3A_4037 = vector.shape_cast %swap3A_4036 : vector<16xi32> to vector<16xi32>
    %swap3A_4038 = vector.shape_cast %add3A_4034 : vector<16xi32> to vector<16xi32>
    tpu.vector_store %arg6[%swap3A_4035], %swap3A_4038 {strides = array<i32>} : memref<800xi32, #tpu.memory_space<vmem>>, vector<16xi32>,
    %get3A_4039 = arith.constant 256 : index
    %get3A_4040 = tpu.vector_load %arg6[%get3A_4039] {strides = array<i32>} : memref<800xi32, #tpu.memory_space<vmem>>, vector<16xi32>,
    %get3A_4041 = vector.shape_cast %get3A_4040 : vector<16xi32> to vector<16xi32>
    %and3A_4042 = arith.constant -32768 : i32
    %and3A_4043 = vector.broadcast %and3A_4042 : i32 to vector<16xi32>
    %and3A_4044 = arith.andi %get3A_4041, %and3A_4043 : vector<16xi32>
    %and3A_4045 = arith.constant 16383 : i32
    %and3A_4046 = vector.broadcast %and3A_4045 : i32 to vector<16xi32>
    %and3A_4047 = arith.andi %get3A_4041, %and3A_4046 : vector<16xi32>
    %shift_left3A_4048 = arith.constant 1 : i32
    %shift_left3A_4049 = vector.broadcast %shift_left3A_4048 : i32 to vector<16xi32>
    %shift_left3A_4050 = arith.shli %and3A_4047, %shift_left3A_4049 : vector<16xi32>
    %add3A_4051 = arith.addi %and3A_4044, %shift_left3A_4050 : vector<16xi32>
    %shift_right_arithmetic3A_4052 = arith.constant 14 : i32
    %shift_right_arithmetic3A_4053 = vector.broadcast %shift_right_arithmetic3A_4052 : i32 to vector<16xi32>
    %shift_right_arithmetic3A_4054 = arith.shrsi %get3A_4041, %shift_right_arithmetic3A_4053 : vector<16xi32>
    %and3A_4055 = arith.constant 1 : i32
    %and3A_4056 = vector.broadcast %and3A_4055 : i32 to vector<16xi32>
    %and3A_4057 = arith.andi %shift_right_arithmetic3A_4054, %and3A_4056 : vector<16xi32>
    %add3A_4058 = arith.addi %add3A_4051, %and3A_4057 : vector<16xi32>
    %swap3A_4059 = arith.constant 256 : index
    %swap3A_4060 = tpu.vector_load %arg6[%swap3A_4059] {strides = array<i32>} : memref<800xi32, #tpu.memory_space<vmem>>, vector<16xi32>,
    %swap3A_4061 = vector.shape_cast %swap3A_4060 : vector<16xi32> to vector<16xi32>
    %swap3A_4062 = vector.shape_cast %add3A_4058 : vector<16xi32> to vector<16xi32>
    tpu.vector_store %arg6[%swap3A_4059], %swap3A_4062 {strides = array<i32>} : memref<800xi32, #tpu.memory_space<vmem>>, vector<16xi32>,
    %get3A_4063 = arith.constant 272 : index
    %get3A_4064 = tpu.vector_load %arg6[%get3A_4063] {strides = array<i32>} : memref<800xi32, #tpu.memory_space<vmem>>, vector<16xi32>,
    %get3A_4065 = vector.shape_cast %get3A_4064 : vector<16xi32> to vector<16xi32>
    %and3A_4066 = arith.constant -32768 : i32
    %and3A_4067 = vector.broadcast %and3A_4066 : i32 to vector<16xi32>
    %and3A_4068 = arith.andi %get3A_4065, %and3A_4067 : vector<16xi32>
    %and3A_4069 = arith.constant 16383 : i32
    %and3A_4070 = vector.broadcast %and3A_4069 : i32 to vector<16xi32>
    %and3A_4071 = arith.andi %get3A_4065, %and3A_4070 : vector<16xi32>
    %shift_left3A_4072 = arith.constant 1 : i32
    %shift_left3A_4073 = vector.broadcast %shift_left3A_4072 : i32 to vector<16xi32>
    %shift_left3A_4074 = arith.shli %and3A_4071, %shift_left3A_4073 : vector<16xi32>
    %add3A_4075 = arith.addi %and3A_4068, %shift_left3A_4074 : vector<16xi32>
    %shift_right_arithmetic3A_4076 = arith.constant 14 : i32
    %shift_right_arithmetic3A_4077 = vector.broadcast %shift_right_arithmetic3A_4076 : i32 to vector<16xi32>
    %shift_right_arithmetic3A_4078 = arith.shrsi %get3A_4065, %shift_right_arithmetic3A_4077 : vector<16xi32>
    %and3A_4079 = arith.constant 1 : i32
    %and3A_4080 = vector.broadcast %and3A_4079 : i32 to vector<16xi32>
    %and3A_4081 = arith.andi %shift_right_arithmetic3A_4078, %and3A_4080 : vector<16xi32>
    %add3A_4082 = arith.addi %add3A_4075, %and3A_4081 : vector<16xi32>
    %swap3A_4083 = arith.constant 272 : index
    %swap3A_4084 = tpu.vector_load %arg6[%swap3A_4083] {strides = array<i32>} : memref<800xi32, #tpu.memory_space<vmem>>, vector<16xi32>,
    %swap3A_4085 = vector.shape_cast %swap3A_4084 : vector<16xi32> to vector<16xi32>
    %swap3A_4086 = vector.shape_cast %add3A_4082 : vector<16xi32> to vector<16xi32>
    tpu.vector_store %arg6[%swap3A_4083], %swap3A_4086 {strides = array<i32>} : memref<800xi32, #tpu.memory_space<vmem>>, vector<16xi32>,
    %get3A_4087 = arith.constant 288 : index
    %get3A_4088 = tpu.vector_load %arg6[%get3A_4087] {strides = array<i32>} : memref<800xi32, #tpu.memory_space<vmem>>, vector<16xi32>,
    %get3A_4089 = vector.shape_cast %get3A_4088 : vector<16xi32> to vector<16xi32>
    %and3A_4090 = arith.constant -32768 : i32
    %and3A_4091 = vector.broadcast %and3A_4090 : i32 to vector<16xi32>
    %and3A_4092 = arith.andi %get3A_4089, %and3A_4091 : vector<16xi32>
    %and3A_4093 = arith.constant 16383 : i32
    %and3A_4094 = vector.broadcast %and3A_4093 : i32 to vector<16xi32>
    %and3A_4095 = arith.andi %get3A_4089, %and3A_4094 : vector<16xi32>
    %shift_left3A_4096 = arith.constant 1 : i32
    %shift_left3A_4097 = vector.broadcast %shift_left3A_4096 : i32 to vector<16xi32>
    %shift_left3A_4098 = arith.shli %and3A_4095, %shift_left3A_4097 : vector<16xi32>
    %add3A_4099 = arith.addi %and3A_4092, %shift_left3A_4098 : vector<16xi32>
    %shift_right_arithmetic3A_4100 = arith.constant 14 : i32
    %shift_right_arithmetic3A_4101 = vector.broadcast %shift_right_arithmetic3A_4100 : i32 to vector<16xi32>
    %shift_right_arithmetic3A_4102 = arith.shrsi %get3A_4089, %shift_right_arithmetic3A_4101 : vector<16xi32>
    %and3A_4103 = arith.constant 1 : i32
    %and3A_4104 = vector.broadcast %and3A_4103 : i32 to vector<16xi32>
    %and3A_4105 = arith.andi %shift_right_arithmetic3A_4102, %and3A_4104 : vector<16xi32>
    %add3A_4106 = arith.addi %add3A_4099, %and3A_4105 : vector<16xi32>
    %swap3A_4107 = arith.constant 288 : index
    %swap3A_4108 = tpu.vector_load %arg6[%swap3A_4107] {strides = array<i32>} : memref<800xi32, #tpu.memory_space<vmem>>, vector<16xi32>,
    %swap3A_4109 = vector.shape_cast %swap3A_4108 : vector<16xi32> to vector<16xi32>
    %swap3A_4110 = vector.shape_cast %add3A_4106 : vector<16xi32> to vector<16xi32>
    tpu.vector_store %arg6[%swap3A_4107], %swap3A_4110 {strides = array<i32>} : memref<800xi32, #tpu.memory_space<vmem>>, vector<16xi32>,
    %get3A_4111 = arith.constant 304 : index
    %get3A_4112 = tpu.vector_load %arg6[%get3A_4111] {strides = array<i32>} : memref<800xi32, #tpu.memory_space<vmem>>, vector<16xi32>,
    %get3A_4113 = vector.shape_cast %get3A_4112 : vector<16xi32> to vector<16xi32>
    %and3A_4114 = arith.constant -32768 : i32
    %and3A_4115 = vector.broadcast %and3A_4114 : i32 to vector<16xi32>
    %and3A_4116 = arith.andi %get3A_4113, %and3A_4115 : vector<16xi32>
    %and3A_4117 = arith.constant 16383 : i32
    %and3A_4118 = vector.broadcast %and3A_4117 : i32 to vector<16xi32>
    %and3A_4119 = arith.andi %get3A_4113, %and3A_4118 : vector<16xi32>
    %shift_left3A_4120 = arith.constant 1 : i32
    %shift_left3A_4121 = vector.broadcast %shift_left3A_4120 : i32 to vector<16xi32>
    %shift_left3A_4122 = arith.shli %and3A_4119, %shift_left3A_4121 : vector<16xi32>
    %add3A_4123 = arith.addi %and3A_4116, %shift_left3A_4122 : vector<16xi32>
    %shift_right_arithmetic3A_4124 = arith.constant 14 : i32
    %shift_right_arithmetic3A_4125 = vector.broadcast %shift_right_arithmetic3A_4124 : i32 to vector<16xi32>
    %shift_right_arithmetic3A_4126 = arith.shrsi %get3A_4113, %shift_right_arithmetic3A_4125 : vector<16xi32>
    %and3A_4127 = arith.constant 1 : i32
    %and3A_4128 = vector.broadcast %and3A_4127 : i32 to vector<16xi32>
    %and3A_4129 = arith.andi %shift_right_arithmetic3A_4126, %and3A_4128 : vector<16xi32>
    %add3A_4130 = arith.addi %add3A_4123, %and3A_4129 : vector<16xi32>
    %swap3A_4131 = arith.constant 304 : index
    %swap3A_4132 = tpu.vector_load %arg6[%swap3A_4131] {strides = array<i32>} : memref<800xi32, #tpu.memory_space<vmem>>, vector<16xi32>,
    %swap3A_4133 = vector.shape_cast %swap3A_4132 : vector<16xi32> to vector<16xi32>
    %swap3A_4134 = vector.shape_cast %add3A_4130 : vector<16xi32> to vector<16xi32>
    tpu.vector_store %arg6[%swap3A_4131], %swap3A_4134 {strides = array<i32>} : memref<800xi32, #tpu.memory_space<vmem>>, vector<16xi32>,
    %get3A_4135 = arith.constant 320 : index
    %get3A_4136 = tpu.vector_load %arg6[%get3A_4135] {strides = array<i32>} : memref<800xi32, #tpu.memory_space<vmem>>, vector<16xi32>,
    %get3A_4137 = vector.shape_cast %get3A_4136 : vector<16xi32> to vector<16xi32>
    %and3A_4138 = arith.constant -32768 : i32
    %and3A_4139 = vector.broadcast %and3A_4138 : i32 to vector<16xi32>
    %and3A_4140 = arith.andi %get3A_4137, %and3A_4139 : vector<16xi32>
    %and3A_4141 = arith.constant 16383 : i32
    %and3A_4142 = vector.broadcast %and3A_4141 : i32 to vector<16xi32>
    %and3A_4143 = arith.andi %get3A_4137, %and3A_4142 : vector<16xi32>
    %shift_left3A_4144 = arith.constant 1 : i32
    %shift_left3A_4145 = vector.broadcast %shift_left3A_4144 : i32 to vector<16xi32>
    %shift_left3A_4146 = arith.shli %and3A_4143, %shift_left3A_4145 : vector<16xi32>
    %add3A_4147 = arith.addi %and3A_4140, %shift_left3A_4146 : vector<16xi32>
    %shift_right_arithmetic3A_4148 = arith.constant 14 : i32
    %shift_right_arithmetic3A_4149 = vector.broadcast %shift_right_arithmetic3A_4148 : i32 to vector<16xi32>
    %shift_right_arithmetic3A_4150 = arith.shrsi %get3A_4137, %shift_right_arithmetic3A_4149 : vector<16xi32>
    %and3A_4151 = arith.constant 1 : i32
    %and3A_4152 = vector.broadcast %and3A_4151 : i32 to vector<16xi32>
    %and3A_4153 = arith.andi %shift_right_arithmetic3A_4150, %and3A_4152 : vector<16xi32>
    %add3A_4154 = arith.addi %add3A_4147, %and3A_4153 : vector<16xi32>
    %swap3A_4155 = arith.constant 320 : index
    %swap3A_4156 = tpu.vector_load %arg6[%swap3A_4155] {strides = array<i32>} : memref<800xi32, #tpu.memory_space<vmem>>, vector<16xi32>,
    %swap3A_4157 = vector.shape_cast %swap3A_4156 : vector<16xi32> to vector<16xi32>
    %swap3A_4158 = vector.shape_cast %add3A_4154 : vector<16xi32> to vector<16xi32>
    tpu.vector_store %arg6[%swap3A_4155], %swap3A_4158 {strides = array<i32>} : memref<800xi32, #tpu.memory_space<vmem>>, vector<16xi32>,
    %get3A_4159 = arith.constant 336 : index
    %get3A_4160 = tpu.vector_load %arg6[%get3A_4159] {strides = array<i32>} : memref<800xi32, #tpu.memory_space<vmem>>, vector<16xi32>,
    %get3A_4161 = vector.shape_cast %get3A_4160 : vector<16xi32> to vector<16xi32>
    %and3A_4162 = arith.constant -32768 : i32
    %and3A_4163 = vector.broadcast %and3A_4162 : i32 to vector<16xi32>
    %and3A_4164 = arith.andi %get3A_4161, %and3A_4163 : vector<16xi32>
    %and3A_4165 = arith.constant 16383 : i32
    %and3A_4166 = vector.broadcast %and3A_4165 : i32 to vector<16xi32>
    %and3A_4167 = arith.andi %get3A_4161, %and3A_4166 : vector<16xi32>
    %shift_left3A_4168 = arith.constant 1 : i32
    %shift_left3A_4169 = vector.broadcast %shift_left3A_4168 : i32 to vector<16xi32>
    %shift_left3A_4170 = arith.shli %and3A_4167, %shift_left3A_4169 : vector<16xi32>
    %add3A_4171 = arith.addi %and3A_4164, %shift_left3A_4170 : vector<16xi32>
    %shift_right_arithmetic3A_4172 = arith.constant 14 : i32
    %shift_right_arithmetic3A_4173 = vector.broadcast %shift_right_arithmetic3A_4172 : i32 to vector<16xi32>
    %shift_right_arithmetic3A_4174 = arith.shrsi %get3A_4161, %shift_right_arithmetic3A_4173 : vector<16xi32>
    %and3A_4175 = arith.constant 1 : i32
    %and3A_4176 = vector.broadcast %and3A_4175 : i32 to vector<16xi32>
    %and3A_4177 = arith.andi %shift_right_arithmetic3A_4174, %and3A_4176 : vector<16xi32>
    %add3A_4178 = arith.addi %add3A_4171, %and3A_4177 : vector<16xi32>
    %swap3A_4179 = arith.constant 336 : index
    %swap3A_4180 = tpu.vector_load %arg6[%swap3A_4179] {strides = array<i32>} : memref<800xi32, #tpu.memory_space<vmem>>, vector<16xi32>,
    %swap3A_4181 = vector.shape_cast %swap3A_4180 : vector<16xi32> to vector<16xi32>
    %swap3A_4182 = vector.shape_cast %add3A_4178 : vector<16xi32> to vector<16xi32>
    tpu.vector_store %arg6[%swap3A_4179], %swap3A_4182 {strides = array<i32>} : memref<800xi32, #tpu.memory_space<vmem>>, vector<16xi32>,
    %get3A_4183 = arith.constant 352 : index
    %get3A_4184 = tpu.vector_load %arg6[%get3A_4183] {strides = array<i32>} : memref<800xi32, #tpu.memory_space<vmem>>, vector<16xi32>,
    %get3A_4185 = vector.shape_cast %get3A_4184 : vector<16xi32> to vector<16xi32>
    %and3A_4186 = arith.constant -32768 : i32
    %and3A_4187 = vector.broadcast %and3A_4186 : i32 to vector<16xi32>
    %and3A_4188 = arith.andi %get3A_4185, %and3A_4187 : vector<16xi32>
    %and3A_4189 = arith.constant 16383 : i32
    %and3A_4190 = vector.broadcast %and3A_4189 : i32 to vector<16xi32>
    %and3A_4191 = arith.andi %get3A_4185, %and3A_4190 : vector<16xi32>
    %shift_left3A_4192 = arith.constant 1 : i32
    %shift_left3A_4193 = vector.broadcast %shift_left3A_4192 : i32 to vector<16xi32>
    %shift_left3A_4194 = arith.shli %and3A_4191, %shift_left3A_4193 : vector<16xi32>
    %add3A_4195 = arith.addi %and3A_4188, %shift_left3A_4194 : vector<16xi32>
    %shift_right_arithmetic3A_4196 = arith.constant 14 : i32
    %shift_right_arithmetic3A_4197 = vector.broadcast %shift_right_arithmetic3A_4196 : i32 to vector<16xi32>
    %shift_right_arithmetic3A_4198 = arith.shrsi %get3A_4185, %shift_right_arithmetic3A_4197 : vector<16xi32>
    %and3A_4199 = arith.constant 1 : i32
    %and3A_4200 = vector.broadcast %and3A_4199 : i32 to vector<16xi32>
    %and3A_4201 = arith.andi %shift_right_arithmetic3A_4198, %and3A_4200 : vector<16xi32>
    %add3A_4202 = arith.addi %add3A_4195, %and3A_4201 : vector<16xi32>
    %swap3A_4203 = arith.constant 352 : index
    %swap3A_4204 = tpu.vector_load %arg6[%swap3A_4203] {strides = array<i32>} : memref<800xi32, #tpu.memory_space<vmem>>, vector<16xi32>,
    %swap3A_4205 = vector.shape_cast %swap3A_4204 : vector<16xi32> to vector<16xi32>
    %swap3A_4206 = vector.shape_cast %add3A_4202 : vector<16xi32> to vector<16xi32>
    tpu.vector_store %arg6[%swap3A_4203], %swap3A_4206 {strides = array<i32>} : memref<800xi32, #tpu.memory_space<vmem>>, vector<16xi32>,
    %get3A_4207 = arith.constant 368 : index
    %get3A_4208 = tpu.vector_load %arg6[%get3A_4207] {strides = array<i32>} : memref<800xi32, #tpu.memory_space<vmem>>, vector<16xi32>,
    %get3A_4209 = vector.shape_cast %get3A_4208 : vector<16xi32> to vector<16xi32>
    %and3A_4210 = arith.constant -32768 : i32
    %and3A_4211 = vector.broadcast %and3A_4210 : i32 to vector<16xi32>
    %and3A_4212 = arith.andi %get3A_4209, %and3A_4211 : vector<16xi32>
    %and3A_4213 = arith.constant 16383 : i32
    %and3A_4214 = vector.broadcast %and3A_4213 : i32 to vector<16xi32>
    %and3A_4215 = arith.andi %get3A_4209, %and3A_4214 : vector<16xi32>
    %shift_left3A_4216 = arith.constant 1 : i32
    %shift_left3A_4217 = vector.broadcast %shift_left3A_4216 : i32 to vector<16xi32>
    %shift_left3A_4218 = arith.shli %and3A_4215, %shift_left3A_4217 : vector<16xi32>
    %add3A_4219 = arith.addi %and3A_4212, %shift_left3A_4218 : vector<16xi32>
    %shift_right_arithmetic3A_4220 = arith.constant 14 : i32
    %shift_right_arithmetic3A_4221 = vector.broadcast %shift_right_arithmetic3A_4220 : i32 to vector<16xi32>
    %shift_right_arithmetic3A_4222 = arith.shrsi %get3A_4209, %shift_right_arithmetic3A_4221 : vector<16xi32>
    %and3A_4223 = arith.constant 1 : i32
    %and3A_4224 = vector.broadcast %and3A_4223 : i32 to vector<16xi32>
    %and3A_4225 = arith.andi %shift_right_arithmetic3A_4222, %and3A_4224 : vector<16xi32>
    %add3A_4226 = arith.addi %add3A_4219, %and3A_4225 : vector<16xi32>
    %swap3A_4227 = arith.constant 368 : index
    %swap3A_4228 = tpu.vector_load %arg6[%swap3A_4227] {strides = array<i32>} : memref<800xi32, #tpu.memory_space<vmem>>, vector<16xi32>,
    %swap3A_4229 = vector.shape_cast %swap3A_4228 : vector<16xi32> to vector<16xi32>
    %swap3A_4230 = vector.shape_cast %add3A_4226 : vector<16xi32> to vector<16xi32>
    tpu.vector_store %arg6[%swap3A_4227], %swap3A_4230 {strides = array<i32>} : memref<800xi32, #tpu.memory_space<vmem>>, vector<16xi32>,
    %get3A_4231 = arith.constant 384 : index
    %get3A_4232 = tpu.vector_load %arg6[%get3A_4231] {strides = array<i32>} : memref<800xi32, #tpu.memory_space<vmem>>, vector<16xi32>,
    %get3A_4233 = vector.shape_cast %get3A_4232 : vector<16xi32> to vector<16xi32>
    %and3A_4234 = arith.constant -32768 : i32
    %and3A_4235 = vector.broadcast %and3A_4234 : i32 to vector<16xi32>
    %and3A_4236 = arith.andi %get3A_4233, %and3A_4235 : vector<16xi32>
    %and3A_4237 = arith.constant 16383 : i32
    %and3A_4238 = vector.broadcast %and3A_4237 : i32 to vector<16xi32>
    %and3A_4239 = arith.andi %get3A_4233, %and3A_4238 : vector<16xi32>
    %shift_left3A_4240 = arith.constant 1 : i32
    %shift_left3A_4241 = vector.broadcast %shift_left3A_4240 : i32 to vector<16xi32>
    %shift_left3A_4242 = arith.shli %and3A_4239, %shift_left3A_4241 : vector<16xi32>
    %add3A_4243 = arith.addi %and3A_4236, %shift_left3A_4242 : vector<16xi32>
    %shift_right_arithmetic3A_4244 = arith.constant 14 : i32
    %shift_right_arithmetic3A_4245 = vector.broadcast %shift_right_arithmetic3A_4244 : i32 to vector<16xi32>
    %shift_right_arithmetic3A_4246 = arith.shrsi %get3A_4233, %shift_right_arithmetic3A_4245 : vector<16xi32>
    %and3A_4247 = arith.constant 1 : i32
    %and3A_4248 = vector.broadcast %and3A_4247 : i32 to vector<16xi32>
    %and3A_4249 = arith.andi %shift_right_arithmetic3A_4246, %and3A_4248 : vector<16xi32>
    %add3A_4250 = arith.addi %add3A_4243, %and3A_4249 : vector<16xi32>
    %swap3A_4251 = arith.constant 384 : index
    %swap3A_4252 = tpu.vector_load %arg6[%swap3A_4251] {strides = array<i32>} : memref<800xi32, #tpu.memory_space<vmem>>, vector<16xi32>,
    %swap3A_4253 = vector.shape_cast %swap3A_4252 : vector<16xi32> to vector<16xi32>
    %swap3A_4254 = vector.shape_cast %add3A_4250 : vector<16xi32> to vector<16xi32>
    tpu.vector_store %arg6[%swap3A_4251], %swap3A_4254 {strides = array<i32>} : memref<800xi32, #tpu.memory_space<vmem>>, vector<16xi32>,
    %get3A_4255 = arith.constant 400 : index
    %get3A_4256 = tpu.vector_load %arg6[%get3A_4255] {strides = array<i32>} : memref<800xi32, #tpu.memory_space<vmem>>, vector<16xi32>,
    %get3A_4257 = vector.shape_cast %get3A_4256 : vector<16xi32> to vector<16xi32>
    %and3A_4258 = arith.constant -32768 : i32
    %and3A_4259 = vector.broadcast %and3A_4258 : i32 to vector<16xi32>
    %and3A_4260 = arith.andi %get3A_4257, %and3A_4259 : vector<16xi32>
    %and3A_4261 = arith.constant 16383 : i32
    %and3A_4262 = vector.broadcast %and3A_4261 : i32 to vector<16xi32>
    %and3A_4263 = arith.andi %get3A_4257, %and3A_4262 : vector<16xi32>
    %shift_left3A_4264 = arith.constant 1 : i32
    %shift_left3A_4265 = vector.broadcast %shift_left3A_4264 : i32 to vector<16xi32>
    %shift_left3A_4266 = arith.shli %and3A_4263, %shift_left3A_4265 : vector<16xi32>
    %add3A_4267 = arith.addi %and3A_4260, %shift_left3A_4266 : vector<16xi32>
    %shift_right_arithmetic3A_4268 = arith.constant 14 : i32
    %shift_right_arithmetic3A_4269 = vector.broadcast %shift_right_arithmetic3A_4268 : i32 to vector<16xi32>
    %shift_right_arithmetic3A_4270 = arith.shrsi %get3A_4257, %shift_right_arithmetic3A_4269 : vector<16xi32>
    %and3A_4271 = arith.constant 1 : i32
    %and3A_4272 = vector.broadcast %and3A_4271 : i32 to vector<16xi32>
    %and3A_4273 = arith.andi %shift_right_arithmetic3A_4270, %and3A_4272 : vector<16xi32>
    %add3A_4274 = arith.addi %add3A_4267, %and3A_4273 : vector<16xi32>
    %swap3A_4275 = arith.constant 400 : index
    %swap3A_4276 = tpu.vector_load %arg6[%swap3A_4275] {strides = array<i32>} : memref<800xi32, #tpu.memory_space<vmem>>, vector<16xi32>,
    %swap3A_4277 = vector.shape_cast %swap3A_4276 : vector<16xi32> to vector<16xi32>
    %swap3A_4278 = vector.shape_cast %add3A_4274 : vector<16xi32> to vector<16xi32>
    tpu.vector_store %arg6[%swap3A_4275], %swap3A_4278 {strides = array<i32>} : memref<800xi32, #tpu.memory_space<vmem>>, vector<16xi32>,
    %get3A_4279 = arith.constant 416 : index
    %get3A_4280 = tpu.vector_load %arg6[%get3A_4279] {strides = array<i32>} : memref<800xi32, #tpu.memory_space<vmem>>, vector<16xi32>,
    %get3A_4281 = vector.shape_cast %get3A_4280 : vector<16xi32> to vector<16xi32>
    %and3A_4282 = arith.constant -32768 : i32
    %and3A_4283 = vector.broadcast %and3A_4282 : i32 to vector<16xi32>
    %and3A_4284 = arith.andi %get3A_4281, %and3A_4283 : vector<16xi32>
    %and3A_4285 = arith.constant 16383 : i32
    %and3A_4286 = vector.broadcast %and3A_4285 : i32 to vector<16xi32>
    %and3A_4287 = arith.andi %get3A_4281, %and3A_4286 : vector<16xi32>
    %shift_left3A_4288 = arith.constant 1 : i32
    %shift_left3A_4289 = vector.broadcast %shift_left3A_4288 : i32 to vector<16xi32>
    %shift_left3A_4290 = arith.shli %and3A_4287, %shift_left3A_4289 : vector<16xi32>
    %add3A_4291 = arith.addi %and3A_4284, %shift_left3A_4290 : vector<16xi32>
    %shift_right_arithmetic3A_4292 = arith.constant 14 : i32
    %shift_right_arithmetic3A_4293 = vector.broadcast %shift_right_arithmetic3A_4292 : i32 to vector<16xi32>
    %shift_right_arithmetic3A_4294 = arith.shrsi %get3A_4281, %shift_right_arithmetic3A_4293 : vector<16xi32>
    %and3A_4295 = arith.constant 1 : i32
    %and3A_4296 = vector.broadcast %and3A_4295 : i32 to vector<16xi32>
    %and3A_4297 = arith.andi %shift_right_arithmetic3A_4294, %and3A_4296 : vector<16xi32>
    %add3A_4298 = arith.addi %add3A_4291, %and3A_4297 : vector<16xi32>
    %swap3A_4299 = arith.constant 416 : index
    %swap3A_4300 = tpu.vector_load %arg6[%swap3A_4299] {strides = array<i32>} : memref<800xi32, #tpu.memory_space<vmem>>, vector<16xi32>,
    %swap3A_4301 = vector.shape_cast %swap3A_4300 : vector<16xi32> to vector<16xi32>
    %swap3A_4302 = vector.shape_cast %add3A_4298 : vector<16xi32> to vector<16xi32>
    tpu.vector_store %arg6[%swap3A_4299], %swap3A_4302 {strides = array<i32>} : memref<800xi32, #tpu.memory_space<vmem>>, vector<16xi32>,
    %get3A_4303 = arith.constant 432 : index
    %get3A_4304 = tpu.vector_load %arg6[%get3A_4303] {strides = array<i32>} : memref<800xi32, #tpu.memory_space<vmem>>, vector<16xi32>,
    %get3A_4305 = vector.shape_cast %get3A_4304 : vector<16xi32> to vector<16xi32>
    %and3A_4306 = arith.constant -32768 : i32
    %and3A_4307 = vector.broadcast %and3A_4306 : i32 to vector<16xi32>
    %and3A_4308 = arith.andi %get3A_4305, %and3A_4307 : vector<16xi32>
    %and3A_4309 = arith.constant 16383 : i32
    %and3A_4310 = vector.broadcast %and3A_4309 : i32 to vector<16xi32>
    %and3A_4311 = arith.andi %get3A_4305, %and3A_4310 : vector<16xi32>
    %shift_left3A_4312 = arith.constant 1 : i32
    %shift_left3A_4313 = vector.broadcast %shift_left3A_4312 : i32 to vector<16xi32>
    %shift_left3A_4314 = arith.shli %and3A_4311, %shift_left3A_4313 : vector<16xi32>
    %add3A_4315 = arith.addi %and3A_4308, %shift_left3A_4314 : vector<16xi32>
    %shift_right_arithmetic3A_4316 = arith.constant 14 : i32
    %shift_right_arithmetic3A_4317 = vector.broadcast %shift_right_arithmetic3A_4316 : i32 to vector<16xi32>
    %shift_right_arithmetic3A_4318 = arith.shrsi %get3A_4305, %shift_right_arithmetic3A_4317 : vector<16xi32>
    %and3A_4319 = arith.constant 1 : i32
    %and3A_4320 = vector.broadcast %and3A_4319 : i32 to vector<16xi32>
    %and3A_4321 = arith.andi %shift_right_arithmetic3A_4318, %and3A_4320 : vector<16xi32>
    %add3A_4322 = arith.addi %add3A_4315, %and3A_4321 : vector<16xi32>
    %swap3A_4323 = arith.constant 432 : index
    %swap3A_4324 = tpu.vector_load %arg6[%swap3A_4323] {strides = array<i32>} : memref<800xi32, #tpu.memory_space<vmem>>, vector<16xi32>,
    %swap3A_4325 = vector.shape_cast %swap3A_4324 : vector<16xi32> to vector<16xi32>
    %swap3A_4326 = vector.shape_cast %add3A_4322 : vector<16xi32> to vector<16xi32>
    tpu.vector_store %arg6[%swap3A_4323], %swap3A_4326 {strides = array<i32>} : memref<800xi32, #tpu.memory_space<vmem>>, vector<16xi32>,
    %get3A_4327 = arith.constant 448 : index
    %get3A_4328 = tpu.vector_load %arg6[%get3A_4327] {strides = array<i32>} : memref<800xi32, #tpu.memory_space<vmem>>, vector<16xi32>,
    %get3A_4329 = vector.shape_cast %get3A_4328 : vector<16xi32> to vector<16xi32>
    %and3A_4330 = arith.constant -32768 : i32
    %and3A_4331 = vector.broadcast %and3A_4330 : i32 to vector<16xi32>
    %and3A_4332 = arith.andi %get3A_4329, %and3A_4331 : vector<16xi32>
    %and3A_4333 = arith.constant 16383 : i32
    %and3A_4334 = vector.broadcast %and3A_4333 : i32 to vector<16xi32>
    %and3A_4335 = arith.andi %get3A_4329, %and3A_4334 : vector<16xi32>
    %shift_left3A_4336 = arith.constant 1 : i32
    %shift_left3A_4337 = vector.broadcast %shift_left3A_4336 : i32 to vector<16xi32>
    %shift_left3A_4338 = arith.shli %and3A_4335, %shift_left3A_4337 : vector<16xi32>
    %add3A_4339 = arith.addi %and3A_4332, %shift_left3A_4338 : vector<16xi32>
    %shift_right_arithmetic3A_4340 = arith.constant 14 : i32
    %shift_right_arithmetic3A_4341 = vector.broadcast %shift_right_arithmetic3A_4340 : i32 to vector<16xi32>
    %shift_right_arithmetic3A_4342 = arith.shrsi %get3A_4329, %shift_right_arithmetic3A_4341 : vector<16xi32>
    %and3A_4343 = arith.constant 1 : i32
    %and3A_4344 = vector.broadcast %and3A_4343 : i32 to vector<16xi32>
    %and3A_4345 = arith.andi %shift_right_arithmetic3A_4342, %and3A_4344 : vector<16xi32>
    %add3A_4346 = arith.addi %add3A_4339, %and3A_4345 : vector<16xi32>
    %swap3A_4347 = arith.constant 448 : index
    %swap3A_4348 = tpu.vector_load %arg6[%swap3A_4347] {strides = array<i32>} : memref<800xi32, #tpu.memory_space<vmem>>, vector<16xi32>,
    %swap3A_4349 = vector.shape_cast %swap3A_4348 : vector<16xi32> to vector<16xi32>
    %swap3A_4350 = vector.shape_cast %add3A_4346 : vector<16xi32> to vector<16xi32>
    tpu.vector_store %arg6[%swap3A_4347], %swap3A_4350 {strides = array<i32>} : memref<800xi32, #tpu.memory_space<vmem>>, vector<16xi32>,
    %get3A_4351 = arith.constant 464 : index
    %get3A_4352 = tpu.vector_load %arg6[%get3A_4351] {strides = array<i32>} : memref<800xi32, #tpu.memory_space<vmem>>, vector<16xi32>,
    %get3A_4353 = vector.shape_cast %get3A_4352 : vector<16xi32> to vector<16xi32>
    %and3A_4354 = arith.constant -32768 : i32
    %and3A_4355 = vector.broadcast %and3A_4354 : i32 to vector<16xi32>
    %and3A_4356 = arith.andi %get3A_4353, %and3A_4355 : vector<16xi32>
    %and3A_4357 = arith.constant 16383 : i32
    %and3A_4358 = vector.broadcast %and3A_4357 : i32 to vector<16xi32>
    %and3A_4359 = arith.andi %get3A_4353, %and3A_4358 : vector<16xi32>
    %shift_left3A_4360 = arith.constant 1 : i32
    %shift_left3A_4361 = vector.broadcast %shift_left3A_4360 : i32 to vector<16xi32>
    %shift_left3A_4362 = arith.shli %and3A_4359, %shift_left3A_4361 : vector<16xi32>
    %add3A_4363 = arith.addi %and3A_4356, %shift_left3A_4362 : vector<16xi32>
    %shift_right_arithmetic3A_4364 = arith.constant 14 : i32
    %shift_right_arithmetic3A_4365 = vector.broadcast %shift_right_arithmetic3A_4364 : i32 to vector<16xi32>
    %shift_right_arithmetic3A_4366 = arith.shrsi %get3A_4353, %shift_right_arithmetic3A_4365 : vector<16xi32>
    %and3A_4367 = arith.constant 1 : i32
    %and3A_4368 = vector.broadcast %and3A_4367 : i32 to vector<16xi32>
    %and3A_4369 = arith.andi %shift_right_arithmetic3A_4366, %and3A_4368 : vector<16xi32>
    %add3A_4370 = arith.addi %add3A_4363, %and3A_4369 : vector<16xi32>
    %swap3A_4371 = arith.constant 464 : index
    %swap3A_4372 = tpu.vector_load %arg6[%swap3A_4371] {strides = array<i32>} : memref<800xi32, #tpu.memory_space<vmem>>, vector<16xi32>,
    %swap3A_4373 = vector.shape_cast %swap3A_4372 : vector<16xi32> to vector<16xi32>
    %swap3A_4374 = vector.shape_cast %add3A_4370 : vector<16xi32> to vector<16xi32>
    tpu.vector_store %arg6[%swap3A_4371], %swap3A_4374 {strides = array<i32>} : memref<800xi32, #tpu.memory_space<vmem>>, vector<16xi32>,
    %get3A_4375 = arith.constant 480 : index
    %get3A_4376 = tpu.vector_load %arg6[%get3A_4375] {strides = array<i32>} : memref<800xi32, #tpu.memory_space<vmem>>, vector<16xi32>,
    %get3A_4377 = vector.shape_cast %get3A_4376 : vector<16xi32> to vector<16xi32>
    %and3A_4378 = arith.constant -32768 : i32
    %and3A_4379 = vector.broadcast %and3A_4378 : i32 to vector<16xi32>
    %and3A_4380 = arith.andi %get3A_4377, %and3A_4379 : vector<16xi32>
    %and3A_4381 = arith.constant 16383 : i32
    %and3A_4382 = vector.broadcast %and3A_4381 : i32 to vector<16xi32>
    %and3A_4383 = arith.andi %get3A_4377, %and3A_4382 : vector<16xi32>
    %shift_left3A_4384 = arith.constant 1 : i32
    %shift_left3A_4385 = vector.broadcast %shift_left3A_4384 : i32 to vector<16xi32>
    %shift_left3A_4386 = arith.shli %and3A_4383, %shift_left3A_4385 : vector<16xi32>
    %add3A_4387 = arith.addi %and3A_4380, %shift_left3A_4386 : vector<16xi32>
    %shift_right_arithmetic3A_4388 = arith.constant 14 : i32
    %shift_right_arithmetic3A_4389 = vector.broadcast %shift_right_arithmetic3A_4388 : i32 to vector<16xi32>
    %shift_right_arithmetic3A_4390 = arith.shrsi %get3A_4377, %shift_right_arithmetic3A_4389 : vector<16xi32>
    %and3A_4391 = arith.constant 1 : i32
    %and3A_4392 = vector.broadcast %and3A_4391 : i32 to vector<16xi32>
    %and3A_4393 = arith.andi %shift_right_arithmetic3A_4390, %and3A_4392 : vector<16xi32>
    %add3A_4394 = arith.addi %add3A_4387, %and3A_4393 : vector<16xi32>
    %swap3A_4395 = arith.constant 480 : index
    %swap3A_4396 = tpu.vector_load %arg6[%swap3A_4395] {strides = array<i32>} : memref<800xi32, #tpu.memory_space<vmem>>, vector<16xi32>,
    %swap3A_4397 = vector.shape_cast %swap3A_4396 : vector<16xi32> to vector<16xi32>
    %swap3A_4398 = vector.shape_cast %add3A_4394 : vector<16xi32> to vector<16xi32>
    tpu.vector_store %arg6[%swap3A_4395], %swap3A_4398 {strides = array<i32>} : memref<800xi32, #tpu.memory_space<vmem>>, vector<16xi32>,
    %get3A_4399 = arith.constant 496 : index
    %get3A_4400 = tpu.vector_load %arg6[%get3A_4399] {strides = array<i32>} : memref<800xi32, #tpu.memory_space<vmem>>, vector<16xi32>,
    %get3A_4401 = vector.shape_cast %get3A_4400 : vector<16xi32> to vector<16xi32>
    %and3A_4402 = arith.constant -32768 : i32
    %and3A_4403 = vector.broadcast %and3A_4402 : i32 to vector<16xi32>
    %and3A_4404 = arith.andi %get3A_4401, %and3A_4403 : vector<16xi32>
    %and3A_4405 = arith.constant 16383 : i32
    %and3A_4406 = vector.broadcast %and3A_4405 : i32 to vector<16xi32>
    %and3A_4407 = arith.andi %get3A_4401, %and3A_4406 : vector<16xi32>
    %shift_left3A_4408 = arith.constant 1 : i32
    %shift_left3A_4409 = vector.broadcast %shift_left3A_4408 : i32 to vector<16xi32>
    %shift_left3A_4410 = arith.shli %and3A_4407, %shift_left3A_4409 : vector<16xi32>
    %add3A_4411 = arith.addi %and3A_4404, %shift_left3A_4410 : vector<16xi32>
    %shift_right_arithmetic3A_4412 = arith.constant 14 : i32
    %shift_right_arithmetic3A_4413 = vector.broadcast %shift_right_arithmetic3A_4412 : i32 to vector<16xi32>
    %shift_right_arithmetic3A_4414 = arith.shrsi %get3A_4401, %shift_right_arithmetic3A_4413 : vector<16xi32>
    %and3A_4415 = arith.constant 1 : i32
    %and3A_4416 = vector.broadcast %and3A_4415 : i32 to vector<16xi32>
    %and3A_4417 = arith.andi %shift_right_arithmetic3A_4414, %and3A_4416 : vector<16xi32>
    %add3A_4418 = arith.addi %add3A_4411, %and3A_4417 : vector<16xi32>
    %swap3A_4419 = arith.constant 496 : index
    %swap3A_4420 = tpu.vector_load %arg6[%swap3A_4419] {strides = array<i32>} : memref<800xi32, #tpu.memory_space<vmem>>, vector<16xi32>,
    %swap3A_4421 = vector.shape_cast %swap3A_4420 : vector<16xi32> to vector<16xi32>
    %swap3A_4422 = vector.shape_cast %add3A_4418 : vector<16xi32> to vector<16xi32>
    tpu.vector_store %arg6[%swap3A_4419], %swap3A_4422 {strides = array<i32>} : memref<800xi32, #tpu.memory_space<vmem>>, vector<16xi32>,
    %get3A_4423 = arith.constant 512 : index
    %get3A_4424 = tpu.vector_load %arg6[%get3A_4423] {strides = array<i32>} : memref<800xi32, #tpu.memory_space<vmem>>, vector<16xi32>,
    %get3A_4425 = vector.shape_cast %get3A_4424 : vector<16xi32> to vector<16xi32>
    %and3A_4426 = arith.constant -32768 : i32
    %and3A_4427 = vector.broadcast %and3A_4426 : i32 to vector<16xi32>
    %and3A_4428 = arith.andi %get3A_4425, %and3A_4427 : vector<16xi32>
    %and3A_4429 = arith.constant 16383 : i32
    %and3A_4430 = vector.broadcast %and3A_4429 : i32 to vector<16xi32>
    %and3A_4431 = arith.andi %get3A_4425, %and3A_4430 : vector<16xi32>
    %shift_left3A_4432 = arith.constant 1 : i32
    %shift_left3A_4433 = vector.broadcast %shift_left3A_4432 : i32 to vector<16xi32>
    %shift_left3A_4434 = arith.shli %and3A_4431, %shift_left3A_4433 : vector<16xi32>
    %add3A_4435 = arith.addi %and3A_4428, %shift_left3A_4434 : vector<16xi32>
    %shift_right_arithmetic3A_4436 = arith.constant 14 : i32
    %shift_right_arithmetic3A_4437 = vector.broadcast %shift_right_arithmetic3A_4436 : i32 to vector<16xi32>
    %shift_right_arithmetic3A_4438 = arith.shrsi %get3A_4425, %shift_right_arithmetic3A_4437 : vector<16xi32>
    %and3A_4439 = arith.constant 1 : i32
    %and3A_4440 = vector.broadcast %and3A_4439 : i32 to vector<16xi32>
    %and3A_4441 = arith.andi %shift_right_arithmetic3A_4438, %and3A_4440 : vector<16xi32>
    %add3A_4442 = arith.addi %add3A_4435, %and3A_4441 : vector<16xi32>
    %swap3A_4443 = arith.constant 512 : index
    %swap3A_4444 = tpu.vector_load %arg6[%swap3A_4443] {strides = array<i32>} : memref<800xi32, #tpu.memory_space<vmem>>, vector<16xi32>,
    %swap3A_4445 = vector.shape_cast %swap3A_4444 : vector<16xi32> to vector<16xi32>
    %swap3A_4446 = vector.shape_cast %add3A_4442 : vector<16xi32> to vector<16xi32>
    tpu.vector_store %arg6[%swap3A_4443], %swap3A_4446 {strides = array<i32>} : memref<800xi32, #tpu.memory_space<vmem>>, vector<16xi32>,
    %get3A_4447 = arith.constant 528 : index
    %get3A_4448 = tpu.vector_load %arg6[%get3A_4447] {strides = array<i32>} : memref<800xi32, #tpu.memory_space<vmem>>, vector<16xi32>,
    %get3A_4449 = vector.shape_cast %get3A_4448 : vector<16xi32> to vector<16xi32>
    %and3A_4450 = arith.constant -32768 : i32
    %and3A_4451 = vector.broadcast %and3A_4450 : i32 to vector<16xi32>
    %and3A_4452 = arith.andi %get3A_4449, %and3A_4451 : vector<16xi32>
    %and3A_4453 = arith.constant 16383 : i32
    %and3A_4454 = vector.broadcast %and3A_4453 : i32 to vector<16xi32>
    %and3A_4455 = arith.andi %get3A_4449, %and3A_4454 : vector<16xi32>
    %shift_left3A_4456 = arith.constant 1 : i32
    %shift_left3A_4457 = vector.broadcast %shift_left3A_4456 : i32 to vector<16xi32>
    %shift_left3A_4458 = arith.shli %and3A_4455, %shift_left3A_4457 : vector<16xi32>
    %add3A_4459 = arith.addi %and3A_4452, %shift_left3A_4458 : vector<16xi32>
    %shift_right_arithmetic3A_4460 = arith.constant 14 : i32
    %shift_right_arithmetic3A_4461 = vector.broadcast %shift_right_arithmetic3A_4460 : i32 to vector<16xi32>
    %shift_right_arithmetic3A_4462 = arith.shrsi %get3A_4449, %shift_right_arithmetic3A_4461 : vector<16xi32>
    %and3A_4463 = arith.constant 1 : i32
    %and3A_4464 = vector.broadcast %and3A_4463 : i32 to vector<16xi32>
    %and3A_4465 = arith.andi %shift_right_arithmetic3A_4462, %and3A_4464 : vector<16xi32>
    %add3A_4466 = arith.addi %add3A_4459, %and3A_4465 : vector<16xi32>
    %swap3A_4467 = arith.constant 528 : index
    %swap3A_4468 = tpu.vector_load %arg6[%swap3A_4467] {strides = array<i32>} : memref<800xi32, #tpu.memory_space<vmem>>, vector<16xi32>,
    %swap3A_4469 = vector.shape_cast %swap3A_4468 : vector<16xi32> to vector<16xi32>
    %swap3A_4470 = vector.shape_cast %add3A_4466 : vector<16xi32> to vector<16xi32>
    tpu.vector_store %arg6[%swap3A_4467], %swap3A_4470 {strides = array<i32>} : memref<800xi32, #tpu.memory_space<vmem>>, vector<16xi32>,
    %get3A_4471 = arith.constant 544 : index
    %get3A_4472 = tpu.vector_load %arg6[%get3A_4471] {strides = array<i32>} : memref<800xi32, #tpu.memory_space<vmem>>, vector<16xi32>,
    %get3A_4473 = vector.shape_cast %get3A_4472 : vector<16xi32> to vector<16xi32>
    %and3A_4474 = arith.constant -32768 : i32
    %and3A_4475 = vector.broadcast %and3A_4474 : i32 to vector<16xi32>
    %and3A_4476 = arith.andi %get3A_4473, %and3A_4475 : vector<16xi32>
    %and3A_4477 = arith.constant 16383 : i32
    %and3A_4478 = vector.broadcast %and3A_4477 : i32 to vector<16xi32>
    %and3A_4479 = arith.andi %get3A_4473, %and3A_4478 : vector<16xi32>
    %shift_left3A_4480 = arith.constant 1 : i32
    %shift_left3A_4481 = vector.broadcast %shift_left3A_4480 : i32 to vector<16xi32>
    %shift_left3A_4482 = arith.shli %and3A_4479, %shift_left3A_4481 : vector<16xi32>
    %add3A_4483 = arith.addi %and3A_4476, %shift_left3A_4482 : vector<16xi32>
    %shift_right_arithmetic3A_4484 = arith.constant 14 : i32
    %shift_right_arithmetic3A_4485 = vector.broadcast %shift_right_arithmetic3A_4484 : i32 to vector<16xi32>
    %shift_right_arithmetic3A_4486 = arith.shrsi %get3A_4473, %shift_right_arithmetic3A_4485 : vector<16xi32>
    %and3A_4487 = arith.constant 1 : i32
    %and3A_4488 = vector.broadcast %and3A_4487 : i32 to vector<16xi32>
    %and3A_4489 = arith.andi %shift_right_arithmetic3A_4486, %and3A_4488 : vector<16xi32>
    %add3A_4490 = arith.addi %add3A_4483, %and3A_4489 : vector<16xi32>
    %swap3A_4491 = arith.constant 544 : index
    %swap3A_4492 = tpu.vector_load %arg6[%swap3A_4491] {strides = array<i32>} : memref<800xi32, #tpu.memory_space<vmem>>, vector<16xi32>,
    %swap3A_4493 = vector.shape_cast %swap3A_4492 : vector<16xi32> to vector<16xi32>
    %swap3A_4494 = vector.shape_cast %add3A_4490 : vector<16xi32> to vector<16xi32>
    tpu.vector_store %arg6[%swap3A_4491], %swap3A_4494 {strides = array<i32>} : memref<800xi32, #tpu.memory_space<vmem>>, vector<16xi32>,
    %get3A_4495 = arith.constant 560 : index
    %get3A_4496 = tpu.vector_load %arg6[%get3A_4495] {strides = array<i32>} : memref<800xi32, #tpu.memory_space<vmem>>, vector<16xi32>,
    %get3A_4497 = vector.shape_cast %get3A_4496 : vector<16xi32> to vector<16xi32>
    %and3A_4498 = arith.constant -32768 : i32
    %and3A_4499 = vector.broadcast %and3A_4498 : i32 to vector<16xi32>
    %and3A_4500 = arith.andi %get3A_4497, %and3A_4499 : vector<16xi32>
    %and3A_4501 = arith.constant 16383 : i32
    %and3A_4502 = vector.broadcast %and3A_4501 : i32 to vector<16xi32>
    %and3A_4503 = arith.andi %get3A_4497, %and3A_4502 : vector<16xi32>
    %shift_left3A_4504 = arith.constant 1 : i32
    %shift_left3A_4505 = vector.broadcast %shift_left3A_4504 : i32 to vector<16xi32>
    %shift_left3A_4506 = arith.shli %and3A_4503, %shift_left3A_4505 : vector<16xi32>
    %add3A_4507 = arith.addi %and3A_4500, %shift_left3A_4506 : vector<16xi32>
    %shift_right_arithmetic3A_4508 = arith.constant 14 : i32
    %shift_right_arithmetic3A_4509 = vector.broadcast %shift_right_arithmetic3A_4508 : i32 to vector<16xi32>
    %shift_right_arithmetic3A_4510 = arith.shrsi %get3A_4497, %shift_right_arithmetic3A_4509 : vector<16xi32>
    %and3A_4511 = arith.constant 1 : i32
    %and3A_4512 = vector.broadcast %and3A_4511 : i32 to vector<16xi32>
    %and3A_4513 = arith.andi %shift_right_arithmetic3A_4510, %and3A_4512 : vector<16xi32>
    %add3A_4514 = arith.addi %add3A_4507, %and3A_4513 : vector<16xi32>
    %swap3A_4515 = arith.constant 560 : index
    %swap3A_4516 = tpu.vector_load %arg6[%swap3A_4515] {strides = array<i32>} : memref<800xi32, #tpu.memory_space<vmem>>, vector<16xi32>,
    %swap3A_4517 = vector.shape_cast %swap3A_4516 : vector<16xi32> to vector<16xi32>
    %swap3A_4518 = vector.shape_cast %add3A_4514 : vector<16xi32> to vector<16xi32>
    tpu.vector_store %arg6[%swap3A_4515], %swap3A_4518 {strides = array<i32>} : memref<800xi32, #tpu.memory_space<vmem>>, vector<16xi32>,
    %get3A_4519 = arith.constant 576 : index
    %get3A_4520 = tpu.vector_load %arg6[%get3A_4519] {strides = array<i32>} : memref<800xi32, #tpu.memory_space<vmem>>, vector<16xi32>,
    %get3A_4521 = vector.shape_cast %get3A_4520 : vector<16xi32> to vector<16xi32>
    %and3A_4522 = arith.constant -32768 : i32
    %and3A_4523 = vector.broadcast %and3A_4522 : i32 to vector<16xi32>
    %and3A_4524 = arith.andi %get3A_4521, %and3A_4523 : vector<16xi32>
    %and3A_4525 = arith.constant 16383 : i32
    %and3A_4526 = vector.broadcast %and3A_4525 : i32 to vector<16xi32>
    %and3A_4527 = arith.andi %get3A_4521, %and3A_4526 : vector<16xi32>
    %shift_left3A_4528 = arith.constant 1 : i32
    %shift_left3A_4529 = vector.broadcast %shift_left3A_4528 : i32 to vector<16xi32>
    %shift_left3A_4530 = arith.shli %and3A_4527, %shift_left3A_4529 : vector<16xi32>
    %add3A_4531 = arith.addi %and3A_4524, %shift_left3A_4530 : vector<16xi32>
    %shift_right_arithmetic3A_4532 = arith.constant 14 : i32
    %shift_right_arithmetic3A_4533 = vector.broadcast %shift_right_arithmetic3A_4532 : i32 to vector<16xi32>
    %shift_right_arithmetic3A_4534 = arith.shrsi %get3A_4521, %shift_right_arithmetic3A_4533 : vector<16xi32>
    %and3A_4535 = arith.constant 1 : i32
    %and3A_4536 = vector.broadcast %and3A_4535 : i32 to vector<16xi32>
    %and3A_4537 = arith.andi %shift_right_arithmetic3A_4534, %and3A_4536 : vector<16xi32>
    %add3A_4538 = arith.addi %add3A_4531, %and3A_4537 : vector<16xi32>
    %swap3A_4539 = arith.constant 576 : index
    %swap3A_4540 = tpu.vector_load %arg6[%swap3A_4539] {strides = array<i32>} : memref<800xi32, #tpu.memory_space<vmem>>, vector<16xi32>,
    %swap3A_4541 = vector.shape_cast %swap3A_4540 : vector<16xi32> to vector<16xi32>
    %swap3A_4542 = vector.shape_cast %add3A_4538 : vector<16xi32> to vector<16xi32>
    tpu.vector_store %arg6[%swap3A_4539], %swap3A_4542 {strides = array<i32>} : memref<800xi32, #tpu.memory_space<vmem>>, vector<16xi32>,
    %get3A_4543 = arith.constant 592 : index
    %get3A_4544 = tpu.vector_load %arg6[%get3A_4543] {strides = array<i32>} : memref<800xi32, #tpu.memory_space<vmem>>, vector<16xi32>,
    %get3A_4545 = vector.shape_cast %get3A_4544 : vector<16xi32> to vector<16xi32>
    %and3A_4546 = arith.constant -32768 : i32
    %and3A_4547 = vector.broadcast %and3A_4546 : i32 to vector<16xi32>
    %and3A_4548 = arith.andi %get3A_4545, %and3A_4547 : vector<16xi32>
    %and3A_4549 = arith.constant 16383 : i32
    %and3A_4550 = vector.broadcast %and3A_4549 : i32 to vector<16xi32>
    %and3A_4551 = arith.andi %get3A_4545, %and3A_4550 : vector<16xi32>
    %shift_left3A_4552 = arith.constant 1 : i32
    %shift_left3A_4553 = vector.broadcast %shift_left3A_4552 : i32 to vector<16xi32>
    %shift_left3A_4554 = arith.shli %and3A_4551, %shift_left3A_4553 : vector<16xi32>
    %add3A_4555 = arith.addi %and3A_4548, %shift_left3A_4554 : vector<16xi32>
    %shift_right_arithmetic3A_4556 = arith.constant 14 : i32
    %shift_right_arithmetic3A_4557 = vector.broadcast %shift_right_arithmetic3A_4556 : i32 to vector<16xi32>
    %shift_right_arithmetic3A_4558 = arith.shrsi %get3A_4545, %shift_right_arithmetic3A_4557 : vector<16xi32>
    %and3A_4559 = arith.constant 1 : i32
    %and3A_4560 = vector.broadcast %and3A_4559 : i32 to vector<16xi32>
    %and3A_4561 = arith.andi %shift_right_arithmetic3A_4558, %and3A_4560 : vector<16xi32>
    %add3A_4562 = arith.addi %add3A_4555, %and3A_4561 : vector<16xi32>
    %swap3A_4563 = arith.constant 592 : index
    %swap3A_4564 = tpu.vector_load %arg6[%swap3A_4563] {strides = array<i32>} : memref<800xi32, #tpu.memory_space<vmem>>, vector<16xi32>,
    %swap3A_4565 = vector.shape_cast %swap3A_4564 : vector<16xi32> to vector<16xi32>
    %swap3A_4566 = vector.shape_cast %add3A_4562 : vector<16xi32> to vector<16xi32>
    tpu.vector_store %arg6[%swap3A_4563], %swap3A_4566 {strides = array<i32>} : memref<800xi32, #tpu.memory_space<vmem>>, vector<16xi32>,
    %get3A_4567 = arith.constant 608 : index
    %get3A_4568 = tpu.vector_load %arg6[%get3A_4567] {strides = array<i32>} : memref<800xi32, #tpu.memory_space<vmem>>, vector<16xi32>,
    %get3A_4569 = vector.shape_cast %get3A_4568 : vector<16xi32> to vector<16xi32>
    %and3A_4570 = arith.constant -32768 : i32
    %and3A_4571 = vector.broadcast %and3A_4570 : i32 to vector<16xi32>
    %and3A_4572 = arith.andi %get3A_4569, %and3A_4571 : vector<16xi32>
    %and3A_4573 = arith.constant 16383 : i32
    %and3A_4574 = vector.broadcast %and3A_4573 : i32 to vector<16xi32>
    %and3A_4575 = arith.andi %get3A_4569, %and3A_4574 : vector<16xi32>
    %shift_left3A_4576 = arith.constant 1 : i32
    %shift_left3A_4577 = vector.broadcast %shift_left3A_4576 : i32 to vector<16xi32>
    %shift_left3A_4578 = arith.shli %and3A_4575, %shift_left3A_4577 : vector<16xi32>
    %add3A_4579 = arith.addi %and3A_4572, %shift_left3A_4578 : vector<16xi32>
    %shift_right_arithmetic3A_4580 = arith.constant 14 : i32
    %shift_right_arithmetic3A_4581 = vector.broadcast %shift_right_arithmetic3A_4580 : i32 to vector<16xi32>
    %shift_right_arithmetic3A_4582 = arith.shrsi %get3A_4569, %shift_right_arithmetic3A_4581 : vector<16xi32>
    %and3A_4583 = arith.constant 1 : i32
    %and3A_4584 = vector.broadcast %and3A_4583 : i32 to vector<16xi32>
    %and3A_4585 = arith.andi %shift_right_arithmetic3A_4582, %and3A_4584 : vector<16xi32>
    %add3A_4586 = arith.addi %add3A_4579, %and3A_4585 : vector<16xi32>
    %swap3A_4587 = arith.constant 608 : index
    %swap3A_4588 = tpu.vector_load %arg6[%swap3A_4587] {strides = array<i32>} : memref<800xi32, #tpu.memory_space<vmem>>, vector<16xi32>,
    %swap3A_4589 = vector.shape_cast %swap3A_4588 : vector<16xi32> to vector<16xi32>
    %swap3A_4590 = vector.shape_cast %add3A_4586 : vector<16xi32> to vector<16xi32>
    tpu.vector_store %arg6[%swap3A_4587], %swap3A_4590 {strides = array<i32>} : memref<800xi32, #tpu.memory_space<vmem>>, vector<16xi32>,
    %get3A_4591 = arith.constant 624 : index
    %get3A_4592 = tpu.vector_load %arg6[%get3A_4591] {strides = array<i32>} : memref<800xi32, #tpu.memory_space<vmem>>, vector<16xi32>,
    %get3A_4593 = vector.shape_cast %get3A_4592 : vector<16xi32> to vector<16xi32>
    %and3A_4594 = arith.constant -32768 : i32
    %and3A_4595 = vector.broadcast %and3A_4594 : i32 to vector<16xi32>
    %and3A_4596 = arith.andi %get3A_4593, %and3A_4595 : vector<16xi32>
    %and3A_4597 = arith.constant 16383 : i32
    %and3A_4598 = vector.broadcast %and3A_4597 : i32 to vector<16xi32>
    %and3A_4599 = arith.andi %get3A_4593, %and3A_4598 : vector<16xi32>
    %shift_left3A_4600 = arith.constant 1 : i32
    %shift_left3A_4601 = vector.broadcast %shift_left3A_4600 : i32 to vector<16xi32>
    %shift_left3A_4602 = arith.shli %and3A_4599, %shift_left3A_4601 : vector<16xi32>
    %add3A_4603 = arith.addi %and3A_4596, %shift_left3A_4602 : vector<16xi32>
    %shift_right_arithmetic3A_4604 = arith.constant 14 : i32
    %shift_right_arithmetic3A_4605 = vector.broadcast %shift_right_arithmetic3A_4604 : i32 to vector<16xi32>
    %shift_right_arithmetic3A_4606 = arith.shrsi %get3A_4593, %shift_right_arithmetic3A_4605 : vector<16xi32>
    %and3A_4607 = arith.constant 1 : i32
    %and3A_4608 = vector.broadcast %and3A_4607 : i32 to vector<16xi32>
    %and3A_4609 = arith.andi %shift_right_arithmetic3A_4606, %and3A_4608 : vector<16xi32>
    %add3A_4610 = arith.addi %add3A_4603, %and3A_4609 : vector<16xi32>
    %swap3A_4611 = arith.constant 624 : index
    %swap3A_4612 = tpu.vector_load %arg6[%swap3A_4611] {strides = array<i32>} : memref<800xi32, #tpu.memory_space<vmem>>, vector<16xi32>,
    %swap3A_4613 = vector.shape_cast %swap3A_4612 : vector<16xi32> to vector<16xi32>
    %swap3A_4614 = vector.shape_cast %add3A_4610 : vector<16xi32> to vector<16xi32>
    tpu.vector_store %arg6[%swap3A_4611], %swap3A_4614 {strides = array<i32>} : memref<800xi32, #tpu.memory_space<vmem>>, vector<16xi32>,
    %get3A_4615 = arith.constant 640 : index
    %get3A_4616 = tpu.vector_load %arg6[%get3A_4615] {strides = array<i32>} : memref<800xi32, #tpu.memory_space<vmem>>, vector<16xi32>,
    %get3A_4617 = vector.shape_cast %get3A_4616 : vector<16xi32> to vector<16xi32>
    %and3A_4618 = arith.constant -32768 : i32
    %and3A_4619 = vector.broadcast %and3A_4618 : i32 to vector<16xi32>
    %and3A_4620 = arith.andi %get3A_4617, %and3A_4619 : vector<16xi32>
    %and3A_4621 = arith.constant 16383 : i32
    %and3A_4622 = vector.broadcast %and3A_4621 : i32 to vector<16xi32>
    %and3A_4623 = arith.andi %get3A_4617, %and3A_4622 : vector<16xi32>
    %shift_left3A_4624 = arith.constant 1 : i32
    %shift_left3A_4625 = vector.broadcast %shift_left3A_4624 : i32 to vector<16xi32>
    %shift_left3A_4626 = arith.shli %and3A_4623, %shift_left3A_4625 : vector<16xi32>
    %add3A_4627 = arith.addi %and3A_4620, %shift_left3A_4626 : vector<16xi32>
    %shift_right_arithmetic3A_4628 = arith.constant 14 : i32
    %shift_right_arithmetic3A_4629 = vector.broadcast %shift_right_arithmetic3A_4628 : i32 to vector<16xi32>
    %shift_right_arithmetic3A_4630 = arith.shrsi %get3A_4617, %shift_right_arithmetic3A_4629 : vector<16xi32>
    %and3A_4631 = arith.constant 1 : i32
    %and3A_4632 = vector.broadcast %and3A_4631 : i32 to vector<16xi32>
    %and3A_4633 = arith.andi %shift_right_arithmetic3A_4630, %and3A_4632 : vector<16xi32>
    %add3A_4634 = arith.addi %add3A_4627, %and3A_4633 : vector<16xi32>
    %swap3A_4635 = arith.constant 640 : index
    %swap3A_4636 = tpu.vector_load %arg6[%swap3A_4635] {strides = array<i32>} : memref<800xi32, #tpu.memory_space<vmem>>, vector<16xi32>,
    %swap3A_4637 = vector.shape_cast %swap3A_4636 : vector<16xi32> to vector<16xi32>
    %swap3A_4638 = vector.shape_cast %add3A_4634 : vector<16xi32> to vector<16xi32>
    tpu.vector_store %arg6[%swap3A_4635], %swap3A_4638 {strides = array<i32>} : memref<800xi32, #tpu.memory_space<vmem>>, vector<16xi32>,
    %get3A_4639 = arith.constant 656 : index
    %get3A_4640 = tpu.vector_load %arg6[%get3A_4639] {strides = array<i32>} : memref<800xi32, #tpu.memory_space<vmem>>, vector<16xi32>,
    %get3A_4641 = vector.shape_cast %get3A_4640 : vector<16xi32> to vector<16xi32>
    %and3A_4642 = arith.constant -32768 : i32
    %and3A_4643 = vector.broadcast %and3A_4642 : i32 to vector<16xi32>
    %and3A_4644 = arith.andi %get3A_4641, %and3A_4643 : vector<16xi32>
    %and3A_4645 = arith.constant 16383 : i32
    %and3A_4646 = vector.broadcast %and3A_4645 : i32 to vector<16xi32>
    %and3A_4647 = arith.andi %get3A_4641, %and3A_4646 : vector<16xi32>
    %shift_left3A_4648 = arith.constant 1 : i32
    %shift_left3A_4649 = vector.broadcast %shift_left3A_4648 : i32 to vector<16xi32>
    %shift_left3A_4650 = arith.shli %and3A_4647, %shift_left3A_4649 : vector<16xi32>
    %add3A_4651 = arith.addi %and3A_4644, %shift_left3A_4650 : vector<16xi32>
    %shift_right_arithmetic3A_4652 = arith.constant 14 : i32
    %shift_right_arithmetic3A_4653 = vector.broadcast %shift_right_arithmetic3A_4652 : i32 to vector<16xi32>
    %shift_right_arithmetic3A_4654 = arith.shrsi %get3A_4641, %shift_right_arithmetic3A_4653 : vector<16xi32>
    %and3A_4655 = arith.constant 1 : i32
    %and3A_4656 = vector.broadcast %and3A_4655 : i32 to vector<16xi32>
    %and3A_4657 = arith.andi %shift_right_arithmetic3A_4654, %and3A_4656 : vector<16xi32>
    %add3A_4658 = arith.addi %add3A_4651, %and3A_4657 : vector<16xi32>
    %swap3A_4659 = arith.constant 656 : index
    %swap3A_4660 = tpu.vector_load %arg6[%swap3A_4659] {strides = array<i32>} : memref<800xi32, #tpu.memory_space<vmem>>, vector<16xi32>,
    %swap3A_4661 = vector.shape_cast %swap3A_4660 : vector<16xi32> to vector<16xi32>
    %swap3A_4662 = vector.shape_cast %add3A_4658 : vector<16xi32> to vector<16xi32>
    tpu.vector_store %arg6[%swap3A_4659], %swap3A_4662 {strides = array<i32>} : memref<800xi32, #tpu.memory_space<vmem>>, vector<16xi32>,
    %get3A_4663 = arith.constant 672 : index
    %get3A_4664 = tpu.vector_load %arg6[%get3A_4663] {strides = array<i32>} : memref<800xi32, #tpu.memory_space<vmem>>, vector<16xi32>,
    %get3A_4665 = vector.shape_cast %get3A_4664 : vector<16xi32> to vector<16xi32>
    %and3A_4666 = arith.constant -32768 : i32
    %and3A_4667 = vector.broadcast %and3A_4666 : i32 to vector<16xi32>
    %and3A_4668 = arith.andi %get3A_4665, %and3A_4667 : vector<16xi32>
    %and3A_4669 = arith.constant 16383 : i32
    %and3A_4670 = vector.broadcast %and3A_4669 : i32 to vector<16xi32>
    %and3A_4671 = arith.andi %get3A_4665, %and3A_4670 : vector<16xi32>
    %shift_left3A_4672 = arith.constant 1 : i32
    %shift_left3A_4673 = vector.broadcast %shift_left3A_4672 : i32 to vector<16xi32>
    %shift_left3A_4674 = arith.shli %and3A_4671, %shift_left3A_4673 : vector<16xi32>
    %add3A_4675 = arith.addi %and3A_4668, %shift_left3A_4674 : vector<16xi32>
    %shift_right_arithmetic3A_4676 = arith.constant 14 : i32
    %shift_right_arithmetic3A_4677 = vector.broadcast %shift_right_arithmetic3A_4676 : i32 to vector<16xi32>
    %shift_right_arithmetic3A_4678 = arith.shrsi %get3A_4665, %shift_right_arithmetic3A_4677 : vector<16xi32>
    %and3A_4679 = arith.constant 1 : i32
    %and3A_4680 = vector.broadcast %and3A_4679 : i32 to vector<16xi32>
    %and3A_4681 = arith.andi %shift_right_arithmetic3A_4678, %and3A_4680 : vector<16xi32>
    %add3A_4682 = arith.addi %add3A_4675, %and3A_4681 : vector<16xi32>
    %swap3A_4683 = arith.constant 672 : index
    %swap3A_4684 = tpu.vector_load %arg6[%swap3A_4683] {strides = array<i32>} : memref<800xi32, #tpu.memory_space<vmem>>, vector<16xi32>,
    %swap3A_4685 = vector.shape_cast %swap3A_4684 : vector<16xi32> to vector<16xi32>
    %swap3A_4686 = vector.shape_cast %add3A_4682 : vector<16xi32> to vector<16xi32>
    tpu.vector_store %arg6[%swap3A_4683], %swap3A_4686 {strides = array<i32>} : memref<800xi32, #tpu.memory_space<vmem>>, vector<16xi32>,
    %get3A_4687 = arith.constant 688 : index
    %get3A_4688 = tpu.vector_load %arg6[%get3A_4687] {strides = array<i32>} : memref<800xi32, #tpu.memory_space<vmem>>, vector<16xi32>,
    %get3A_4689 = vector.shape_cast %get3A_4688 : vector<16xi32> to vector<16xi32>
    %and3A_4690 = arith.constant -32768 : i32
    %and3A_4691 = vector.broadcast %and3A_4690 : i32 to vector<16xi32>
    %and3A_4692 = arith.andi %get3A_4689, %and3A_4691 : vector<16xi32>
    %and3A_4693 = arith.constant 16383 : i32
    %and3A_4694 = vector.broadcast %and3A_4693 : i32 to vector<16xi32>
    %and3A_4695 = arith.andi %get3A_4689, %and3A_4694 : vector<16xi32>
    %shift_left3A_4696 = arith.constant 1 : i32
    %shift_left3A_4697 = vector.broadcast %shift_left3A_4696 : i32 to vector<16xi32>
    %shift_left3A_4698 = arith.shli %and3A_4695, %shift_left3A_4697 : vector<16xi32>
    %add3A_4699 = arith.addi %and3A_4692, %shift_left3A_4698 : vector<16xi32>
    %shift_right_arithmetic3A_4700 = arith.constant 14 : i32
    %shift_right_arithmetic3A_4701 = vector.broadcast %shift_right_arithmetic3A_4700 : i32 to vector<16xi32>
    %shift_right_arithmetic3A_4702 = arith.shrsi %get3A_4689, %shift_right_arithmetic3A_4701 : vector<16xi32>
    %and3A_4703 = arith.constant 1 : i32
    %and3A_4704 = vector.broadcast %and3A_4703 : i32 to vector<16xi32>
    %and3A_4705 = arith.andi %shift_right_arithmetic3A_4702, %and3A_4704 : vector<16xi32>
    %add3A_4706 = arith.addi %add3A_4699, %and3A_4705 : vector<16xi32>
    %swap3A_4707 = arith.constant 688 : index
    %swap3A_4708 = tpu.vector_load %arg6[%swap3A_4707] {strides = array<i32>} : memref<800xi32, #tpu.memory_space<vmem>>, vector<16xi32>,
    %swap3A_4709 = vector.shape_cast %swap3A_4708 : vector<16xi32> to vector<16xi32>
    %swap3A_4710 = vector.shape_cast %add3A_4706 : vector<16xi32> to vector<16xi32>
    tpu.vector_store %arg6[%swap3A_4707], %swap3A_4710 {strides = array<i32>} : memref<800xi32, #tpu.memory_space<vmem>>, vector<16xi32>,
    %get3A_4711 = arith.constant 704 : index
    %get3A_4712 = tpu.vector_load %arg6[%get3A_4711] {strides = array<i32>} : memref<800xi32, #tpu.memory_space<vmem>>, vector<16xi32>,
    %get3A_4713 = vector.shape_cast %get3A_4712 : vector<16xi32> to vector<16xi32>
    %and3A_4714 = arith.constant -32768 : i32
    %and3A_4715 = vector.broadcast %and3A_4714 : i32 to vector<16xi32>
    %and3A_4716 = arith.andi %get3A_4713, %and3A_4715 : vector<16xi32>
    %and3A_4717 = arith.constant 16383 : i32
    %and3A_4718 = vector.broadcast %and3A_4717 : i32 to vector<16xi32>
    %and3A_4719 = arith.andi %get3A_4713, %and3A_4718 : vector<16xi32>
    %shift_left3A_4720 = arith.constant 1 : i32
    %shift_left3A_4721 = vector.broadcast %shift_left3A_4720 : i32 to vector<16xi32>
    %shift_left3A_4722 = arith.shli %and3A_4719, %shift_left3A_4721 : vector<16xi32>
    %add3A_4723 = arith.addi %and3A_4716, %shift_left3A_4722 : vector<16xi32>
    %shift_right_arithmetic3A_4724 = arith.constant 14 : i32
    %shift_right_arithmetic3A_4725 = vector.broadcast %shift_right_arithmetic3A_4724 : i32 to vector<16xi32>
    %shift_right_arithmetic3A_4726 = arith.shrsi %get3A_4713, %shift_right_arithmetic3A_4725 : vector<16xi32>
    %and3A_4727 = arith.constant 1 : i32
    %and3A_4728 = vector.broadcast %and3A_4727 : i32 to vector<16xi32>
    %and3A_4729 = arith.andi %shift_right_arithmetic3A_4726, %and3A_4728 : vector<16xi32>
    %add3A_4730 = arith.addi %add3A_4723, %and3A_4729 : vector<16xi32>
    %swap3A_4731 = arith.constant 704 : index
    %swap3A_4732 = tpu.vector_load %arg6[%swap3A_4731] {strides = array<i32>} : memref<800xi32, #tpu.memory_space<vmem>>, vector<16xi32>,
    %swap3A_4733 = vector.shape_cast %swap3A_4732 : vector<16xi32> to vector<16xi32>
    %swap3A_4734 = vector.shape_cast %add3A_4730 : vector<16xi32> to vector<16xi32>
    tpu.vector_store %arg6[%swap3A_4731], %swap3A_4734 {strides = array<i32>} : memref<800xi32, #tpu.memory_space<vmem>>, vector<16xi32>,
    %get3A_4735 = arith.constant 720 : index
    %get3A_4736 = tpu.vector_load %arg6[%get3A_4735] {strides = array<i32>} : memref<800xi32, #tpu.memory_space<vmem>>, vector<16xi32>,
    %get3A_4737 = vector.shape_cast %get3A_4736 : vector<16xi32> to vector<16xi32>
    %and3A_4738 = arith.constant -32768 : i32
    %and3A_4739 = vector.broadcast %and3A_4738 : i32 to vector<16xi32>
    %and3A_4740 = arith.andi %get3A_4737, %and3A_4739 : vector<16xi32>
    %and3A_4741 = arith.constant 16383 : i32
    %and3A_4742 = vector.broadcast %and3A_4741 : i32 to vector<16xi32>
    %and3A_4743 = arith.andi %get3A_4737, %and3A_4742 : vector<16xi32>
    %shift_left3A_4744 = arith.constant 1 : i32
    %shift_left3A_4745 = vector.broadcast %shift_left3A_4744 : i32 to vector<16xi32>
    %shift_left3A_4746 = arith.shli %and3A_4743, %shift_left3A_4745 : vector<16xi32>
    %add3A_4747 = arith.addi %and3A_4740, %shift_left3A_4746 : vector<16xi32>
    %shift_right_arithmetic3A_4748 = arith.constant 14 : i32
    %shift_right_arithmetic3A_4749 = vector.broadcast %shift_right_arithmetic3A_4748 : i32 to vector<16xi32>
    %shift_right_arithmetic3A_4750 = arith.shrsi %get3A_4737, %shift_right_arithmetic3A_4749 : vector<16xi32>
    %and3A_4751 = arith.constant 1 : i32
    %and3A_4752 = vector.broadcast %and3A_4751 : i32 to vector<16xi32>
    %and3A_4753 = arith.andi %shift_right_arithmetic3A_4750, %and3A_4752 : vector<16xi32>
    %add3A_4754 = arith.addi %add3A_4747, %and3A_4753 : vector<16xi32>
    %swap3A_4755 = arith.constant 720 : index
    %swap3A_4756 = tpu.vector_load %arg6[%swap3A_4755] {strides = array<i32>} : memref<800xi32, #tpu.memory_space<vmem>>, vector<16xi32>,
    %swap3A_4757 = vector.shape_cast %swap3A_4756 : vector<16xi32> to vector<16xi32>
    %swap3A_4758 = vector.shape_cast %add3A_4754 : vector<16xi32> to vector<16xi32>
    tpu.vector_store %arg6[%swap3A_4755], %swap3A_4758 {strides = array<i32>} : memref<800xi32, #tpu.memory_space<vmem>>, vector<16xi32>,
    %get3A_4759 = arith.constant 736 : index
    %get3A_4760 = tpu.vector_load %arg6[%get3A_4759] {strides = array<i32>} : memref<800xi32, #tpu.memory_space<vmem>>, vector<16xi32>,
    %get3A_4761 = vector.shape_cast %get3A_4760 : vector<16xi32> to vector<16xi32>
    %and3A_4762 = arith.constant -32768 : i32
    %and3A_4763 = vector.broadcast %and3A_4762 : i32 to vector<16xi32>
    %and3A_4764 = arith.andi %get3A_4761, %and3A_4763 : vector<16xi32>
    %and3A_4765 = arith.constant 16383 : i32
    %and3A_4766 = vector.broadcast %and3A_4765 : i32 to vector<16xi32>
    %and3A_4767 = arith.andi %get3A_4761, %and3A_4766 : vector<16xi32>
    %shift_left3A_4768 = arith.constant 1 : i32
    %shift_left3A_4769 = vector.broadcast %shift_left3A_4768 : i32 to vector<16xi32>
    %shift_left3A_4770 = arith.shli %and3A_4767, %shift_left3A_4769 : vector<16xi32>
    %add3A_4771 = arith.addi %and3A_4764, %shift_left3A_4770 : vector<16xi32>
    %shift_right_arithmetic3A_4772 = arith.constant 14 : i32
    %shift_right_arithmetic3A_4773 = vector.broadcast %shift_right_arithmetic3A_4772 : i32 to vector<16xi32>
    %shift_right_arithmetic3A_4774 = arith.shrsi %get3A_4761, %shift_right_arithmetic3A_4773 : vector<16xi32>
    %and3A_4775 = arith.constant 1 : i32
    %and3A_4776 = vector.broadcast %and3A_4775 : i32 to vector<16xi32>
    %and3A_4777 = arith.andi %shift_right_arithmetic3A_4774, %and3A_4776 : vector<16xi32>
    %add3A_4778 = arith.addi %add3A_4771, %and3A_4777 : vector<16xi32>
    %swap3A_4779 = arith.constant 736 : index
    %swap3A_4780 = tpu.vector_load %arg6[%swap3A_4779] {strides = array<i32>} : memref<800xi32, #tpu.memory_space<vmem>>, vector<16xi32>,
    %swap3A_4781 = vector.shape_cast %swap3A_4780 : vector<16xi32> to vector<16xi32>
    %swap3A_4782 = vector.shape_cast %add3A_4778 : vector<16xi32> to vector<16xi32>
    tpu.vector_store %arg6[%swap3A_4779], %swap3A_4782 {strides = array<i32>} : memref<800xi32, #tpu.memory_space<vmem>>, vector<16xi32>,
    %get3A_4783 = arith.constant 752 : index
    %get3A_4784 = tpu.vector_load %arg6[%get3A_4783] {strides = array<i32>} : memref<800xi32, #tpu.memory_space<vmem>>, vector<16xi32>,
    %get3A_4785 = vector.shape_cast %get3A_4784 : vector<16xi32> to vector<16xi32>
    %and3A_4786 = arith.constant -32768 : i32
    %and3A_4787 = vector.broadcast %and3A_4786 : i32 to vector<16xi32>
    %and3A_4788 = arith.andi %get3A_4785, %and3A_4787 : vector<16xi32>
    %and3A_4789 = arith.constant 16383 : i32
    %and3A_4790 = vector.broadcast %and3A_4789 : i32 to vector<16xi32>
    %and3A_4791 = arith.andi %get3A_4785, %and3A_4790 : vector<16xi32>
    %shift_left3A_4792 = arith.constant 1 : i32
    %shift_left3A_4793 = vector.broadcast %shift_left3A_4792 : i32 to vector<16xi32>
    %shift_left3A_4794 = arith.shli %and3A_4791, %shift_left3A_4793 : vector<16xi32>
    %add3A_4795 = arith.addi %and3A_4788, %shift_left3A_4794 : vector<16xi32>
    %shift_right_arithmetic3A_4796 = arith.constant 14 : i32
    %shift_right_arithmetic3A_4797 = vector.broadcast %shift_right_arithmetic3A_4796 : i32 to vector<16xi32>
    %shift_right_arithmetic3A_4798 = arith.shrsi %get3A_4785, %shift_right_arithmetic3A_4797 : vector<16xi32>
    %and3A_4799 = arith.constant 1 : i32
    %and3A_4800 = vector.broadcast %and3A_4799 : i32 to vector<16xi32>
    %and3A_4801 = arith.andi %shift_right_arithmetic3A_4798, %and3A_4800 : vector<16xi32>
    %add3A_4802 = arith.addi %add3A_4795, %and3A_4801 : vector<16xi32>
    %swap3A_4803 = arith.constant 752 : index
    %swap3A_4804 = tpu.vector_load %arg6[%swap3A_4803] {strides = array<i32>} : memref<800xi32, #tpu.memory_space<vmem>>, vector<16xi32>,
    %swap3A_4805 = vector.shape_cast %swap3A_4804 : vector<16xi32> to vector<16xi32>
    %swap3A_4806 = vector.shape_cast %add3A_4802 : vector<16xi32> to vector<16xi32>
    tpu.vector_store %arg6[%swap3A_4803], %swap3A_4806 {strides = array<i32>} : memref<800xi32, #tpu.memory_space<vmem>>, vector<16xi32>,
    %get3A_4807 = arith.constant 768 : index
    %get3A_4808 = tpu.vector_load %arg6[%get3A_4807] {strides = array<i32>} : memref<800xi32, #tpu.memory_space<vmem>>, vector<16xi32>,
    %get3A_4809 = vector.shape_cast %get3A_4808 : vector<16xi32> to vector<16xi32>
    %and3A_4810 = arith.constant -32768 : i32
    %and3A_4811 = vector.broadcast %and3A_4810 : i32 to vector<16xi32>
    %and3A_4812 = arith.andi %get3A_4809, %and3A_4811 : vector<16xi32>
    %and3A_4813 = arith.constant 16383 : i32
    %and3A_4814 = vector.broadcast %and3A_4813 : i32 to vector<16xi32>
    %and3A_4815 = arith.andi %get3A_4809, %and3A_4814 : vector<16xi32>
    %shift_left3A_4816 = arith.constant 1 : i32
    %shift_left3A_4817 = vector.broadcast %shift_left3A_4816 : i32 to vector<16xi32>
    %shift_left3A_4818 = arith.shli %and3A_4815, %shift_left3A_4817 : vector<16xi32>
    %add3A_4819 = arith.addi %and3A_4812, %shift_left3A_4818 : vector<16xi32>
    %shift_right_arithmetic3A_4820 = arith.constant 14 : i32
    %shift_right_arithmetic3A_4821 = vector.broadcast %shift_right_arithmetic3A_4820 : i32 to vector<16xi32>
    %shift_right_arithmetic3A_4822 = arith.shrsi %get3A_4809, %shift_right_arithmetic3A_4821 : vector<16xi32>
    %and3A_4823 = arith.constant 1 : i32
    %and3A_4824 = vector.broadcast %and3A_4823 : i32 to vector<16xi32>
    %and3A_4825 = arith.andi %shift_right_arithmetic3A_4822, %and3A_4824 : vector<16xi32>
    %add3A_4826 = arith.addi %add3A_4819, %and3A_4825 : vector<16xi32>
    %swap3A_4827 = arith.constant 768 : index
    %swap3A_4828 = tpu.vector_load %arg6[%swap3A_4827] {strides = array<i32>} : memref<800xi32, #tpu.memory_space<vmem>>, vector<16xi32>,
    %swap3A_4829 = vector.shape_cast %swap3A_4828 : vector<16xi32> to vector<16xi32>
    %swap3A_4830 = vector.shape_cast %add3A_4826 : vector<16xi32> to vector<16xi32>
    tpu.vector_store %arg6[%swap3A_4827], %swap3A_4830 {strides = array<i32>} : memref<800xi32, #tpu.memory_space<vmem>>, vector<16xi32>,
    %get3A_4831 = arith.constant 784 : index
    %get3A_4832 = tpu.vector_load %arg6[%get3A_4831] {strides = array<i32>} : memref<800xi32, #tpu.memory_space<vmem>>, vector<16xi32>,
    %get3A_4833 = vector.shape_cast %get3A_4832 : vector<16xi32> to vector<16xi32>
    %and3A_4834 = arith.constant -32768 : i32
    %and3A_4835 = vector.broadcast %and3A_4834 : i32 to vector<16xi32>
    %and3A_4836 = arith.andi %get3A_4833, %and3A_4835 : vector<16xi32>
    %and3A_4837 = arith.constant 16383 : i32
    %and3A_4838 = vector.broadcast %and3A_4837 : i32 to vector<16xi32>
    %and3A_4839 = arith.andi %get3A_4833, %and3A_4838 : vector<16xi32>
    %shift_left3A_4840 = arith.constant 1 : i32
    %shift_left3A_4841 = vector.broadcast %shift_left3A_4840 : i32 to vector<16xi32>
    %shift_left3A_4842 = arith.shli %and3A_4839, %shift_left3A_4841 : vector<16xi32>
    %add3A_4843 = arith.addi %and3A_4836, %shift_left3A_4842 : vector<16xi32>
    %shift_right_arithmetic3A_4844 = arith.constant 14 : i32
    %shift_right_arithmetic3A_4845 = vector.broadcast %shift_right_arithmetic3A_4844 : i32 to vector<16xi32>
    %shift_right_arithmetic3A_4846 = arith.shrsi %get3A_4833, %shift_right_arithmetic3A_4845 : vector<16xi32>
    %and3A_4847 = arith.constant 1 : i32
    %and3A_4848 = vector.broadcast %and3A_4847 : i32 to vector<16xi32>
    %and3A_4849 = arith.andi %shift_right_arithmetic3A_4846, %and3A_4848 : vector<16xi32>
    %add3A_4850 = arith.addi %add3A_4843, %and3A_4849 : vector<16xi32>
    %swap3A_4851 = arith.constant 784 : index
    %swap3A_4852 = tpu.vector_load %arg6[%swap3A_4851] {strides = array<i32>} : memref<800xi32, #tpu.memory_space<vmem>>, vector<16xi32>,
    %swap3A_4853 = vector.shape_cast %swap3A_4852 : vector<16xi32> to vector<16xi32>
    %swap3A_4854 = vector.shape_cast %add3A_4850 : vector<16xi32> to vector<16xi32>
    tpu.vector_store %arg6[%swap3A_4851], %swap3A_4854 {strides = array<i32>} : memref<800xi32, #tpu.memory_space<vmem>>, vector<16xi32>,
    %dma_wait3A_4855 = arith.constant 0 : i32
    %dma_wait3A_4856 = tpu.memref_slice %arg4[%add3A_3645, %dma_wait3A_4855] : memref<102400x128xf32, #tpu.memory_space<hbm>> -> memref<800x64xf32, #tpu.memory_space<hbm>>
    %dma_wait3A_4857 = arith.constant 0 : i32
    %dma_wait3A_4858 = tpu.memref_slice %arg4[%add3A_3645, %dma_wait3A_4857] : memref<102400x128xf32, #tpu.memory_space<hbm>> -> memref<800x64xf32, #tpu.memory_space<hbm>>
    tpu.wait_dma2 semaphore(%arg12 : memref<!tpu.dma_semaphore, #tpu.memory_space<semaphore_mem>>) src(%arg8 : memref<800x64xf32, #tpu.memory_space<vmem>>) dst(%dma_wait3A_4858 : memref<800x64xf32, #tpu.memory_space<hbm>>)
    %dma_start3A_4859 = arith.constant 0 : i32
    %dma_start3A_4860 = arith.constant 0 : i32
    %dma_start3A_4861 = tpu.memref_slice %arg3[%dma_start3A_4859, %dma_start3A_4860] : memref<1015808x64xf32, #tpu.memory_space<hbm>> -> memref<1015808x64xf32, #tpu.memory_space<hbm>>
    tpu.enqueue_indirect_dma source(%dma_start3A_4861 : memref<1015808x64xf32, #tpu.memory_space<hbm>>) target(%arg8 : memref<800x64xf32, #tpu.memory_space<vmem>>) offsets(%arg6 : memref<800xi32, #tpu.memory_space<vmem>>) semaphore(%arg10 : memref<!tpu.dma_semaphore, #tpu.memory_space<semaphore_mem>>)
    %scan3A_4862 = arith.constant 1 : i32
    %dma_wait3A_4863 = arith.constant 0 : i32
    %dma_wait3A_4864 = arith.constant 0 : i32
    %dma_wait3A_4865 = tpu.memref_slice %arg3[%dma_wait3A_4863, %dma_wait3A_4864] : memref<1015808x64xf32, #tpu.memory_space<hbm>> -> memref<1015808x64xf32, #tpu.memory_space<hbm>>
    tpu.wait_indirect_dma semaphore(%arg9 : memref<!tpu.dma_semaphore, #tpu.memory_space<semaphore_mem>>) src(%dma_wait3A_4865 : memref<1015808x64xf32, #tpu.memory_space<hbm>>) dst(%arg7 : memref<800x64xf32, #tpu.memory_space<vmem>>)
    %add3A_4866 = arith.constant 1600 : i32
    %add3A_4867 = arith.addi %mul3A_6, %add3A_4866 : i32
    %dma_start3A_4868 = arith.constant 0 : i32
    %dma_start3A_4869 = tpu.memref_slice %arg4[%add3A_4867, %dma_start3A_4868] : memref<102400x128xf32, #tpu.memory_space<hbm>> -> memref<800x64xf32, #tpu.memory_space<hbm>>
    %dma_start3A_4870 = arith.constant 0 : i32
    %dma_start3A_4871 = tpu.memref_slice %arg4[%add3A_4867, %dma_start3A_4870] : memref<102400x128xf32, #tpu.memory_space<hbm>> -> memref<800x64xf32, #tpu.memory_space<hbm>>
    tpu.enqueue_dma source(%arg7 : memref<800x64xf32, #tpu.memory_space<vmem>>) target(%dma_start3A_4871 : memref<800x64xf32, #tpu.memory_space<hbm>>) target_semaphore(%arg11 : memref<!tpu.dma_semaphore, #tpu.memory_space<semaphore_mem>>)
    %dma_wait3A_4872 = arith.constant 0 : i32
    %dma_wait3A_4873 = tpu.memref_slice %arg4[%add3A_4867, %dma_wait3A_4872] : memref<102400x128xf32, #tpu.memory_space<hbm>> -> memref<800x64xf32, #tpu.memory_space<hbm>>
    %dma_wait3A_4874 = arith.constant 0 : i32
    %dma_wait3A_4875 = tpu.memref_slice %arg4[%add3A_4867, %dma_wait3A_4874] : memref<102400x128xf32, #tpu.memory_space<hbm>> -> memref<800x64xf32, #tpu.memory_space<hbm>>
    tpu.wait_dma2 semaphore(%arg11 : memref<!tpu.dma_semaphore, #tpu.memory_space<semaphore_mem>>) src(%arg7 : memref<800x64xf32, #tpu.memory_space<vmem>>) dst(%dma_wait3A_4875 : memref<800x64xf32, #tpu.memory_space<hbm>>)
    %dma_wait3A_4876 = arith.constant 0 : i32
    %dma_wait3A_4877 = arith.constant 0 : i32
    %dma_wait3A_4878 = tpu.memref_slice %arg3[%dma_wait3A_4876, %dma_wait3A_4877] : memref<1015808x64xf32, #tpu.memory_space<hbm>> -> memref<1015808x64xf32, #tpu.memory_space<hbm>>
    tpu.wait_indirect_dma semaphore(%arg10 : memref<!tpu.dma_semaphore, #tpu.memory_space<semaphore_mem>>) src(%dma_wait3A_4878 : memref<1015808x64xf32, #tpu.memory_space<hbm>>) dst(%arg8 : memref<800x64xf32, #tpu.memory_space<vmem>>)
    %add3A_4879 = arith.constant 2400 : i32
    %add3A_4880 = arith.addi %mul3A_6, %add3A_4879 : i32
    %dma_start3A_4881 = arith.constant 0 : i32
    %dma_start3A_4882 = tpu.memref_slice %arg4[%add3A_4880, %dma_start3A_4881] : memref<102400x128xf32, #tpu.memory_space<hbm>> -> memref<800x64xf32, #tpu.memory_space<hbm>>
    %dma_start3A_4883 = arith.constant 0 : i32
    %dma_start3A_4884 = tpu.memref_slice %arg4[%add3A_4880, %dma_start3A_4883] : memref<102400x128xf32, #tpu.memory_space<hbm>> -> memref<800x64xf32, #tpu.memory_space<hbm>>
    tpu.enqueue_dma source(%arg8 : memref<800x64xf32, #tpu.memory_space<vmem>>) target(%dma_start3A_4884 : memref<800x64xf32, #tpu.memory_space<hbm>>) target_semaphore(%arg12 : memref<!tpu.dma_semaphore, #tpu.memory_space<semaphore_mem>>)
    %dma_wait3A_4885 = arith.constant 0 : i32
    %dma_wait3A_4886 = tpu.memref_slice %arg4[%add3A_4880, %dma_wait3A_4885] : memref<102400x128xf32, #tpu.memory_space<hbm>> -> memref<800x64xf32, #tpu.memory_space<hbm>>
    %dma_wait3A_4887 = arith.constant 0 : i32
    %dma_wait3A_4888 = tpu.memref_slice %arg4[%add3A_4880, %dma_wait3A_4887] : memref<102400x128xf32, #tpu.memory_space<hbm>> -> memref<800x64xf32, #tpu.memory_space<hbm>>
    tpu.wait_dma2 semaphore(%arg12 : memref<!tpu.dma_semaphore, #tpu.memory_space<semaphore_mem>>) src(%arg8 : memref<800x64xf32, #tpu.memory_space<vmem>>) dst(%dma_wait3A_4888 : memref<800x64xf32, #tpu.memory_space<hbm>>)
    return
  }
}

</mosaic_0001>

<sc_bundles>
// kernel: _sc_gather_seg.3.cloned.1.call-start
scs
__scs_entry_jumppad:
0x0: {  	(pc) =	sbr.rel $0x88, $3  }
0x1: {  	(tag) =	ssettag $0x0;
	lr =	simm.s32 $0x1  }
0x2: {  	[smem:$0x3F9F] =	sst lr;
	_ =	strace $0xD0000000  }
0x3: {  	_ = 	snop  }
0x4: {  	_ = 	snop  }
0x5: {  	_ = 	snop  }
0x6: {  	_ = 	snop  }
0x7: {  	_ = 	snop  }
__scs_overlays_trampoline_lowered:
0x8: {  	[smem:$0x3FAE] =	sst s0  }
0x9: {  	[smem:$0x3FAF] =	sst s1  }
0xa: {  	[smem:$0x3FB0] =	sst s2  }
0xb: {  	[smem:$0x3FB1] =	sst s3  }
0xc: {  	[smem:$0x3FB2] =	sst s4  }
0xd: {  	[smem:$0x3FB3] =	sst s5  }
0xe: {  	[smem:$0x3FB4] =	sst s6  }
0xf: {  	[smem:$0x3FB5] =	sst s7  }
0x10: {  	[smem:$0x3FB6] =	sst s8  }
0x11: {  	[smem:$0x3FB7] =	sst s9;
	s0 =	simm.s32 @!p0 $0x0  }
0x12: {  	s1 =	sld [smem:$0x3F9D];
	s0 =	simm.s32 @p0 $0x1  }
0x13: {  	[smem:$0x3FB8] =	sst s0;
	s0 =	simm.s32 @!p1 $0x0  }
0x14: {  	s2 =	sld [smem:$0x3F9C];
	s0 =	simm.s32 @p1 $0x1  }
0x15: {  	[smem:$0x3FB9] =	sst s0;
	s0 =	simm.s32 @!p2 $0x0  }
0x16: {  	s3 =	sld [smem:$0x3FDB];
	s0 =	simm.s32 @p2 $0x1  }
0x17: {  	s4 =	simm.s32 $0x1BF5;
	[smem:$0x3FBB] =	sst s0  }
0x18: {  	s0 =	sld [smem:$0x3F9E];
	_ =	swait.ge [sflag:s4], $0x0  }
0x19: {  	s7 =	sld [smem:$0x3F9F]  }
0x1a: {  	s8 =	sadd.s32 $0xFFFFE003, lr  }
0x1b: {  	s9 =	sadd.s32 $0xFFFFFEF7, lr;
	s5 =	simm.s32 $0xFFFFFFFF;
	p2 =	slt.u32 s8, $0xFFFFF086  }
0x1c: {  	p1 =	slt.u32 s9, $0xF7A;
	s5 =	simm.s32 @!p2 $0x0  }
0x1d: {  	s5 =	simm.s32 @p1 $0x1;
	p0 =	seq.s32 s7, s2  }
0x1e: {  	s7 =	smul.u32 @!p0 $0xF7A, s2;
	p2 =	seq.s32 @!p0 s5, $0x0  }
0x1f: {  	s9 =	smul.u32 $0xF7A, s1;
	s8 =	simm.s32 @!p0 $0x1BF5;
	p2 =	por !p2, p0  }
0x20: {  	[sflag:s8] =	ssyncset.s32 @!p0 $0xFFFFF086;
	s6 =	sadd.s32 @!p0 s3, s7;
	s7 =	simm.s32 @!p0 $0x108  }
0x21: {  	s3 =	sadd.s32 s3, s9;
	s6 =	sadd.s32 @!p0 $0x88, s6;
	s7 =	simm.s32 @p2 $0x1082  }
0x22: {  	[simem:s7], [sflag:s8] =	dma.local @!p0 [hbm:s6], $0xF7A  }
0x23: {  	s9 =	sor.u32 $0xD0000000, s2;
	s6 =	simm.s32 $0x108;
	_ =	swait.ge @!p0 [sflag:s8], $0x0  }
0x24: {  	s3 =	sadd.s32 $0x88, s3;
	s6 =	simm.s32 @!p1 $0x1082;
	[sflag:s4] =	ssyncset.s32 $0xFFFFF086  }
0x25: {  	[simem:s6], [sflag:s4] =	dma.local [hbm:s3], $0xF7A  }
0x26: {  	[smem:$0x3F9F] =	sst s1;
	(tag) =	ssettag s2;
	_ =	strace s9  }
0x27: {  	s1 =	sld [smem:$0x3FAF]  }
0x28: {  	s2 =	sld [smem:$0x3FB0]  }
0x29: {  	s4 =	sld [smem:$0x3FB2]  }
0x2a: {  	p0 =	seq.s32 s5, $0x0;
	s5 =	sld [smem:$0x3FB3]  }
0x2b: {  	s6 =	sld [smem:$0x3FB4]  }
0x2c: {  	s7 =	sld [smem:$0x3FB5]  }
0x2d: {  	s3 =	simm.s32 $0x108;
	s8 =	sld [smem:$0x3FB6]  }
0x2e: {  	s3 =	simm.s32 @!p0 $0x1082;
	s9 =	sld [smem:$0x3FB7]  }
0x2f: {  	lr =	sadd.s32 s0, s3;
	s0 =	sld [smem:$0x3FAE]  }
0x30: {  	s3 =	sld [smem:$0x3FB1]  }
0x31: {  	[smem:$0x3FBA] =	sst s10  }
0x32: {  	s10 =	sld [smem:$0x3FB8];
	_ =	sdelay $0x3  }
0x33: {  	p0 =	seq.s32 s10, $0x1;
	s10 =	sld [smem:$0x3FBA];
	_ =	sdelay $0x3  }
0x34: {  	[smem:$0x3FBA] =	sst s10  }
0x35: {  	s10 =	sld [smem:$0x3FB9];
	_ =	sdelay $0x3  }
0x36: {  	p1 =	seq.s32 s10, $0x1;
	s10 =	sld [smem:$0x3FBA];
	_ =	sdelay $0x3  }
0x37: {  	[smem:$0x3FBA] =	sst s10  }
0x38: {  	s10 =	sld [smem:$0x3FBB]  }
0x39: {  	_ = 	snop;
	(pc) =	sbr.ind lr, $3  }
0x3a: {  	_ = 	snop  }
0x3b: {  	_ = 	snop  }
0x3c: {  	p2 =	seq.s32 s10, $0x1;
	s10 =	sld [smem:$0x3FBA]  }
0x3d: {  	_ =	shalt  }
0x3e: {  	_ =	shalt  }
0x3f: {  	_ =	shalt  }
0x40: {  	_ =	shalt  }
0x41: {  	_ =	shalt  }
0x42: {  	_ =	shalt  }
0x43: {  	_ =	shalt  }
0x44: {  	_ =	shalt  }
0x45: {  	_ =	shalt  }
0x46: {  	_ =	shalt  }
0x47: {  	_ =	shalt  }
0x48: {  	_ =	shalt  }
0x49: {  	_ =	shalt  }
0x4a: {  	_ =	shalt  }
0x4b: {  	_ =	shalt  }
0x4c: {  	_ =	shalt  }
0x4d: {  	_ =	shalt  }
0x4e: {  	_ =	shalt  }
0x4f: {  	_ =	shalt  }
0x50: {  	_ =	shalt  }
0x51: {  	_ =	shalt  }
0x52: {  	_ =	shalt  }
0x53: {  	_ =	shalt  }
0x54: {  	_ =	shalt  }
0x55: {  	_ =	shalt  }
0x56: {  	_ =	shalt  }
0x57: {  	_ =	shalt  }
0x58: {  	_ =	shalt  }
0x59: {  	_ =	shalt  }
0x5a: {  	_ =	shalt  }
0x5b: {  	_ =	shalt  }
0x5c: {  	_ =	shalt  }
0x5d: {  	_ =	shalt  }
0x5e: {  	_ =	shalt  }
0x5f: {  	_ =	shalt  }
0x60: {  	_ =	shalt  }
0x61: {  	_ =	shalt  }
0x62: {  	_ =	shalt  }
0x63: {  	_ =	shalt  }
0x64: {  	_ =	shalt  }
0x65: {  	_ =	shalt  }
0x66: {  	_ =	shalt  }
0x67: {  	_ =	shalt  }
0x68: {  	_ =	shalt  }
0x69: {  	_ =	shalt  }
0x6a: {  	_ =	shalt  }
0x6b: {  	_ =	shalt  }
0x6c: {  	_ =	shalt  }
0x6d: {  	_ =	shalt  }
0x6e: {  	_ =	shalt  }
0x6f: {  	_ =	shalt  }
0x70: {  	_ =	shalt  }
0x71: {  	_ =	shalt  }
0x72: {  	_ =	shalt  }
0x73: {  	_ =	shalt  }
0x74: {  	_ =	shalt  }
0x75: {  	_ =	shalt  }
0x76: {  	_ =	shalt  }
0x77: {  	_ =	shalt  }
0x78: {  	_ =	shalt  }
0x79: {  	_ =	shalt  }
0x7a: {  	_ =	shalt  }
0x7b: {  	_ =	shalt  }
0x7c: {  	_ =	shalt  }
0x7d: {  	_ =	shalt  }
0x7e: {  	_ =	shalt  }
0x7f: {  	_ =	shalt  }
0x80: {  	_ =	shalt  }
0x81: {  	_ =	shalt  }
0x82: {  	_ =	shalt  }
0x83: {  	_ =	shalt  }
0x84: {  	_ =	shalt  }
0x85: {  	_ =	shalt  }
0x86: {  	_ =	shalt  }
0x87: {  	_ =	shalt  }
.Lfunc_end0:
.L_simem_size_0:
called_computation_lowered:
.L_overlay_start_0:
0x88: {  	s2 =	sld [smem:$0x3FD9]  }
0x89: {  	s3 =	sld [smem:$0x3FFE];
	_ =	sdelay $0x1  }
0x8a: {  	s1 =	srdreg.scid  }
0x8b: {  	s0 =	sand.u32 $0x1, s1  }
0x8c: {  	s17 =	sshll.u32 s0, $0xA;
	s2 =	sadd.s32 s3, s2  }
0x8d: {  	s2 =	sadd.s32 s2, s17  }
0x8e: {  	[smem:$0x3FC6] =	sst s2  }
0x8f: {  	_ = 	snop  }
0x90: {  	s2 =	sld [smem:$0x3FC9]  }
0x91: {  	s18 =	sld [smem:$0x3FD0];
	(tm) =	ssettm $0x1  }
0x92: {  	s4 =	sld [smem:$0x3FFB];
	_ =	sdelay $0x3  }
0x93: {  	_ =	strace s4  }
0x94: {  	s4 =	sld [smem:$0x3FFC];
	_ =	sdelay $0x3  }
0x95: {  	_ =	strace s4  }
0x96: {  	s4 =	sld [smem:$0x3FFD];
	_ =	sdelay $0x3  }
0x97: {  	_ =	strace s4  }
0x98: {  	_ =	strace $0x8FFFFFFF  }
0x99: {  	s19 =	sld [smem:$0x3FDB];
	_ =	sdelay $0x1  }
0x9a: {  	s5 =	simm.s32 $_scs_section_size  }
0x9b: {  	s6 =	simm.s32 $_size__tile_overlayer_lowered;
	s7 =	simm.s32 $_tile_overlayer_lowered  }
0x9c: {  	s22 =	simm.s32 $0x1BFF;
	s21 =	sshll.u32 s7, $0x1;
	s4 =	sadd.s32 s5, s19  }
0x9d: {  	s8 =	simm.s32 $0x0;
	s20 =	sshll.u32 s6, $0x1;
	s6 =	sadd.s32 s21, s4  }
0x9e: {  	[timem:s8], [sflag:s22] =	dma.local [hbm:s6], s20  }
0x9f: {  	_ =	swait.ge [sflag:s22], s20  }
0xa0: {  	s5 =	ssub.s32 $0x0, s20;
	[sflag:s22] =	ssyncset.done $0x0  }
0xa1: {  	[sflag:s22] =	ssyncadd.s32 s5;
	_ =	sdelay $0x1  }
0xa2: {  	s23 =	simm.s32 $0x1B8B  }
0xa3: {  	_ =	swait.ge [sflag:s23], $0x1  }
0xa4: {  	[sflag:s23] =	ssyncset.done $0x0  }
0xa5: {  	s25 =	simm.s32 $0x1B8E;
	s24 =	sld [smem:$0x3FFE];
	[sflag:s23] =	ssyncadd.s32 $0xFFFFFFFF  }
0xa6: {  	s26 =	simm.s32 $execute0_lowered;
	[smem:$0x3FD2] =	sst s25  }
0xa7: {  	s6 =	sshll.u32 s26, $0x1;
	_ =	strace $0x80000046;
	[dreg:$0x1] =	wrdreg $0xFFFFFFFF  }
0xa8: {  	s28 =	simm.s32 $_size_execute0_lowered;
	s4 =	sadd.s32 s4, s6;
	[dreg:$0x0] =	wrdreg $0x0  }
0xa9: {  	s6 =	sshll.u32 s28, $0x1;
	[dreg:$0x2] =	wrdreg s4  }
0xaa: {  	[dreg:$0x3] =	wrdreg s6  }
0xab: {  	[dreg:$0x4] =	wrdreg $0xC0  }
0xac: {  	_ =	task [dreg:s8], $0x5FFFF  }
0xad: {  	[dreg:$0x1] =	wrdreg $0xFFFFFFFF  }
0xae: {  	[dreg:$0x0] =	wrdreg $0x60  }
0xaf: {  	[dreg:$0x2] =	wrdreg s2  }
0xb0: {  	[dreg:$0x3] =	wrdreg s24  }
0xb1: {  	[dreg:$0x4] =	wrdreg s18  }
0xb2: {  	[dreg:$0x5] =	wrdreg $0x9  }
0xb3: {  	_ =	task.clear_ibuf [dreg:s8], $0x6FFFF;
	_ =	strace $0x90000046  }
0xb4: {  	s29 =	simm.s32 $0x9;
	_ =	strace $0x80000048  }
0xb5: {  	_ =	swait.ge [sflag:s29], $0x1  }
0xb6: {  	[sflag:s29] =	ssyncadd.s32 $0xFFFFFFFF  }
0xb7: {  	_ =	strace $0x90000048  }
0xb8: {  	_ =	sfence  }
0xb9: {  	s30 =	sld [smem:$0x0];
	_ =	sdelay $0x2  }
0xba: {  	s31 =	sshll.u32 s1, $0xD;
	s1 =	sshrl.u32 s1, $0x2  }
0xbb: {  	s3 =	sand.u32 $0x4000, s31;
	s1 =	sadd.s32 s1, s30  }
0xbc: {  	s0 =	sor.u32 s3, s0;
	s1 =	sshll.u32 s1, $0x11  }
0xbd: {  	s0 =	sor.u32 s1, s0  }
0xbe: {  	s0 =	sadd.s32 $0x8F2B, s0  }
0xbf: {  	[sflag:s0] =	ssyncadd.remote.s32 $0x1  }
0xc0: {  	_ =	sfence.sel $0xFFFF  }
0xc1: {  	[dreg:$0x0] =	wrdreg $0xFFFFFFFF;
	(pc) =	sbr.abs _section_cstart, $3  }
0xc2: {  	[dreg:$0x1] =	wrdreg $0xFFFFFFFF  }
0xc3: {  	_ =	task.clear_ibuf [dreg:s8], $0x2FFFF;
	_ =	strace $0x9FFFFFFF  }
0xc4: {  	(tm) =	ssettm $0x7FFFFFFF  }
0xc5: {  	_ =	shalt  }
tec
execute0_lowered:
.L_overlay_start_1:
0x0: {  	(tag) =	ssettag $0x1  }
0x1: {  	s9 =	rddreg [dreg:$0x0]  }
0x2: {  	s3 =	rddreg [dreg:$0x1]  }
0x3: {  	s11 =	rddreg [dreg:$0x2]  }
0x4: {  	s2 =	srdreg.scid;
	s1 =	stileid.u32  }
0x5: {  	s0 =	rddreg [dreg:$0x3];
	s15 =	simm.s32 $0x640;
	s16 =	simm.s32 $0xCE40  }
0x6: {  	s17 =	simm.s32 $0x1;
	s18 =	simm.s32 $0x40;
	s19 =	simm.s32 $0x80  }
0x7: {  	s20 =	simm.s32 $0x3;
	s21 =	simm.s32 $0x2;
	s22 =	simm.s32 $0x4  }
0x8: {  	s4 =	sand.u32 $0x1, s2;
	s5 =	sshll.u32 s1, $0x1;
	s2 =	simm.s32 $0x0  }
0x9: {  	s3 =	sadd.s32 $0xF80400, s3;
	s6 =	ssub.s32 $0x2, s4;
	s4 =	sor.u32 s4, s5  }
0xa: {  	[smem:$0x7FF] =	sst s2;
	s25 =	sshrl.u32 s6, $0x1;
	s8 =	smul.u32 $0xC80, s4  }
0xb: {  	_ =	strace $0x80000047;
	s28 =	smul.u32 $0xC800, s4;
	s12 =	ssub.s32 s6, s25  }
0xc: {  	s26 =	sshrl.u32 s8, $0x3;
	s10 =	sadd.s32 $0x320, s8;
	s13 =	sadd.s32 $0x640, s8  }
0xd: {  	s6 =	sadd.s32 s11, s28;
	s14 =	sadd.s32 $0x960, s8;
	s12 =	smax.u32 s12, $0x1  }
0xe: {  	s4 =	sadd.s32 s9, s26;
	s29 =	sshrl.u32 s10, $0x3;
	s7 =	sshrl.u32 s13, $0x3  }
0xf: {  	s10 =	sshll.u32 s10, $0x4;
	s30 =	sshrl.u32 s14, $0x3;
	s13 =	sshll.u32 s13, $0x4  }
0x10: {  	s31 =	sshll.u32 s14, $0x4;
	s14 =	simm.s32 $0x320;
	s5 =	sadd.s32 s9, s29  }
0x11: {  	s7 =	sadd.s32 s9, s7;
	s8 =	sadd.s32 s11, s10;
	s9 =	sadd.s32 s9, s30  }
0x12: {  	s10 =	sadd.s32 s11, s13;
	s11 =	sadd.s32 s11, s31;
	s13 =	simm.s32 $0x5  }
.LBB2_1:
0x13: {  	[tilespmem:s2], [sflag:$0x5] =	stream.linear.gather [hbm4b:s4+s2], $0x320, $0x38;
	[tilespmem:$0x19640] =	vst v63  }
0x14: {  	_ =	swait.ge [sflag:s13], $0x320  }
0x15: {  	[sflag:s13] =	ssyncset.done $0x0  }
0x16: {  	[sflag:s13] =	ssyncadd.s32 $0xFFFFFCE0  }
0x17: {  	v0 =	vld [tilespmem:$0x0]  }
0x18: {  	v1 =	vld [tilespmem:$0x10]  }
0x19: {  	v2 =	vld [tilespmem:$0x20]  }
0x1a: {  	v5 =	vld [tilespmem:$0x30]  }
0x1b: {  	v6 =	vld [tilespmem:$0x40]  }
0x1c: {  	v8 =	vld [tilespmem:$0x50]  }
0x1d: {  	v20 =	vld [tilespmem:$0x60]  }
0x1e: {  	v9 =	vld [tilespmem:$0x70]  }
0x1f: {  	v24 =	vld [tilespmem:$0x80];
	v3 =	vshll.u32 v0, $0x1  }
0x20: {  	v11 =	vld [tilespmem:$0x90];
	v4 =	vand.u32 $0xFFFF8000, v0;
	v0 =	vshrl.u32 v0, $0xE;
	v12 =	vshll.u32 v1, $0x1  }
0x21: {  	v31 =	vld [tilespmem:$0xB0];
	v13 =	vand.u32 $0xFFFF8000, v1;
	v1 =	vshrl.u32 v1, $0xE;
	v14 =	vshll.u32 v2, $0x1  }
0x22: {  	v39 =	vld [tilespmem:$0xE0];
	v7 =	vand.u32 $0xFFFF8000, v2;
	v2 =	vshrl.u32 v2, $0xE;
	v16 =	vshll.u32 v5, $0x1  }
0x23: {  	v47 =	vld [tilespmem:$0x110];
	v17 =	vand.u32 $0xFFFF8000, v5;
	v5 =	vshrl.u32 v5, $0xE;
	v19 =	vshll.u32 v6, $0x1  }
0x24: {  	v55 =	vld [tilespmem:$0x140];
	v21 =	vand.u32 $0xFFFF8000, v6;
	v22 =	vshrl.u32 v6, $0xE;
	v23 =	vshll.u32 v8, $0x1  }
0x25: {  	v10 =	vand.u32 $0xFFFF8000, v8;
	v8 =	vshrl.u32 v8, $0xE;
	v25 =	vshll.u32 v20, $0x1  }
0x26: {  	v26 =	vand.u32 $0xFFFF8000, v20;
	v27 =	vshll.u32 v9, $0x1;
	v28 =	vand.u32 $0xFFFF8000, v9  }
0x27: {  	v29 =	vshrl.u32 v9, $0xE;
	v30 =	vshll.u32 v24, $0x1;
	v32 =	vshll.u32 v11, $0x1  }
0x28: {  	v33 =	vand.u32 $0xFFFF8000, v11;
	v11 =	vshrl.u32 v11, $0xE;
	v38 =	vshll.u32 v31, $0x1  }
0x29: {  	v46 =	vshll.u32 v39, $0x1;
	v54 =	vshll.u32 v47, $0x1;
	v62 =	vshll.u32 v55, $0x1  }
0x2a: {  	v3 =	vand.u32 $0x7FFE, v3;
	v0 =	vand.u32 $0x1, v0;
	v1 =	vand.u32 $0x1, v1  }
0x2b: {  	v15 =	vand.u32 $0x1, v2;
	v18 =	vand.u32 $0x1, v5;
	v5 =	vand.u32 $0x7FFE, v19  }
0x2c: {  	v6 =	vand.u32 $0x7FFE, v23;
	v8 =	vand.u32 $0x1, v8;
	v9 =	vand.u32 $0x7FFE, v30  }
0x2d: {  	v34 =	vand.u32 $0x1, v11;
	v19 =	vand.u32 $0xFFFF8000, v39;
	v3 =	vor.u32 v4, v3  }
0x2e: {  	v4 =	vand.u32 $0x7FFE, v12;
	v6 =	vor.u32 v10, v6;
	v10 =	vshrl.u32 v24, $0xE  }
0x2f: {  	v0 =	vor.u32 v0, v3;
	v3 =	vor.u32 v13, v4;
	v4 =	vand.u32 $0x7FFE, v14  }
0x30: {  	v13 =	vand.u32 $0xFFFF8000, v24;
	v10 =	vand.u32 $0x1, v10;
	v4 =	vor.u32 v7, v4  }
0x31: {  	v2 =	vor.u32 v1, v3;
	v3 =	vand.u32 $0x7FFE, v16;
	v7 =	vshrl.u32 v20, $0xE  }
0x32: {  	v23 =	vld [tilespmem:$0x150];
	v9 =	vor.u32 v13, v9;
	v16 =	vand.u32 $0xFFFF8000, v31;
	v13 =	vshrl.u32 v31, $0xE  }
0x33: {  	v12 =	vld [tilespmem:$0xA0];
	v1 =	vor.u32 v15, v4;
	v3 =	vor.u32 v17, v3;
	v4 =	vor.u32 v21, v5  }
0x34: {  	v5 =	vand.u32 $0x1, v22;
	v7 =	vand.u32 $0x1, v7;
	v13 =	vand.u32 $0x1, v13  }
0x35: {  	v63 =	vld [tilespmem:$0x170];
	v22 =	vand.u32 $0xFFFF8000, v47;
	v3 =	vor.u32 v18, v3;
	v5 =	vor.u32 v5, v4  }
0x36: {  	v14 =	vld [tilespmem:$0xC0];
	v4 =	vor.u32 v8, v6;
	v6 =	vand.u32 $0x7FFE, v25;
	v8 =	vand.u32 $0x7FFE, v27  }
0x37: {  	v24 =	vld [tilespmem:$0x160];
	v25 =	vand.u32 $0xFFFF8000, v55;
	v31 =	vshll.u32 v23, $0x1;
	v6 =	vor.u32 v26, v6  }
0x38: {  	v35 =	vshll.u32 v12, $0x1;
	v36 =	vand.u32 $0xFFFF8000, v12;
	v37 =	vshrl.u32 v12, $0xE  }
0x39: {  	v12 =	vand.u32 $0x7FFE, v38;
	v6 =	vor.u32 v7, v6;
	v7 =	vor.u32 v28, v8  }
0x3a: {  	v20 =	vld [tilespmem:$0x120];
	v8 =	vand.u32 $0x1, v29;
	v11 =	vand.u32 $0x7FFE, v35;
	v12 =	vor.u32 v16, v12  }
0x3b: {  	v40 =	vshll.u32 v14, $0x1;
	v41 =	vand.u32 $0xFFFF8000, v14;
	v14 =	vshrl.u32 v14, $0xE  }
0x3c: {  	v16 =	vshrl.u32 v39, $0xE;
	v35 =	vand.u32 $0xFFFF8000, v24;
	v28 =	vand.u32 $0xFFFF8000, v63  }
0x3d: {  	v8 =	vor.u32 v8, v7;
	v7 =	vor.u32 v10, v9;
	v9 =	vand.u32 $0x7FFE, v32  }
0x3e: {  	v15 =	vld [tilespmem:$0xD0];
	v10 =	vor.u32 v36, v11;
	v11 =	vand.u32 $0x1, v37;
	v42 =	vand.u32 $0x1, v14  }
0x3f: {  	v17 =	vld [tilespmem:$0xF0];
	v16 =	vand.u32 $0x1, v16;
	v56 =	vshll.u32 v20, $0x1;
	v57 =	vand.u32 $0xFFFF8000, v20  }
0x40: {  	v21 =	vld [tilespmem:$0x130];
	v20 =	vshrl.u32 v20, $0xE;
	v32 =	vand.u32 $0xFFFF8000, v23;
	v23 =	vshrl.u32 v23, $0xE  }
0x41: {  	v36 =	vshrl.u32 v24, $0xE;
	v37 =	vshll.u32 v63, $0x1;
	v9 =	vor.u32 v33, v9  }
0x42: {  	v11 =	vor.u32 v11, v10;
	v10 =	vor.u32 v13, v12;
	v12 =	vand.u32 $0x7FFE, v40  }
0x43: {  	v43 =	vshll.u32 v15, $0x1;
	v44 =	vand.u32 $0xFFFF8000, v15;
	v45 =	vshrl.u32 v15, $0xE  }
0x44: {  	v18 =	vld [tilespmem:$0x100];
	v15 =	vand.u32 $0x7FFE, v46;
	v48 =	vshll.u32 v17, $0x1;
	v49 =	vand.u32 $0xFFFF8000, v17  }
0x45: {  	v17 =	vshrl.u32 v17, $0xE;
	v58 =	vand.u32 $0x1, v20;
	v59 =	vshll.u32 v21, $0x1  }
0x46: {  	v60 =	vand.u32 $0xFFFF8000, v21;
	v61 =	vshrl.u32 v21, $0xE;
	v21 =	vand.u32 $0x7FFE, v62  }
0x47: {  	v27 =	vld [tilespmem:$0x190];
	v33 =	vand.u32 $0x1, v23;
	v9 =	vor.u32 v34, v9;
	v12 =	vor.u32 v41, v12  }
0x48: {  	v14 =	vand.u32 $0x7FFE, v43;
	v15 =	vor.u32 v19, v15;
	v50 =	vand.u32 $0x1, v17  }
0x49: {  	v51 =	vshll.u32 v18, $0x1;
	v52 =	vand.u32 $0xFFFF8000, v18;
	v53 =	vshrl.u32 v18, $0xE  }
0x4a: {  	v18 =	vand.u32 $0x7FFE, v54;
	v19 =	vshrl.u32 v47, $0xE;
	v20 =	vand.u32 $0x7FFE, v59  }
0x4b: {  	v26 =	vld [tilespmem:$0x180];
	v21 =	vor.u32 v25, v21;
	v34 =	vshll.u32 v24, $0x1;
	v24 =	vand.u32 $0x7FFE, v37  }
0x4c: {  	v38 =	vld [tilespmem:$0x1A0];
	v25 =	vshrl.u32 v63, $0xE;
	v43 =	vand.u32 $0xFFFF8000, v27;
	v12 =	vor.u32 v42, v12  }
0x4d: {  	v30 =	vld [tilespmem:$0x1C0];
	v13 =	vor.u32 v44, v14;
	v14 =	vand.u32 $0x1, v45;
	v17 =	vand.u32 $0x7FFE, v51  }
0x4e: {  	v18 =	vor.u32 v22, v18;
	v19 =	vand.u32 $0x1, v19;
	v22 =	vshrl.u32 v55, $0xE  }
0x4f: {  	v23 =	vand.u32 $0x7FFE, v34;
	v24 =	vor.u32 v28, v24;
	v25 =	vand.u32 $0x1, v25  }
0x50: {  	v39 =	vshll.u32 v26, $0x1;
	v40 =	vand.u32 $0xFFFF8000, v26;
	v26 =	vshrl.u32 v26, $0xE  }
0x51: {  	v29 =	vld [tilespmem:$0x1B0];
	v42 =	vshll.u32 v27, $0x1;
	v44 =	vshrl.u32 v27, $0xE;
	v45 =	vshll.u32 v38, $0x1  }
0x52: {  	v28 =	vshrl.u32 v38, $0xE;
	v51 =	vand.u32 $0xFFFF8000, v30;
	v14 =	vor.u32 v14, v13  }
0x53: {  	v13 =	vor.u32 v16, v15;
	v15 =	vand.u32 $0x7FFE, v48;
	v16 =	vor.u32 v52, v17  }
0x54: {  	v17 =	vand.u32 $0x1, v53;
	v22 =	vand.u32 $0x1, v22;
	v41 =	vand.u32 $0x1, v26  }
0x55: {  	v26 =	vand.u32 $0x7FFE, v42;
	v27 =	vand.u32 $0x7FFE, v45;
	v28 =	vand.u32 $0x1, v28  }
0x56: {  	v47 =	vshll.u32 v29, $0x1;
	v48 =	vand.u32 $0xFFFF8000, v29;
	v29 =	vshrl.u32 v29, $0xE  }
0x57: {  	v52 =	vshrl.u32 v30, $0xE;
	v15 =	vor.u32 v49, v15;
	v17 =	vor.u32 v17, v16  }
0x58: {  	v46 =	vld [tilespmem:$0x1D0];
	v16 =	vor.u32 v19, v18;
	v18 =	vand.u32 $0x7FFE, v56;
	v19 =	vor.u32 v60, v20  }
0x59: {  	v20 =	vand.u32 $0x1, v61;
	v49 =	vand.u32 $0x1, v29;
	v54 =	vand.u32 $0x1, v52  }
0x5a: {  	v15 =	vor.u32 v50, v15;
	v18 =	vor.u32 v57, v18;
	v20 =	vor.u32 v20, v19  }
0x5b: {  	v19 =	vor.u32 v22, v21;
	v21 =	vand.u32 $0x7FFE, v31;
	v22 =	vor.u32 v35, v23  }
0x5c: {  	v63 =	vld [tilespmem:$0x210];
	v23 =	vand.u32 $0x1, v36;
	v31 =	vand.u32 $0xFFFF8000, v38;
	v50 =	vshll.u32 v30, $0x1  }
0x5d: {  	v53 =	vshll.u32 v46, $0x1;
	v34 =	vand.u32 $0xFFFF8000, v46;
	v18 =	vor.u32 v58, v18  }
0x5e: {  	v21 =	vor.u32 v32, v21;
	v23 =	vor.u32 v23, v22;
	v22 =	vor.u32 v25, v24  }
0x5f: {  	v24 =	vand.u32 $0x7FFE, v39;
	v25 =	vor.u32 v43, v26;
	v26 =	vand.u32 $0x1, v44  }
0x60: {  	v27 =	vor.u32 v31, v27;
	v29 =	vand.u32 $0x7FFE, v50;
	v30 =	vand.u32 $0x7FFE, v53  }
0x61: {  	v52 =	vld [tilespmem:$0x260];
	v31 =	vshrl.u32 v46, $0xE;
	v42 =	vand.u32 $0xFFFF8000, v63;
	v43 =	vshrl.u32 v63, $0xE  }
0x62: {  	v57 =	vld [tilespmem:$0x200];
	v21 =	vor.u32 v33, v21;
	v24 =	vor.u32 v40, v24;
	v26 =	vor.u32 v26, v25  }
0x63: {  	v36 =	vld [tilespmem:$0x220];
	v25 =	vor.u32 v28, v27;
	v27 =	vand.u32 $0x7FFE, v47;
	v28 =	vor.u32 v51, v29  }
0x64: {  	[tilespmem:$0x110] =	vst v16;
	v16 =	vld [tilespmem:$0x310];
	v55 =	vor.u32 v34, v30;
	v56 =	vand.u32 $0x1, v31;
	v44 =	vand.u32 $0x1, v43  }
0x65: {  	[tilespmem:$0x0] =	vst v0;
	v32 =	vld [tilespmem:$0x1E0];
	v24 =	vor.u32 v41, v24;
	v27 =	vor.u32 v48, v27;
	v0 =	vor.u32 v54, v28  }
0x66: {  	[tilespmem:$0x10] =	vst v2;
	v2 =	vor.u32 v56, v55;
	v41 =	vshll.u32 v63, $0x1;
	v27 =	vor.u32 v49, v27  }
0x67: {  	[tilespmem:$0xC0] =	vst v12;
	v46 =	vld [tilespmem:$0x240];
	v12 =	vshrl.u32 v52, $0xE;
	v35 =	vshll.u32 v57, $0x1;
	v37 =	vand.u32 $0xFFFF8000, v57  }
0x68: {  	v50 =	vld [tilespmem:$0x250];
	[tilespmem:$0x190] =	vst v26;
	v38 =	vshrl.u32 v57, $0xE;
	v45 =	vshll.u32 v36, $0x1;
	v47 =	vand.u32 $0xFFFF8000, v36  }
0x69: {  	[tilespmem:$0x1A0] =	vst v25;
	v48 =	vshrl.u32 v36, $0xE;
	v12 =	vand.u32 $0x1, v12;
	v25 =	vshll.u32 v16, $0x1  }
0x6a: {  	v33 =	vld [tilespmem:$0x1F0];
	[tilespmem:$0x1B0] =	vst v27;
	v26 =	vand.u32 $0xFFFF8000, v16;
	v27 =	vshrl.u32 v16, $0xE;
	v58 =	vshll.u32 v32, $0x1  }
0x6b: {  	[tilespmem:$0x40] =	vst v5;
	v40 =	vld [tilespmem:$0x230];
	v59 =	vand.u32 $0xFFFF8000, v32;
	v60 =	vshrl.u32 v32, $0xE;
	v5 =	vand.u32 $0x7FFE, v35  }
0x6c: {  	[tilespmem:$0x80] =	vst v7;
	v39 =	vand.u32 $0x1, v38;
	v7 =	vand.u32 $0x7FFE, v45;
	v53 =	vshll.u32 v46, $0x1  }
0x6d: {  	[tilespmem:$0x90] =	vst v9;
	v54 =	vand.u32 $0xFFFF8000, v46;
	v9 =	vshrl.u32 v46, $0xE;
	v55 =	vshll.u32 v50, $0x1  }
0x6e: {  	[tilespmem:$0x20] =	vst v1;
	v57 =	vand.u32 $0xFFFF8000, v50;
	v28 =	vand.u32 $0x7FFE, v58;
	v61 =	vand.u32 $0x1, v60  }
0x6f: {  	[tilespmem:$0x50] =	vst v4;
	v62 =	vshll.u32 v33, $0x1;
	v30 =	vand.u32 $0xFFFF8000, v33;
	v34 =	vshrl.u32 v33, $0xE  }
0x70: {  	[tilespmem:$0x60] =	vst v6;
	v56 =	vld [tilespmem:$0x270];
	v5 =	vor.u32 v37, v5;
	v6 =	vor.u32 v47, v7;
	v49 =	vshll.u32 v40, $0x1  }
0x71: {  	[tilespmem:$0x70] =	vst v8;
	v51 =	vand.u32 $0xFFFF8000, v40;
	v8 =	vshrl.u32 v40, $0xE;
	v7 =	vand.u32 $0x1, v48  }
0x72: {  	[tilespmem:$0xB0] =	vst v10;
	v9 =	vand.u32 $0x1, v9;
	v58 =	vshrl.u32 v50, $0xE;
	v1 =	vor.u32 v59, v28  }
0x73: {  	[tilespmem:$0xE0] =	vst v13;
	v32 =	vand.u32 $0x7FFE, v62;
	v4 =	vand.u32 $0x1, v34;
	v10 =	vand.u32 $0x7FFE, v49  }
0x74: {  	[tilespmem:$0x160] =	vst v23;
	v8 =	vand.u32 $0x1, v8;
	v6 =	vor.u32 v7, v6;
	v59 =	vshll.u32 v52, $0x1  }
0x75: {  	[tilespmem:$0x150] =	vst v21;
	v21 =	vshll.u32 v56, $0x1;
	v23 =	vand.u32 $0xFFFF8000, v56;
	v13 =	vshrl.u32 v56, $0xE  }
0x76: {  	[tilespmem:$0x30] =	vst v3;
	v46 =	vld [tilespmem:$0x2D0];
	v1 =	vor.u32 v61, v1;
	v3 =	vor.u32 v30, v32;
	v10 =	vor.u32 v51, v10  }
0x77: {  	[tilespmem:$0xA0] =	vst v11;
	v61 =	vand.u32 $0xFFFF8000, v52;
	v11 =	vand.u32 $0x7FFE, v59;
	v28 =	vand.u32 $0x1, v13  }
0x78: {  	[tilespmem:$0xD0] =	vst v14;
	v60 =	vld [tilespmem:$0x280];
	v3 =	vor.u32 v4, v3;
	v4 =	vor.u32 v39, v5;
	v5 =	vand.u32 $0x7FFE, v41  }
0x79: {  	[tilespmem:$0x100] =	vst v17;
	v7 =	vor.u32 v8, v10;
	v8 =	vand.u32 $0x7FFE, v53;
	v10 =	vand.u32 $0x7FFE, v55  }
0x7a: {  	[tilespmem:$0xF0] =	vst v15;
	v11 =	vor.u32 v61, v11;
	v5 =	vor.u32 v42, v5;
	v8 =	vor.u32 v54, v8  }
0x7b: {  	[tilespmem:$0x130] =	vst v20;
	v62 =	vld [tilespmem:$0x290];
	v63 =	vor.u32 v12, v11;
	v11 =	vand.u32 $0x7FFE, v21;
	v59 =	vshrl.u32 v46, $0xE  }
0x7c: {  	[tilespmem:$0x140] =	vst v19;
	v5 =	vor.u32 v44, v5;
	v8 =	vor.u32 v9, v8;
	v9 =	vor.u32 v57, v10  }
0x7d: {  	[tilespmem:$0x120] =	vst v18;
	v34 =	vld [tilespmem:$0x2B0];
	v10 =	vand.u32 $0x1, v58;
	v11 =	vor.u32 v23, v11;
	v29 =	vshll.u32 v60, $0x1  }
0x7e: {  	[tilespmem:$0x170] =	vst v22;
	v31 =	vand.u32 $0xFFFF8000, v60;
	v32 =	vshrl.u32 v60, $0xE;
	v57 =	vshll.u32 v46, $0x1  }
0x7f: {  	[tilespmem:$0x180] =	vst v24;
	v30 =	vld [tilespmem:$0x2A0];
	v58 =	vand.u32 $0xFFFF8000, v46;
	v60 =	vand.u32 $0x1, v59;
	v9 =	vor.u32 v10, v9  }
0x80: {  	[tilespmem:$0x1C0] =	vst v0;
	v11 =	vor.u32 v28, v11;
	v13 =	vand.u32 $0x7FFE, v29;
	v33 =	vshll.u32 v62, $0x1  }
0x81: {  	[tilespmem:$0x1D0] =	vst v2;
	v51 =	vld [tilespmem:$0x2E0];
	v35 =	vand.u32 $0xFFFF8000, v62;
	v15 =	vshrl.u32 v62, $0xE;
	v36 =	vand.u32 $0x1, v32  }
0x82: {  	[tilespmem:$0x220] =	vst v6;
	v45 =	vshll.u32 v34, $0x1;
	v47 =	vand.u32 $0xFFFF8000, v34;
	v49 =	vshrl.u32 v34, $0xE  }
0x83: {  	v39 =	vld [tilespmem:$0x2C0];
	[tilespmem:$0x1E0] =	vst v1;
	v29 =	vand.u32 $0x1, v27;
	v12 =	vor.u32 v31, v13;
	v14 =	vand.u32 $0x7FFE, v33  }
0x84: {  	[tilespmem:$0x1F0] =	vst v3;
	v38 =	vand.u32 $0x1, v15;
	v41 =	vshll.u32 v30, $0x1;
	v42 =	vand.u32 $0xFFFF8000, v30  }
0x85: {  	v55 =	vld [tilespmem:$0x2F0];
	[tilespmem:$0x200] =	vst v4;
	v43 =	vshrl.u32 v30, $0xE;
	v48 =	vand.u32 $0x7FFE, v45;
	v4 =	vand.u32 $0x1, v49  }
0x86: {  	[tilespmem:$0x260] =	vst v63;
	v61 =	vshll.u32 v51, $0x1;
	v63 =	vand.u32 $0xFFFF8000, v51;
	v37 =	vor.u32 v35, v14  }
0x87: {  	[tilespmem:$0x230] =	vst v7;
	v0 =	vor.u32 v36, v12;
	v12 =	vand.u32 $0x7FFE, v41;
	v44 =	vand.u32 $0x1, v43  }
0x88: {  	[tilespmem:$0x210] =	vst v5;
	v3 =	vor.u32 v47, v48;
	v50 =	vshll.u32 v39, $0x1;
	v52 =	vand.u32 $0xFFFF8000, v39  }
0x89: {  	[tilespmem:$0x240] =	vst v8;
	v53 =	vshrl.u32 v39, $0xE;
	v8 =	vand.u32 $0x7FFE, v61;
	v14 =	vshrl.u32 v51, $0xE  }
0x8a: {  	[tilespmem:$0x250] =	vst v9;
	v15 =	vshll.u32 v55, $0x1;
	v17 =	vand.u32 $0xFFFF8000, v55;
	v7 =	vshrl.u32 v55, $0xE  }
0x8b: {  	v62 =	vld [tilespmem:$0x300];
	[tilespmem:$0x270] =	vst v11;
	v40 =	vor.u32 v38, v37;
	v1 =	vor.u32 v42, v12;
	v5 =	vand.u32 $0x7FFE, v50  }
0x8c: {  	v54 =	vand.u32 $0x1, v53;
	v3 =	vor.u32 v4, v3;
	[tilespmem:$0x280] =	vst v0;
	v13 =	vor.u32 v63, v8  }
0x8d: {  	v8 =	vand.u32 $0x7FFE, v15;
	v18 =	vand.u32 $0x1, v14;
	v19 =	vand.u32 $0x1, v7;
	[tilespmem:$0x290] =	vst v40  }
0x8e: {  	v4 =	vand.u32 $0x7FFE, v25;
	v1 =	vor.u32 v44, v1;
	v5 =	vor.u32 v52, v5;
	[tilespmem:$0x2B0] =	vst v3  }
0x8f: {  	v2 =	vor.u32 v17, v8;
	v0 =	vor.u32 v18, v13;
	v56 =	vor.u32 v54, v5;
	[tilespmem:$0x2A0] =	vst v1  }
0x90: {  	v5 =	vand.u32 $0x7FFE, v57;
	v20 =	vor.u32 v19, v2;
	v21 =	vshll.u32 v62, $0x1;
	[tilespmem:$0x2E0] =	vst v0  }
0x91: {  	v22 =	vand.u32 $0xFFFF8000, v62;
	v23 =	vshrl.u32 v62, $0xE;
	v0 =	vor.u32 v26, v4;
	[tilespmem:$0x2C0] =	vst v56  }
0x92: {  	v5 =	vor.u32 v58, v5;
	v2 =	vand.u32 $0x7FFE, v21;
	[tilespmem:$0x2F0] =	vst v20;
	v0 =	vor.u32 v29, v0  }
0x93: {  	v24 =	vand.u32 $0x1, v23;
	v5 =	vor.u32 v60, v5;
	v2 =	vor.u32 v22, v2;
	[tilespmem:$0x310] =	vst v0  }
0x94: {  	[tilespmem:$0x2D0] =	vst v5;
	v28 =	vor.u32 v24, v2  }
0x95: {  	[tilespmem:$0x300] =	vst v28  }
0x96: {  	[tilespmem:s15], [sflag:$0x1] =	stream.indirect.gather [hbm4b:s3+s14], $0x40, s2, s14, $0xb8;
	[tilespmem:$0x19640] =	vst v63  }
0x97: {  	_ = 	snop  }
0x98: {  	[tilespmem:s14], [sflag:$0x5] =	stream.linear.gather [hbm4b:s5+s2], $0x320, $0x38;
	[tilespmem:$0x19640] =	vst v63  }
0x99: {  	_ =	swait.ge [sflag:s13], $0x320  }
0x9a: {  	[sflag:s13] =	ssyncset.done $0x0  }
0x9b: {  	[sflag:s13] =	ssyncadd.s32 $0xFFFFFCE0  }
0x9c: {  	v30 =	vld [tilespmem:$0x320]  }
0x9d: {  	v31 =	vld [tilespmem:$0x330]  }
0x9e: {  	v32 =	vld [tilespmem:$0x340]  }
0x9f: {  	v36 =	vld [tilespmem:$0x350]  }
0xa0: {  	v39 =	vld [tilespmem:$0x360]  }
0xa1: {  	v42 =	vld [tilespmem:$0x370];
	v33 =	vshll.u32 v30, $0x1  }
0xa2: {  	v47 =	vld [tilespmem:$0x380];
	v34 =	vand.u32 $0xFFFF8000, v30;
	v0 =	vshrl.u32 v30, $0xE;
	v35 =	vshll.u32 v31, $0x1  }
0xa3: {  	v51 =	vld [tilespmem:$0x390];
	v37 =	vand.u32 $0xFFFF8000, v31;
	v1 =	vshrl.u32 v31, $0xE;
	v38 =	vshll.u32 v32, $0x1  }
0xa4: {  	v53 =	vld [tilespmem:$0x3A0];
	v40 =	vand.u32 $0xFFFF8000, v32;
	v2 =	vshrl.u32 v32, $0xE;
	v43 =	vshll.u32 v36, $0x1  }
0xa5: {  	v57 =	vld [tilespmem:$0x3B0];
	v44 =	vand.u32 $0xFFFF8000, v36;
	v5 =	vshrl.u32 v36, $0xE;
	v46 =	vshll.u32 v39, $0x1  }
0xa6: {  	v61 =	vld [tilespmem:$0x3C0];
	v48 =	vand.u32 $0xFFFF8000, v39;
	v49 =	vshrl.u32 v39, $0xE;
	v50 =	vshll.u32 v42, $0x1  }
0xa7: {  	v63 =	vld [tilespmem:$0x3D0];
	v52 =	vand.u32 $0xFFFF8000, v42;
	v8 =	vshrl.u32 v42, $0xE;
	v54 =	vshll.u32 v47, $0x1  }
0xa8: {  	v24 =	vld [tilespmem:$0x3E0];
	v55 =	vand.u32 $0xFFFF8000, v47;
	v7 =	vshrl.u32 v47, $0xE;
	v56 =	vshll.u32 v51, $0x1  }
0xa9: {  	v28 =	vld [tilespmem:$0x3F0];
	v58 =	vand.u32 $0xFFFF8000, v51;
	v59 =	vshrl.u32 v51, $0xE;
	v60 =	vshll.u32 v53, $0x1  }
0xaa: {  	v62 =	vand.u32 $0xFFFF8000, v53;
	v10 =	vshrl.u32 v53, $0xE;
	v20 =	vshll.u32 v57, $0x1  }
0xab: {  	v21 =	vand.u32 $0xFFFF8000, v57;
	v11 =	vshrl.u32 v57, $0xE;
	v23 =	vshll.u32 v61, $0x1  }
0xac: {  	v25 =	vand.u32 $0xFFFF8000, v61;
	v26 =	vshrl.u32 v61, $0xE;
	v27 =	vshll.u32 v63, $0x1  }
0xad: {  	v29 =	vand.u32 $0xFFFF8000, v63;
	v13 =	vshrl.u32 v63, $0xE;
	v31 =	vshll.u32 v24, $0x1  }
0xae: {  	v32 =	vand.u32 $0xFFFF8000, v24;
	v14 =	vshrl.u32 v24, $0xE;
	v36 =	vand.u32 $0xFFFF8000, v28  }
0xaf: {  	v3 =	vand.u32 $0x7FFE, v33;
	v0 =	vand.u32 $0x1, v0;
	v4 =	vand.u32 $0x7FFE, v35  }
0xb0: {  	v1 =	vand.u32 $0x1, v1;
	v41 =	vand.u32 $0x1, v2;
	v45 =	vand.u32 $0x1, v5  }
0xb1: {  	v5 =	vand.u32 $0x7FFE, v46;
	v6 =	vand.u32 $0x7FFE, v50;
	v8 =	vand.u32 $0x1, v8  }
0xb2: {  	v7 =	vand.u32 $0x1, v7;
	v9 =	vand.u32 $0x7FFE, v60;
	v10 =	vand.u32 $0x1, v10  }
0xb3: {  	v22 =	vand.u32 $0x1, v11;
	v11 =	vand.u32 $0x7FFE, v23;
	v12 =	vand.u32 $0x7FFE, v27  }
0xb4: {  	v13 =	vand.u32 $0x1, v13;
	v33 =	vand.u32 $0x1, v14;
	v3 =	vor.u32 v34, v3  }
0xb5: {  	v30 =	vld [tilespmem:$0x400];
	v6 =	vor.u32 v52, v6;
	v9 =	vor.u32 v62, v9;
	v12 =	vor.u32 v29, v12  }
0xb6: {  	v39 =	vld [tilespmem:$0x420];
	v34 =	vshll.u32 v28, $0x1;
	v0 =	vor.u32 v0, v3;
	v3 =	vor.u32 v37, v4  }
0xb7: {  	v57 =	vld [tilespmem:$0x470];
	v4 =	vand.u32 $0x7FFE, v38;
	v14 =	vand.u32 $0x7FFE, v34;
	v37 =	vshrl.u32 v28, $0xE  }
0xb8: {  	v4 =	vor.u32 v40, v4;
	v2 =	vor.u32 v1, v3;
	v3 =	vand.u32 $0x7FFE, v43  }
0xb9: {  	v35 =	vld [tilespmem:$0x410];
	v1 =	vor.u32 v41, v4;
	v3 =	vor.u32 v44, v3;
	v4 =	vor.u32 v48, v5  }
0xba: {  	v46 =	vld [tilespmem:$0x440];
	v5 =	vand.u32 $0x1, v49;
	v38 =	vshll.u32 v30, $0x1;
	v40 =	vand.u32 $0xFFFF8000, v30  }
0xbb: {  	v50 =	vld [tilespmem:$0x450];
	v16 =	vshrl.u32 v30, $0xE;
	v47 =	vand.u32 $0xFFFF8000, v39;
	v48 =	vshrl.u32 v39, $0xE  }
0xbc: {  	v61 =	vld [tilespmem:$0x480];
	v23 =	vshrl.u32 v57, $0xE;
	v3 =	vor.u32 v45, v3;
	v5 =	vor.u32 v5, v4  }
0xbd: {  	v63 =	vld [tilespmem:$0x490];
	v4 =	vor.u32 v8, v6;
	v6 =	vand.u32 $0x7FFE, v54;
	v8 =	vand.u32 $0x7FFE, v56  }
0xbe: {  	v52 =	vld [tilespmem:$0x460];
	v15 =	vand.u32 $0x7FFE, v38;
	v16 =	vand.u32 $0x1, v16;
	v42 =	vshll.u32 v35, $0x1  }
0xbf: {  	v43 =	vand.u32 $0xFFFF8000, v35;
	v17 =	vshrl.u32 v35, $0xE;
	v45 =	vshll.u32 v39, $0x1  }
0xc0: {  	v53 =	vshll.u32 v46, $0x1;
	v54 =	vand.u32 $0xFFFF8000, v46;
	v56 =	vshll.u32 v50, $0x1  }
0xc1: {  	v34 =	vand.u32 $0x1, v23;
	v35 =	vshll.u32 v61, $0x1;
	v38 =	vshrl.u32 v61, $0xE  }
0xc2: {  	v39 =	vshll.u32 v63, $0x1;
	v6 =	vor.u32 v55, v6;
	v15 =	vor.u32 v40, v15  }
0xc3: {  	v44 =	vand.u32 $0x1, v17;
	v17 =	vand.u32 $0x7FFE, v45;
	v60 =	vshll.u32 v52, $0x1  }
0xc4: {  	v62 =	vand.u32 $0xFFFF8000, v52;
	v23 =	vand.u32 $0x7FFE, v35;
	v24 =	vand.u32 $0x7FFE, v39  }
0xc5: {  	v6 =	vor.u32 v7, v6;
	v7 =	vor.u32 v58, v8;
	v8 =	vand.u32 $0x1, v59  }
0xc6: {  	v41 =	vld [tilespmem:$0x430];
	v58 =	vand.u32 $0xFFFF8000, v50;
	v59 =	vshrl.u32 v50, $0xE;
	v8 =	vor.u32 v8, v7  }
0xc7: {  	v7 =	vor.u32 v10, v9;
	v9 =	vand.u32 $0x7FFE, v20;
	v10 =	vor.u32 v25, v11  }
0xc8: {  	v11 =	vand.u32 $0x1, v26;
	v20 =	vshrl.u32 v46, $0xE;
	v25 =	vshrl.u32 v63, $0xE  }
0xc9: {  	v9 =	vor.u32 v21, v9;
	v11 =	vor.u32 v11, v10;
	v10 =	vor.u32 v13, v12  }
0xca: {  	v12 =	vand.u32 $0x7FFE, v31;
	v13 =	vor.u32 v36, v14;
	v14 =	vand.u32 $0x1, v37  }
0xcb: {  	v49 =	vshll.u32 v41, $0x1;
	v51 =	vand.u32 $0xFFFF8000, v41;
	v19 =	vshrl.u32 v41, $0xE  }
0xcc: {  	v55 =	vand.u32 $0x1, v20;
	v20 =	vand.u32 $0x7FFE, v56;
	v21 =	vand.u32 $0x7FFE, v60  }
0xcd: {  	v37 =	vand.u32 $0xFFFF8000, v61;
	v41 =	vand.u32 $0xFFFF8000, v63;
	v25 =	vand.u32 $0x1, v25  }
0xce: {  	v9 =	vor.u32 v22, v9;
	v12 =	vor.u32 v32, v12;
	v14 =	vor.u32 v14, v13  }
0xcf: {  	v40 =	vld [tilespmem:$0x4B0];
	v13 =	vor.u32 v16, v15;
	v15 =	vand.u32 $0x7FFE, v42;
	v16 =	vor.u32 v47, v17  }
0xd0: {  	v35 =	vld [tilespmem:$0x590];
	v18 =	vand.u32 $0x7FFE, v49;
	v17 =	vand.u32 $0x1, v48;
	v19 =	vand.u32 $0x1, v19  }
0xd1: {  	v22 =	vshrl.u32 v52, $0xE;
	v21 =	vor.u32 v62, v21;
	v32 =	vshll.u32 v57, $0x1  }
0xd2: {  	v24 =	vor.u32 v41, v24;
	v12 =	vor.u32 v33, v12;
	v15 =	vor.u32 v43, v15  }
0xd3: {  	v18 =	vor.u32 v51, v18;
	v17 =	vor.u32 v17, v16;
	v22 =	vand.u32 $0x1, v22  }
0xd4: {  	v33 =	vand.u32 $0xFFFF8000, v57;
	v46 =	vshll.u32 v40, $0x1;
	v48 =	vand.u32 $0xFFFF8000, v40  }
0xd5: {  	v36 =	vld [tilespmem:$0x4A0];
	v49 =	vshrl.u32 v40, $0xE;
	[tilespmem:$0x400] =	vst v13;
	v13 =	vshrl.u32 v35, $0xE;
	v16 =	vor.u32 v19, v18  }
0xd6: {  	v18 =	vand.u32 $0x7FFE, v53;
	v19 =	vor.u32 v58, v20;
	v20 =	vand.u32 $0x1, v59  }
0xd7: {  	v15 =	vor.u32 v44, v15;
	v18 =	vor.u32 v54, v18;
	v20 =	vor.u32 v20, v19  }
0xd8: {  	v42 =	vld [tilespmem:$0x4C0];
	v19 =	vor.u32 v22, v21;
	v21 =	vand.u32 $0x7FFE, v32;
	v22 =	vor.u32 v37, v23  }
0xd9: {  	v47 =	vld [tilespmem:$0x4D0];
	v23 =	vand.u32 $0x1, v38;
	v18 =	vor.u32 v55, v18;
	v21 =	vor.u32 v33, v21  }
0xda: {  	v62 =	vld [tilespmem:$0x510];
	v23 =	vor.u32 v23, v22;
	v22 =	vor.u32 v25, v24;
	v43 =	vshll.u32 v36, $0x1  }
0xdb: {  	v44 =	vand.u32 $0xFFFF8000, v36;
	v26 =	vshrl.u32 v36, $0xE;
	v21 =	vor.u32 v34, v21  }
0xdc: {  	v51 =	vld [tilespmem:$0x4E0];
	v24 =	vand.u32 $0x7FFE, v43;
	v45 =	vand.u32 $0x1, v26;
	v26 =	vand.u32 $0x7FFE, v46  }
0xdd: {  	v50 =	vshll.u32 v42, $0x1;
	v52 =	vand.u32 $0xFFFF8000, v42;
	v28 =	vshrl.u32 v42, $0xE  }
0xde: {  	v39 =	vld [tilespmem:$0x520];
	v54 =	vshll.u32 v47, $0x1;
	v55 =	vand.u32 $0xFFFF8000, v47;
	v29 =	vshrl.u32 v47, $0xE  }
0xdf: {  	v46 =	vand.u32 $0xFFFF8000, v62;
	v24 =	vor.u32 v44, v24;
	v25 =	vor.u32 v48, v26  }
0xe0: {  	v53 =	vld [tilespmem:$0x4F0];
	v27 =	vand.u32 $0x7FFE, v50;
	v26 =	vand.u32 $0x1, v49;
	v28 =	vand.u32 $0x1, v28  }
0xe1: {  	v58 =	vld [tilespmem:$0x500];
	v56 =	vand.u32 $0x1, v29;
	v57 =	vshll.u32 v51, $0x1;
	v59 =	vand.u32 $0xFFFF8000, v51  }
0xe2: {  	v60 =	vshrl.u32 v51, $0xE;
	v44 =	vshll.u32 v62, $0x1;
	v48 =	vshrl.u32 v62, $0xE  }
0xe3: {  	v49 =	vshll.u32 v39, $0x1;
	v51 =	vand.u32 $0xFFFF8000, v39;
	v24 =	vor.u32 v45, v24  }
0xe4: {  	v27 =	vor.u32 v52, v27;
	v26 =	vor.u32 v26, v25;
	v29 =	vand.u32 $0x7FFE, v57  }
0xe5: {  	v61 =	vshll.u32 v53, $0x1;
	v63 =	vand.u32 $0xFFFF8000, v53;
	v31 =	vshrl.u32 v53, $0xE  }
0xe6: {  	v36 =	vand.u32 $0x1, v60;
	v40 =	vshll.u32 v58, $0x1;
	v41 =	vand.u32 $0xFFFF8000, v58  }
0xe7: {  	[tilespmem:$0x360] =	vst v5;
	v42 =	vshrl.u32 v58, $0xE;
	v47 =	vand.u32 $0x7FFE, v44;
	v5 =	vand.u32 $0x7FFE, v49  }
0xe8: {  	[tilespmem:$0x370] =	vst v4;
	v52 =	vshrl.u32 v39, $0xE;
	v4 =	vand.u32 $0x1, v48;
	v44 =	vand.u32 $0xFFFF8000, v35  }
0xe9: {  	[tilespmem:$0x320] =	vst v0;
	v25 =	vor.u32 v28, v27;
	v27 =	vand.u32 $0x7FFE, v54;
	v28 =	vor.u32 v59, v29  }
0xea: {  	[tilespmem:$0x350] =	vst v3;
	v50 =	vld [tilespmem:$0x540];
	v30 =	vand.u32 $0x7FFE, v61;
	v38 =	vand.u32 $0x1, v31;
	v43 =	vand.u32 $0x1, v42  }
0xeb: {  	[tilespmem:$0x470] =	vst v21;
	v21 =	vld [tilespmem:$0x600];
	v3 =	vor.u32 v46, v47;
	v5 =	vor.u32 v51, v5;
	v53 =	vand.u32 $0x1, v52  }
0xec: {  	[tilespmem:$0x330] =	vst v2;
	v45 =	vld [tilespmem:$0x530];
	v27 =	vor.u32 v55, v27;
	v37 =	vor.u32 v63, v30;
	v0 =	vor.u32 v36, v28  }
0xed: {  	[tilespmem:$0x340] =	vst v1;
	v60 =	vld [tilespmem:$0x560];
	v28 =	vand.u32 $0x7FFE, v40;
	v3 =	vor.u32 v4, v3;
	v4 =	vor.u32 v53, v5  }
0xee: {  	[tilespmem:$0x380] =	vst v6;
	v39 =	vld [tilespmem:$0x5A0];
	v27 =	vor.u32 v56, v27;
	v2 =	vor.u32 v38, v37;
	v1 =	vor.u32 v41, v28  }
0xef: {  	[tilespmem:$0x390] =	vst v8;
	v1 =	vor.u32 v43, v1;
	v59 =	vshll.u32 v50, $0x1;
	v61 =	vand.u32 $0xFFFF8000, v50  }
0xf0: {  	[tilespmem:$0x3A0] =	vst v7;
	v62 =	vshrl.u32 v50, $0xE;
	v43 =	vshll.u32 v35, $0x1;
	v35 =	vshrl.u32 v21, $0xE  }
0xf1: {  	[tilespmem:$0x3C0] =	vst v11;
	v54 =	vld [tilespmem:$0x550];
	v55 =	vshll.u32 v45, $0x1;
	v56 =	vand.u32 $0xFFFF8000, v45;
	v57 =	vshrl.u32 v45, $0xE  }
0xf2: {  	[tilespmem:$0x3D0] =	vst v10;
	v7 =	vand.u32 $0x7FFE, v59;
	v32 =	vshll.u32 v60, $0x1;
	v33 =	vand.u32 $0xFFFF8000, v60  }
0xf3: {  	[tilespmem:$0x3B0] =	vst v9;
	v47 =	vld [tilespmem:$0x5C0];
	v9 =	vshrl.u32 v60, $0xE;
	v45 =	vand.u32 $0x1, v13;
	v46 =	vshll.u32 v39, $0x1  }
0xf4: {  	[tilespmem:$0x3F0] =	vst v14;
	v51 =	vld [tilespmem:$0x5D0];
	v48 =	vand.u32 $0xFFFF8000, v39;
	v49 =	vshrl.u32 v39, $0xE;
	v39 =	vand.u32 $0x1, v35  }
0xf5: {  	[tilespmem:$0x3E0] =	vst v12;
	v5 =	vand.u32 $0x7FFE, v55;
	v58 =	vand.u32 $0x1, v57;
	v6 =	vor.u32 v61, v7  }
0xf6: {  	[tilespmem:$0x420] =	vst v17;
	v30 =	vld [tilespmem:$0x580];
	v63 =	vshll.u32 v54, $0x1;
	v29 =	vand.u32 $0xFFFF8000, v54;
	v8 =	vshrl.u32 v54, $0xE  }
0xf7: {  	[tilespmem:$0x430] =	vst v16;
	v7 =	vand.u32 $0x1, v62;
	v9 =	vand.u32 $0x1, v9;
	v13 =	vand.u32 $0x7FFE, v46  }
0xf8: {  	[tilespmem:$0x4C0] =	vst v25;
	v25 =	vld [tilespmem:$0x610];
	v53 =	vand.u32 $0x1, v49;
	v59 =	vand.u32 $0xFFFF8000, v47;
	v60 =	vshrl.u32 v47, $0xE  }
0xf9: {  	[tilespmem:$0x460] =	vst v19;
	v28 =	vld [tilespmem:$0x570];
	v62 =	vshll.u32 v51, $0x1;
	v16 =	vand.u32 $0xFFFF8000, v51;
	v19 =	vshrl.u32 v51, $0xE  }
0xfa: {  	[tilespmem:$0x410] =	vst v15;
	v5 =	vor.u32 v56, v5;
	v10 =	vand.u32 $0x7FFE, v63;
	v8 =	vand.u32 $0x1, v8  }
0xfb: {  	[tilespmem:$0x450] =	vst v20;
	v41 =	vld [tilespmem:$0x5B0];
	v6 =	vor.u32 v7, v6;
	v38 =	vshll.u32 v30, $0x1;
	v40 =	vand.u32 $0xFFFF8000, v30  }
0xfc: {  	[tilespmem:$0x440] =	vst v18;
	v12 =	vshrl.u32 v30, $0xE;
	v61 =	vand.u32 $0x1, v60;
	v18 =	vand.u32 $0x7FFE, v62  }
0xfd: {  	[tilespmem:$0x520] =	vst v4;
	v4 =	vand.u32 $0x1, v19;
	v7 =	vshrl.u32 v25, $0xE;
	v5 =	vor.u32 v58, v5  }
0xfe: {  	[tilespmem:$0x480] =	vst v23;
	v10 =	vor.u32 v29, v10;
	v34 =	vshll.u32 v28, $0x1;
	v36 =	vand.u32 $0xFFFF8000, v28  }
0xff: {  	[tilespmem:$0x490] =	vst v22;
	v37 =	vshrl.u32 v28, $0xE;
	v11 =	vand.u32 $0x7FFE, v38;
	v12 =	vand.u32 $0x1, v12  }
0x100: {  	[tilespmem:$0x4A0] =	vst v24;
	v50 =	vshll.u32 v41, $0x1;
	v52 =	vand.u32 $0xFFFF8000, v41;
	v15 =	vshrl.u32 v41, $0xE  }
0x101: {  	[tilespmem:$0x510] =	vst v3;
	v58 =	vshll.u32 v47, $0x1;
	v3 =	vor.u32 v16, v18;
	v38 =	vand.u32 $0xFFFF8000, v25  }
0x102: {  	[tilespmem:$0x4B0] =	vst v26;
	v31 =	vor.u32 v8, v10;
	v8 =	vand.u32 $0x7FFE, v32;
	v10 =	vand.u32 $0x7FFE, v34  }
0x103: {  	[tilespmem:$0x4E0] =	vst v0;
	v11 =	vor.u32 v40, v11;
	v14 =	vand.u32 $0x7FFE, v50;
	v55 =	vand.u32 $0x1, v15  }
0x104: {  	[tilespmem:$0x4D0] =	vst v27;
	v3 =	vor.u32 v4, v3;
	v40 =	vand.u32 $0x1, v7;
	v8 =	vor.u32 v33, v8  }
0x105: {  	[tilespmem:$0x4F0] =	vst v2;
	v56 =	vld [tilespmem:$0x5E0];
	v42 =	vor.u32 v12, v11;
	v11 =	vand.u32 $0x7FFE, v43;
	v12 =	vor.u32 v48, v13  }
0x106: {  	v63 =	vld [tilespmem:$0x5F0];
	v54 =	vor.u32 v52, v14;
	[tilespmem:$0x550] =	vst v31;
	v31 =	vshll.u32 v21, $0x1;
	v33 =	vand.u32 $0xFFFF8000, v21  }
0x107: {  	[tilespmem:$0x500] =	vst v1;
	v8 =	vor.u32 v9, v8;
	v9 =	vor.u32 v36, v10;
	v10 =	vand.u32 $0x1, v37  }
0x108: {  	[tilespmem:$0x540] =	vst v6;
	v11 =	vor.u32 v44, v11;
	v0 =	vor.u32 v53, v12;
	v57 =	vor.u32 v55, v54  }
0x109: {  	[tilespmem:$0x530] =	vst v5;
	v12 =	vand.u32 $0x7FFE, v58;
	v36 =	vshll.u32 v25, $0x1;
	v9 =	vor.u32 v10, v9  }
0x10a: {  	[tilespmem:$0x5D0] =	vst v3;
	v11 =	vor.u32 v45, v11;
	v1 =	vor.u32 v59, v12;
	v20 =	vshll.u32 v56, $0x1  }
0x10b: {  	v32 =	vld [tilespmem:$0x620];
	[tilespmem:$0x580] =	vst v42;
	v22 =	vand.u32 $0xFFFF8000, v56;
	v23 =	vshrl.u32 v56, $0xE;
	v27 =	vshll.u32 v63, $0x1  }
0x10c: {  	[tilespmem:$0x560] =	vst v8;
	v28 =	vand.u32 $0xFFFF8000, v63;
	v29 =	vshrl.u32 v63, $0xE;
	v8 =	vand.u32 $0x7FFE, v31  }
0x10d: {  	[tilespmem:$0x5A0] =	vst v0;
	v1 =	vor.u32 v61, v1;
	v5 =	vand.u32 $0x7FFE, v20;
	v24 =	vand.u32 $0x1, v23  }
0x10e: {  	v37 =	vld [tilespmem:$0x630];
	[tilespmem:$0x5B0] =	vst v57;
	v30 =	vand.u32 $0x1, v29;
	v34 =	vor.u32 v33, v8;
	v8 =	vand.u32 $0x7FFE, v36  }
0x10f: {  	[tilespmem:$0x570] =	vst v9;
	v5 =	vor.u32 v22, v5;
	v2 =	vor.u32 v38, v8;
	v0 =	vor.u32 v39, v34  }
0x110: {  	[tilespmem:$0x590] =	vst v11;
	v42 =	vshll.u32 v32, $0x1;
	v43 =	vand.u32 $0xFFFF8000, v32;
	v44 =	vshrl.u32 v32, $0xE  }
0x111: {  	[tilespmem:$0x5C0] =	vst v1;
	v26 =	vor.u32 v24, v5;
	v5 =	vand.u32 $0x7FFE, v27;
	v41 =	vor.u32 v40, v2  }
0x112: {  	v2 =	vand.u32 $0x7FFE, v42;
	v45 =	vand.u32 $0x1, v44;
	[tilespmem:$0x600] =	vst v0;
	v5 =	vor.u32 v28, v5  }
0x113: {  	[tilespmem:$0x5E0] =	vst v26;
	v2 =	vor.u32 v43, v2;
	v46 =	vshll.u32 v37, $0x1;
	v47 =	vand.u32 $0xFFFF8000, v37  }
0x114: {  	v48 =	vshrl.u32 v37, $0xE;
	[tilespmem:$0x610] =	vst v41;
	v5 =	vor.u32 v30, v5;
	v4 =	vand.u32 $0x7FFE, v46  }
0x115: {  	v49 =	vor.u32 v45, v2;
	v50 =	vand.u32 $0x1, v48;
	[tilespmem:$0x5F0] =	vst v5;
	v0 =	vor.u32 v47, v4  }
0x116: {  	[tilespmem:$0x620] =	vst v49;
	v0 =	vor.u32 v50, v0  }
0x117: {  	[tilespmem:$0x630] =	vst v0  }
0x118: {  	[tilespmem:s16], [sflag:$0x2] =	stream.indirect.gather [hbm4b:s3+s14], $0x40, s14, s14, $0xb8;
	[tilespmem:$0x19640] =	vst v63  }
0x119: {  	_ =	swait.ge [sflag:s17], $0xC800  }
0x11a: {  	[sflag:s17] =	ssyncset.done $0x0  }
0x11b: {  	[sflag:s17] =	ssyncadd.s32 $0xFFFF3800  }
0x11c: {  	[hbm4b:s6+s18] =	stream.strided.scatter [tilespmem:s15], [sflag:$0x3], $0xC800, s19, s18, $0x38;
	[tilespmem:$0x19640] =	vst v63  }
0x11d: {  	_ = 	snop  }
0x11e: {  	[tilespmem:s2], [sflag:$0x5] =	stream.linear.gather [hbm4b:s7+s2], $0x320, $0x38;
	[tilespmem:$0x19640] =	vst v63  }
0x11f: {  	_ =	swait.ge [sflag:s13], $0x320  }
0x120: {  	[sflag:s13] =	ssyncset.done $0x0  }
0x121: {  	[sflag:s13] =	ssyncadd.s32 $0xFFFFFCE0  }
0x122: {  	v51 =	vld [tilespmem:$0x0]  }
0x123: {  	v52 =	vld [tilespmem:$0x10]  }
0x124: {  	v53 =	vld [tilespmem:$0x20]  }
0x125: {  	v57 =	vld [tilespmem:$0x30]  }
0x126: {  	v60 =	vld [tilespmem:$0x40]  }
0x127: {  	v63 =	vld [tilespmem:$0x50]  }
0x128: {  	v14 =	vld [tilespmem:$0x60];
	v54 =	vshll.u32 v51, $0x1  }
0x129: {  	v18 =	vld [tilespmem:$0x70];
	v55 =	vand.u32 $0xFFFF8000, v51;
	v0 =	vshrl.u32 v51, $0xE;
	v56 =	vshll.u32 v52, $0x1  }
0x12a: {  	v20 =	vld [tilespmem:$0x80];
	v58 =	vand.u32 $0xFFFF8000, v52;
	v1 =	vshrl.u32 v52, $0xE;
	v59 =	vshll.u32 v53, $0x1  }
0x12b: {  	v24 =	vld [tilespmem:$0x90];
	v61 =	vand.u32 $0xFFFF8000, v53;
	v2 =	vshrl.u32 v53, $0xE;
	v10 =	vshll.u32 v57, $0x1  }
0x12c: {  	v28 =	vld [tilespmem:$0xA0];
	v11 =	vand.u32 $0xFFFF8000, v57;
	v5 =	vshrl.u32 v57, $0xE;
	v13 =	vshll.u32 v60, $0x1  }
0x12d: {  	v30 =	vld [tilespmem:$0xB0];
	v15 =	vand.u32 $0xFFFF8000, v60;
	v16 =	vshrl.u32 v60, $0xE;
	v17 =	vshll.u32 v63, $0x1  }
0x12e: {  	v35 =	vld [tilespmem:$0xC0];
	v19 =	vand.u32 $0xFFFF8000, v63;
	v8 =	vshrl.u32 v63, $0xE;
	v21 =	vshll.u32 v14, $0x1  }
0x12f: {  	v39 =	vld [tilespmem:$0xD0];
	v22 =	vand.u32 $0xFFFF8000, v14;
	v7 =	vshrl.u32 v14, $0xE;
	v23 =	vshll.u32 v18, $0x1  }
0x130: {  	v41 =	vld [tilespmem:$0xE0];
	v25 =	vand.u32 $0xFFFF8000, v18;
	v26 =	vshrl.u32 v18, $0xE;
	v27 =	vshll.u32 v20, $0x1  }
0x131: {  	v46 =	vld [tilespmem:$0xF0];
	v29 =	vand.u32 $0xFFFF8000, v20;
	v31 =	vshll.u32 v24, $0x1;
	v32 =	vand.u32 $0xFFFF8000, v24  }
0x132: {  	v34 =	vshll.u32 v28, $0x1;
	v36 =	vand.u32 $0xFFFF8000, v28;
	v37 =	vshrl.u32 v28, $0xE  }
0x133: {  	v38 =	vshll.u32 v30, $0x1;
	v40 =	vand.u32 $0xFFFF8000, v30;
	v42 =	vshll.u32 v35, $0x1  }
0x134: {  	v43 =	vand.u32 $0xFFFF8000, v35;
	v14 =	vshrl.u32 v35, $0xE;
	v45 =	vshll.u32 v39, $0x1  }
0x135: {  	v47 =	vand.u32 $0xFFFF8000, v39;
	v48 =	vshrl.u32 v39, $0xE;
	v49 =	vshll.u32 v41, $0x1  }
0x136: {  	v51 =	vand.u32 $0xFFFF8000, v41;
	v53 =	vshll.u32 v46, $0x1;
	v3 =	vand.u32 $0x7FFE, v54  }
0x137: {  	v50 =	vld [tilespmem:$0x100];
	v0 =	vand.u32 $0x1, v0;
	v4 =	vand.u32 $0x7FFE, v56;
	v1 =	vand.u32 $0x1, v1  }
0x138: {  	v62 =	vand.u32 $0x1, v2;
	v12 =	vand.u32 $0x1, v5;
	v5 =	vand.u32 $0x7FFE, v13  }
0x139: {  	v6 =	vand.u32 $0x7FFE, v17;
	v8 =	vand.u32 $0x1, v8;
	v7 =	vand.u32 $0x1, v7  }
0x13a: {  	v9 =	vand.u32 $0x7FFE, v27;
	v13 =	vshrl.u32 v30, $0xE;
	v44 =	vand.u32 $0x1, v14  }
0x13b: {  	v14 =	vand.u32 $0x7FFE, v45;
	v54 =	vand.u32 $0xFFFF8000, v46;
	v17 =	vshrl.u32 v46, $0xE  }
0x13c: {  	v56 =	vshll.u32 v50, $0x1;
	v3 =	vor.u32 v55, v3;
	v6 =	vor.u32 v19, v6  }
0x13d: {  	v9 =	vor.u32 v29, v9;
	v13 =	vand.u32 $0x1, v13;
	v55 =	vand.u32 $0x1, v17  }
0x13e: {  	v52 =	vld [tilespmem:$0x110];
	v17 =	vand.u32 $0x7FFE, v56;
	v0 =	vor.u32 v0, v3;
	v3 =	vor.u32 v58, v4  }
0x13f: {  	v57 =	vld [tilespmem:$0x120];
	v4 =	vand.u32 $0x7FFE, v59;
	v58 =	vand.u32 $0xFFFF8000, v50;
	v59 =	vshrl.u32 v50, $0xE  }
0x140: {  	v63 =	vld [tilespmem:$0x140];
	v4 =	vor.u32 v61, v4;
	v2 =	vor.u32 v1, v3;
	v3 =	vand.u32 $0x7FFE, v10  }
0x141: {  	v10 =	vshrl.u32 v20, $0xE;
	v1 =	vor.u32 v62, v4;
	v3 =	vor.u32 v11, v3  }
0x142: {  	v4 =	vor.u32 v15, v5;
	v5 =	vand.u32 $0x1, v16;
	v10 =	vand.u32 $0x1, v10  }
0x143: {  	v11 =	vshrl.u32 v24, $0xE;
	v15 =	vand.u32 $0x7FFE, v49;
	v16 =	vshrl.u32 v41, $0xE  }
0x144: {  	v60 =	vshll.u32 v52, $0x1;
	v62 =	vand.u32 $0xFFFF8000, v52;
	v19 =	vshrl.u32 v52, $0xE  }
0x145: {  	v30 =	vld [tilespmem:$0x150];
	v27 =	vand.u32 $0xFFFF8000, v57;
	v20 =	vshrl.u32 v57, $0xE;
	v35 =	vand.u32 $0xFFFF8000, v63  }
0x146: {  	v45 =	vld [tilespmem:$0x190];
	v3 =	vor.u32 v12, v3;
	v5 =	vor.u32 v5, v4;
	v4 =	vor.u32 v8, v6  }
0x147: {  	v6 =	vand.u32 $0x7FFE, v21;
	v8 =	vand.u32 $0x7FFE, v23;
	v33 =	vand.u32 $0x1, v11  }
0x148: {  	v56 =	vld [tilespmem:$0x1C0];
	v11 =	vand.u32 $0x7FFE, v34;
	v12 =	vand.u32 $0x7FFE, v38;
	v15 =	vor.u32 v51, v15  }
0x149: {  	v16 =	vand.u32 $0x1, v16;
	v18 =	vand.u32 $0x7FFE, v60;
	v19 =	vand.u32 $0x1, v19  }
0x14a: {  	v28 =	vand.u32 $0x1, v20;
	v38 =	vand.u32 $0xFFFF8000, v30;
	v23 =	vshrl.u32 v30, $0xE  }
0x14b: {  	v61 =	vld [tilespmem:$0x130];
	v51 =	vshll.u32 v45, $0x1;
	v6 =	vor.u32 v22, v6;
	v12 =	vor.u32 v40, v12  }
0x14c: {  	v18 =	vor.u32 v62, v18;
	v22 =	vshrl.u32 v63, $0xE;
	v39 =	vand.u32 $0x1, v23  }
0x14d: {  	v62 =	vshll.u32 v56, $0x1;
	v6 =	vor.u32 v7, v6;
	v7 =	vor.u32 v25, v8  }
0x14e: {  	v8 =	vand.u32 $0x1, v26;
	v26 =	vshll.u32 v57, $0x1;
	v22 =	vand.u32 $0x1, v22  }
0x14f: {  	v41 =	vld [tilespmem:$0x180];
	v8 =	vor.u32 v8, v7;
	v7 =	vor.u32 v10, v9;
	v9 =	vand.u32 $0x7FFE, v31  }
0x150: {  	v52 =	vld [tilespmem:$0x1B0];
	v10 =	vor.u32 v36, v11;
	v11 =	vand.u32 $0x1, v37;
	v29 =	vshll.u32 v61, $0x1  }
0x151: {  	v31 =	vand.u32 $0xFFFF8000, v61;
	v37 =	vshll.u32 v30, $0x1;
	v9 =	vor.u32 v32, v9  }
0x152: {  	v11 =	vor.u32 v11, v10;
	v10 =	vor.u32 v13, v12;
	v12 =	vand.u32 $0x7FFE, v42  }
0x153: {  	v34 =	vld [tilespmem:$0x160];
	v13 =	vor.u32 v47, v14;
	v14 =	vand.u32 $0x1, v48;
	v20 =	vand.u32 $0x7FFE, v29  }
0x154: {  	v32 =	vshrl.u32 v61, $0xE;
	v48 =	vshll.u32 v41, $0x1;
	v49 =	vand.u32 $0xFFFF8000, v41  }
0x155: {  	v60 =	vand.u32 $0xFFFF8000, v52;
	v29 =	vshrl.u32 v52, $0xE;
	v9 =	vor.u32 v33, v9  }
0x156: {  	v12 =	vor.u32 v43, v12;
	v14 =	vor.u32 v14, v13;
	v13 =	vor.u32 v16, v15  }
0x157: {  	v15 =	vand.u32 $0x7FFE, v53;
	v16 =	vor.u32 v58, v17;
	v17 =	vand.u32 $0x1, v59  }
0x158: {  	v33 =	vshll.u32 v63, $0x1;
	v40 =	vshll.u32 v34, $0x1;
	v42 =	vand.u32 $0xFFFF8000, v34  }
0x159: {  	v43 =	vshrl.u32 v34, $0xE;
	v53 =	vand.u32 $0xFFFF8000, v45;
	v59 =	vshll.u32 v52, $0x1  }
0x15a: {  	v61 =	vand.u32 $0x1, v29;
	v29 =	vand.u32 $0x7FFE, v62;
	v12 =	vor.u32 v44, v12  }
0x15b: {  	v15 =	vor.u32 v54, v15;
	v17 =	vor.u32 v17, v16;
	v16 =	vor.u32 v19, v18  }
0x15c: {  	v18 =	vand.u32 $0x7FFE, v26;
	v19 =	vor.u32 v31, v20;
	v21 =	vand.u32 $0x7FFE, v33  }
0x15d: {  	v36 =	vld [tilespmem:$0x170];
	v20 =	vand.u32 $0x1, v32;
	v23 =	vand.u32 $0x7FFE, v40;
	v26 =	vshrl.u32 v41, $0xE  }
0x15e: {  	v54 =	vshrl.u32 v45, $0xE;
	v15 =	vor.u32 v55, v15;
	v18 =	vor.u32 v27, v18  }
0x15f: {  	v21 =	vor.u32 v35, v21;
	v20 =	vor.u32 v20, v19;
	v50 =	vand.u32 $0x1, v26  }
0x160: {  	v47 =	vld [tilespmem:$0x1A0];
	v26 =	vand.u32 $0x7FFE, v51;
	v35 =	vand.u32 $0xFFFF8000, v56;
	v18 =	vor.u32 v28, v18  }
0x161: {  	v19 =	vor.u32 v22, v21;
	v21 =	vand.u32 $0x7FFE, v37;
	v22 =	vor.u32 v42, v23  }
0x162: {  	v58 =	vld [tilespmem:$0x1D0];
	v44 =	vshll.u32 v36, $0x1;
	v46 =	vand.u32 $0xFFFF8000, v36;
	v25 =	vshrl.u32 v36, $0xE  }
0x163: {  	v63 =	vld [tilespmem:$0x1E0];
	v23 =	vand.u32 $0x1, v43;
	v36 =	vshrl.u32 v56, $0xE;
	v21 =	vor.u32 v38, v21  }
0x164: {  	v24 =	vand.u32 $0x7FFE, v44;
	v25 =	vand.u32 $0x1, v25;
	v23 =	vor.u32 v23, v22  }
0x165: {  	v55 =	vshll.u32 v47, $0x1;
	v57 =	vand.u32 $0xFFFF8000, v47;
	v28 =	vshrl.u32 v47, $0xE  }
0x166: {  	v40 =	vand.u32 $0x1, v36;
	v21 =	vor.u32 v39, v21;
	v24 =	vor.u32 v46, v24  }
0x167: {  	v27 =	vand.u32 $0x7FFE, v55;
	v28 =	vand.u32 $0x1, v28;
	v37 =	vshll.u32 v58, $0x1  }
0x168: {  	v39 =	vand.u32 $0xFFFF8000, v58;
	v31 =	vshrl.u32 v58, $0xE;
	v44 =	vshll.u32 v63, $0x1  }
0x169: {  	v33 =	vld [tilespmem:$0x250];
	v45 =	vand.u32 $0xFFFF8000, v63;
	v46 =	vshrl.u32 v63, $0xE;
	v22 =	vor.u32 v25, v24  }
0x16a: {  	v24 =	vand.u32 $0x7FFE, v48;
	v25 =	vor.u32 v53, v26;
	v26 =	vand.u32 $0x1, v54  }
0x16b: {  	v43 =	vld [tilespmem:$0x200];
	v27 =	vor.u32 v57, v27;
	v30 =	vand.u32 $0x7FFE, v37;
	v42 =	vand.u32 $0x1, v31  }
0x16c: {  	v47 =	vand.u32 $0x1, v46;
	v24 =	vor.u32 v49, v24;
	v26 =	vor.u32 v26, v25  }
0x16d: {  	[tilespmem:$0x0] =	vst v0;
	v38 =	vld [tilespmem:$0x1F0];
	v25 =	vor.u32 v28, v27;
	v27 =	vand.u32 $0x7FFE, v59;
	v28 =	vor.u32 v35, v29  }
0x16e: {  	[tilespmem:$0x10] =	vst v2;
	v41 =	vor.u32 v39, v30;
	v39 =	vshll.u32 v33, $0x1;
	v24 =	vor.u32 v50, v24  }
0x16f: {  	[tilespmem:$0x20] =	vst v1;
	v27 =	vor.u32 v60, v27;
	v0 =	vor.u32 v40, v28;
	v2 =	vor.u32 v42, v41  }
0x170: {  	[tilespmem:$0x30] =	vst v3;
	v58 =	vld [tilespmem:$0x230];
	v28 =	vand.u32 $0x7FFE, v44;
	v53 =	vshll.u32 v43, $0x1;
	v55 =	vand.u32 $0xFFFF8000, v43  }
0x171: {  	[tilespmem:$0x40] =	vst v5;
	v56 =	vshrl.u32 v43, $0xE;
	v41 =	vand.u32 $0xFFFF8000, v33;
	v42 =	vshrl.u32 v33, $0xE  }
0x172: {  	[tilespmem:$0x50] =	vst v4;
	v54 =	vld [tilespmem:$0x220];
	v27 =	vor.u32 v61, v27;
	v1 =	vor.u32 v45, v28;
	v48 =	vshll.u32 v38, $0x1  }
0x173: {  	[tilespmem:$0x60] =	vst v6;
	v46 =	vld [tilespmem:$0x290];
	v50 =	vand.u32 $0xFFFF8000, v38;
	v52 =	vshrl.u32 v38, $0xE;
	v5 =	vand.u32 $0x7FFE, v53  }
0x174: {  	[tilespmem:$0x70] =	vst v8;
	v57 =	vand.u32 $0x1, v56;
	v1 =	vor.u32 v47, v1;
	v51 =	vand.u32 $0x7FFE, v48  }
0x175: {  	[tilespmem:$0x80] =	vst v7;
	v49 =	vld [tilespmem:$0x210];
	v4 =	vand.u32 $0x1, v52;
	v5 =	vor.u32 v55, v5;
	v32 =	vshll.u32 v58, $0x1  }
0x176: {  	[tilespmem:$0xA0] =	vst v11;
	v29 =	vld [tilespmem:$0x240];
	v34 =	vand.u32 $0xFFFF8000, v58;
	v8 =	vshrl.u32 v58, $0xE;
	v3 =	vor.u32 v50, v51  }
0x177: {  	[tilespmem:$0xB0] =	vst v10;
	v35 =	vld [tilespmem:$0x260];
	v63 =	vshll.u32 v54, $0x1;
	v30 =	vand.u32 $0xFFFF8000, v54;
	v31 =	vshrl.u32 v54, $0xE  }
0x178: {  	[tilespmem:$0xF0] =	vst v15;
	v10 =	vand.u32 $0x7FFE, v32;
	v8 =	vand.u32 $0x1, v8;
	v55 =	vshll.u32 v46, $0x1  }
0x179: {  	[tilespmem:$0x170] =	vst v22;
	v22 =	vld [tilespmem:$0x2D0];
	v15 =	vshrl.u32 v46, $0xE;
	v3 =	vor.u32 v4, v3;
	v4 =	vor.u32 v57, v5  }
0x17a: {  	[tilespmem:$0x90] =	vst v9;
	v59 =	vshll.u32 v49, $0x1;
	v60 =	vand.u32 $0xFFFF8000, v49;
	v61 =	vshrl.u32 v49, $0xE  }
0x17b: {  	[tilespmem:$0xD0] =	vst v14;
	v7 =	vand.u32 $0x7FFE, v63;
	v10 =	vor.u32 v34, v10;
	v37 =	vshll.u32 v29, $0x1  }
0x17c: {  	[tilespmem:$0xE0] =	vst v13;
	v38 =	vand.u32 $0xFFFF8000, v29;
	v9 =	vshrl.u32 v29, $0xE;
	v43 =	vshll.u32 v35, $0x1  }
0x17d: {  	[tilespmem:$0xC0] =	vst v12;
	v40 =	vld [tilespmem:$0x270];
	v45 =	vand.u32 $0xFFFF8000, v35;
	v12 =	vshrl.u32 v35, $0xE;
	v57 =	vand.u32 $0xFFFF8000, v46  }
0x17e: {  	[tilespmem:$0x100] =	vst v17;
	v44 =	vld [tilespmem:$0x280];
	v14 =	vand.u32 $0x7FFE, v55;
	v33 =	vshll.u32 v22, $0x1;
	v34 =	vand.u32 $0xFFFF8000, v22  }
0x17f: {  	[tilespmem:$0x110] =	vst v16;
	v35 =	vshrl.u32 v22, $0xE;
	v5 =	vand.u32 $0x7FFE, v59;
	v62 =	vand.u32 $0x1, v61  }
0x180: {  	[tilespmem:$0x130] =	vst v20;
	v6 =	vor.u32 v30, v7;
	v7 =	vand.u32 $0x1, v31;
	v36 =	vor.u32 v8, v10  }
0x181: {  	[tilespmem:$0x120] =	vst v18;
	v8 =	vand.u32 $0x7FFE, v37;
	v9 =	vand.u32 $0x1, v9;
	v10 =	vand.u32 $0x7FFE, v39  }
0x182: {  	[tilespmem:$0x140] =	vst v19;
	v56 =	vld [tilespmem:$0x2B0];
	v11 =	vand.u32 $0x7FFE, v43;
	v12 =	vand.u32 $0x1, v12;
	v48 =	vshll.u32 v40, $0x1  }
0x183: {  	[tilespmem:$0x160] =	vst v23;
	v49 =	vand.u32 $0xFFFF8000, v40;
	v13 =	vshrl.u32 v40, $0xE;
	v51 =	vshll.u32 v44, $0x1  }
0x184: {  	[tilespmem:$0x150] =	vst v21;
	v53 =	vand.u32 $0xFFFF8000, v44;
	v54 =	vshrl.u32 v44, $0xE;
	v59 =	vor.u32 v57, v14  }
0x185: {  	[tilespmem:$0x190] =	vst v26;
	v5 =	vor.u32 v60, v5;
	v6 =	vor.u32 v7, v6;
	v8 =	vor.u32 v38, v8  }
0x186: {  	[tilespmem:$0x1A0] =	vst v25;
	v52 =	vld [tilespmem:$0x2A0];
	v11 =	vor.u32 v45, v11;
	v50 =	vand.u32 $0x1, v13;
	v13 =	vand.u32 $0x7FFE, v51  }
0x187: {  	[tilespmem:$0x1B0] =	vst v27;
	v58 =	vand.u32 $0x1, v54;
	v60 =	vand.u32 $0x1, v15;
	v21 =	vshll.u32 v56, $0x1  }
0x188: {  	v27 =	vld [tilespmem:$0x2E0];
	v23 =	vand.u32 $0xFFFF8000, v56;
	v25 =	vshrl.u32 v56, $0xE;
	[tilespmem:$0x230] =	vst v36;
	v36 =	vand.u32 $0x1, v35  }
0x189: {  	[tilespmem:$0x180] =	vst v24;
	v5 =	vor.u32 v62, v5;
	v8 =	vor.u32 v9, v8;
	v9 =	vor.u32 v41, v10  }
0x18a: {  	[tilespmem:$0x1C0] =	vst v0;
	v10 =	vand.u32 $0x1, v42;
	v47 =	vor.u32 v12, v11;
	v11 =	vand.u32 $0x7FFE, v48  }
0x18b: {  	[tilespmem:$0x1D0] =	vst v2;
	v12 =	vor.u32 v53, v13;
	v62 =	vor.u32 v60, v59;
	v63 =	vshll.u32 v52, $0x1  }
0x18c: {  	[tilespmem:$0x1E0] =	vst v1;
	v18 =	vand.u32 $0xFFFF8000, v52;
	v19 =	vshrl.u32 v52, $0xE;
	v24 =	vand.u32 $0x7FFE, v21  }
0x18d: {  	v61 =	vld [tilespmem:$0x2C0];
	[tilespmem:$0x200] =	vst v4;
	v4 =	vand.u32 $0x1, v25;
	v37 =	vshll.u32 v27, $0x1;
	v39 =	vand.u32 $0xFFFF8000, v27  }
0x18e: {  	[tilespmem:$0x1F0] =	vst v3;
	v31 =	vld [tilespmem:$0x2F0];
	v41 =	vshrl.u32 v27, $0xE;
	v9 =	vor.u32 v10, v9;
	v11 =	vor.u32 v49, v11  }
0x18f: {  	[tilespmem:$0x220] =	vst v6;
	v0 =	vor.u32 v58, v12;
	v12 =	vand.u32 $0x7FFE, v63;
	v20 =	vand.u32 $0x1, v19  }
0x190: {  	v43 =	vld [tilespmem:$0x310];
	v3 =	vor.u32 v23, v24;
	[tilespmem:$0x240] =	vst v8;
	v8 =	vand.u32 $0x7FFE, v37;
	v45 =	vand.u32 $0x1, v41  }
0x191: {  	[tilespmem:$0x210] =	vst v5;
	v11 =	vor.u32 v50, v11;
	v1 =	vor.u32 v18, v12;
	v3 =	vor.u32 v4, v3  }
0x192: {  	v38 =	vld [tilespmem:$0x300];
	[tilespmem:$0x260] =	vst v47;
	v40 =	vor.u32 v39, v8;
	v1 =	vor.u32 v20, v1;
	v26 =	vshll.u32 v61, $0x1  }
0x193: {  	[tilespmem:$0x290] =	vst v62;
	v28 =	vand.u32 $0xFFFF8000, v61;
	v29 =	vshrl.u32 v61, $0xE;
	v42 =	vshll.u32 v31, $0x1  }
0x194: {  	[tilespmem:$0x280] =	vst v0;
	v44 =	vand.u32 $0xFFFF8000, v31;
	v7 =	vshrl.u32 v31, $0xE;
	v0 =	vor.u32 v45, v40  }
0x195: {  	[tilespmem:$0x250] =	vst v9;
	v52 =	vshll.u32 v43, $0x1;
	v53 =	vand.u32 $0xFFFF8000, v43;
	v54 =	vshrl.u32 v43, $0xE  }
0x196: {  	[tilespmem:$0x270] =	vst v11;
	v5 =	vand.u32 $0x7FFE, v26;
	v30 =	vand.u32 $0x1, v29;
	v8 =	vand.u32 $0x7FFE, v42  }
0x197: {  	[tilespmem:$0x2B0] =	vst v3;
	v46 =	vand.u32 $0x1, v7;
	v48 =	vshll.u32 v38, $0x1;
	v49 =	vand.u32 $0xFFFF8000, v38  }
0x198: {  	[tilespmem:$0x2A0] =	vst v1;
	v50 =	vshrl.u32 v38, $0xE;
	v4 =	vand.u32 $0x7FFE, v52;
	v5 =	vor.u32 v28, v5  }
0x199: {  	[tilespmem:$0x2E0] =	vst v0;
	v56 =	vand.u32 $0x1, v54;
	v2 =	vor.u32 v44, v8;
	v32 =	vor.u32 v30, v5  }
0x19a: {  	v0 =	vor.u32 v53, v4;
	v5 =	vand.u32 $0x7FFE, v33;
	v47 =	vor.u32 v46, v2;
	[tilespmem:$0x2C0] =	vst v32  }
0x19b: {  	v2 =	vand.u32 $0x7FFE, v48;
	v0 =	vor.u32 v56, v0;
	v5 =	vor.u32 v34, v5;
	[tilespmem:$0x2F0] =	vst v47  }
0x19c: {  	v51 =	vand.u32 $0x1, v50;
	v2 =	vor.u32 v49, v2;
	[tilespmem:$0x310] =	vst v0;
	v5 =	vor.u32 v36, v5  }
0x19d: {  	v55 =	vor.u32 v51, v2;
	[tilespmem:$0x2D0] =	vst v5  }
0x19e: {  	[tilespmem:$0x300] =	vst v55  }
0x19f: {  	_ =	swait.ge [sflag:s20], $0xC800  }
0x1a0: {  	[sflag:s20] =	ssyncset.done $0x0  }
0x1a1: {  	[sflag:s20] =	ssyncadd.s32 $0xFFFF3800  }
0x1a2: {  	[tilespmem:s15], [sflag:$0x1] =	stream.indirect.gather [hbm4b:s3+s14], $0x40, s2, s14, $0xb8;
	[tilespmem:$0x19640] =	vst v63  }
0x1a3: {  	_ =	swait.ge [sflag:s21], $0xC800  }
0x1a4: {  	[sflag:s21] =	ssyncset.done $0x0  }
0x1a5: {  	[sflag:s21] =	ssyncadd.s32 $0xFFFF3800  }
0x1a6: {  	[hbm4b:s8+s18] =	stream.strided.scatter [tilespmem:s16], [sflag:$0x4], $0xC800, s19, s18, $0x38;
	[tilespmem:$0x19640] =	vst v63  }
0x1a7: {  	_ = 	snop  }
0x1a8: {  	[tilespmem:s14], [sflag:$0x5] =	stream.linear.gather [hbm4b:s9+s2], $0x320, $0x38;
	[tilespmem:$0x19640] =	vst v63  }
0x1a9: {  	_ =	swait.ge [sflag:s13], $0x320  }
0x1aa: {  	[sflag:s13] =	ssyncset.done $0x0  }
0x1ab: {  	[sflag:s13] =	ssyncadd.s32 $0xFFFFFCE0  }
0x1ac: {  	v57 =	vld [tilespmem:$0x320]  }
0x1ad: {  	v58 =	vld [tilespmem:$0x330]  }
0x1ae: {  	v59 =	vld [tilespmem:$0x340]  }
0x1af: {  	v63 =	vld [tilespmem:$0x350]  }
0x1b0: {  	v13 =	vld [tilespmem:$0x360]  }
0x1b1: {  	v16 =	vld [tilespmem:$0x370];
	v60 =	vshll.u32 v57, $0x1  }
0x1b2: {  	v21 =	vld [tilespmem:$0x380];
	v61 =	vand.u32 $0xFFFF8000, v57;
	v0 =	vshrl.u32 v57, $0xE;
	v62 =	vshll.u32 v58, $0x1  }
0x1b3: {  	v25 =	vld [tilespmem:$0x390];
	v11 =	vand.u32 $0xFFFF8000, v58;
	v1 =	vshrl.u32 v58, $0xE;
	v12 =	vshll.u32 v59, $0x1  }
0x1b4: {  	v27 =	vld [tilespmem:$0x3A0];
	v14 =	vand.u32 $0xFFFF8000, v59;
	v2 =	vshrl.u32 v59, $0xE;
	v17 =	vshll.u32 v63, $0x1  }
0x1b5: {  	v31 =	vld [tilespmem:$0x3B0];
	v18 =	vand.u32 $0xFFFF8000, v63;
	v5 =	vshrl.u32 v63, $0xE;
	v20 =	vshll.u32 v13, $0x1  }
0x1b6: {  	v35 =	vld [tilespmem:$0x3C0];
	v22 =	vand.u32 $0xFFFF8000, v13;
	v23 =	vshrl.u32 v13, $0xE;
	v24 =	vshll.u32 v16, $0x1  }
0x1b7: {  	v37 =	vld [tilespmem:$0x3D0];
	v26 =	vand.u32 $0xFFFF8000, v16;
	v8 =	vshrl.u32 v16, $0xE;
	v28 =	vshll.u32 v21, $0x1  }
0x1b8: {  	v42 =	vld [tilespmem:$0x3E0];
	v29 =	vand.u32 $0xFFFF8000, v21;
	v7 =	vshrl.u32 v21, $0xE;
	v30 =	vshll.u32 v25, $0x1  }
0x1b9: {  	v46 =	vld [tilespmem:$0x3F0];
	v32 =	vand.u32 $0xFFFF8000, v25;
	v33 =	vshrl.u32 v25, $0xE;
	v34 =	vshll.u32 v27, $0x1  }
0x1ba: {  	v48 =	vld [tilespmem:$0x400];
	v36 =	vand.u32 $0xFFFF8000, v27;
	v10 =	vshrl.u32 v27, $0xE;
	v38 =	vshll.u32 v31, $0x1  }
0x1bb: {  	v39 =	vand.u32 $0xFFFF8000, v31;
	v41 =	vshll.u32 v35, $0x1;
	v43 =	vand.u32 $0xFFFF8000, v35  }
0x1bc: {  	v44 =	vshrl.u32 v35, $0xE;
	v45 =	vshll.u32 v37, $0x1;
	v47 =	vand.u32 $0xFFFF8000, v37  }
0x1bd: {  	v13 =	vshrl.u32 v37, $0xE;
	v49 =	vshll.u32 v42, $0x1;
	v50 =	vand.u32 $0xFFFF8000, v42  }
0x1be: {  	v52 =	vshll.u32 v46, $0x1;
	v54 =	vand.u32 $0xFFFF8000, v46;
	v55 =	vshrl.u32 v46, $0xE  }
0x1bf: {  	v53 =	vld [tilespmem:$0x410];
	v56 =	vshll.u32 v48, $0x1;
	v58 =	vand.u32 $0xFFFF8000, v48;
	v16 =	vshrl.u32 v48, $0xE  }
0x1c0: {  	v3 =	vand.u32 $0x7FFE, v60;
	v0 =	vand.u32 $0x1, v0;
	v4 =	vand.u32 $0x7FFE, v62  }
0x1c1: {  	v1 =	vand.u32 $0x1, v1;
	v15 =	vand.u32 $0x1, v2;
	v19 =	vand.u32 $0x1, v5  }
0x1c2: {  	v5 =	vand.u32 $0x7FFE, v20;
	v6 =	vand.u32 $0x7FFE, v24;
	v8 =	vand.u32 $0x1, v8  }
0x1c3: {  	v7 =	vand.u32 $0x1, v7;
	v9 =	vand.u32 $0x7FFE, v34;
	v10 =	vand.u32 $0x1, v10  }
0x1c4: {  	v13 =	vand.u32 $0x1, v13;
	v16 =	vand.u32 $0x1, v16;
	v60 =	vshll.u32 v53, $0x1  }
0x1c5: {  	v3 =	vor.u32 v61, v3;
	v6 =	vor.u32 v26, v6;
	v9 =	vor.u32 v36, v9  }
0x1c6: {  	v61 =	vand.u32 $0xFFFF8000, v53;
	v0 =	vor.u32 v0, v3;
	v3 =	vor.u32 v11, v4  }
0x1c7: {  	v57 =	vld [tilespmem:$0x420];
	v4 =	vand.u32 $0x7FFE, v12;
	v11 =	vshrl.u32 v31, $0xE;
	v12 =	vand.u32 $0x7FFE, v45  }
0x1c8: {  	v59 =	vld [tilespmem:$0x430];
	v4 =	vor.u32 v14, v4;
	v2 =	vor.u32 v1, v3;
	v3 =	vand.u32 $0x7FFE, v17  }
0x1c9: {  	v35 =	vld [tilespmem:$0x470];
	v40 =	vand.u32 $0x1, v11;
	v11 =	vand.u32 $0x7FFE, v41;
	v12 =	vor.u32 v47, v12  }
0x1ca: {  	v46 =	vld [tilespmem:$0x4A0];
	v14 =	vshrl.u32 v42, $0xE;
	v17 =	vshrl.u32 v53, $0xE;
	v1 =	vor.u32 v15, v4  }
0x1cb: {  	v3 =	vor.u32 v18, v3;
	v4 =	vor.u32 v22, v5;
	v5 =	vand.u32 $0x1, v23  }
0x1cc: {  	v51 =	vand.u32 $0x1, v14;
	v14 =	vand.u32 $0x7FFE, v52;
	v15 =	vand.u32 $0x7FFE, v56  }
0x1cd: {  	v24 =	vld [tilespmem:$0x440];
	v62 =	vand.u32 $0x1, v17;
	v63 =	vshll.u32 v57, $0x1;
	v25 =	vand.u32 $0xFFFF8000, v57  }
0x1ce: {  	v26 =	vshrl.u32 v57, $0xE;
	v27 =	vshll.u32 v59, $0x1;
	v42 =	vshll.u32 v35, $0x1  }
0x1cf: {  	v23 =	vshrl.u32 v35, $0xE;
	v53 =	vshll.u32 v46, $0x1;
	v3 =	vor.u32 v19, v3  }
0x1d0: {  	v5 =	vor.u32 v5, v4;
	v4 =	vor.u32 v8, v6;
	v6 =	vand.u32 $0x7FFE, v28  }
0x1d1: {  	v8 =	vand.u32 $0x7FFE, v30;
	v15 =	vor.u32 v58, v15;
	v17 =	vand.u32 $0x7FFE, v63  }
0x1d2: {  	v18 =	vand.u32 $0x7FFE, v27;
	v19 =	vshrl.u32 v59, $0xE;
	v31 =	vshll.u32 v24, $0x1  }
0x1d3: {  	v20 =	vshrl.u32 v24, $0xE;
	v6 =	vor.u32 v29, v6;
	v29 =	vand.u32 $0xFFFF8000, v59  }
0x1d4: {  	v19 =	vand.u32 $0x1, v19;
	v6 =	vor.u32 v7, v6;
	v7 =	vor.u32 v32, v8  }
0x1d5: {  	v41 =	vld [tilespmem:$0x490];
	v8 =	vand.u32 $0x1, v33;
	v18 =	vor.u32 v29, v18;
	v32 =	vand.u32 $0xFFFF8000, v24  }
0x1d6: {  	v57 =	vld [tilespmem:$0x4D0];
	v33 =	vand.u32 $0x1, v20;
	v8 =	vor.u32 v8, v7;
	v7 =	vor.u32 v10, v9  }
0x1d7: {  	v9 =	vand.u32 $0x7FFE, v38;
	v10 =	vor.u32 v43, v11;
	v11 =	vand.u32 $0x1, v44  }
0x1d8: {  	v43 =	vand.u32 $0xFFFF8000, v35;
	v44 =	vand.u32 $0x1, v23;
	v9 =	vor.u32 v39, v9  }
0x1d9: {  	v28 =	vld [tilespmem:$0x450];
	v11 =	vor.u32 v11, v10;
	v10 =	vor.u32 v13, v12;
	v12 =	vand.u32 $0x7FFE, v49  }
0x1da: {  	v30 =	vld [tilespmem:$0x460];
	v13 =	vor.u32 v54, v14;
	v14 =	vand.u32 $0x1, v55;
	v49 =	vshll.u32 v41, $0x1  }
0x1db: {  	v54 =	vand.u32 $0xFFFF8000, v46;
	v35 =	vshll.u32 v57, $0x1;
	v29 =	vshrl.u32 v57, $0xE  }
0x1dc: {  	v52 =	vld [tilespmem:$0x4C0];
	v9 =	vor.u32 v40, v9;
	v12 =	vor.u32 v50, v12;
	v14 =	vor.u32 v14, v13  }
0x1dd: {  	v13 =	vor.u32 v16, v15;
	v15 =	vand.u32 $0x7FFE, v60;
	v16 =	vor.u32 v25, v17  }
0x1de: {  	v17 =	vand.u32 $0x1, v26;
	v34 =	vshll.u32 v28, $0x1;
	v36 =	vand.u32 $0xFFFF8000, v28  }
0x1df: {  	v37 =	vshrl.u32 v28, $0xE;
	v38 =	vshll.u32 v30, $0x1;
	v40 =	vand.u32 $0xFFFF8000, v30  }
0x1e0: {  	v22 =	vshrl.u32 v30, $0xE;
	v24 =	vand.u32 $0x7FFE, v49;
	v25 =	vshrl.u32 v41, $0xE  }
0x1e1: {  	v63 =	vld [tilespmem:$0x4F0];
	v26 =	vshrl.u32 v46, $0xE;
	v60 =	vshll.u32 v52, $0x1;
	v28 =	vshrl.u32 v52, $0xE  }
0x1e2: {  	v12 =	vor.u32 v51, v12;
	v15 =	vor.u32 v61, v15;
	v17 =	vor.u32 v17, v16  }
0x1e3: {  	v16 =	vor.u32 v19, v18;
	v18 =	vand.u32 $0x7FFE, v31;
	v20 =	vand.u32 $0x7FFE, v34  }
0x1e4: {  	v21 =	vand.u32 $0x7FFE, v38;
	v22 =	vand.u32 $0x1, v22;
	v51 =	vand.u32 $0xFFFF8000, v41  }
0x1e5: {  	v25 =	vand.u32 $0x1, v25;
	v55 =	vand.u32 $0x1, v26;
	v27 =	vand.u32 $0x7FFE, v60  }
0x1e6: {  	v28 =	vand.u32 $0x1, v28;
	v31 =	vshrl.u32 v63, $0xE;
	v15 =	vor.u32 v62, v15  }
0x1e7: {  	v39 =	vld [tilespmem:$0x480];
	v18 =	vor.u32 v32, v18;
	v19 =	vor.u32 v36, v20;
	v20 =	vand.u32 $0x1, v37  }
0x1e8: {  	v21 =	vor.u32 v40, v21;
	v24 =	vor.u32 v51, v24;
	v62 =	vand.u32 $0xFFFF8000, v52  }
0x1e9: {  	v50 =	vld [tilespmem:$0x4B0];
	v36 =	vand.u32 $0xFFFF8000, v57;
	v37 =	vand.u32 $0x1, v29;
	v18 =	vor.u32 v33, v18  }
0x1ea: {  	v20 =	vor.u32 v20, v19;
	v19 =	vor.u32 v22, v21;
	v21 =	vand.u32 $0x7FFE, v42  }
0x1eb: {  	v61 =	vld [tilespmem:$0x4E0];
	v27 =	vor.u32 v62, v27;
	v42 =	vshll.u32 v63, $0x1;
	v21 =	vor.u32 v43, v21  }
0x1ec: {  	v45 =	vshll.u32 v39, $0x1;
	v47 =	vand.u32 $0xFFFF8000, v39;
	v48 =	vshrl.u32 v39, $0xE  }
0x1ed: {  	v30 =	vand.u32 $0x7FFE, v42;
	v21 =	vor.u32 v44, v21;
	v23 =	vand.u32 $0x7FFE, v45  }
0x1ee: {  	v56 =	vshll.u32 v50, $0x1;
	v58 =	vand.u32 $0xFFFF8000, v50;
	v59 =	vshrl.u32 v50, $0xE  }
0x1ef: {  	v44 =	vand.u32 $0xFFFF8000, v63;
	v22 =	vor.u32 v47, v23;
	v23 =	vand.u32 $0x1, v48  }
0x1f0: {  	v26 =	vand.u32 $0x7FFE, v56;
	v38 =	vshll.u32 v61, $0x1;
	v40 =	vand.u32 $0xFFFF8000, v61  }
0x1f1: {  	v41 =	vshrl.u32 v61, $0xE;
	v46 =	vor.u32 v44, v30;
	v47 =	vand.u32 $0x1, v31  }
0x1f2: {  	v39 =	vld [tilespmem:$0x500];
	v23 =	vor.u32 v23, v22;
	v22 =	vor.u32 v25, v24;
	v24 =	vand.u32 $0x7FFE, v53  }
0x1f3: {  	v43 =	vld [tilespmem:$0x510];
	v25 =	vor.u32 v58, v26;
	v26 =	vand.u32 $0x1, v59;
	v29 =	vand.u32 $0x7FFE, v38  }
0x1f4: {  	[tilespmem:$0x330] =	vst v2;
	v45 =	vand.u32 $0x1, v41;
	v2 =	vor.u32 v47, v46;
	v24 =	vor.u32 v54, v24  }
0x1f5: {  	v26 =	vor.u32 v26, v25;
	v25 =	vor.u32 v28, v27;
	v27 =	vand.u32 $0x7FFE, v35  }
0x1f6: {  	v63 =	vld [tilespmem:$0x550];
	v28 =	vor.u32 v40, v29;
	v24 =	vor.u32 v55, v24;
	v27 =	vor.u32 v36, v27  }
0x1f7: {  	[tilespmem:$0x320] =	vst v0;
	v48 =	vld [tilespmem:$0x520];
	v0 =	vor.u32 v45, v28;
	v49 =	vshll.u32 v39, $0x1;
	v50 =	vand.u32 $0xFFFF8000, v39  }
0x1f8: {  	[tilespmem:$0x340] =	vst v1;
	v51 =	vshrl.u32 v39, $0xE;
	v53 =	vshll.u32 v43, $0x1;
	v55 =	vand.u32 $0xFFFF8000, v43  }
0x1f9: {  	[tilespmem:$0x350] =	vst v3;
	v57 =	vshrl.u32 v43, $0xE;
	v27 =	vor.u32 v37, v27;
	v28 =	vand.u32 $0x7FFE, v49  }
0x1fa: {  	[tilespmem:$0x370] =	vst v4;
	v59 =	vld [tilespmem:$0x540];
	v52 =	vand.u32 $0x1, v51;
	v56 =	vand.u32 $0x7FFE, v53;
	v4 =	vand.u32 $0x1, v57  }
0x1fb: {  	[tilespmem:$0x390] =	vst v8;
	v38 =	vshll.u32 v63, $0x1;
	v40 =	vand.u32 $0xFFFF8000, v63;
	v8 =	vshrl.u32 v63, $0xE  }
0x1fc: {  	[tilespmem:$0x360] =	vst v5;
	v41 =	vld [tilespmem:$0x580];
	v1 =	vor.u32 v50, v28;
	v3 =	vor.u32 v55, v56;
	v58 =	vshll.u32 v48, $0x1  }
0x1fd: {  	[tilespmem:$0x3D0] =	vst v10;
	v46 =	vld [tilespmem:$0x590];
	v60 =	vand.u32 $0xFFFF8000, v48;
	v61 =	vshrl.u32 v48, $0xE;
	v10 =	vand.u32 $0x7FFE, v38  }
0x1fe: {  	[tilespmem:$0x380] =	vst v6;
	v54 =	vld [tilespmem:$0x530];
	v8 =	vand.u32 $0x1, v8;
	v1 =	vor.u32 v52, v1;
	v5 =	vand.u32 $0x7FFE, v58  }
0x1ff: {  	[tilespmem:$0x3A0] =	vst v7;
	v35 =	vld [tilespmem:$0x560];
	v62 =	vand.u32 $0x1, v61;
	v3 =	vor.u32 v4, v3;
	v34 =	vshll.u32 v59, $0x1  }
0x200: {  	[tilespmem:$0x3E0] =	vst v12;
	v36 =	vand.u32 $0xFFFF8000, v59;
	v37 =	vshrl.u32 v59, $0xE;
	v10 =	vor.u32 v40, v10  }
0x201: {  	[tilespmem:$0x490] =	vst v22;
	v22 =	vld [tilespmem:$0x5E0];
	v49 =	vshll.u32 v41, $0x1;
	v51 =	vand.u32 $0xFFFF8000, v41;
	v12 =	vshrl.u32 v41, $0xE  }
0x202: {  	[tilespmem:$0x400] =	vst v13;
	v29 =	vld [tilespmem:$0x5F0];
	v55 =	vand.u32 $0xFFFF8000, v46;
	v13 =	vshrl.u32 v46, $0xE;
	v5 =	vor.u32 v60, v5  }
0x203: {  	[tilespmem:$0x3C0] =	vst v11;
	v30 =	vshll.u32 v54, $0x1;
	v31 =	vand.u32 $0xFFFF8000, v54;
	v32 =	vshrl.u32 v54, $0xE  }
0x204: {  	[tilespmem:$0x3B0] =	vst v9;
	v7 =	vand.u32 $0x7FFE, v34;
	v42 =	vor.u32 v8, v10;
	v43 =	vshll.u32 v35, $0x1  }
0x205: {  	[tilespmem:$0x3F0] =	vst v14;
	v39 =	vld [tilespmem:$0x570];
	v44 =	vand.u32 $0xFFFF8000, v35;
	v9 =	vshrl.u32 v35, $0xE;
	v11 =	vand.u32 $0x7FFE, v49  }
0x206: {  	[tilespmem:$0x420] =	vst v17;
	v12 =	vand.u32 $0x1, v12;
	v54 =	vshll.u32 v46, $0x1;
	v56 =	vand.u32 $0x1, v13  }
0x207: {  	[tilespmem:$0x430] =	vst v16;
	v35 =	vand.u32 $0xFFFF8000, v22;
	v40 =	vshll.u32 v29, $0x1;
	v41 =	vand.u32 $0xFFFF8000, v29  }
0x208: {  	[tilespmem:$0x410] =	vst v15;
	v4 =	vor.u32 v62, v5;
	v5 =	vand.u32 $0x7FFE, v30;
	v33 =	vand.u32 $0x1, v32  }
0x209: {  	[tilespmem:$0x440] =	vst v18;
	v6 =	vor.u32 v36, v7;
	v7 =	vand.u32 $0x1, v37;
	v8 =	vand.u32 $0x7FFE, v43  }
0x20a: {  	[tilespmem:$0x450] =	vst v20;
	v9 =	vand.u32 $0x1, v9;
	v45 =	vshll.u32 v39, $0x1;
	v47 =	vand.u32 $0xFFFF8000, v39  }
0x20b: {  	[tilespmem:$0x460] =	vst v19;
	v50 =	vld [tilespmem:$0x5A0];
	v48 =	vshrl.u32 v39, $0xE;
	v11 =	vor.u32 v51, v11;
	v36 =	vshrl.u32 v22, $0xE  }
0x20c: {  	[tilespmem:$0x550] =	vst v42;
	v42 =	vshrl.u32 v29, $0xE;
	v5 =	vor.u32 v31, v5;
	v6 =	vor.u32 v7, v6  }
0x20d: {  	[tilespmem:$0x470] =	vst v21;
	v38 =	vld [tilespmem:$0x610];
	v8 =	vor.u32 v44, v8;
	v10 =	vand.u32 $0x7FFE, v45;
	v53 =	vor.u32 v12, v11  }
0x20e: {  	[tilespmem:$0x480] =	vst v23;
	v11 =	vand.u32 $0x7FFE, v54;
	v37 =	vand.u32 $0x1, v36;
	v43 =	vand.u32 $0x1, v42  }
0x20f: {  	[tilespmem:$0x4F0] =	vst v2;
	v52 =	vld [tilespmem:$0x5B0];
	v5 =	vor.u32 v33, v5;
	v8 =	vor.u32 v9, v8;
	v9 =	vor.u32 v47, v10  }
0x210: {  	[tilespmem:$0x4B0] =	vst v26;
	v58 =	vld [tilespmem:$0x5C0];
	v10 =	vand.u32 $0x1, v48;
	v11 =	vor.u32 v55, v11;
	v57 =	vshll.u32 v50, $0x1  }
0x211: {  	[tilespmem:$0x4C0] =	vst v25;
	v59 =	vand.u32 $0xFFFF8000, v50;
	v60 =	vshrl.u32 v50, $0xE;
	v33 =	vshll.u32 v22, $0x1  }
0x212: {  	[tilespmem:$0x4A0] =	vst v24;
	v49 =	vshll.u32 v38, $0x1;
	v51 =	vand.u32 $0xFFFF8000, v38;
	v7 =	vshrl.u32 v38, $0xE  }
0x213: {  	[tilespmem:$0x4E0] =	vst v0;
	v34 =	vld [tilespmem:$0x600];
	v9 =	vor.u32 v10, v9;
	v11 =	vor.u32 v56, v11;
	v13 =	vand.u32 $0x7FFE, v57  }
0x214: {  	[tilespmem:$0x4D0] =	vst v27;
	v61 =	vshll.u32 v52, $0x1;
	v63 =	vand.u32 $0xFFFF8000, v52;
	v15 =	vshrl.u32 v52, $0xE  }
0x215: {  	[tilespmem:$0x500] =	vst v1;
	v62 =	vld [tilespmem:$0x5D0];
	v19 =	vand.u32 $0x1, v60;
	v24 =	vshll.u32 v58, $0x1;
	v25 =	vand.u32 $0xFFFF8000, v58  }
0x216: {  	v26 =	vshrl.u32 v58, $0xE;
	[tilespmem:$0x530] =	vst v5;
	v5 =	vand.u32 $0x7FFE, v33;
	v54 =	vand.u32 $0x1, v7  }
0x217: {  	[tilespmem:$0x510] =	vst v3;
	v12 =	vor.u32 v59, v13;
	v14 =	vand.u32 $0x7FFE, v61;
	v21 =	vand.u32 $0x1, v15  }
0x218: {  	[tilespmem:$0x520] =	vst v4;
	v27 =	vand.u32 $0x1, v26;
	v5 =	vor.u32 v35, v5;
	v44 =	vshll.u32 v34, $0x1  }
0x219: {  	[tilespmem:$0x540] =	vst v6;
	v46 =	vand.u32 $0xFFFF8000, v34;
	v48 =	vshrl.u32 v34, $0xE;
	v20 =	vor.u32 v63, v14  }
0x21a: {  	v45 =	vld [tilespmem:$0x620];
	[tilespmem:$0x580] =	vst v53;
	v0 =	vor.u32 v19, v12;
	v12 =	vand.u32 $0x7FFE, v24;
	v28 =	vshll.u32 v62, $0x1  }
0x21b: {  	[tilespmem:$0x560] =	vst v8;
	v30 =	vand.u32 $0xFFFF8000, v62;
	v32 =	vshrl.u32 v62, $0xE;
	v39 =	vor.u32 v37, v5  }
0x21c: {  	[tilespmem:$0x570] =	vst v9;
	v5 =	vand.u32 $0x7FFE, v40;
	v8 =	vand.u32 $0x7FFE, v44;
	v53 =	vand.u32 $0x1, v48  }
0x21d: {  	v50 =	vld [tilespmem:$0x630];
	[tilespmem:$0x590] =	vst v11;
	v23 =	vor.u32 v21, v20;
	v1 =	vor.u32 v25, v12;
	v31 =	vand.u32 $0x7FFE, v28  }
0x21e: {  	v4 =	vand.u32 $0x1, v32;
	v5 =	vor.u32 v41, v5;
	[tilespmem:$0x5A0] =	vst v0;
	v47 =	vor.u32 v46, v8  }
0x21f: {  	v8 =	vand.u32 $0x7FFE, v49;
	v55 =	vshll.u32 v45, $0x1;
	[tilespmem:$0x5E0] =	vst v39;
	v56 =	vand.u32 $0xFFFF8000, v45  }
0x220: {  	v57 =	vshrl.u32 v45, $0xE;
	v1 =	vor.u32 v27, v1;
	v3 =	vor.u32 v30, v31;
	[tilespmem:$0x5B0] =	vst v23  }
0x221: {  	v5 =	vor.u32 v43, v5;
	v52 =	vor.u32 v51, v8;
	v0 =	vor.u32 v53, v47;
	[tilespmem:$0x5C0] =	vst v1  }
0x222: {  	v2 =	vand.u32 $0x7FFE, v55;
	v58 =	vand.u32 $0x1, v57;
	v59 =	vshll.u32 v50, $0x1;
	[tilespmem:$0x5F0] =	vst v5  }
0x223: {  	v60 =	vand.u32 $0xFFFF8000, v50;
	v61 =	vshrl.u32 v50, $0xE;
	v3 =	vor.u32 v4, v3;
	[tilespmem:$0x600] =	vst v0  }
0x224: {  	v1 =	vor.u32 v54, v52;
	v2 =	vor.u32 v56, v2;
	v4 =	vand.u32 $0x7FFE, v59;
	[tilespmem:$0x5D0] =	vst v3  }
0x225: {  	v63 =	vand.u32 $0x1, v61;
	[tilespmem:$0x610] =	vst v1;
	v62 =	vor.u32 v58, v2;
	v0 =	vor.u32 v60, v4  }
0x226: {  	[tilespmem:$0x620] =	vst v62;
	v0 =	vor.u32 v63, v0  }
0x227: {  	[tilespmem:$0x630] =	vst v0  }
0x228: {  	_ =	swait.ge [sflag:s22], $0xC800  }
0x229: {  	[sflag:s22] =	ssyncset.done $0x0  }
0x22a: {  	[sflag:s22] =	ssyncadd.s32 $0xFFFF3800  }
0x22b: {  	[tilespmem:s16], [sflag:$0x2] =	stream.indirect.gather [hbm4b:s3+s14], $0x40, s14, s14, $0xb8;
	[tilespmem:$0x19640] =	vst v63  }
0x22c: {  	_ =	swait.ge [sflag:s17], $0xC800  }
0x22d: {  	[sflag:s17] =	ssyncset.done $0x0  }
0x22e: {  	[sflag:s17] =	ssyncadd.s32 $0xFFFF3800  }
0x22f: {  	[hbm4b:s10+s18] =	stream.strided.scatter [tilespmem:s15], [sflag:$0x3], $0xC800, s19, s18, $0x38;
	[tilespmem:$0x19640] =	vst v63  }
0x230: {  	_ =	swait.ge [sflag:s20], $0xC800  }
0x231: {  	[sflag:s20] =	ssyncset.done $0x0  }
0x232: {  	[sflag:s20] =	ssyncadd.s32 $0xFFFF3800  }
0x233: {  	_ =	swait.ge [sflag:s21], $0xC800  }
0x234: {  	p0 =	sne.s32 s12, $0x1;
	[sflag:s21] =	ssyncset.done $0x0  }
.Ltmp0:
0x235: {  	[sflag:s21] =	ssyncadd.s32 $0xFFFF3800;
	(pc) =	sbr.rel @p0 .LBB2_1-.Ltmp0, $4  }
0x236: {  	[hbm4b:s11+s18] =	stream.strided.scatter [tilespmem:s16], [sflag:$0x4], $0xC800, s19, s18, $0x38;
	[tilespmem:$0x19640] =	vst v63  }
0x237: {  	_ =	swait.ge [sflag:s22], $0xC800  }
0x238: {  	[sflag:s22] =	ssyncset.done $0x0  }
0x239: {  	s12 =	sadd.s32 $0xFFFFFFFF, s12;
	[sflag:s22] =	ssyncadd.s32 $0xFFFF3800  }
0x23a: {  	_ =	sfence.sel $0x180000  }
0x23b: {  	[bflag:$0x0] =	sbarrier.arrive $0xFFFF  }
0x23c: {  	p0 =	sne.s32 s1, $0x0;
	_ =	strace $0x90000047  }
0x23d: {  	s0 =	sadd.s32 @!p0 $0x100000, s0;
	[bflag:$0x2] =	sbarrier.arrive $0xFFFF  }
0x23e: {  	[sflag:s0] =	ssyncadd.tile.s32 @!p0 $0x1;
	_ =	shalt  }
.Lfunc_end2:
_tile_overlayer_lowered:
.L_overlay_start_2:
0x23f: {  	(tag) =	ssettag $0x2  }
0x240: {  	s0 =	rddreg [dreg:$0x0];
	s2 =	stileid.u32  }
0x241: {  	s1 =	rddreg [dreg:$0x1];
	p0 =	sne.s32 s2, $0x0  }
0x242: {  	s3 =	rddreg [dreg:$0x2];
	[bflag:$0x3] =	sbarrier.arrive $0xFFFF;
	s2 =	simm.s32 @!p0 $0x1C05  }
0x243: {  	[timem:s3], [sflag:s2] =	dma.local @!p0 [hbm:s0], s1  }
0x244: {  	s0 =	simm.s32 @!p0 $0x5  }
0x245: {  	_ =	swait.ge @!p0 [sflag:s0], s1  }
0x246: {  	s1 =	ssub.s32 @!p0 $0x0, s1;
	[sflag:s0] =	ssyncset.done @!p0 $0x0  }
0x247: {  	[sflag:s0] =	ssyncadd.s32 @!p0 s1  }
0x248: {  	[bflag:$0x3] =	sbarrier.arrive $0xFFFF  }
0x249: {  	_ =	shalt  }

</sc_bundles>
